<compile_context>
chip_gen: v7x
topology: tpu7x:2x2x1
jax: 0.10.2.dev20260603
libtpu: 0.0.44.dev20260713+nightly
codegen_flags: <defaults>
</compile_context>

<pallas_src>
import jax
import jax.numpy as jnp
from jax import lax
from jax.experimental import pallas as pl
from jax.experimental.pallas import tpu as pltpu
from jax.experimental.pallas import tpu_sc as plsc

B = 16384
D = 32
NT = 100000
_NC, _NS = 2, 16
_NW = _NC * _NS
_BPW = B // _NW
_CH = 128
_NCH = _BPW // _CH
_IDX_ROWS = B // _CH


def _mk_gather(nsets):
    def body(*args):
        idx_h = args[0:nsets]
        tbl = args[nsets]
        outs = args[nsets + 1:2 * nsets + 1]
        scratch = args[2 * nsets + 1:]
        idxv = scratch[0:nsets]
        bufs = scratch[nsets:3 * nsets]
        sem = scratch[-1]
        wid = lax.axis_index("s") * _NC + lax.axis_index("c")
        rbase = wid * _BPW
        ibase = wid * _NCH
        for k in range(nsets):
            pltpu.sync_copy(idx_h[k].at[pl.ds(ibase, _NCH)], idxv[k])

        def fire(c):
            return [pltpu.async_copy(tbl.at[idxv[k].at[c]],
                                     bufs[2 * k + c % 2], sem)
                    for k in range(nsets)]

        def copy_out(c):
            for k in range(nsets):
                pltpu.sync_copy(bufs[2 * k + c % 2],
                                outs[k].at[pl.ds(rbase + c * _CH, _CH)])

        prev = fire(0)
        for c in range(1, _NCH):
            cur = fire(c)
            for d in prev:
                d.wait()
            copy_out(c - 1)
            prev = cur
        for d in prev:
            d.wait()
        copy_out(_NCH - 1)

    return pl.kernel(
        body,
        out_type=[jax.ShapeDtypeStruct((B, D), jnp.float32)] * nsets,
        mesh=plsc.VectorSubcoreMesh(core_axis_name="c", subcore_axis_name="s"),
        compiler_params=pltpu.CompilerParams(use_tc_tiling_on_sc=False),
        scratch_types=(
            [pltpu.VMEM((_NCH, _CH), jnp.int32)] * nsets
            + [pltpu.VMEM((_CH, D), jnp.float32)] * (2 * nsets)
            + [pltpu.SemaphoreType.DMA]
        ),
    )


_g1 = _mk_gather(1)
_g2 = _mk_gather(2)

_BT = 1024
_GRID = (B // 4) // _BT
_PK = B // 4


def _tc_body(ar_ref, tr_ref,
             aue, tue, aie, tie, waa, wat, wba, wbt,
             w1au, b1au, w2au, b2au,
             w1tu, b1tu, w2tu, b2tu,
             w1ai, b1ai, w2ai, b2ai,
             w1ti, b1ti, w2ti, b2ti,
             sel, la_ref, lt_ref,
             w1s0, w1s1, w1s2, w1s3, w2s0, w2s1, w2s2, w2s3):
    i = pl.program_id(0)

    @pl.when(i == 0)
    def _():
        for ws, w, d_in, d_out in (
                (w1s0, w1au, D, 2 * D), (w1s1, w1tu, D, 2 * D),
                (w1s2, w1ai, D, 2 * D), (w1s3, w1ti, D, 2 * D),
                (w2s0, w2au, 2 * D, D), (w2s1, w2tu, 2 * D, D),
                (w2s2, w2ai, 2 * D, D), (w2s3, w2ti, 2 * D, D)):
            ws[...] = jnp.zeros((4 * d_in, 4 * d_out), jnp.float32)
            for k in range(4):
                ws[k * d_in:(k + 1) * d_in, k * d_out:(k + 1) * d_out] = w[...]
    a_e = aue[...].astype(jnp.float32)
    t_e = tue[...].astype(jnp.float32)
    x_au = waa[...].astype(jnp.float32) * a_e + \
        (1.0 - wat[...].astype(jnp.float32)) * t_e
    x_tu = wba[...].astype(jnp.float32) * a_e + \
        (1.0 - wbt[...].astype(jnp.float32)) * t_e
    x_ai = aie[...].astype(jnp.float32)
    x_ti = tie[...].astype(jnp.float32)

    def mlp(x, w1, b1, w2, b2):
        b1t = jnp.concatenate([b1[...]] * 4, axis=1)
        b2t = jnp.concatenate([b2[...]] * 4, axis=1)
        h = jnp.maximum(
            jnp.dot(x, w1[...], preferred_element_type=jnp.float32)
            + b1t, 0.0)
        return jnp.maximum(
            jnp.dot(h, w2[...], preferred_element_type=jnp.float32)
            + b2t, 0.0)

    y_au = mlp(x_au, w1s0, b1au, w2s0, b2au)
    y_tu = mlp(x_tu, w1s1, b1tu, w2s1, b2tu)
    y_ai = mlp(x_ai, w1s2, b1ai, w2s2, b2ai)
    y_ti = mlp(x_ti, w1s3, b1ti, w2s3, b2ti)

    s_a = jnp.maximum(
        jnp.dot(y_au * y_ai, sel[...], preferred_element_type=jnp.float32),
        1e-6)
    s_t = jnp.maximum(
        jnp.dot(y_tu * y_ti, sel[...], preferred_element_type=jnp.float32),
        1e-6)
    da = s_a - ar_ref[...].astype(jnp.float32)
    dt = s_t - tr_ref[...].astype(jnp.float32)
    pa = jnp.sum(da * da) * (1.0 / B)
    pt = jnp.sum(dt * dt) * (1.0 / B)

    @pl.when(i == 0)
    def _():
        la_ref[0, 0] = 0.0
        lt_ref[0, 0] = 0.0

    la_ref[0, 0] += pa
    lt_ref[0, 0] += pt


def _wspec():
    return pl.BlockSpec((D, 2 * D), lambda i: (0, 0))


def _bspec():
    return pl.BlockSpec((1, 2 * D), lambda i: (0, 0))


def _w2spec():
    return pl.BlockSpec((2 * D, D), lambda i: (0, 0))


def _b2spec():
    return pl.BlockSpec((1, D), lambda i: (0, 0))


_tc_dense = pl.pallas_call(
    _tc_body,
    grid=(_GRID,),
    in_specs=[
        pl.BlockSpec((_BT, 4), lambda i: (i, 0)),
        pl.BlockSpec((_BT, 4), lambda i: (i, 0)),
    ] + [pl.BlockSpec((_BT, 4 * D), lambda i: (i, 0))] * 8 + [
        _wspec(), _bspec(), _w2spec(), _b2spec(),
        _wspec(), _bspec(), _w2spec(), _b2spec(),
        _wspec(), _bspec(), _w2spec(), _b2spec(),
        _wspec(), _bspec(), _w2spec(), _b2spec(),
        pl.BlockSpec((4 * D, 4), lambda i: (0, 0)),
    ],
    out_specs=[
        pl.BlockSpec(memory_space=pltpu.SMEM),
        pl.BlockSpec(memory_space=pltpu.SMEM),
    ],
    out_shape=[jax.ShapeDtypeStruct((1, 1), jnp.float32)] * 2,
    scratch_shapes=(
        [pltpu.VMEM((4 * D, 8 * D), jnp.float32)] * 4
        + [pltpu.VMEM((8 * D, 4 * D), jnp.float32)] * 4
    ),
)


def kernel(ausers, aitems, aratings, tusers, titems, tratings, params):
    p = params
    au2 = ausers.reshape(_IDX_ROWS, _CH)
    tu2 = tusers.reshape(_IDX_ROWS, _CH)
    ai2 = aitems.reshape(_IDX_ROWS, _CH)
    ti2 = titems.reshape(_IDX_ROWS, _CH)
    (aue_g,) = _g1(au2, p["a_emb_user"])
    (tue_g,) = _g1(tu2, p["t_emb_user"])
    (aie_g,) = _g1(ai2, p["a_emb_item"])
    (tie_g,) = _g1(ti2, p["t_emb_item"])
    waa_g, wat_g = _g2(au2, tu2, p["W_a"])
    wba_g, wbt_g = _g2(au2, tu2, p["W_b"])
    gathered = [aue_g, tue_g, aie_g, tie_g, waa_g, wat_g, wba_g, wbt_g]
    packed = [g.reshape(_PK, 4 * D) for g in gathered]

    wargs = []
    for name in ("mlp_a_users", "mlp_t_users", "mlp_a_items", "mlp_t_items"):
        m = p[name]
        wargs += [
            m["W1"],
            m["b1"].reshape(1, 2 * D),
            m["W2"],
            m["b2"].reshape(1, D),
        ]
    sel = (jnp.arange(4 * D)[:, None] // D ==
           jnp.arange(4)[None, :]).astype(jnp.float32)

    ar2 = aratings.reshape(_PK, 4)
    tr2 = tratings.reshape(_PK, 4)
    la, lt = _tc_dense(ar2, tr2, *packed, *wargs, sel)
    return (la[0, 0], lt[0, 0])

# --- scband reference (transcript-rebuilt; emitter-appended) ---
"""Pipeline reference for scband-ga-dtcdr-11261404250221 (READ-ONLY COPY).

The authoritative reference and input builder live on the scoring server;
editing this copy changes nothing except your own understanding.
"""

import jax, jax.numpy as jnp
import numpy as np

N_USERS = 100000
N_AITEMS = 100000
N_TITEMS = 100000
D = 32
B = 16384


def _mlp_params(key, d):
    k1, k2 = jax.random.split(key)
    # torch kaiming_normal_ on Linear weights; store as [in, out] for x @ W
    return {
        "W1": jax.random.normal(k1, (d, 2 * d), dtype=jnp.float32) * np.sqrt(2.0 / d),
        "b1": jnp.zeros((2 * d,), dtype=jnp.float32),
        "W2": jax.random.normal(k2, (2 * d, d), dtype=jnp.float32) * np.sqrt(2.0 / (2 * d)),
        "b2": jnp.zeros((d,), dtype=jnp.float32),
    }


def _mlp(x, p):
    x = jax.nn.relu(x @ p["W1"] + p["b1"])
    x = jax.nn.relu(x @ p["W2"] + p["b2"])
    return x


def setup_inputs(seed: int = 0):
    key = jax.random.key(seed)
    ks = jax.random.split(key, 16)
    ausers = jax.random.randint(ks[0], (B,), 0, N_USERS)
    aitems = jax.random.randint(ks[1], (B,), 0, N_AITEMS)
    aratings = jax.random.randint(ks[2], (B,), 0, 5)
    tusers = jax.random.randint(ks[3], (B,), 0, N_USERS)
    titems = jax.random.randint(ks[4], (B,), 0, N_TITEMS)
    tratings = jax.random.randint(ks[5], (B,), 0, 5)
    params = {
        "a_emb_user": jax.random.normal(ks[6], (N_USERS, D), dtype=jnp.float32) * 0.01,
        "t_emb_user": jax.random.normal(ks[7], (N_USERS, D), dtype=jnp.float32) * 0.01,
        "a_emb_item": jax.random.normal(ks[8], (N_AITEMS, D), dtype=jnp.float32) * 0.01,
        "t_emb_item": jax.random.normal(ks[9], (N_TITEMS, D), dtype=jnp.float32) * 0.01,
        "W_a": jax.random.normal(ks[10], (N_USERS, D), dtype=jnp.float32) * 0.01,
        "W_b": jax.random.normal(ks[11], (N_USERS, D), dtype=jnp.float32) * 0.01,
        "mlp_a_users": _mlp_params(ks[12], D),
        "mlp_t_users": _mlp_params(ks[13], D),
        "mlp_a_items": _mlp_params(ks[14], D),
        "mlp_t_items": _mlp_params(ks[15], D),
    }
    return {
        "ausers": ausers,
        "aitems": aitems,
        "aratings": aratings,
        "tusers": tusers,
        "titems": titems,
        "tratings": tratings,
        "params": params,
    }


def reference(ausers, aitems, aratings, tusers, titems, tratings, params):
    a_user_embed = jnp.take(params["a_emb_user"], ausers, axis=0)
    t_user_embed = jnp.take(params["t_emb_user"], tusers, axis=0)
    a_item_embed = jnp.take(params["a_emb_item"], aitems, axis=0)
    t_item_embed = jnp.take(params["t_emb_item"], titems, axis=0)
    Wa_au = jnp.take(params["W_a"], ausers, axis=0)
    Wa_tu = jnp.take(params["W_a"], tusers, axis=0)
    Wb_au = jnp.take(params["W_b"], ausers, axis=0)
    Wb_tu = jnp.take(params["W_b"], tusers, axis=0)
    final_au_embed = Wa_au * a_user_embed + (1.0 - Wa_tu) * t_user_embed
    final_tu_embed = Wb_au * a_user_embed + (1.0 - Wb_tu) * t_user_embed
    final_au_embed = _mlp(final_au_embed, params["mlp_a_users"])
    final_tu_embed = _mlp(final_tu_embed, params["mlp_t_users"])
    final_ai_embed = _mlp(a_item_embed, params["mlp_a_items"])
    final_ti_embed = _mlp(t_item_embed, params["mlp_t_items"])
    a_scores = jnp.sum(final_au_embed * final_ai_embed, axis=1)
    t_scores = jnp.sum(final_tu_embed * final_ti_embed, axis=1)
    a_scores = jnp.maximum(jnp.float32(1e-06), a_scores)
    t_scores = jnp.maximum(jnp.float32(1e-06), t_scores)
    loss_a = jnp.mean((a_scores - aratings.astype(jnp.float32)) ** 2)
    loss_t = jnp.mean((t_scores - tratings.astype(jnp.float32)) ** 2)
    return (loss_a, loss_t)

if __name__ == "__main__":
    import jax
    _d = setup_inputs()
    print(jax.jit(kernel)(*tuple(_d.values())))

</pallas_src>

<mosaic_0001>
#map = affine_map<(d0, d1) -> (0, 0)>
module attributes {stable_mosaic.version = 14 : i64} {
  func.func @body(%arg0: i32, %arg1: i32, %arg2: memref<128x128xi32, #tpu.memory_space<hbm>>, %arg3: memref<100000x32xf32, #tpu.memory_space<hbm>>, %arg4: memref<16384x32xf32, #tpu.memory_space<hbm>>, %arg5: memref<4x128xi32, #tpu.memory_space<vmem>>, %arg6: memref<128x32xf32, #tpu.memory_space<vmem>>, %arg7: memref<128x32xf32, #tpu.memory_space<vmem>>, %arg8: memref<!tpu.dma_semaphore, #tpu.memory_space<semaphore_mem>>) attributes {dimension_semantics = [#tpu.dimension_semantics<core_parallel>, #tpu.dimension_semantics<subcore_parallel>], iteration_bounds = array<i64: 2, 16>, scalar_prefetch = 0 : i64, scratch_operands = 4 : i64, tpu.core_type = #tpu.core_type<sc_vector_subcore>, window_params = [{transform_indices = #map}, {transform_indices = #map}, {transform_indices = #map}]} {
    %mul3A = arith.constant 2 : i32
    %mul3A_0 = arith.muli %arg1, %mul3A : i32
    %add3A = arith.addi %mul3A_0, %arg0 : i32
    %mul3A_1 = arith.constant 512 : i32
    %mul3A_2 = arith.muli %add3A, %mul3A_1 : i32
    %mul3A_3 = arith.constant 4 : i32
    %mul3A_4 = arith.muli %add3A, %mul3A_3 : i32
    "tpu.region"() ({
      %run_scoped3A = tpu.sem_alloc : memref<!tpu.dma_semaphore, #tpu.memory_space<semaphore_mem>>
      %dma_start3A_67 = arith.constant 0 : i32
      %dma_start3A_68 = tpu.memref_slice %arg2[%mul3A_4, %dma_start3A_67] : memref<128x128xi32, #tpu.memory_space<hbm>> -> memref<4x128xi32, #tpu.memory_space<hbm>>
      %dma_start3A_69 = arith.constant 0 : i32
      %dma_start3A_70 = tpu.memref_slice %arg2[%mul3A_4, %dma_start3A_69] : memref<128x128xi32, #tpu.memory_space<hbm>> -> memref<4x128xi32, #tpu.memory_space<hbm>>
      tpu.enqueue_dma source(%dma_start3A_70 : memref<4x128xi32, #tpu.memory_space<hbm>>) target(%arg5 : memref<4x128xi32, #tpu.memory_space<vmem>>) target_semaphore(%run_scoped3A : memref<!tpu.dma_semaphore, #tpu.memory_space<semaphore_mem>>)
      %dma_wait3A_71 = arith.constant 0 : i32
      %dma_wait3A_72 = tpu.memref_slice %arg2[%mul3A_4, %dma_wait3A_71] : memref<128x128xi32, #tpu.memory_space<hbm>> -> memref<4x128xi32, #tpu.memory_space<hbm>>
      %dma_wait3A_73 = arith.constant 0 : i32
      %dma_wait3A_74 = tpu.memref_slice %arg2[%mul3A_4, %dma_wait3A_73] : memref<128x128xi32, #tpu.memory_space<hbm>> -> memref<4x128xi32, #tpu.memory_space<hbm>>
      tpu.wait_dma2 semaphore(%run_scoped3A : memref<!tpu.dma_semaphore, #tpu.memory_space<semaphore_mem>>) src(%dma_wait3A_74 : memref<4x128xi32, #tpu.memory_space<hbm>>) dst(%arg5 : memref<4x128xi32, #tpu.memory_space<vmem>>)
      tpu.yield
    }) : () -> ()
    %dma_start3A = arith.constant 0 : i32
    %dma_start3A_5 = arith.constant 0 : i32
    %dma_start3A_6 = tpu.memref_slice %arg5[%dma_start3A, %dma_start3A_5] : memref<4x128xi32, #tpu.memory_space<vmem>> -> memref<1x128xi32, #tpu.memory_space<vmem>>
    %dma_start3A_7 = tpu.memref_squeeze %dma_start3A_6 : memref<1x128xi32, #tpu.memory_space<vmem>> -> memref<128xi32, #tpu.memory_space<vmem>>
    %dma_start3A_8 = arith.constant 0 : i32
    %dma_start3A_9 = arith.constant 0 : i32
    %dma_start3A_10 = tpu.memref_slice %arg3[%dma_start3A_8, %dma_start3A_9] : memref<100000x32xf32, #tpu.memory_space<hbm>> -> memref<100000x32xf32, #tpu.memory_space<hbm>>
    tpu.enqueue_indirect_dma source(%dma_start3A_10 : memref<100000x32xf32, #tpu.memory_space<hbm>>) target(%arg6 : memref<128x32xf32, #tpu.memory_space<vmem>>) offsets(%dma_start3A_7 : memref<128xi32, #tpu.memory_space<vmem>>) semaphore(%arg8 : memref<!tpu.dma_semaphore, #tpu.memory_space<semaphore_mem>>)
    %dma_start3A_11 = arith.constant 1 : i32
    %dma_start3A_12 = arith.constant 0 : i32
    %dma_start3A_13 = tpu.memref_slice %arg5[%dma_start3A_11, %dma_start3A_12] : memref<4x128xi32, #tpu.memory_space<vmem>> -> memref<1x128xi32, #tpu.memory_space<vmem>>
    %dma_start3A_14 = tpu.memref_squeeze %dma_start3A_13 : memref<1x128xi32, #tpu.memory_space<vmem>> -> memref<128xi32, #tpu.memory_space<vmem>>
    %dma_start3A_15 = arith.constant 0 : i32
    %dma_start3A_16 = arith.constant 0 : i32
    %dma_start3A_17 = tpu.memref_slice %arg3[%dma_start3A_15, %dma_start3A_16] : memref<100000x32xf32, #tpu.memory_space<hbm>> -> memref<100000x32xf32, #tpu.memory_space<hbm>>
    tpu.enqueue_indirect_dma source(%dma_start3A_17 : memref<100000x32xf32, #tpu.memory_space<hbm>>) target(%arg7 : memref<128x32xf32, #tpu.memory_space<vmem>>) offsets(%dma_start3A_14 : memref<128xi32, #tpu.memory_space<vmem>>) semaphore(%arg8 : memref<!tpu.dma_semaphore, #tpu.memory_space<semaphore_mem>>)
    %dma_wait3A = arith.constant 0 : i32
    %dma_wait3A_18 = arith.constant 0 : i32
    %dma_wait3A_19 = tpu.memref_slice %arg5[%dma_wait3A, %dma_wait3A_18] : memref<4x128xi32, #tpu.memory_space<vmem>> -> memref<1x128xi32, #tpu.memory_space<vmem>>
    %dma_wait3A_20 = tpu.memref_squeeze %dma_wait3A_19 : memref<1x128xi32, #tpu.memory_space<vmem>> -> memref<128xi32, #tpu.memory_space<vmem>>
    %dma_wait3A_21 = arith.constant 0 : i32
    %dma_wait3A_22 = arith.constant 0 : i32
    %dma_wait3A_23 = tpu.memref_slice %arg3[%dma_wait3A_21, %dma_wait3A_22] : memref<100000x32xf32, #tpu.memory_space<hbm>> -> memref<100000x32xf32, #tpu.memory_space<hbm>>
    tpu.wait_indirect_dma semaphore(%arg8 : memref<!tpu.dma_semaphore, #tpu.memory_space<semaphore_mem>>) src(%dma_wait3A_23 : memref<100000x32xf32, #tpu.memory_space<hbm>>) dst(%arg6 : memref<128x32xf32, #tpu.memory_space<vmem>>)
    %add3A_24 = arith.constant 0 : i32
    %add3A_25 = arith.addi %mul3A_2, %add3A_24 : i32
    "tpu.region"() ({
      %run_scoped3A = tpu.sem_alloc : memref<!tpu.dma_semaphore, #tpu.memory_space<semaphore_mem>>
      %dma_start3A_67 = arith.constant 0 : i32
      %dma_start3A_68 = tpu.memref_slice %arg4[%add3A_25, %dma_start3A_67] : memref<16384x32xf32, #tpu.memory_space<hbm>> -> memref<128x32xf32, #tpu.memory_space<hbm>>
      %dma_start3A_69 = arith.constant 0 : i32
      %dma_start3A_70 = tpu.memref_slice %arg4[%add3A_25, %dma_start3A_69] : memref<16384x32xf32, #tpu.memory_space<hbm>> -> memref<128x32xf32, #tpu.memory_space<hbm>>
      tpu.enqueue_dma source(%arg6 : memref<128x32xf32, #tpu.memory_space<vmem>>) target(%dma_start3A_70 : memref<128x32xf32, #tpu.memory_space<hbm>>) target_semaphore(%run_scoped3A : memref<!tpu.dma_semaphore, #tpu.memory_space<semaphore_mem>>)
      %dma_wait3A_71 = arith.constant 0 : i32
      %dma_wait3A_72 = tpu.memref_slice %arg4[%add3A_25, %dma_wait3A_71] : memref<16384x32xf32, #tpu.memory_space<hbm>> -> memref<128x32xf32, #tpu.memory_space<hbm>>
      %dma_wait3A_73 = arith.constant 0 : i32
      %dma_wait3A_74 = tpu.memref_slice %arg4[%add3A_25, %dma_wait3A_73] : memref<16384x32xf32, #tpu.memory_space<hbm>> -> memref<128x32xf32, #tpu.memory_space<hbm>>
      tpu.wait_dma2 semaphore(%run_scoped3A : memref<!tpu.dma_semaphore, #tpu.memory_space<semaphore_mem>>) src(%arg6 : memref<128x32xf32, #tpu.memory_space<vmem>>) dst(%dma_wait3A_74 : memref<128x32xf32, #tpu.memory_space<hbm>>)
      tpu.yield
    }) : () -> ()
    %dma_start3A_26 = arith.constant 2 : i32
    %dma_start3A_27 = arith.constant 0 : i32
    %dma_start3A_28 = tpu.memref_slice %arg5[%dma_start3A_26, %dma_start3A_27] : memref<4x128xi32, #tpu.memory_space<vmem>> -> memref<1x128xi32, #tpu.memory_space<vmem>>
    %dma_start3A_29 = tpu.memref_squeeze %dma_start3A_28 : memref<1x128xi32, #tpu.memory_space<vmem>> -> memref<128xi32, #tpu.memory_space<vmem>>
    %dma_start3A_30 = arith.constant 0 : i32
    %dma_start3A_31 = arith.constant 0 : i32
    %dma_start3A_32 = tpu.memref_slice %arg3[%dma_start3A_30, %dma_start3A_31] : memref<100000x32xf32, #tpu.memory_space<hbm>> -> memref<100000x32xf32, #tpu.memory_space<hbm>>
    tpu.enqueue_indirect_dma source(%dma_start3A_32 : memref<100000x32xf32, #tpu.memory_space<hbm>>) target(%arg6 : memref<128x32xf32, #tpu.memory_space<vmem>>) offsets(%dma_start3A_29 : memref<128xi32, #tpu.memory_space<vmem>>) semaphore(%arg8 : memref<!tpu.dma_semaphore, #tpu.memory_space<semaphore_mem>>)
    %dma_wait3A_33 = arith.constant 1 : i32
    %dma_wait3A_34 = arith.constant 0 : i32
    %dma_wait3A_35 = tpu.memref_slice %arg5[%dma_wait3A_33, %dma_wait3A_34] : memref<4x128xi32, #tpu.memory_space<vmem>> -> memref<1x128xi32, #tpu.memory_space<vmem>>
    %dma_wait3A_36 = tpu.memref_squeeze %dma_wait3A_35 : memref<1x128xi32, #tpu.memory_space<vmem>> -> memref<128xi32, #tpu.memory_space<vmem>>
    %dma_wait3A_37 = arith.constant 0 : i32
    %dma_wait3A_38 = arith.constant 0 : i32
    %dma_wait3A_39 = tpu.memref_slice %arg3[%dma_wait3A_37, %dma_wait3A_38] : memref<100000x32xf32, #tpu.memory_space<hbm>> -> memref<100000x32xf32, #tpu.memory_space<hbm>>
    tpu.wait_indirect_dma semaphore(%arg8 : memref<!tpu.dma_semaphore, #tpu.memory_space<semaphore_mem>>) src(%dma_wait3A_39 : memref<100000x32xf32, #tpu.memory_space<hbm>>) dst(%arg7 : memref<128x32xf32, #tpu.memory_space<vmem>>)
    %add3A_40 = arith.constant 128 : i32
    %add3A_41 = arith.addi %mul3A_2, %add3A_40 : i32
    "tpu.region"() ({
      %run_scoped3A = tpu.sem_alloc : memref<!tpu.dma_semaphore, #tpu.memory_space<semaphore_mem>>
      %dma_start3A_67 = arith.constant 0 : i32
      %dma_start3A_68 = tpu.memref_slice %arg4[%add3A_41, %dma_start3A_67] : memref<16384x32xf32, #tpu.memory_space<hbm>> -> memref<128x32xf32, #tpu.memory_space<hbm>>
      %dma_start3A_69 = arith.constant 0 : i32
      %dma_start3A_70 = tpu.memref_slice %arg4[%add3A_41, %dma_start3A_69] : memref<16384x32xf32, #tpu.memory_space<hbm>> -> memref<128x32xf32, #tpu.memory_space<hbm>>
      tpu.enqueue_dma source(%arg7 : memref<128x32xf32, #tpu.memory_space<vmem>>) target(%dma_start3A_70 : memref<128x32xf32, #tpu.memory_space<hbm>>) target_semaphore(%run_scoped3A : memref<!tpu.dma_semaphore, #tpu.memory_space<semaphore_mem>>)
      %dma_wait3A_71 = arith.constant 0 : i32
      %dma_wait3A_72 = tpu.memref_slice %arg4[%add3A_41, %dma_wait3A_71] : memref<16384x32xf32, #tpu.memory_space<hbm>> -> memref<128x32xf32, #tpu.memory_space<hbm>>
      %dma_wait3A_73 = arith.constant 0 : i32
      %dma_wait3A_74 = tpu.memref_slice %arg4[%add3A_41, %dma_wait3A_73] : memref<16384x32xf32, #tpu.memory_space<hbm>> -> memref<128x32xf32, #tpu.memory_space<hbm>>
      tpu.wait_dma2 semaphore(%run_scoped3A : memref<!tpu.dma_semaphore, #tpu.memory_space<semaphore_mem>>) src(%arg7 : memref<128x32xf32, #tpu.memory_space<vmem>>) dst(%dma_wait3A_74 : memref<128x32xf32, #tpu.memory_space<hbm>>)
      tpu.yield
    }) : () -> ()
    %dma_start3A_42 = arith.constant 3 : i32
    %dma_start3A_43 = arith.constant 0 : i32
    %dma_start3A_44 = tpu.memref_slice %arg5[%dma_start3A_42, %dma_start3A_43] : memref<4x128xi32, #tpu.memory_space<vmem>> -> memref<1x128xi32, #tpu.memory_space<vmem>>
    %dma_start3A_45 = tpu.memref_squeeze %dma_start3A_44 : memref<1x128xi32, #tpu.memory_space<vmem>> -> memref<128xi32, #tpu.memory_space<vmem>>
    %dma_start3A_46 = arith.constant 0 : i32
    %dma_start3A_47 = arith.constant 0 : i32
    %dma_start3A_48 = tpu.memref_slice %arg3[%dma_start3A_46, %dma_start3A_47] : memref<100000x32xf32, #tpu.memory_space<hbm>> -> memref<100000x32xf32, #tpu.memory_space<hbm>>
    tpu.enqueue_indirect_dma source(%dma_start3A_48 : memref<100000x32xf32, #tpu.memory_space<hbm>>) target(%arg7 : memref<128x32xf32, #tpu.memory_space<vmem>>) offsets(%dma_start3A_45 : memref<128xi32, #tpu.memory_space<vmem>>) semaphore(%arg8 : memref<!tpu.dma_semaphore, #tpu.memory_space<semaphore_mem>>)
    %dma_wait3A_49 = arith.constant 2 : i32
    %dma_wait3A_50 = arith.constant 0 : i32
    %dma_wait3A_51 = tpu.memref_slice %arg5[%dma_wait3A_49, %dma_wait3A_50] : memref<4x128xi32, #tpu.memory_space<vmem>> -> memref<1x128xi32, #tpu.memory_space<vmem>>
    %dma_wait3A_52 = tpu.memref_squeeze %dma_wait3A_51 : memref<1x128xi32, #tpu.memory_space<vmem>> -> memref<128xi32, #tpu.memory_space<vmem>>
    %dma_wait3A_53 = arith.constant 0 : i32
    %dma_wait3A_54 = arith.constant 0 : i32
    %dma_wait3A_55 = tpu.memref_slice %arg3[%dma_wait3A_53, %dma_wait3A_54] : memref<100000x32xf32, #tpu.memory_space<hbm>> -> memref<100000x32xf32, #tpu.memory_space<hbm>>
    tpu.wait_indirect_dma semaphore(%arg8 : memref<!tpu.dma_semaphore, #tpu.memory_space<semaphore_mem>>) src(%dma_wait3A_55 : memref<100000x32xf32, #tpu.memory_space<hbm>>) dst(%arg6 : memref<128x32xf32, #tpu.memory_space<vmem>>)
    %add3A_56 = arith.constant 256 : i32
    %add3A_57 = arith.addi %mul3A_2, %add3A_56 : i32
    "tpu.region"() ({
      %run_scoped3A = tpu.sem_alloc : memref<!tpu.dma_semaphore, #tpu.memory_space<semaphore_mem>>
      %dma_start3A_67 = arith.constant 0 : i32
      %dma_start3A_68 = tpu.memref_slice %arg4[%add3A_57, %dma_start3A_67] : memref<16384x32xf32, #tpu.memory_space<hbm>> -> memref<128x32xf32, #tpu.memory_space<hbm>>
      %dma_start3A_69 = arith.constant 0 : i32
      %dma_start3A_70 = tpu.memref_slice %arg4[%add3A_57, %dma_start3A_69] : memref<16384x32xf32, #tpu.memory_space<hbm>> -> memref<128x32xf32, #tpu.memory_space<hbm>>
      tpu.enqueue_dma source(%arg6 : memref<128x32xf32, #tpu.memory_space<vmem>>) target(%dma_start3A_70 : memref<128x32xf32, #tpu.memory_space<hbm>>) target_semaphore(%run_scoped3A : memref<!tpu.dma_semaphore, #tpu.memory_space<semaphore_mem>>)
      %dma_wait3A_71 = arith.constant 0 : i32
      %dma_wait3A_72 = tpu.memref_slice %arg4[%add3A_57, %dma_wait3A_71] : memref<16384x32xf32, #tpu.memory_space<hbm>> -> memref<128x32xf32, #tpu.memory_space<hbm>>
      %dma_wait3A_73 = arith.constant 0 : i32
      %dma_wait3A_74 = tpu.memref_slice %arg4[%add3A_57, %dma_wait3A_73] : memref<16384x32xf32, #tpu.memory_space<hbm>> -> memref<128x32xf32, #tpu.memory_space<hbm>>
      tpu.wait_dma2 semaphore(%run_scoped3A : memref<!tpu.dma_semaphore, #tpu.memory_space<semaphore_mem>>) src(%arg6 : memref<128x32xf32, #tpu.memory_space<vmem>>) dst(%dma_wait3A_74 : memref<128x32xf32, #tpu.memory_space<hbm>>)
      tpu.yield
    }) : () -> ()
    %dma_wait3A_58 = arith.constant 3 : i32
    %dma_wait3A_59 = arith.constant 0 : i32
    %dma_wait3A_60 = tpu.memref_slice %arg5[%dma_wait3A_58, %dma_wait3A_59] : memref<4x128xi32, #tpu.memory_space<vmem>> -> memref<1x128xi32, #tpu.memory_space<vmem>>
    %dma_wait3A_61 = tpu.memref_squeeze %dma_wait3A_60 : memref<1x128xi32, #tpu.memory_space<vmem>> -> memref<128xi32, #tpu.memory_space<vmem>>
    %dma_wait3A_62 = arith.constant 0 : i32
    %dma_wait3A_63 = arith.constant 0 : i32
    %dma_wait3A_64 = tpu.memref_slice %arg3[%dma_wait3A_62, %dma_wait3A_63] : memref<100000x32xf32, #tpu.memory_space<hbm>> -> memref<100000x32xf32, #tpu.memory_space<hbm>>
    tpu.wait_indirect_dma semaphore(%arg8 : memref<!tpu.dma_semaphore, #tpu.memory_space<semaphore_mem>>) src(%dma_wait3A_64 : memref<100000x32xf32, #tpu.memory_space<hbm>>) dst(%arg7 : memref<128x32xf32, #tpu.memory_space<vmem>>)
    %add3A_65 = arith.constant 384 : i32
    %add3A_66 = arith.addi %mul3A_2, %add3A_65 : i32
    "tpu.region"() ({
      %run_scoped3A = tpu.sem_alloc : memref<!tpu.dma_semaphore, #tpu.memory_space<semaphore_mem>>
      %dma_start3A_67 = arith.constant 0 : i32
      %dma_start3A_68 = tpu.memref_slice %arg4[%add3A_66, %dma_start3A_67] : memref<16384x32xf32, #tpu.memory_space<hbm>> -> memref<128x32xf32, #tpu.memory_space<hbm>>
      %dma_start3A_69 = arith.constant 0 : i32
      %dma_start3A_70 = tpu.memref_slice %arg4[%add3A_66, %dma_start3A_69] : memref<16384x32xf32, #tpu.memory_space<hbm>> -> memref<128x32xf32, #tpu.memory_space<hbm>>
      tpu.enqueue_dma source(%arg7 : memref<128x32xf32, #tpu.memory_space<vmem>>) target(%dma_start3A_70 : memref<128x32xf32, #tpu.memory_space<hbm>>) target_semaphore(%run_scoped3A : memref<!tpu.dma_semaphore, #tpu.memory_space<semaphore_mem>>)
      %dma_wait3A_71 = arith.constant 0 : i32
      %dma_wait3A_72 = tpu.memref_slice %arg4[%add3A_66, %dma_wait3A_71] : memref<16384x32xf32, #tpu.memory_space<hbm>> -> memref<128x32xf32, #tpu.memory_space<hbm>>
      %dma_wait3A_73 = arith.constant 0 : i32
      %dma_wait3A_74 = tpu.memref_slice %arg4[%add3A_66, %dma_wait3A_73] : memref<16384x32xf32, #tpu.memory_space<hbm>> -> memref<128x32xf32, #tpu.memory_space<hbm>>
      tpu.wait_dma2 semaphore(%run_scoped3A : memref<!tpu.dma_semaphore, #tpu.memory_space<semaphore_mem>>) src(%arg7 : memref<128x32xf32, #tpu.memory_space<vmem>>) dst(%dma_wait3A_74 : memref<128x32xf32, #tpu.memory_space<hbm>>)
      tpu.yield
    }) : () -> ()
    return
  }
}

#map = affine_map<(d0, d1) -> (0, 0)>
module attributes {stable_mosaic.version = 14 : i64} {
  func.func @body(%arg0: i32, %arg1: i32, %arg2: memref<128x128xi32, #tpu.memory_space<hbm>>, %arg3: memref<128x128xi32, #tpu.memory_space<hbm>>, %arg4: memref<100000x32xf32, #tpu.memory_space<hbm>>, %arg5: memref<16384x32xf32, #tpu.memory_space<hbm>>, %arg6: memref<16384x32xf32, #tpu.memory_space<hbm>>, %arg7: memref<4x128xi32, #tpu.memory_space<vmem>>, %arg8: memref<4x128xi32, #tpu.memory_space<vmem>>, %arg9: memref<128x32xf32, #tpu.memory_space<vmem>>, %arg10: memref<128x32xf32, #tpu.memory_space<vmem>>, %arg11: memref<128x32xf32, #tpu.memory_space<vmem>>, %arg12: memref<128x32xf32, #tpu.memory_space<vmem>>, %arg13: memref<!tpu.dma_semaphore, #tpu.memory_space<semaphore_mem>>) attributes {dimension_semantics = [#tpu.dimension_semantics<core_parallel>, #tpu.dimension_semantics<subcore_parallel>], iteration_bounds = array<i64: 2, 16>, scalar_prefetch = 0 : i64, scratch_operands = 7 : i64, tpu.core_type = #tpu.core_type<sc_vector_subcore>, window_params = [{transform_indices = #map}, {transform_indices = #map}, {transform_indices = #map}, {transform_indices = #map}, {transform_indices = #map}]} {
    %mul3A = arith.constant 2 : i32
    %mul3A_0 = arith.muli %arg1, %mul3A : i32
    %add3A = arith.addi %mul3A_0, %arg0 : i32
    %mul3A_1 = arith.constant 512 : i32
    %mul3A_2 = arith.muli %add3A, %mul3A_1 : i32
    %mul3A_3 = arith.constant 4 : i32
    %mul3A_4 = arith.muli %add3A, %mul3A_3 : i32
    "tpu.region"() ({
      %run_scoped3A = tpu.sem_alloc : memref<!tpu.dma_semaphore, #tpu.memory_space<semaphore_mem>>
      %dma_start3A_131 = arith.constant 0 : i32
      %dma_start3A_132 = tpu.memref_slice %arg2[%mul3A_4, %dma_start3A_131] : memref<128x128xi32, #tpu.memory_space<hbm>> -> memref<4x128xi32, #tpu.memory_space<hbm>>
      %dma_start3A_133 = arith.constant 0 : i32
      %dma_start3A_134 = tpu.memref_slice %arg2[%mul3A_4, %dma_start3A_133] : memref<128x128xi32, #tpu.memory_space<hbm>> -> memref<4x128xi32, #tpu.memory_space<hbm>>
      tpu.enqueue_dma source(%dma_start3A_134 : memref<4x128xi32, #tpu.memory_space<hbm>>) target(%arg7 : memref<4x128xi32, #tpu.memory_space<vmem>>) target_semaphore(%run_scoped3A : memref<!tpu.dma_semaphore, #tpu.memory_space<semaphore_mem>>)
      %dma_wait3A_135 = arith.constant 0 : i32
      %dma_wait3A_136 = tpu.memref_slice %arg2[%mul3A_4, %dma_wait3A_135] : memref<128x128xi32, #tpu.memory_space<hbm>> -> memref<4x128xi32, #tpu.memory_space<hbm>>
      %dma_wait3A_137 = arith.constant 0 : i32
      %dma_wait3A_138 = tpu.memref_slice %arg2[%mul3A_4, %dma_wait3A_137] : memref<128x128xi32, #tpu.memory_space<hbm>> -> memref<4x128xi32, #tpu.memory_space<hbm>>
      tpu.wait_dma2 semaphore(%run_scoped3A : memref<!tpu.dma_semaphore, #tpu.memory_space<semaphore_mem>>) src(%dma_wait3A_138 : memref<4x128xi32, #tpu.memory_space<hbm>>) dst(%arg7 : memref<4x128xi32, #tpu.memory_space<vmem>>)
      tpu.yield
    }) : () -> ()
    "tpu.region"() ({
      %run_scoped3A = tpu.sem_alloc : memref<!tpu.dma_semaphore, #tpu.memory_space<semaphore_mem>>
      %dma_start3A_131 = arith.constant 0 : i32
      %dma_start3A_132 = tpu.memref_slice %arg3[%mul3A_4, %dma_start3A_131] : memref<128x128xi32, #tpu.memory_space<hbm>> -> memref<4x128xi32, #tpu.memory_space<hbm>>
      %dma_start3A_133 = arith.constant 0 : i32
      %dma_start3A_134 = tpu.memref_slice %arg3[%mul3A_4, %dma_start3A_133] : memref<128x128xi32, #tpu.memory_space<hbm>> -> memref<4x128xi32, #tpu.memory_space<hbm>>
      tpu.enqueue_dma source(%dma_start3A_134 : memref<4x128xi32, #tpu.memory_space<hbm>>) target(%arg8 : memref<4x128xi32, #tpu.memory_space<vmem>>) target_semaphore(%run_scoped3A : memref<!tpu.dma_semaphore, #tpu.memory_space<semaphore_mem>>)
      %dma_wait3A_135 = arith.constant 0 : i32
      %dma_wait3A_136 = tpu.memref_slice %arg3[%mul3A_4, %dma_wait3A_135] : memref<128x128xi32, #tpu.memory_space<hbm>> -> memref<4x128xi32, #tpu.memory_space<hbm>>
      %dma_wait3A_137 = arith.constant 0 : i32
      %dma_wait3A_138 = tpu.memref_slice %arg3[%mul3A_4, %dma_wait3A_137] : memref<128x128xi32, #tpu.memory_space<hbm>> -> memref<4x128xi32, #tpu.memory_space<hbm>>
      tpu.wait_dma2 semaphore(%run_scoped3A : memref<!tpu.dma_semaphore, #tpu.memory_space<semaphore_mem>>) src(%dma_wait3A_138 : memref<4x128xi32, #tpu.memory_space<hbm>>) dst(%arg8 : memref<4x128xi32, #tpu.memory_space<vmem>>)
      tpu.yield
    }) : () -> ()
    %dma_start3A = arith.constant 0 : i32
    %dma_start3A_5 = arith.constant 0 : i32
    %dma_start3A_6 = tpu.memref_slice %arg7[%dma_start3A, %dma_start3A_5] : memref<4x128xi32, #tpu.memory_space<vmem>> -> memref<1x128xi32, #tpu.memory_space<vmem>>
    %dma_start3A_7 = tpu.memref_squeeze %dma_start3A_6 : memref<1x128xi32, #tpu.memory_space<vmem>> -> memref<128xi32, #tpu.memory_space<vmem>>
    %dma_start3A_8 = arith.constant 0 : i32
    %dma_start3A_9 = arith.constant 0 : i32
    %dma_start3A_10 = tpu.memref_slice %arg4[%dma_start3A_8, %dma_start3A_9] : memref<100000x32xf32, #tpu.memory_space<hbm>> -> memref<100000x32xf32, #tpu.memory_space<hbm>>
    tpu.enqueue_indirect_dma source(%dma_start3A_10 : memref<100000x32xf32, #tpu.memory_space<hbm>>) target(%arg9 : memref<128x32xf32, #tpu.memory_space<vmem>>) offsets(%dma_start3A_7 : memref<128xi32, #tpu.memory_space<vmem>>) semaphore(%arg13 : memref<!tpu.dma_semaphore, #tpu.memory_space<semaphore_mem>>)
    %dma_start3A_11 = arith.constant 0 : i32
    %dma_start3A_12 = arith.constant 0 : i32
    %dma_start3A_13 = tpu.memref_slice %arg8[%dma_start3A_11, %dma_start3A_12] : memref<4x128xi32, #tpu.memory_space<vmem>> -> memref<1x128xi32, #tpu.memory_space<vmem>>
    %dma_start3A_14 = tpu.memref_squeeze %dma_start3A_13 : memref<1x128xi32, #tpu.memory_space<vmem>> -> memref<128xi32, #tpu.memory_space<vmem>>
    %dma_start3A_15 = arith.constant 0 : i32
    %dma_start3A_16 = arith.constant 0 : i32
    %dma_start3A_17 = tpu.memref_slice %arg4[%dma_start3A_15, %dma_start3A_16] : memref<100000x32xf32, #tpu.memory_space<hbm>> -> memref<100000x32xf32, #tpu.memory_space<hbm>>
    tpu.enqueue_indirect_dma source(%dma_start3A_17 : memref<100000x32xf32, #tpu.memory_space<hbm>>) target(%arg11 : memref<128x32xf32, #tpu.memory_space<vmem>>) offsets(%dma_start3A_14 : memref<128xi32, #tpu.memory_space<vmem>>) semaphore(%arg13 : memref<!tpu.dma_semaphore, #tpu.memory_space<semaphore_mem>>)
    %dma_start3A_18 = arith.constant 1 : i32
    %dma_start3A_19 = arith.constant 0 : i32
    %dma_start3A_20 = tpu.memref_slice %arg7[%dma_start3A_18, %dma_start3A_19] : memref<4x128xi32, #tpu.memory_space<vmem>> -> memref<1x128xi32, #tpu.memory_space<vmem>>
    %dma_start3A_21 = tpu.memref_squeeze %dma_start3A_20 : memref<1x128xi32, #tpu.memory_space<vmem>> -> memref<128xi32, #tpu.memory_space<vmem>>
    %dma_start3A_22 = arith.constant 0 : i32
    %dma_start3A_23 = arith.constant 0 : i32
    %dma_start3A_24 = tpu.memref_slice %arg4[%dma_start3A_22, %dma_start3A_23] : memref<100000x32xf32, #tpu.memory_space<hbm>> -> memref<100000x32xf32, #tpu.memory_space<hbm>>
    tpu.enqueue_indirect_dma source(%dma_start3A_24 : memref<100000x32xf32, #tpu.memory_space<hbm>>) target(%arg10 : memref<128x32xf32, #tpu.memory_space<vmem>>) offsets(%dma_start3A_21 : memref<128xi32, #tpu.memory_space<vmem>>) semaphore(%arg13 : memref<!tpu.dma_semaphore, #tpu.memory_space<semaphore_mem>>)
    %dma_start3A_25 = arith.constant 1 : i32
    %dma_start3A_26 = arith.constant 0 : i32
    %dma_start3A_27 = tpu.memref_slice %arg8[%dma_start3A_25, %dma_start3A_26] : memref<4x128xi32, #tpu.memory_space<vmem>> -> memref<1x128xi32, #tpu.memory_space<vmem>>
    %dma_start3A_28 = tpu.memref_squeeze %dma_start3A_27 : memref<1x128xi32, #tpu.memory_space<vmem>> -> memref<128xi32, #tpu.memory_space<vmem>>
    %dma_start3A_29 = arith.constant 0 : i32
    %dma_start3A_30 = arith.constant 0 : i32
    %dma_start3A_31 = tpu.memref_slice %arg4[%dma_start3A_29, %dma_start3A_30] : memref<100000x32xf32, #tpu.memory_space<hbm>> -> memref<100000x32xf32, #tpu.memory_space<hbm>>
    tpu.enqueue_indirect_dma source(%dma_start3A_31 : memref<100000x32xf32, #tpu.memory_space<hbm>>) target(%arg12 : memref<128x32xf32, #tpu.memory_space<vmem>>) offsets(%dma_start3A_28 : memref<128xi32, #tpu.memory_space<vmem>>) semaphore(%arg13 : memref<!tpu.dma_semaphore, #tpu.memory_space<semaphore_mem>>)
    %dma_wait3A = arith.constant 0 : i32
    %dma_wait3A_32 = arith.constant 0 : i32
    %dma_wait3A_33 = tpu.memref_slice %arg7[%dma_wait3A, %dma_wait3A_32] : memref<4x128xi32, #tpu.memory_space<vmem>> -> memref<1x128xi32, #tpu.memory_space<vmem>>
    %dma_wait3A_34 = tpu.memref_squeeze %dma_wait3A_33 : memref<1x128xi32, #tpu.memory_space<vmem>> -> memref<128xi32, #tpu.memory_space<vmem>>
    %dma_wait3A_35 = arith.constant 0 : i32
    %dma_wait3A_36 = arith.constant 0 : i32
    %dma_wait3A_37 = tpu.memref_slice %arg4[%dma_wait3A_35, %dma_wait3A_36] : memref<100000x32xf32, #tpu.memory_space<hbm>> -> memref<100000x32xf32, #tpu.memory_space<hbm>>
    tpu.wait_indirect_dma semaphore(%arg13 : memref<!tpu.dma_semaphore, #tpu.memory_space<semaphore_mem>>) src(%dma_wait3A_37 : memref<100000x32xf32, #tpu.memory_space<hbm>>) dst(%arg9 : memref<128x32xf32, #tpu.memory_space<vmem>>)
    %dma_wait3A_38 = arith.constant 0 : i32
    %dma_wait3A_39 = arith.constant 0 : i32
    %dma_wait3A_40 = tpu.memref_slice %arg8[%dma_wait3A_38, %dma_wait3A_39] : memref<4x128xi32, #tpu.memory_space<vmem>> -> memref<1x128xi32, #tpu.memory_space<vmem>>
    %dma_wait3A_41 = tpu.memref_squeeze %dma_wait3A_40 : memref<1x128xi32, #tpu.memory_space<vmem>> -> memref<128xi32, #tpu.memory_space<vmem>>
    %dma_wait3A_42 = arith.constant 0 : i32
    %dma_wait3A_43 = arith.constant 0 : i32
    %dma_wait3A_44 = tpu.memref_slice %arg4[%dma_wait3A_42, %dma_wait3A_43] : memref<100000x32xf32, #tpu.memory_space<hbm>> -> memref<100000x32xf32, #tpu.memory_space<hbm>>
    tpu.wait_indirect_dma semaphore(%arg13 : memref<!tpu.dma_semaphore, #tpu.memory_space<semaphore_mem>>) src(%dma_wait3A_44 : memref<100000x32xf32, #tpu.memory_space<hbm>>) dst(%arg11 : memref<128x32xf32, #tpu.memory_space<vmem>>)
    %add3A_45 = arith.constant 0 : i32
    %add3A_46 = arith.addi %mul3A_2, %add3A_45 : i32
    "tpu.region"() ({
      %run_scoped3A = tpu.sem_alloc : memref<!tpu.dma_semaphore, #tpu.memory_space<semaphore_mem>>
      %dma_start3A_131 = arith.constant 0 : i32
      %dma_start3A_132 = tpu.memref_slice %arg5[%add3A_46, %dma_start3A_131] : memref<16384x32xf32, #tpu.memory_space<hbm>> -> memref<128x32xf32, #tpu.memory_space<hbm>>
      %dma_start3A_133 = arith.constant 0 : i32
      %dma_start3A_134 = tpu.memref_slice %arg5[%add3A_46, %dma_start3A_133] : memref<16384x32xf32, #tpu.memory_space<hbm>> -> memref<128x32xf32, #tpu.memory_space<hbm>>
      tpu.enqueue_dma source(%arg9 : memref<128x32xf32, #tpu.memory_space<vmem>>) target(%dma_start3A_134 : memref<128x32xf32, #tpu.memory_space<hbm>>) target_semaphore(%run_scoped3A : memref<!tpu.dma_semaphore, #tpu.memory_space<semaphore_mem>>)
      %dma_wait3A_135 = arith.constant 0 : i32
      %dma_wait3A_136 = tpu.memref_slice %arg5[%add3A_46, %dma_wait3A_135] : memref<16384x32xf32, #tpu.memory_space<hbm>> -> memref<128x32xf32, #tpu.memory_space<hbm>>
      %dma_wait3A_137 = arith.constant 0 : i32
      %dma_wait3A_138 = tpu.memref_slice %arg5[%add3A_46, %dma_wait3A_137] : memref<16384x32xf32, #tpu.memory_space<hbm>> -> memref<128x32xf32, #tpu.memory_space<hbm>>
      tpu.wait_dma2 semaphore(%run_scoped3A : memref<!tpu.dma_semaphore, #tpu.memory_space<semaphore_mem>>) src(%arg9 : memref<128x32xf32, #tpu.memory_space<vmem>>) dst(%dma_wait3A_138 : memref<128x32xf32, #tpu.memory_space<hbm>>)
      tpu.yield
    }) : () -> ()
    %add3A_47 = arith.constant 0 : i32
    %add3A_48 = arith.addi %mul3A_2, %add3A_47 : i32
    "tpu.region"() ({
      %run_scoped3A = tpu.sem_alloc : memref<!tpu.dma_semaphore, #tpu.memory_space<semaphore_mem>>
      %dma_start3A_131 = arith.constant 0 : i32
      %dma_start3A_132 = tpu.memref_slice %arg6[%add3A_48, %dma_start3A_131] : memref<16384x32xf32, #tpu.memory_space<hbm>> -> memref<128x32xf32, #tpu.memory_space<hbm>>
      %dma_start3A_133 = arith.constant 0 : i32
      %dma_start3A_134 = tpu.memref_slice %arg6[%add3A_48, %dma_start3A_133] : memref<16384x32xf32, #tpu.memory_space<hbm>> -> memref<128x32xf32, #tpu.memory_space<hbm>>
      tpu.enqueue_dma source(%arg11 : memref<128x32xf32, #tpu.memory_space<vmem>>) target(%dma_start3A_134 : memref<128x32xf32, #tpu.memory_space<hbm>>) target_semaphore(%run_scoped3A : memref<!tpu.dma_semaphore, #tpu.memory_space<semaphore_mem>>)
      %dma_wait3A_135 = arith.constant 0 : i32
      %dma_wait3A_136 = tpu.memref_slice %arg6[%add3A_48, %dma_wait3A_135] : memref<16384x32xf32, #tpu.memory_space<hbm>> -> memref<128x32xf32, #tpu.memory_space<hbm>>
      %dma_wait3A_137 = arith.constant 0 : i32
      %dma_wait3A_138 = tpu.memref_slice %arg6[%add3A_48, %dma_wait3A_137] : memref<16384x32xf32, #tpu.memory_space<hbm>> -> memref<128x32xf32, #tpu.memory_space<hbm>>
      tpu.wait_dma2 semaphore(%run_scoped3A : memref<!tpu.dma_semaphore, #tpu.memory_space<semaphore_mem>>) src(%arg11 : memref<128x32xf32, #tpu.memory_space<vmem>>) dst(%dma_wait3A_138 : memref<128x32xf32, #tpu.memory_space<hbm>>)
      tpu.yield
    }) : () -> ()
    %dma_start3A_49 = arith.constant 2 : i32
    %dma_start3A_50 = arith.constant 0 : i32
    %dma_start3A_51 = tpu.memref_slice %arg7[%dma_start3A_49, %dma_start3A_50] : memref<4x128xi32, #tpu.memory_space<vmem>> -> memref<1x128xi32, #tpu.memory_space<vmem>>
    %dma_start3A_52 = tpu.memref_squeeze %dma_start3A_51 : memref<1x128xi32, #tpu.memory_space<vmem>> -> memref<128xi32, #tpu.memory_space<vmem>>
    %dma_start3A_53 = arith.constant 0 : i32
    %dma_start3A_54 = arith.constant 0 : i32
    %dma_start3A_55 = tpu.memref_slice %arg4[%dma_start3A_53, %dma_start3A_54] : memref<100000x32xf32, #tpu.memory_space<hbm>> -> memref<100000x32xf32, #tpu.memory_space<hbm>>
    tpu.enqueue_indirect_dma source(%dma_start3A_55 : memref<100000x32xf32, #tpu.memory_space<hbm>>) target(%arg9 : memref<128x32xf32, #tpu.memory_space<vmem>>) offsets(%dma_start3A_52 : memref<128xi32, #tpu.memory_space<vmem>>) semaphore(%arg13 : memref<!tpu.dma_semaphore, #tpu.memory_space<semaphore_mem>>)
    %dma_start3A_56 = arith.constant 2 : i32
    %dma_start3A_57 = arith.constant 0 : i32
    %dma_start3A_58 = tpu.memref_slice %arg8[%dma_start3A_56, %dma_start3A_57] : memref<4x128xi32, #tpu.memory_space<vmem>> -> memref<1x128xi32, #tpu.memory_space<vmem>>
    %dma_start3A_59 = tpu.memref_squeeze %dma_start3A_58 : memref<1x128xi32, #tpu.memory_space<vmem>> -> memref<128xi32, #tpu.memory_space<vmem>>
    %dma_start3A_60 = arith.constant 0 : i32
    %dma_start3A_61 = arith.constant 0 : i32
    %dma_start3A_62 = tpu.memref_slice %arg4[%dma_start3A_60, %dma_start3A_61] : memref<100000x32xf32, #tpu.memory_space<hbm>> -> memref<100000x32xf32, #tpu.memory_space<hbm>>
    tpu.enqueue_indirect_dma source(%dma_start3A_62 : memref<100000x32xf32, #tpu.memory_space<hbm>>) target(%arg11 : memref<128x32xf32, #tpu.memory_space<vmem>>) offsets(%dma_start3A_59 : memref<128xi32, #tpu.memory_space<vmem>>) semaphore(%arg13 : memref<!tpu.dma_semaphore, #tpu.memory_space<semaphore_mem>>)
    %dma_wait3A_63 = arith.constant 1 : i32
    %dma_wait3A_64 = arith.constant 0 : i32
    %dma_wait3A_65 = tpu.memref_slice %arg7[%dma_wait3A_63, %dma_wait3A_64] : memref<4x128xi32, #tpu.memory_space<vmem>> -> memref<1x128xi32, #tpu.memory_space<vmem>>
    %dma_wait3A_66 = tpu.memref_squeeze %dma_wait3A_65 : memref<1x128xi32, #tpu.memory_space<vmem>> -> memref<128xi32, #tpu.memory_space<vmem>>
    %dma_wait3A_67 = arith.constant 0 : i32
    %dma_wait3A_68 = arith.constant 0 : i32
    %dma_wait3A_69 = tpu.memref_slice %arg4[%dma_wait3A_67, %dma_wait3A_68] : memref<100000x32xf32, #tpu.memory_space<hbm>> -> memref<100000x32xf32, #tpu.memory_space<hbm>>
    tpu.wait_indirect_dma semaphore(%arg13 : memref<!tpu.dma_semaphore, #tpu.memory_space<semaphore_mem>>) src(%dma_wait3A_69 : memref<100000x32xf32, #tpu.memory_space<hbm>>) dst(%arg10 : memref<128x32xf32, #tpu.memory_space<vmem>>)
    %dma_wait3A_70 = arith.constant 1 : i32
    %dma_wait3A_71 = arith.constant 0 : i32
    %dma_wait3A_72 = tpu.memref_slice %arg8[%dma_wait3A_70, %dma_wait3A_71] : memref<4x128xi32, #tpu.memory_space<vmem>> -> memref<1x128xi32, #tpu.memory_space<vmem>>
    %dma_wait3A_73 = tpu.memref_squeeze %dma_wait3A_72 : memref<1x128xi32, #tpu.memory_space<vmem>> -> memref<128xi32, #tpu.memory_space<vmem>>
    %dma_wait3A_74 = arith.constant 0 : i32
    %dma_wait3A_75 = arith.constant 0 : i32
    %dma_wait3A_76 = tpu.memref_slice %arg4[%dma_wait3A_74, %dma_wait3A_75] : memref<100000x32xf32, #tpu.memory_space<hbm>> -> memref<100000x32xf32, #tpu.memory_space<hbm>>
    tpu.wait_indirect_dma semaphore(%arg13 : memref<!tpu.dma_semaphore, #tpu.memory_space<semaphore_mem>>) src(%dma_wait3A_76 : memref<100000x32xf32, #tpu.memory_space<hbm>>) dst(%arg12 : memref<128x32xf32, #tpu.memory_space<vmem>>)
    %add3A_77 = arith.constant 128 : i32
    %add3A_78 = arith.addi %mul3A_2, %add3A_77 : i32
    "tpu.region"() ({
      %run_scoped3A = tpu.sem_alloc : memref<!tpu.dma_semaphore, #tpu.memory_space<semaphore_mem>>
      %dma_start3A_131 = arith.constant 0 : i32
      %dma_start3A_132 = tpu.memref_slice %arg5[%add3A_78, %dma_start3A_131] : memref<16384x32xf32, #tpu.memory_space<hbm>> -> memref<128x32xf32, #tpu.memory_space<hbm>>
      %dma_start3A_133 = arith.constant 0 : i32
      %dma_start3A_134 = tpu.memref_slice %arg5[%add3A_78, %dma_start3A_133] : memref<16384x32xf32, #tpu.memory_space<hbm>> -> memref<128x32xf32, #tpu.memory_space<hbm>>
      tpu.enqueue_dma source(%arg10 : memref<128x32xf32, #tpu.memory_space<vmem>>) target(%dma_start3A_134 : memref<128x32xf32, #tpu.memory_space<hbm>>) target_semaphore(%run_scoped3A : memref<!tpu.dma_semaphore, #tpu.memory_space<semaphore_mem>>)
      %dma_wait3A_135 = arith.constant 0 : i32
      %dma_wait3A_136 = tpu.memref_slice %arg5[%add3A_78, %dma_wait3A_135] : memref<16384x32xf32, #tpu.memory_space<hbm>> -> memref<128x32xf32, #tpu.memory_space<hbm>>
      %dma_wait3A_137 = arith.constant 0 : i32
      %dma_wait3A_138 = tpu.memref_slice %arg5[%add3A_78, %dma_wait3A_137] : memref<16384x32xf32, #tpu.memory_space<hbm>> -> memref<128x32xf32, #tpu.memory_space<hbm>>
      tpu.wait_dma2 semaphore(%run_scoped3A : memref<!tpu.dma_semaphore, #tpu.memory_space<semaphore_mem>>) src(%arg10 : memref<128x32xf32, #tpu.memory_space<vmem>>) dst(%dma_wait3A_138 : memref<128x32xf32, #tpu.memory_space<hbm>>)
      tpu.yield
    }) : () -> ()
    %add3A_79 = arith.constant 128 : i32
    %add3A_80 = arith.addi %mul3A_2, %add3A_79 : i32
    "tpu.region"() ({
      %run_scoped3A = tpu.sem_alloc : memref<!tpu.dma_semaphore, #tpu.memory_space<semaphore_mem>>
      %dma_start3A_131 = arith.constant 0 : i32
      %dma_start3A_132 = tpu.memref_slice %arg6[%add3A_80, %dma_start3A_131] : memref<16384x32xf32, #tpu.memory_space<hbm>> -> memref<128x32xf32, #tpu.memory_space<hbm>>
      %dma_start3A_133 = arith.constant 0 : i32
      %dma_start3A_134 = tpu.memref_slice %arg6[%add3A_80, %dma_start3A_133] : memref<16384x32xf32, #tpu.memory_space<hbm>> -> memref<128x32xf32, #tpu.memory_space<hbm>>
      tpu.enqueue_dma source(%arg12 : memref<128x32xf32, #tpu.memory_space<vmem>>) target(%dma_start3A_134 : memref<128x32xf32, #tpu.memory_space<hbm>>) target_semaphore(%run_scoped3A : memref<!tpu.dma_semaphore, #tpu.memory_space<semaphore_mem>>)
      %dma_wait3A_135 = arith.constant 0 : i32
      %dma_wait3A_136 = tpu.memref_slice %arg6[%add3A_80, %dma_wait3A_135] : memref<16384x32xf32, #tpu.memory_space<hbm>> -> memref<128x32xf32, #tpu.memory_space<hbm>>
      %dma_wait3A_137 = arith.constant 0 : i32
      %dma_wait3A_138 = tpu.memref_slice %arg6[%add3A_80, %dma_wait3A_137] : memref<16384x32xf32, #tpu.memory_space<hbm>> -> memref<128x32xf32, #tpu.memory_space<hbm>>
      tpu.wait_dma2 semaphore(%run_scoped3A : memref<!tpu.dma_semaphore, #tpu.memory_space<semaphore_mem>>) src(%arg12 : memref<128x32xf32, #tpu.memory_space<vmem>>) dst(%dma_wait3A_138 : memref<128x32xf32, #tpu.memory_space<hbm>>)
      tpu.yield
    }) : () -> ()
    %dma_start3A_81 = arith.constant 3 : i32
    %dma_start3A_82 = arith.constant 0 : i32
    %dma_start3A_83 = tpu.memref_slice %arg7[%dma_start3A_81, %dma_start3A_82] : memref<4x128xi32, #tpu.memory_space<vmem>> -> memref<1x128xi32, #tpu.memory_space<vmem>>
    %dma_start3A_84 = tpu.memref_squeeze %dma_start3A_83 : memref<1x128xi32, #tpu.memory_space<vmem>> -> memref<128xi32, #tpu.memory_space<vmem>>
    %dma_start3A_85 = arith.constant 0 : i32
    %dma_start3A_86 = arith.constant 0 : i32
    %dma_start3A_87 = tpu.memref_slice %arg4[%dma_start3A_85, %dma_start3A_86] : memref<100000x32xf32, #tpu.memory_space<hbm>> -> memref<100000x32xf32, #tpu.memory_space<hbm>>
    tpu.enqueue_indirect_dma source(%dma_start3A_87 : memref<100000x32xf32, #tpu.memory_space<hbm>>) target(%arg10 : memref<128x32xf32, #tpu.memory_space<vmem>>) offsets(%dma_start3A_84 : memref<128xi32, #tpu.memory_space<vmem>>) semaphore(%arg13 : memref<!tpu.dma_semaphore, #tpu.memory_space<semaphore_mem>>)
    %dma_start3A_88 = arith.constant 3 : i32
    %dma_start3A_89 = arith.constant 0 : i32
    %dma_start3A_90 = tpu.memref_slice %arg8[%dma_start3A_88, %dma_start3A_89] : memref<4x128xi32, #tpu.memory_space<vmem>> -> memref<1x128xi32, #tpu.memory_space<vmem>>
    %dma_start3A_91 = tpu.memref_squeeze %dma_start3A_90 : memref<1x128xi32, #tpu.memory_space<vmem>> -> memref<128xi32, #tpu.memory_space<vmem>>
    %dma_start3A_92 = arith.constant 0 : i32
    %dma_start3A_93 = arith.constant 0 : i32
    %dma_start3A_94 = tpu.memref_slice %arg4[%dma_start3A_92, %dma_start3A_93] : memref<100000x32xf32, #tpu.memory_space<hbm>> -> memref<100000x32xf32, #tpu.memory_space<hbm>>
    tpu.enqueue_indirect_dma source(%dma_start3A_94 : memref<100000x32xf32, #tpu.memory_space<hbm>>) target(%arg12 : memref<128x32xf32, #tpu.memory_space<vmem>>) offsets(%dma_start3A_91 : memref<128xi32, #tpu.memory_space<vmem>>) semaphore(%arg13 : memref<!tpu.dma_semaphore, #tpu.memory_space<semaphore_mem>>)
    %dma_wait3A_95 = arith.constant 2 : i32
    %dma_wait3A_96 = arith.constant 0 : i32
    %dma_wait3A_97 = tpu.memref_slice %arg7[%dma_wait3A_95, %dma_wait3A_96] : memref<4x128xi32, #tpu.memory_space<vmem>> -> memref<1x128xi32, #tpu.memory_space<vmem>>
    %dma_wait3A_98 = tpu.memref_squeeze %dma_wait3A_97 : memref<1x128xi32, #tpu.memory_space<vmem>> -> memref<128xi32, #tpu.memory_space<vmem>>
    %dma_wait3A_99 = arith.constant 0 : i32
    %dma_wait3A_100 = arith.constant 0 : i32
    %dma_wait3A_101 = tpu.memref_slice %arg4[%dma_wait3A_99, %dma_wait3A_100] : memref<100000x32xf32, #tpu.memory_space<hbm>> -> memref<100000x32xf32, #tpu.memory_space<hbm>>
    tpu.wait_indirect_dma semaphore(%arg13 : memref<!tpu.dma_semaphore, #tpu.memory_space<semaphore_mem>>) src(%dma_wait3A_101 : memref<100000x32xf32, #tpu.memory_space<hbm>>) dst(%arg9 : memref<128x32xf32, #tpu.memory_space<vmem>>)
    %dma_wait3A_102 = arith.constant 2 : i32
    %dma_wait3A_103 = arith.constant 0 : i32
    %dma_wait3A_104 = tpu.memref_slice %arg8[%dma_wait3A_102, %dma_wait3A_103] : memref<4x128xi32, #tpu.memory_space<vmem>> -> memref<1x128xi32, #tpu.memory_space<vmem>>
    %dma_wait3A_105 = tpu.memref_squeeze %dma_wait3A_104 : memref<1x128xi32, #tpu.memory_space<vmem>> -> memref<128xi32, #tpu.memory_space<vmem>>
    %dma_wait3A_106 = arith.constant 0 : i32
    %dma_wait3A_107 = arith.constant 0 : i32
    %dma_wait3A_108 = tpu.memref_slice %arg4[%dma_wait3A_106, %dma_wait3A_107] : memref<100000x32xf32, #tpu.memory_space<hbm>> -> memref<100000x32xf32, #tpu.memory_space<hbm>>
    tpu.wait_indirect_dma semaphore(%arg13 : memref<!tpu.dma_semaphore, #tpu.memory_space<semaphore_mem>>) src(%dma_wait3A_108 : memref<100000x32xf32, #tpu.memory_space<hbm>>) dst(%arg11 : memref<128x32xf32, #tpu.memory_space<vmem>>)
    %add3A_109 = arith.constant 256 : i32
    %add3A_110 = arith.addi %mul3A_2, %add3A_109 : i32
    "tpu.region"() ({
      %run_scoped3A = tpu.sem_alloc : memref<!tpu.dma_semaphore, #tpu.memory_space<semaphore_mem>>
      %dma_start3A_131 = arith.constant 0 : i32
      %dma_start3A_132 = tpu.memref_slice %arg5[%add3A_110, %dma_start3A_131] : memref<16384x32xf32, #tpu.memory_space<hbm>> -> memref<128x32xf32, #tpu.memory_space<hbm>>
      %dma_start3A_133 = arith.constant 0 : i32
      %dma_start3A_134 = tpu.memref_slice %arg5[%add3A_110, %dma_start3A_133] : memref<16384x32xf32, #tpu.memory_space<hbm>> -> memref<128x32xf32, #tpu.memory_space<hbm>>
      tpu.enqueue_dma source(%arg9 : memref<128x32xf32, #tpu.memory_space<vmem>>) target(%dma_start3A_134 : memref<128x32xf32, #tpu.memory_space<hbm>>) target_semaphore(%run_scoped3A : memref<!tpu.dma_semaphore, #tpu.memory_space<semaphore_mem>>)
      %dma_wait3A_135 = arith.constant 0 : i32
      %dma_wait3A_136 = tpu.memref_slice %arg5[%add3A_110, %dma_wait3A_135] : memref<16384x32xf32, #tpu.memory_space<hbm>> -> memref<128x32xf32, #tpu.memory_space<hbm>>
      %dma_wait3A_137 = arith.constant 0 : i32
      %dma_wait3A_138 = tpu.memref_slice %arg5[%add3A_110, %dma_wait3A_137] : memref<16384x32xf32, #tpu.memory_space<hbm>> -> memref<128x32xf32, #tpu.memory_space<hbm>>
      tpu.wait_dma2 semaphore(%run_scoped3A : memref<!tpu.dma_semaphore, #tpu.memory_space<semaphore_mem>>) src(%arg9 : memref<128x32xf32, #tpu.memory_space<vmem>>) dst(%dma_wait3A_138 : memref<128x32xf32, #tpu.memory_space<hbm>>)
      tpu.yield
    }) : () -> ()
    %add3A_111 = arith.constant 256 : i32
    %add3A_112 = arith.addi %mul3A_2, %add3A_111 : i32
    "tpu.region"() ({
      %run_scoped3A = tpu.sem_alloc : memref<!tpu.dma_semaphore, #tpu.memory_space<semaphore_mem>>
      %dma_start3A_131 = arith.constant 0 : i32
      %dma_start3A_132 = tpu.memref_slice %arg6[%add3A_112, %dma_start3A_131] : memref<16384x32xf32, #tpu.memory_space<hbm>> -> memref<128x32xf32, #tpu.memory_space<hbm>>
      %dma_start3A_133 = arith.constant 0 : i32
      %dma_start3A_134 = tpu.memref_slice %arg6[%add3A_112, %dma_start3A_133] : memref<16384x32xf32, #tpu.memory_space<hbm>> -> memref<128x32xf32, #tpu.memory_space<hbm>>
      tpu.enqueue_dma source(%arg11 : memref<128x32xf32, #tpu.memory_space<vmem>>) target(%dma_start3A_134 : memref<128x32xf32, #tpu.memory_space<hbm>>) target_semaphore(%run_scoped3A : memref<!tpu.dma_semaphore, #tpu.memory_space<semaphore_mem>>)
      %dma_wait3A_135 = arith.constant 0 : i32
      %dma_wait3A_136 = tpu.memref_slice %arg6[%add3A_112, %dma_wait3A_135] : memref<16384x32xf32, #tpu.memory_space<hbm>> -> memref<128x32xf32, #tpu.memory_space<hbm>>
      %dma_wait3A_137 = arith.constant 0 : i32
      %dma_wait3A_138 = tpu.memref_slice %arg6[%add3A_112, %dma_wait3A_137] : memref<16384x32xf32, #tpu.memory_space<hbm>> -> memref<128x32xf32, #tpu.memory_space<hbm>>
      tpu.wait_dma2 semaphore(%run_scoped3A : memref<!tpu.dma_semaphore, #tpu.memory_space<semaphore_mem>>) src(%arg11 : memref<128x32xf32, #tpu.memory_space<vmem>>) dst(%dma_wait3A_138 : memref<128x32xf32, #tpu.memory_space<hbm>>)
      tpu.yield
    }) : () -> ()
    %dma_wait3A_113 = arith.constant 3 : i32
    %dma_wait3A_114 = arith.constant 0 : i32
    %dma_wait3A_115 = tpu.memref_slice %arg7[%dma_wait3A_113, %dma_wait3A_114] : memref<4x128xi32, #tpu.memory_space<vmem>> -> memref<1x128xi32, #tpu.memory_space<vmem>>
    %dma_wait3A_116 = tpu.memref_squeeze %dma_wait3A_115 : memref<1x128xi32, #tpu.memory_space<vmem>> -> memref<128xi32, #tpu.memory_space<vmem>>
    %dma_wait3A_117 = arith.constant 0 : i32
    %dma_wait3A_118 = arith.constant 0 : i32
    %dma_wait3A_119 = tpu.memref_slice %arg4[%dma_wait3A_117, %dma_wait3A_118] : memref<100000x32xf32, #tpu.memory_space<hbm>> -> memref<100000x32xf32, #tpu.memory_space<hbm>>
    tpu.wait_indirect_dma semaphore(%arg13 : memref<!tpu.dma_semaphore, #tpu.memory_space<semaphore_mem>>) src(%dma_wait3A_119 : memref<100000x32xf32, #tpu.memory_space<hbm>>) dst(%arg10 : memref<128x32xf32, #tpu.memory_space<vmem>>)
    %dma_wait3A_120 = arith.constant 3 : i32
    %dma_wait3A_121 = arith.constant 0 : i32
    %dma_wait3A_122 = tpu.memref_slice %arg8[%dma_wait3A_120, %dma_wait3A_121] : memref<4x128xi32, #tpu.memory_space<vmem>> -> memref<1x128xi32, #tpu.memory_space<vmem>>
    %dma_wait3A_123 = tpu.memref_squeeze %dma_wait3A_122 : memref<1x128xi32, #tpu.memory_space<vmem>> -> memref<128xi32, #tpu.memory_space<vmem>>
    %dma_wait3A_124 = arith.constant 0 : i32
    %dma_wait3A_125 = arith.constant 0 : i32
    %dma_wait3A_126 = tpu.memref_slice %arg4[%dma_wait3A_124, %dma_wait3A_125] : memref<100000x32xf32, #tpu.memory_space<hbm>> -> memref<100000x32xf32, #tpu.memory_space<hbm>>
    tpu.wait_indirect_dma semaphore(%arg13 : memref<!tpu.dma_semaphore, #tpu.memory_space<semaphore_mem>>) src(%dma_wait3A_126 : memref<100000x32xf32, #tpu.memory_space<hbm>>) dst(%arg12 : memref<128x32xf32, #tpu.memory_space<vmem>>)
    %add3A_127 = arith.constant 384 : i32
    %add3A_128 = arith.addi %mul3A_2, %add3A_127 : i32
    "tpu.region"() ({
      %run_scoped3A = tpu.sem_alloc : memref<!tpu.dma_semaphore, #tpu.memory_space<semaphore_mem>>
      %dma_start3A_131 = arith.constant 0 : i32
      %dma_start3A_132 = tpu.memref_slice %arg5[%add3A_128, %dma_start3A_131] : memref<16384x32xf32, #tpu.memory_space<hbm>> -> memref<128x32xf32, #tpu.memory_space<hbm>>
      %dma_start3A_133 = arith.constant 0 : i32
      %dma_start3A_134 = tpu.memref_slice %arg5[%add3A_128, %dma_start3A_133] : memref<16384x32xf32, #tpu.memory_space<hbm>> -> memref<128x32xf32, #tpu.memory_space<hbm>>
      tpu.enqueue_dma source(%arg10 : memref<128x32xf32, #tpu.memory_space<vmem>>) target(%dma_start3A_134 : memref<128x32xf32, #tpu.memory_space<hbm>>) target_semaphore(%run_scoped3A : memref<!tpu.dma_semaphore, #tpu.memory_space<semaphore_mem>>)
      %dma_wait3A_135 = arith.constant 0 : i32
      %dma_wait3A_136 = tpu.memref_slice %arg5[%add3A_128, %dma_wait3A_135] : memref<16384x32xf32, #tpu.memory_space<hbm>> -> memref<128x32xf32, #tpu.memory_space<hbm>>
      %dma_wait3A_137 = arith.constant 0 : i32
      %dma_wait3A_138 = tpu.memref_slice %arg5[%add3A_128, %dma_wait3A_137] : memref<16384x32xf32, #tpu.memory_space<hbm>> -> memref<128x32xf32, #tpu.memory_space<hbm>>
      tpu.wait_dma2 semaphore(%run_scoped3A : memref<!tpu.dma_semaphore, #tpu.memory_space<semaphore_mem>>) src(%arg10 : memref<128x32xf32, #tpu.memory_space<vmem>>) dst(%dma_wait3A_138 : memref<128x32xf32, #tpu.memory_space<hbm>>)
      tpu.yield
    }) : () -> ()
    %add3A_129 = arith.constant 384 : i32
    %add3A_130 = arith.addi %mul3A_2, %add3A_129 : i32
    "tpu.region"() ({
      %run_scoped3A = tpu.sem_alloc : memref<!tpu.dma_semaphore, #tpu.memory_space<semaphore_mem>>
      %dma_start3A_131 = arith.constant 0 : i32
      %dma_start3A_132 = tpu.memref_slice %arg6[%add3A_130, %dma_start3A_131] : memref<16384x32xf32, #tpu.memory_space<hbm>> -> memref<128x32xf32, #tpu.memory_space<hbm>>
      %dma_start3A_133 = arith.constant 0 : i32
      %dma_start3A_134 = tpu.memref_slice %arg6[%add3A_130, %dma_start3A_133] : memref<16384x32xf32, #tpu.memory_space<hbm>> -> memref<128x32xf32, #tpu.memory_space<hbm>>
      tpu.enqueue_dma source(%arg12 : memref<128x32xf32, #tpu.memory_space<vmem>>) target(%dma_start3A_134 : memref<128x32xf32, #tpu.memory_space<hbm>>) target_semaphore(%run_scoped3A : memref<!tpu.dma_semaphore, #tpu.memory_space<semaphore_mem>>)
      %dma_wait3A_135 = arith.constant 0 : i32
      %dma_wait3A_136 = tpu.memref_slice %arg6[%add3A_130, %dma_wait3A_135] : memref<16384x32xf32, #tpu.memory_space<hbm>> -> memref<128x32xf32, #tpu.memory_space<hbm>>
      %dma_wait3A_137 = arith.constant 0 : i32
      %dma_wait3A_138 = tpu.memref_slice %arg6[%add3A_130, %dma_wait3A_137] : memref<16384x32xf32, #tpu.memory_space<hbm>> -> memref<128x32xf32, #tpu.memory_space<hbm>>
      tpu.wait_dma2 semaphore(%run_scoped3A : memref<!tpu.dma_semaphore, #tpu.memory_space<semaphore_mem>>) src(%arg12 : memref<128x32xf32, #tpu.memory_space<vmem>>) dst(%dma_wait3A_138 : memref<128x32xf32, #tpu.memory_space<hbm>>)
      tpu.yield
    }) : () -> ()
    return
  }
}

#map = affine_map<(d0, d1) -> (0, 0)>
module attributes {stable_mosaic.version = 14 : i64} {
  func.func @body(%arg0: i32, %arg1: i32, %arg2: memref<128x128xi32, #tpu.memory_space<hbm>>, %arg3: memref<128x128xi32, #tpu.memory_space<hbm>>, %arg4: memref<100000x32xf32, #tpu.memory_space<hbm>>, %arg5: memref<16384x32xf32, #tpu.memory_space<hbm>>, %arg6: memref<16384x32xf32, #tpu.memory_space<hbm>>, %arg7: memref<4x128xi32, #tpu.memory_space<vmem>>, %arg8: memref<4x128xi32, #tpu.memory_space<vmem>>, %arg9: memref<128x32xf32, #tpu.memory_space<vmem>>, %arg10: memref<128x32xf32, #tpu.memory_space<vmem>>, %arg11: memref<128x32xf32, #tpu.memory_space<vmem>>, %arg12: memref<128x32xf32, #tpu.memory_space<vmem>>, %arg13: memref<!tpu.dma_semaphore, #tpu.memory_space<semaphore_mem>>) attributes {dimension_semantics = [#tpu.dimension_semantics<core_parallel>, #tpu.dimension_semantics<subcore_parallel>], iteration_bounds = array<i64: 2, 16>, scalar_prefetch = 0 : i64, scratch_operands = 7 : i64, tpu.core_type = #tpu.core_type<sc_vector_subcore>, window_params = [{transform_indices = #map}, {transform_indices = #map}, {transform_indices = #map}, {transform_indices = #map}, {transform_indices = #map}]} {
    %mul3A = arith.constant 2 : i32
    %mul3A_0 = arith.muli %arg1, %mul3A : i32
    %add3A = arith.addi %mul3A_0, %arg0 : i32
    %mul3A_1 = arith.constant 512 : i32
    %mul3A_2 = arith.muli %add3A, %mul3A_1 : i32
    %mul3A_3 = arith.constant 4 : i32
    %mul3A_4 = arith.muli %add3A, %mul3A_3 : i32
    "tpu.region"() ({
      %run_scoped3A = tpu.sem_alloc : memref<!tpu.dma_semaphore, #tpu.memory_space<semaphore_mem>>
      %dma_start3A_131 = arith.constant 0 : i32
      %dma_start3A_132 = tpu.memref_slice %arg2[%mul3A_4, %dma_start3A_131] : memref<128x128xi32, #tpu.memory_space<hbm>> -> memref<4x128xi32, #tpu.memory_space<hbm>>
      %dma_start3A_133 = arith.constant 0 : i32
      %dma_start3A_134 = tpu.memref_slice %arg2[%mul3A_4, %dma_start3A_133] : memref<128x128xi32, #tpu.memory_space<hbm>> -> memref<4x128xi32, #tpu.memory_space<hbm>>
      tpu.enqueue_dma source(%dma_start3A_134 : memref<4x128xi32, #tpu.memory_space<hbm>>) target(%arg7 : memref<4x128xi32, #tpu.memory_space<vmem>>) target_semaphore(%run_scoped3A : memref<!tpu.dma_semaphore, #tpu.memory_space<semaphore_mem>>)
      %dma_wait3A_135 = arith.constant 0 : i32
      %dma_wait3A_136 = tpu.memref_slice %arg2[%mul3A_4, %dma_wait3A_135] : memref<128x128xi32, #tpu.memory_space<hbm>> -> memref<4x128xi32, #tpu.memory_space<hbm>>
      %dma_wait3A_137 = arith.constant 0 : i32
      %dma_wait3A_138 = tpu.memref_slice %arg2[%mul3A_4, %dma_wait3A_137] : memref<128x128xi32, #tpu.memory_space<hbm>> -> memref<4x128xi32, #tpu.memory_space<hbm>>
      tpu.wait_dma2 semaphore(%run_scoped3A : memref<!tpu.dma_semaphore, #tpu.memory_space<semaphore_mem>>) src(%dma_wait3A_138 : memref<4x128xi32, #tpu.memory_space<hbm>>) dst(%arg7 : memref<4x128xi32, #tpu.memory_space<vmem>>)
      tpu.yield
    }) : () -> ()
    "tpu.region"() ({
      %run_scoped3A = tpu.sem_alloc : memref<!tpu.dma_semaphore, #tpu.memory_space<semaphore_mem>>
      %dma_start3A_131 = arith.constant 0 : i32
      %dma_start3A_132 = tpu.memref_slice %arg3[%mul3A_4, %dma_start3A_131] : memref<128x128xi32, #tpu.memory_space<hbm>> -> memref<4x128xi32, #tpu.memory_space<hbm>>
      %dma_start3A_133 = arith.constant 0 : i32
      %dma_start3A_134 = tpu.memref_slice %arg3[%mul3A_4, %dma_start3A_133] : memref<128x128xi32, #tpu.memory_space<hbm>> -> memref<4x128xi32, #tpu.memory_space<hbm>>
      tpu.enqueue_dma source(%dma_start3A_134 : memref<4x128xi32, #tpu.memory_space<hbm>>) target(%arg8 : memref<4x128xi32, #tpu.memory_space<vmem>>) target_semaphore(%run_scoped3A : memref<!tpu.dma_semaphore, #tpu.memory_space<semaphore_mem>>)
      %dma_wait3A_135 = arith.constant 0 : i32
      %dma_wait3A_136 = tpu.memref_slice %arg3[%mul3A_4, %dma_wait3A_135] : memref<128x128xi32, #tpu.memory_space<hbm>> -> memref<4x128xi32, #tpu.memory_space<hbm>>
      %dma_wait3A_137 = arith.constant 0 : i32
      %dma_wait3A_138 = tpu.memref_slice %arg3[%mul3A_4, %dma_wait3A_137] : memref<128x128xi32, #tpu.memory_space<hbm>> -> memref<4x128xi32, #tpu.memory_space<hbm>>
      tpu.wait_dma2 semaphore(%run_scoped3A : memref<!tpu.dma_semaphore, #tpu.memory_space<semaphore_mem>>) src(%dma_wait3A_138 : memref<4x128xi32, #tpu.memory_space<hbm>>) dst(%arg8 : memref<4x128xi32, #tpu.memory_space<vmem>>)
      tpu.yield
    }) : () -> ()
    %dma_start3A = arith.constant 0 : i32
    %dma_start3A_5 = arith.constant 0 : i32
    %dma_start3A_6 = tpu.memref_slice %arg7[%dma_start3A, %dma_start3A_5] : memref<4x128xi32, #tpu.memory_space<vmem>> -> memref<1x128xi32, #tpu.memory_space<vmem>>
    %dma_start3A_7 = tpu.memref_squeeze %dma_start3A_6 : memref<1x128xi32, #tpu.memory_space<vmem>> -> memref<128xi32, #tpu.memory_space<vmem>>
    %dma_start3A_8 = arith.constant 0 : i32
    %dma_start3A_9 = arith.constant 0 : i32
    %dma_start3A_10 = tpu.memref_slice %arg4[%dma_start3A_8, %dma_start3A_9] : memref<100000x32xf32, #tpu.memory_space<hbm>> -> memref<100000x32xf32, #tpu.memory_space<hbm>>
    tpu.enqueue_indirect_dma source(%dma_start3A_10 : memref<100000x32xf32, #tpu.memory_space<hbm>>) target(%arg9 : memref<128x32xf32, #tpu.memory_space<vmem>>) offsets(%dma_start3A_7 : memref<128xi32, #tpu.memory_space<vmem>>) semaphore(%arg13 : memref<!tpu.dma_semaphore, #tpu.memory_space<semaphore_mem>>)
    %dma_start3A_11 = arith.constant 0 : i32
    %dma_start3A_12 = arith.constant 0 : i32
    %dma_start3A_13 = tpu.memref_slice %arg8[%dma_start3A_11, %dma_start3A_12] : memref<4x128xi32, #tpu.memory_space<vmem>> -> memref<1x128xi32, #tpu.memory_space<vmem>>
    %dma_start3A_14 = tpu.memref_squeeze %dma_start3A_13 : memref<1x128xi32, #tpu.memory_space<vmem>> -> memref<128xi32, #tpu.memory_space<vmem>>
    %dma_start3A_15 = arith.constant 0 : i32
    %dma_start3A_16 = arith.constant 0 : i32
    %dma_start3A_17 = tpu.memref_slice %arg4[%dma_start3A_15, %dma_start3A_16] : memref<100000x32xf32, #tpu.memory_space<hbm>> -> memref<100000x32xf32, #tpu.memory_space<hbm>>
    tpu.enqueue_indirect_dma source(%dma_start3A_17 : memref<100000x32xf32, #tpu.memory_space<hbm>>) target(%arg11 : memref<128x32xf32, #tpu.memory_space<vmem>>) offsets(%dma_start3A_14 : memref<128xi32, #tpu.memory_space<vmem>>) semaphore(%arg13 : memref<!tpu.dma_semaphore, #tpu.memory_space<semaphore_mem>>)
    %dma_start3A_18 = arith.constant 1 : i32
    %dma_start3A_19 = arith.constant 0 : i32
    %dma_start3A_20 = tpu.memref_slice %arg7[%dma_start3A_18, %dma_start3A_19] : memref<4x128xi32, #tpu.memory_space<vmem>> -> memref<1x128xi32, #tpu.memory_space<vmem>>
    %dma_start3A_21 = tpu.memref_squeeze %dma_start3A_20 : memref<1x128xi32, #tpu.memory_space<vmem>> -> memref<128xi32, #tpu.memory_space<vmem>>
    %dma_start3A_22 = arith.constant 0 : i32
    %dma_start3A_23 = arith.constant 0 : i32
    %dma_start3A_24 = tpu.memref_slice %arg4[%dma_start3A_22, %dma_start3A_23] : memref<100000x32xf32, #tpu.memory_space<hbm>> -> memref<100000x32xf32, #tpu.memory_space<hbm>>
    tpu.enqueue_indirect_dma source(%dma_start3A_24 : memref<100000x32xf32, #tpu.memory_space<hbm>>) target(%arg10 : memref<128x32xf32, #tpu.memory_space<vmem>>) offsets(%dma_start3A_21 : memref<128xi32, #tpu.memory_space<vmem>>) semaphore(%arg13 : memref<!tpu.dma_semaphore, #tpu.memory_space<semaphore_mem>>)
    %dma_start3A_25 = arith.constant 1 : i32
    %dma_start3A_26 = arith.constant 0 : i32
    %dma_start3A_27 = tpu.memref_slice %arg8[%dma_start3A_25, %dma_start3A_26] : memref<4x128xi32, #tpu.memory_space<vmem>> -> memref<1x128xi32, #tpu.memory_space<vmem>>
    %dma_start3A_28 = tpu.memref_squeeze %dma_start3A_27 : memref<1x128xi32, #tpu.memory_space<vmem>> -> memref<128xi32, #tpu.memory_space<vmem>>
    %dma_start3A_29 = arith.constant 0 : i32
    %dma_start3A_30 = arith.constant 0 : i32
    %dma_start3A_31 = tpu.memref_slice %arg4[%dma_start3A_29, %dma_start3A_30] : memref<100000x32xf32, #tpu.memory_space<hbm>> -> memref<100000x32xf32, #tpu.memory_space<hbm>>
    tpu.enqueue_indirect_dma source(%dma_start3A_31 : memref<100000x32xf32, #tpu.memory_space<hbm>>) target(%arg12 : memref<128x32xf32, #tpu.memory_space<vmem>>) offsets(%dma_start3A_28 : memref<128xi32, #tpu.memory_space<vmem>>) semaphore(%arg13 : memref<!tpu.dma_semaphore, #tpu.memory_space<semaphore_mem>>)
    %dma_wait3A = arith.constant 0 : i32
    %dma_wait3A_32 = arith.constant 0 : i32
    %dma_wait3A_33 = tpu.memref_slice %arg7[%dma_wait3A, %dma_wait3A_32] : memref<4x128xi32, #tpu.memory_space<vmem>> -> memref<1x128xi32, #tpu.memory_space<vmem>>
    %dma_wait3A_34 = tpu.memref_squeeze %dma_wait3A_33 : memref<1x128xi32, #tpu.memory_space<vmem>> -> memref<128xi32, #tpu.memory_space<vmem>>
    %dma_wait3A_35 = arith.constant 0 : i32
    %dma_wait3A_36 = arith.constant 0 : i32
    %dma_wait3A_37 = tpu.memref_slice %arg4[%dma_wait3A_35, %dma_wait3A_36] : memref<100000x32xf32, #tpu.memory_space<hbm>> -> memref<100000x32xf32, #tpu.memory_space<hbm>>
    tpu.wait_indirect_dma semaphore(%arg13 : memref<!tpu.dma_semaphore, #tpu.memory_space<semaphore_mem>>) src(%dma_wait3A_37 : memref<100000x32xf32, #tpu.memory_space<hbm>>) dst(%arg9 : memref<128x32xf32, #tpu.memory_space<vmem>>)
    %dma_wait3A_38 = arith.constant 0 : i32
    %dma_wait3A_39 = arith.constant 0 : i32
    %dma_wait3A_40 = tpu.memref_slice %arg8[%dma_wait3A_38, %dma_wait3A_39] : memref<4x128xi32, #tpu.memory_space<vmem>> -> memref<1x128xi32, #tpu.memory_space<vmem>>
    %dma_wait3A_41 = tpu.memref_squeeze %dma_wait3A_40 : memref<1x128xi32, #tpu.memory_space<vmem>> -> memref<128xi32, #tpu.memory_space<vmem>>
    %dma_wait3A_42 = arith.constant 0 : i32
    %dma_wait3A_43 = arith.constant 0 : i32
    %dma_wait3A_44 = tpu.memref_slice %arg4[%dma_wait3A_42, %dma_wait3A_43] : memref<100000x32xf32, #tpu.memory_space<hbm>> -> memref<100000x32xf32, #tpu.memory_space<hbm>>
    tpu.wait_indirect_dma semaphore(%arg13 : memref<!tpu.dma_semaphore, #tpu.memory_space<semaphore_mem>>) src(%dma_wait3A_44 : memref<100000x32xf32, #tpu.memory_space<hbm>>) dst(%arg11 : memref<128x32xf32, #tpu.memory_space<vmem>>)
    %add3A_45 = arith.constant 0 : i32
    %add3A_46 = arith.addi %mul3A_2, %add3A_45 : i32
    "tpu.region"() ({
      %run_scoped3A = tpu.sem_alloc : memref<!tpu.dma_semaphore, #tpu.memory_space<semaphore_mem>>
      %dma_start3A_131 = arith.constant 0 : i32
      %dma_start3A_132 = tpu.memref_slice %arg5[%add3A_46, %dma_start3A_131] : memref<16384x32xf32, #tpu.memory_space<hbm>> -> memref<128x32xf32, #tpu.memory_space<hbm>>
      %dma_start3A_133 = arith.constant 0 : i32
      %dma_start3A_134 = tpu.memref_slice %arg5[%add3A_46, %dma_start3A_133] : memref<16384x32xf32, #tpu.memory_space<hbm>> -> memref<128x32xf32, #tpu.memory_space<hbm>>
      tpu.enqueue_dma source(%arg9 : memref<128x32xf32, #tpu.memory_space<vmem>>) target(%dma_start3A_134 : memref<128x32xf32, #tpu.memory_space<hbm>>) target_semaphore(%run_scoped3A : memref<!tpu.dma_semaphore, #tpu.memory_space<semaphore_mem>>)
      %dma_wait3A_135 = arith.constant 0 : i32
      %dma_wait3A_136 = tpu.memref_slice %arg5[%add3A_46, %dma_wait3A_135] : memref<16384x32xf32, #tpu.memory_space<hbm>> -> memref<128x32xf32, #tpu.memory_space<hbm>>
      %dma_wait3A_137 = arith.constant 0 : i32
      %dma_wait3A_138 = tpu.memref_slice %arg5[%add3A_46, %dma_wait3A_137] : memref<16384x32xf32, #tpu.memory_space<hbm>> -> memref<128x32xf32, #tpu.memory_space<hbm>>
      tpu.wait_dma2 semaphore(%run_scoped3A : memref<!tpu.dma_semaphore, #tpu.memory_space<semaphore_mem>>) src(%arg9 : memref<128x32xf32, #tpu.memory_space<vmem>>) dst(%dma_wait3A_138 : memref<128x32xf32, #tpu.memory_space<hbm>>)
      tpu.yield
    }) : () -> ()
    %add3A_47 = arith.constant 0 : i32
    %add3A_48 = arith.addi %mul3A_2, %add3A_47 : i32
    "tpu.region"() ({
      %run_scoped3A = tpu.sem_alloc : memref<!tpu.dma_semaphore, #tpu.memory_space<semaphore_mem>>
      %dma_start3A_131 = arith.constant 0 : i32
      %dma_start3A_132 = tpu.memref_slice %arg6[%add3A_48, %dma_start3A_131] : memref<16384x32xf32, #tpu.memory_space<hbm>> -> memref<128x32xf32, #tpu.memory_space<hbm>>
      %dma_start3A_133 = arith.constant 0 : i32
      %dma_start3A_134 = tpu.memref_slice %arg6[%add3A_48, %dma_start3A_133] : memref<16384x32xf32, #tpu.memory_space<hbm>> -> memref<128x32xf32, #tpu.memory_space<hbm>>
      tpu.enqueue_dma source(%arg11 : memref<128x32xf32, #tpu.memory_space<vmem>>) target(%dma_start3A_134 : memref<128x32xf32, #tpu.memory_space<hbm>>) target_semaphore(%run_scoped3A : memref<!tpu.dma_semaphore, #tpu.memory_space<semaphore_mem>>)
      %dma_wait3A_135 = arith.constant 0 : i32
      %dma_wait3A_136 = tpu.memref_slice %arg6[%add3A_48, %dma_wait3A_135] : memref<16384x32xf32, #tpu.memory_space<hbm>> -> memref<128x32xf32, #tpu.memory_space<hbm>>
      %dma_wait3A_137 = arith.constant 0 : i32
      %dma_wait3A_138 = tpu.memref_slice %arg6[%add3A_48, %dma_wait3A_137] : memref<16384x32xf32, #tpu.memory_space<hbm>> -> memref<128x32xf32, #tpu.memory_space<hbm>>
      tpu.wait_dma2 semaphore(%run_scoped3A : memref<!tpu.dma_semaphore, #tpu.memory_space<semaphore_mem>>) src(%arg11 : memref<128x32xf32, #tpu.memory_space<vmem>>) dst(%dma_wait3A_138 : memref<128x32xf32, #tpu.memory_space<hbm>>)
      tpu.yield
    }) : () -> ()
    %dma_start3A_49 = arith.constant 2 : i32
    %dma_start3A_50 = arith.constant 0 : i32
    %dma_start3A_51 = tpu.memref_slice %arg7[%dma_start3A_49, %dma_start3A_50] : memref<4x128xi32, #tpu.memory_space<vmem>> -> memref<1x128xi32, #tpu.memory_space<vmem>>
    %dma_start3A_52 = tpu.memref_squeeze %dma_start3A_51 : memref<1x128xi32, #tpu.memory_space<vmem>> -> memref<128xi32, #tpu.memory_space<vmem>>
    %dma_start3A_53 = arith.constant 0 : i32
    %dma_start3A_54 = arith.constant 0 : i32
    %dma_start3A_55 = tpu.memref_slice %arg4[%dma_start3A_53, %dma_start3A_54] : memref<100000x32xf32, #tpu.memory_space<hbm>> -> memref<100000x32xf32, #tpu.memory_space<hbm>>
    tpu.enqueue_indirect_dma source(%dma_start3A_55 : memref<100000x32xf32, #tpu.memory_space<hbm>>) target(%arg9 : memref<128x32xf32, #tpu.memory_space<vmem>>) offsets(%dma_start3A_52 : memref<128xi32, #tpu.memory_space<vmem>>) semaphore(%arg13 : memref<!tpu.dma_semaphore, #tpu.memory_space<semaphore_mem>>)
    %dma_start3A_56 = arith.constant 2 : i32
    %dma_start3A_57 = arith.constant 0 : i32
    %dma_start3A_58 = tpu.memref_slice %arg8[%dma_start3A_56, %dma_start3A_57] : memref<4x128xi32, #tpu.memory_space<vmem>> -> memref<1x128xi32, #tpu.memory_space<vmem>>
    %dma_start3A_59 = tpu.memref_squeeze %dma_start3A_58 : memref<1x128xi32, #tpu.memory_space<vmem>> -> memref<128xi32, #tpu.memory_space<vmem>>
    %dma_start3A_60 = arith.constant 0 : i32
    %dma_start3A_61 = arith.constant 0 : i32
    %dma_start3A_62 = tpu.memref_slice %arg4[%dma_start3A_60, %dma_start3A_61] : memref<100000x32xf32, #tpu.memory_space<hbm>> -> memref<100000x32xf32, #tpu.memory_space<hbm>>
    tpu.enqueue_indirect_dma source(%dma_start3A_62 : memref<100000x32xf32, #tpu.memory_space<hbm>>) target(%arg11 : memref<128x32xf32, #tpu.memory_space<vmem>>) offsets(%dma_start3A_59 : memref<128xi32, #tpu.memory_space<vmem>>) semaphore(%arg13 : memref<!tpu.dma_semaphore, #tpu.memory_space<semaphore_mem>>)
    %dma_wait3A_63 = arith.constant 1 : i32
    %dma_wait3A_64 = arith.constant 0 : i32
    %dma_wait3A_65 = tpu.memref_slice %arg7[%dma_wait3A_63, %dma_wait3A_64] : memref<4x128xi32, #tpu.memory_space<vmem>> -> memref<1x128xi32, #tpu.memory_space<vmem>>
    %dma_wait3A_66 = tpu.memref_squeeze %dma_wait3A_65 : memref<1x128xi32, #tpu.memory_space<vmem>> -> memref<128xi32, #tpu.memory_space<vmem>>
    %dma_wait3A_67 = arith.constant 0 : i32
    %dma_wait3A_68 = arith.constant 0 : i32
    %dma_wait3A_69 = tpu.memref_slice %arg4[%dma_wait3A_67, %dma_wait3A_68] : memref<100000x32xf32, #tpu.memory_space<hbm>> -> memref<100000x32xf32, #tpu.memory_space<hbm>>
    tpu.wait_indirect_dma semaphore(%arg13 : memref<!tpu.dma_semaphore, #tpu.memory_space<semaphore_mem>>) src(%dma_wait3A_69 : memref<100000x32xf32, #tpu.memory_space<hbm>>) dst(%arg10 : memref<128x32xf32, #tpu.memory_space<vmem>>)
    %dma_wait3A_70 = arith.constant 1 : i32
    %dma_wait3A_71 = arith.constant 0 : i32
    %dma_wait3A_72 = tpu.memref_slice %arg8[%dma_wait3A_70, %dma_wait3A_71] : memref<4x128xi32, #tpu.memory_space<vmem>> -> memref<1x128xi32, #tpu.memory_space<vmem>>
    %dma_wait3A_73 = tpu.memref_squeeze %dma_wait3A_72 : memref<1x128xi32, #tpu.memory_space<vmem>> -> memref<128xi32, #tpu.memory_space<vmem>>
    %dma_wait3A_74 = arith.constant 0 : i32
    %dma_wait3A_75 = arith.constant 0 : i32
    %dma_wait3A_76 = tpu.memref_slice %arg4[%dma_wait3A_74, %dma_wait3A_75] : memref<100000x32xf32, #tpu.memory_space<hbm>> -> memref<100000x32xf32, #tpu.memory_space<hbm>>
    tpu.wait_indirect_dma semaphore(%arg13 : memref<!tpu.dma_semaphore, #tpu.memory_space<semaphore_mem>>) src(%dma_wait3A_76 : memref<100000x32xf32, #tpu.memory_space<hbm>>) dst(%arg12 : memref<128x32xf32, #tpu.memory_space<vmem>>)
    %add3A_77 = arith.constant 128 : i32
    %add3A_78 = arith.addi %mul3A_2, %add3A_77 : i32
    "tpu.region"() ({
      %run_scoped3A = tpu.sem_alloc : memref<!tpu.dma_semaphore, #tpu.memory_space<semaphore_mem>>
      %dma_start3A_131 = arith.constant 0 : i32
      %dma_start3A_132 = tpu.memref_slice %arg5[%add3A_78, %dma_start3A_131] : memref<16384x32xf32, #tpu.memory_space<hbm>> -> memref<128x32xf32, #tpu.memory_space<hbm>>
      %dma_start3A_133 = arith.constant 0 : i32
      %dma_start3A_134 = tpu.memref_slice %arg5[%add3A_78, %dma_start3A_133] : memref<16384x32xf32, #tpu.memory_space<hbm>> -> memref<128x32xf32, #tpu.memory_space<hbm>>
      tpu.enqueue_dma source(%arg10 : memref<128x32xf32, #tpu.memory_space<vmem>>) target(%dma_start3A_134 : memref<128x32xf32, #tpu.memory_space<hbm>>) target_semaphore(%run_scoped3A : memref<!tpu.dma_semaphore, #tpu.memory_space<semaphore_mem>>)
      %dma_wait3A_135 = arith.constant 0 : i32
      %dma_wait3A_136 = tpu.memref_slice %arg5[%add3A_78, %dma_wait3A_135] : memref<16384x32xf32, #tpu.memory_space<hbm>> -> memref<128x32xf32, #tpu.memory_space<hbm>>
      %dma_wait3A_137 = arith.constant 0 : i32
      %dma_wait3A_138 = tpu.memref_slice %arg5[%add3A_78, %dma_wait3A_137] : memref<16384x32xf32, #tpu.memory_space<hbm>> -> memref<128x32xf32, #tpu.memory_space<hbm>>
      tpu.wait_dma2 semaphore(%run_scoped3A : memref<!tpu.dma_semaphore, #tpu.memory_space<semaphore_mem>>) src(%arg10 : memref<128x32xf32, #tpu.memory_space<vmem>>) dst(%dma_wait3A_138 : memref<128x32xf32, #tpu.memory_space<hbm>>)
      tpu.yield
    }) : () -> ()
    %add3A_79 = arith.constant 128 : i32
    %add3A_80 = arith.addi %mul3A_2, %add3A_79 : i32
    "tpu.region"() ({
      %run_scoped3A = tpu.sem_alloc : memref<!tpu.dma_semaphore, #tpu.memory_space<semaphore_mem>>
      %dma_start3A_131 = arith.constant 0 : i32
      %dma_start3A_132 = tpu.memref_slice %arg6[%add3A_80, %dma_start3A_131] : memref<16384x32xf32, #tpu.memory_space<hbm>> -> memref<128x32xf32, #tpu.memory_space<hbm>>
      %dma_start3A_133 = arith.constant 0 : i32
      %dma_start3A_134 = tpu.memref_slice %arg6[%add3A_80, %dma_start3A_133] : memref<16384x32xf32, #tpu.memory_space<hbm>> -> memref<128x32xf32, #tpu.memory_space<hbm>>
      tpu.enqueue_dma source(%arg12 : memref<128x32xf32, #tpu.memory_space<vmem>>) target(%dma_start3A_134 : memref<128x32xf32, #tpu.memory_space<hbm>>) target_semaphore(%run_scoped3A : memref<!tpu.dma_semaphore, #tpu.memory_space<semaphore_mem>>)
      %dma_wait3A_135 = arith.constant 0 : i32
      %dma_wait3A_136 = tpu.memref_slice %arg6[%add3A_80, %dma_wait3A_135] : memref<16384x32xf32, #tpu.memory_space<hbm>> -> memref<128x32xf32, #tpu.memory_space<hbm>>
      %dma_wait3A_137 = arith.constant 0 : i32
      %dma_wait3A_138 = tpu.memref_slice %arg6[%add3A_80, %dma_wait3A_137] : memref<16384x32xf32, #tpu.memory_space<hbm>> -> memref<128x32xf32, #tpu.memory_space<hbm>>
      tpu.wait_dma2 semaphore(%run_scoped3A : memref<!tpu.dma_semaphore, #tpu.memory_space<semaphore_mem>>) src(%arg12 : memref<128x32xf32, #tpu.memory_space<vmem>>) dst(%dma_wait3A_138 : memref<128x32xf32, #tpu.memory_space<hbm>>)
      tpu.yield
    }) : () -> ()
    %dma_start3A_81 = arith.constant 3 : i32
    %dma_start3A_82 = arith.constant 0 : i32
    %dma_start3A_83 = tpu.memref_slice %arg7[%dma_start3A_81, %dma_start3A_82] : memref<4x128xi32, #tpu.memory_space<vmem>> -> memref<1x128xi32, #tpu.memory_space<vmem>>
    %dma_start3A_84 = tpu.memref_squeeze %dma_start3A_83 : memref<1x128xi32, #tpu.memory_space<vmem>> -> memref<128xi32, #tpu.memory_space<vmem>>
    %dma_start3A_85 = arith.constant 0 : i32
    %dma_start3A_86 = arith.constant 0 : i32
    %dma_start3A_87 = tpu.memref_slice %arg4[%dma_start3A_85, %dma_start3A_86] : memref<100000x32xf32, #tpu.memory_space<hbm>> -> memref<100000x32xf32, #tpu.memory_space<hbm>>
    tpu.enqueue_indirect_dma source(%dma_start3A_87 : memref<100000x32xf32, #tpu.memory_space<hbm>>) target(%arg10 : memref<128x32xf32, #tpu.memory_space<vmem>>) offsets(%dma_start3A_84 : memref<128xi32, #tpu.memory_space<vmem>>) semaphore(%arg13 : memref<!tpu.dma_semaphore, #tpu.memory_space<semaphore_mem>>)
    %dma_start3A_88 = arith.constant 3 : i32
    %dma_start3A_89 = arith.constant 0 : i32
    %dma_start3A_90 = tpu.memref_slice %arg8[%dma_start3A_88, %dma_start3A_89] : memref<4x128xi32, #tpu.memory_space<vmem>> -> memref<1x128xi32, #tpu.memory_space<vmem>>
    %dma_start3A_91 = tpu.memref_squeeze %dma_start3A_90 : memref<1x128xi32, #tpu.memory_space<vmem>> -> memref<128xi32, #tpu.memory_space<vmem>>
    %dma_start3A_92 = arith.constant 0 : i32
    %dma_start3A_93 = arith.constant 0 : i32
    %dma_start3A_94 = tpu.memref_slice %arg4[%dma_start3A_92, %dma_start3A_93] : memref<100000x32xf32, #tpu.memory_space<hbm>> -> memref<100000x32xf32, #tpu.memory_space<hbm>>
    tpu.enqueue_indirect_dma source(%dma_start3A_94 : memref<100000x32xf32, #tpu.memory_space<hbm>>) target(%arg12 : memref<128x32xf32, #tpu.memory_space<vmem>>) offsets(%dma_start3A_91 : memref<128xi32, #tpu.memory_space<vmem>>) semaphore(%arg13 : memref<!tpu.dma_semaphore, #tpu.memory_space<semaphore_mem>>)
    %dma_wait3A_95 = arith.constant 2 : i32
    %dma_wait3A_96 = arith.constant 0 : i32
    %dma_wait3A_97 = tpu.memref_slice %arg7[%dma_wait3A_95, %dma_wait3A_96] : memref<4x128xi32, #tpu.memory_space<vmem>> -> memref<1x128xi32, #tpu.memory_space<vmem>>
    %dma_wait3A_98 = tpu.memref_squeeze %dma_wait3A_97 : memref<1x128xi32, #tpu.memory_space<vmem>> -> memref<128xi32, #tpu.memory_space<vmem>>
    %dma_wait3A_99 = arith.constant 0 : i32
    %dma_wait3A_100 = arith.constant 0 : i32
    %dma_wait3A_101 = tpu.memref_slice %arg4[%dma_wait3A_99, %dma_wait3A_100] : memref<100000x32xf32, #tpu.memory_space<hbm>> -> memref<100000x32xf32, #tpu.memory_space<hbm>>
    tpu.wait_indirect_dma semaphore(%arg13 : memref<!tpu.dma_semaphore, #tpu.memory_space<semaphore_mem>>) src(%dma_wait3A_101 : memref<100000x32xf32, #tpu.memory_space<hbm>>) dst(%arg9 : memref<128x32xf32, #tpu.memory_space<vmem>>)
    %dma_wait3A_102 = arith.constant 2 : i32
    %dma_wait3A_103 = arith.constant 0 : i32
    %dma_wait3A_104 = tpu.memref_slice %arg8[%dma_wait3A_102, %dma_wait3A_103] : memref<4x128xi32, #tpu.memory_space<vmem>> -> memref<1x128xi32, #tpu.memory_space<vmem>>
    %dma_wait3A_105 = tpu.memref_squeeze %dma_wait3A_104 : memref<1x128xi32, #tpu.memory_space<vmem>> -> memref<128xi32, #tpu.memory_space<vmem>>
    %dma_wait3A_106 = arith.constant 0 : i32
    %dma_wait3A_107 = arith.constant 0 : i32
    %dma_wait3A_108 = tpu.memref_slice %arg4[%dma_wait3A_106, %dma_wait3A_107] : memref<100000x32xf32, #tpu.memory_space<hbm>> -> memref<100000x32xf32, #tpu.memory_space<hbm>>
    tpu.wait_indirect_dma semaphore(%arg13 : memref<!tpu.dma_semaphore, #tpu.memory_space<semaphore_mem>>) src(%dma_wait3A_108 : memref<100000x32xf32, #tpu.memory_space<hbm>>) dst(%arg11 : memref<128x32xf32, #tpu.memory_space<vmem>>)
    %add3A_109 = arith.constant 256 : i32
    %add3A_110 = arith.addi %mul3A_2, %add3A_109 : i32
    "tpu.region"() ({
      %run_scoped3A = tpu.sem_alloc : memref<!tpu.dma_semaphore, #tpu.memory_space<semaphore_mem>>
      %dma_start3A_131 = arith.constant 0 : i32
      %dma_start3A_132 = tpu.memref_slice %arg5[%add3A_110, %dma_start3A_131] : memref<16384x32xf32, #tpu.memory_space<hbm>> -> memref<128x32xf32, #tpu.memory_space<hbm>>
      %dma_start3A_133 = arith.constant 0 : i32
      %dma_start3A_134 = tpu.memref_slice %arg5[%add3A_110, %dma_start3A_133] : memref<16384x32xf32, #tpu.memory_space<hbm>> -> memref<128x32xf32, #tpu.memory_space<hbm>>
      tpu.enqueue_dma source(%arg9 : memref<128x32xf32, #tpu.memory_space<vmem>>) target(%dma_start3A_134 : memref<128x32xf32, #tpu.memory_space<hbm>>) target_semaphore(%run_scoped3A : memref<!tpu.dma_semaphore, #tpu.memory_space<semaphore_mem>>)
      %dma_wait3A_135 = arith.constant 0 : i32
      %dma_wait3A_136 = tpu.memref_slice %arg5[%add3A_110, %dma_wait3A_135] : memref<16384x32xf32, #tpu.memory_space<hbm>> -> memref<128x32xf32, #tpu.memory_space<hbm>>
      %dma_wait3A_137 = arith.constant 0 : i32
      %dma_wait3A_138 = tpu.memref_slice %arg5[%add3A_110, %dma_wait3A_137] : memref<16384x32xf32, #tpu.memory_space<hbm>> -> memref<128x32xf32, #tpu.memory_space<hbm>>
      tpu.wait_dma2 semaphore(%run_scoped3A : memref<!tpu.dma_semaphore, #tpu.memory_space<semaphore_mem>>) src(%arg9 : memref<128x32xf32, #tpu.memory_space<vmem>>) dst(%dma_wait3A_138 : memref<128x32xf32, #tpu.memory_space<hbm>>)
      tpu.yield
    }) : () -> ()
    %add3A_111 = arith.constant 256 : i32
    %add3A_112 = arith.addi %mul3A_2, %add3A_111 : i32
    "tpu.region"() ({
      %run_scoped3A = tpu.sem_alloc : memref<!tpu.dma_semaphore, #tpu.memory_space<semaphore_mem>>
      %dma_start3A_131 = arith.constant 0 : i32
      %dma_start3A_132 = tpu.memref_slice %arg6[%add3A_112, %dma_start3A_131] : memref<16384x32xf32, #tpu.memory_space<hbm>> -> memref<128x32xf32, #tpu.memory_space<hbm>>
      %dma_start3A_133 = arith.constant 0 : i32
      %dma_start3A_134 = tpu.memref_slice %arg6[%add3A_112, %dma_start3A_133] : memref<16384x32xf32, #tpu.memory_space<hbm>> -> memref<128x32xf32, #tpu.memory_space<hbm>>
      tpu.enqueue_dma source(%arg11 : memref<128x32xf32, #tpu.memory_space<vmem>>) target(%dma_start3A_134 : memref<128x32xf32, #tpu.memory_space<hbm>>) target_semaphore(%run_scoped3A : memref<!tpu.dma_semaphore, #tpu.memory_space<semaphore_mem>>)
      %dma_wait3A_135 = arith.constant 0 : i32
      %dma_wait3A_136 = tpu.memref_slice %arg6[%add3A_112, %dma_wait3A_135] : memref<16384x32xf32, #tpu.memory_space<hbm>> -> memref<128x32xf32, #tpu.memory_space<hbm>>
      %dma_wait3A_137 = arith.constant 0 : i32
      %dma_wait3A_138 = tpu.memref_slice %arg6[%add3A_112, %dma_wait3A_137] : memref<16384x32xf32, #tpu.memory_space<hbm>> -> memref<128x32xf32, #tpu.memory_space<hbm>>
      tpu.wait_dma2 semaphore(%run_scoped3A : memref<!tpu.dma_semaphore, #tpu.memory_space<semaphore_mem>>) src(%arg11 : memref<128x32xf32, #tpu.memory_space<vmem>>) dst(%dma_wait3A_138 : memref<128x32xf32, #tpu.memory_space<hbm>>)
      tpu.yield
    }) : () -> ()
    %dma_wait3A_113 = arith.constant 3 : i32
    %dma_wait3A_114 = arith.constant 0 : i32
    %dma_wait3A_115 = tpu.memref_slice %arg7[%dma_wait3A_113, %dma_wait3A_114] : memref<4x128xi32, #tpu.memory_space<vmem>> -> memref<1x128xi32, #tpu.memory_space<vmem>>
    %dma_wait3A_116 = tpu.memref_squeeze %dma_wait3A_115 : memref<1x128xi32, #tpu.memory_space<vmem>> -> memref<128xi32, #tpu.memory_space<vmem>>
    %dma_wait3A_117 = arith.constant 0 : i32
    %dma_wait3A_118 = arith.constant 0 : i32
    %dma_wait3A_119 = tpu.memref_slice %arg4[%dma_wait3A_117, %dma_wait3A_118] : memref<100000x32xf32, #tpu.memory_space<hbm>> -> memref<100000x32xf32, #tpu.memory_space<hbm>>
    tpu.wait_indirect_dma semaphore(%arg13 : memref<!tpu.dma_semaphore, #tpu.memory_space<semaphore_mem>>) src(%dma_wait3A_119 : memref<100000x32xf32, #tpu.memory_space<hbm>>) dst(%arg10 : memref<128x32xf32, #tpu.memory_space<vmem>>)
    %dma_wait3A_120 = arith.constant 3 : i32
    %dma_wait3A_121 = arith.constant 0 : i32
    %dma_wait3A_122 = tpu.memref_slice %arg8[%dma_wait3A_120, %dma_wait3A_121] : memref<4x128xi32, #tpu.memory_space<vmem>> -> memref<1x128xi32, #tpu.memory_space<vmem>>
    %dma_wait3A_123 = tpu.memref_squeeze %dma_wait3A_122 : memref<1x128xi32, #tpu.memory_space<vmem>> -> memref<128xi32, #tpu.memory_space<vmem>>
    %dma_wait3A_124 = arith.constant 0 : i32
    %dma_wait3A_125 = arith.constant 0 : i32
    %dma_wait3A_126 = tpu.memref_slice %arg4[%dma_wait3A_124, %dma_wait3A_125] : memref<100000x32xf32, #tpu.memory_space<hbm>> -> memref<100000x32xf32, #tpu.memory_space<hbm>>
    tpu.wait_indirect_dma semaphore(%arg13 : memref<!tpu.dma_semaphore, #tpu.memory_space<semaphore_mem>>) src(%dma_wait3A_126 : memref<100000x32xf32, #tpu.memory_space<hbm>>) dst(%arg12 : memref<128x32xf32, #tpu.memory_space<vmem>>)
    %add3A_127 = arith.constant 384 : i32
    %add3A_128 = arith.addi %mul3A_2, %add3A_127 : i32
    "tpu.region"() ({
      %run_scoped3A = tpu.sem_alloc : memref<!tpu.dma_semaphore, #tpu.memory_space<semaphore_mem>>
      %dma_start3A_131 = arith.constant 0 : i32
      %dma_start3A_132 = tpu.memref_slice %arg5[%add3A_128, %dma_start3A_131] : memref<16384x32xf32, #tpu.memory_space<hbm>> -> memref<128x32xf32, #tpu.memory_space<hbm>>
      %dma_start3A_133 = arith.constant 0 : i32
      %dma_start3A_134 = tpu.memref_slice %arg5[%add3A_128, %dma_start3A_133] : memref<16384x32xf32, #tpu.memory_space<hbm>> -> memref<128x32xf32, #tpu.memory_space<hbm>>
      tpu.enqueue_dma source(%arg10 : memref<128x32xf32, #tpu.memory_space<vmem>>) target(%dma_start3A_134 : memref<128x32xf32, #tpu.memory_space<hbm>>) target_semaphore(%run_scoped3A : memref<!tpu.dma_semaphore, #tpu.memory_space<semaphore_mem>>)
      %dma_wait3A_135 = arith.constant 0 : i32
      %dma_wait3A_136 = tpu.memref_slice %arg5[%add3A_128, %dma_wait3A_135] : memref<16384x32xf32, #tpu.memory_space<hbm>> -> memref<128x32xf32, #tpu.memory_space<hbm>>
      %dma_wait3A_137 = arith.constant 0 : i32
      %dma_wait3A_138 = tpu.memref_slice %arg5[%add3A_128, %dma_wait3A_137] : memref<16384x32xf32, #tpu.memory_space<hbm>> -> memref<128x32xf32, #tpu.memory_space<hbm>>
      tpu.wait_dma2 semaphore(%run_scoped3A : memref<!tpu.dma_semaphore, #tpu.memory_space<semaphore_mem>>) src(%arg10 : memref<128x32xf32, #tpu.memory_space<vmem>>) dst(%dma_wait3A_138 : memref<128x32xf32, #tpu.memory_space<hbm>>)
      tpu.yield
    }) : () -> ()
    %add3A_129 = arith.constant 384 : i32
    %add3A_130 = arith.addi %mul3A_2, %add3A_129 : i32
    "tpu.region"() ({
      %run_scoped3A = tpu.sem_alloc : memref<!tpu.dma_semaphore, #tpu.memory_space<semaphore_mem>>
      %dma_start3A_131 = arith.constant 0 : i32
      %dma_start3A_132 = tpu.memref_slice %arg6[%add3A_130, %dma_start3A_131] : memref<16384x32xf32, #tpu.memory_space<hbm>> -> memref<128x32xf32, #tpu.memory_space<hbm>>
      %dma_start3A_133 = arith.constant 0 : i32
      %dma_start3A_134 = tpu.memref_slice %arg6[%add3A_130, %dma_start3A_133] : memref<16384x32xf32, #tpu.memory_space<hbm>> -> memref<128x32xf32, #tpu.memory_space<hbm>>
      tpu.enqueue_dma source(%arg12 : memref<128x32xf32, #tpu.memory_space<vmem>>) target(%dma_start3A_134 : memref<128x32xf32, #tpu.memory_space<hbm>>) target_semaphore(%run_scoped3A : memref<!tpu.dma_semaphore, #tpu.memory_space<semaphore_mem>>)
      %dma_wait3A_135 = arith.constant 0 : i32
      %dma_wait3A_136 = tpu.memref_slice %arg6[%add3A_130, %dma_wait3A_135] : memref<16384x32xf32, #tpu.memory_space<hbm>> -> memref<128x32xf32, #tpu.memory_space<hbm>>
      %dma_wait3A_137 = arith.constant 0 : i32
      %dma_wait3A_138 = tpu.memref_slice %arg6[%add3A_130, %dma_wait3A_137] : memref<16384x32xf32, #tpu.memory_space<hbm>> -> memref<128x32xf32, #tpu.memory_space<hbm>>
      tpu.wait_dma2 semaphore(%run_scoped3A : memref<!tpu.dma_semaphore, #tpu.memory_space<semaphore_mem>>) src(%arg12 : memref<128x32xf32, #tpu.memory_space<vmem>>) dst(%dma_wait3A_138 : memref<128x32xf32, #tpu.memory_space<hbm>>)
      tpu.yield
    }) : () -> ()
    return
  }
}

#map = affine_map<(d0, d1) -> (0, 0)>
module attributes {stable_mosaic.version = 14 : i64} {
  func.func @body(%arg0: i32, %arg1: i32, %arg2: memref<128x128xi32, #tpu.memory_space<hbm>>, %arg3: memref<100000x32xf32, #tpu.memory_space<hbm>>, %arg4: memref<16384x32xf32, #tpu.memory_space<hbm>>, %arg5: memref<4x128xi32, #tpu.memory_space<vmem>>, %arg6: memref<128x32xf32, #tpu.memory_space<vmem>>, %arg7: memref<128x32xf32, #tpu.memory_space<vmem>>, %arg8: memref<!tpu.dma_semaphore, #tpu.memory_space<semaphore_mem>>) attributes {dimension_semantics = [#tpu.dimension_semantics<core_parallel>, #tpu.dimension_semantics<subcore_parallel>], iteration_bounds = array<i64: 2, 16>, scalar_prefetch = 0 : i64, scratch_operands = 4 : i64, tpu.core_type = #tpu.core_type<sc_vector_subcore>, window_params = [{transform_indices = #map}, {transform_indices = #map}, {transform_indices = #map}]} {
    %mul3A = arith.constant 2 : i32
    %mul3A_0 = arith.muli %arg1, %mul3A : i32
    %add3A = arith.addi %mul3A_0, %arg0 : i32
    %mul3A_1 = arith.constant 512 : i32
    %mul3A_2 = arith.muli %add3A, %mul3A_1 : i32
    %mul3A_3 = arith.constant 4 : i32
    %mul3A_4 = arith.muli %add3A, %mul3A_3 : i32
    "tpu.region"() ({
      %run_scoped3A = tpu.sem_alloc : memref<!tpu.dma_semaphore, #tpu.memory_space<semaphore_mem>>
      %dma_start3A_67 = arith.constant 0 : i32
      %dma_start3A_68 = tpu.memref_slice %arg2[%mul3A_4, %dma_start3A_67] : memref<128x128xi32, #tpu.memory_space<hbm>> -> memref<4x128xi32, #tpu.memory_space<hbm>>
      %dma_start3A_69 = arith.constant 0 : i32
      %dma_start3A_70 = tpu.memref_slice %arg2[%mul3A_4, %dma_start3A_69] : memref<128x128xi32, #tpu.memory_space<hbm>> -> memref<4x128xi32, #tpu.memory_space<hbm>>
      tpu.enqueue_dma source(%dma_start3A_70 : memref<4x128xi32, #tpu.memory_space<hbm>>) target(%arg5 : memref<4x128xi32, #tpu.memory_space<vmem>>) target_semaphore(%run_scoped3A : memref<!tpu.dma_semaphore, #tpu.memory_space<semaphore_mem>>)
      %dma_wait3A_71 = arith.constant 0 : i32
      %dma_wait3A_72 = tpu.memref_slice %arg2[%mul3A_4, %dma_wait3A_71] : memref<128x128xi32, #tpu.memory_space<hbm>> -> memref<4x128xi32, #tpu.memory_space<hbm>>
      %dma_wait3A_73 = arith.constant 0 : i32
      %dma_wait3A_74 = tpu.memref_slice %arg2[%mul3A_4, %dma_wait3A_73] : memref<128x128xi32, #tpu.memory_space<hbm>> -> memref<4x128xi32, #tpu.memory_space<hbm>>
      tpu.wait_dma2 semaphore(%run_scoped3A : memref<!tpu.dma_semaphore, #tpu.memory_space<semaphore_mem>>) src(%dma_wait3A_74 : memref<4x128xi32, #tpu.memory_space<hbm>>) dst(%arg5 : memref<4x128xi32, #tpu.memory_space<vmem>>)
      tpu.yield
    }) : () -> ()
    %dma_start3A = arith.constant 0 : i32
    %dma_start3A_5 = arith.constant 0 : i32
    %dma_start3A_6 = tpu.memref_slice %arg5[%dma_start3A, %dma_start3A_5] : memref<4x128xi32, #tpu.memory_space<vmem>> -> memref<1x128xi32, #tpu.memory_space<vmem>>
    %dma_start3A_7 = tpu.memref_squeeze %dma_start3A_6 : memref<1x128xi32, #tpu.memory_space<vmem>> -> memref<128xi32, #tpu.memory_space<vmem>>
    %dma_start3A_8 = arith.constant 0 : i32
    %dma_start3A_9 = arith.constant 0 : i32
    %dma_start3A_10 = tpu.memref_slice %arg3[%dma_start3A_8, %dma_start3A_9] : memref<100000x32xf32, #tpu.memory_space<hbm>> -> memref<100000x32xf32, #tpu.memory_space<hbm>>
    tpu.enqueue_indirect_dma source(%dma_start3A_10 : memref<100000x32xf32, #tpu.memory_space<hbm>>) target(%arg6 : memref<128x32xf32, #tpu.memory_space<vmem>>) offsets(%dma_start3A_7 : memref<128xi32, #tpu.memory_space<vmem>>) semaphore(%arg8 : memref<!tpu.dma_semaphore, #tpu.memory_space<semaphore_mem>>)
    %dma_start3A_11 = arith.constant 1 : i32
    %dma_start3A_12 = arith.constant 0 : i32
    %dma_start3A_13 = tpu.memref_slice %arg5[%dma_start3A_11, %dma_start3A_12] : memref<4x128xi32, #tpu.memory_space<vmem>> -> memref<1x128xi32, #tpu.memory_space<vmem>>
    %dma_start3A_14 = tpu.memref_squeeze %dma_start3A_13 : memref<1x128xi32, #tpu.memory_space<vmem>> -> memref<128xi32, #tpu.memory_space<vmem>>
    %dma_start3A_15 = arith.constant 0 : i32
    %dma_start3A_16 = arith.constant 0 : i32
    %dma_start3A_17 = tpu.memref_slice %arg3[%dma_start3A_15, %dma_start3A_16] : memref<100000x32xf32, #tpu.memory_space<hbm>> -> memref<100000x32xf32, #tpu.memory_space<hbm>>
    tpu.enqueue_indirect_dma source(%dma_start3A_17 : memref<100000x32xf32, #tpu.memory_space<hbm>>) target(%arg7 : memref<128x32xf32, #tpu.memory_space<vmem>>) offsets(%dma_start3A_14 : memref<128xi32, #tpu.memory_space<vmem>>) semaphore(%arg8 : memref<!tpu.dma_semaphore, #tpu.memory_space<semaphore_mem>>)
    %dma_wait3A = arith.constant 0 : i32
    %dma_wait3A_18 = arith.constant 0 : i32
    %dma_wait3A_19 = tpu.memref_slice %arg5[%dma_wait3A, %dma_wait3A_18] : memref<4x128xi32, #tpu.memory_space<vmem>> -> memref<1x128xi32, #tpu.memory_space<vmem>>
    %dma_wait3A_20 = tpu.memref_squeeze %dma_wait3A_19 : memref<1x128xi32, #tpu.memory_space<vmem>> -> memref<128xi32, #tpu.memory_space<vmem>>
    %dma_wait3A_21 = arith.constant 0 : i32
    %dma_wait3A_22 = arith.constant 0 : i32
    %dma_wait3A_23 = tpu.memref_slice %arg3[%dma_wait3A_21, %dma_wait3A_22] : memref<100000x32xf32, #tpu.memory_space<hbm>> -> memref<100000x32xf32, #tpu.memory_space<hbm>>
    tpu.wait_indirect_dma semaphore(%arg8 : memref<!tpu.dma_semaphore, #tpu.memory_space<semaphore_mem>>) src(%dma_wait3A_23 : memref<100000x32xf32, #tpu.memory_space<hbm>>) dst(%arg6 : memref<128x32xf32, #tpu.memory_space<vmem>>)
    %add3A_24 = arith.constant 0 : i32
    %add3A_25 = arith.addi %mul3A_2, %add3A_24 : i32
    "tpu.region"() ({
      %run_scoped3A = tpu.sem_alloc : memref<!tpu.dma_semaphore, #tpu.memory_space<semaphore_mem>>
      %dma_start3A_67 = arith.constant 0 : i32
      %dma_start3A_68 = tpu.memref_slice %arg4[%add3A_25, %dma_start3A_67] : memref<16384x32xf32, #tpu.memory_space<hbm>> -> memref<128x32xf32, #tpu.memory_space<hbm>>
      %dma_start3A_69 = arith.constant 0 : i32
      %dma_start3A_70 = tpu.memref_slice %arg4[%add3A_25, %dma_start3A_69] : memref<16384x32xf32, #tpu.memory_space<hbm>> -> memref<128x32xf32, #tpu.memory_space<hbm>>
      tpu.enqueue_dma source(%arg6 : memref<128x32xf32, #tpu.memory_space<vmem>>) target(%dma_start3A_70 : memref<128x32xf32, #tpu.memory_space<hbm>>) target_semaphore(%run_scoped3A : memref<!tpu.dma_semaphore, #tpu.memory_space<semaphore_mem>>)
      %dma_wait3A_71 = arith.constant 0 : i32
      %dma_wait3A_72 = tpu.memref_slice %arg4[%add3A_25, %dma_wait3A_71] : memref<16384x32xf32, #tpu.memory_space<hbm>> -> memref<128x32xf32, #tpu.memory_space<hbm>>
      %dma_wait3A_73 = arith.constant 0 : i32
      %dma_wait3A_74 = tpu.memref_slice %arg4[%add3A_25, %dma_wait3A_73] : memref<16384x32xf32, #tpu.memory_space<hbm>> -> memref<128x32xf32, #tpu.memory_space<hbm>>
      tpu.wait_dma2 semaphore(%run_scoped3A : memref<!tpu.dma_semaphore, #tpu.memory_space<semaphore_mem>>) src(%arg6 : memref<128x32xf32, #tpu.memory_space<vmem>>) dst(%dma_wait3A_74 : memref<128x32xf32, #tpu.memory_space<hbm>>)
      tpu.yield
    }) : () -> ()
    %dma_start3A_26 = arith.constant 2 : i32
    %dma_start3A_27 = arith.constant 0 : i32
    %dma_start3A_28 = tpu.memref_slice %arg5[%dma_start3A_26, %dma_start3A_27] : memref<4x128xi32, #tpu.memory_space<vmem>> -> memref<1x128xi32, #tpu.memory_space<vmem>>
    %dma_start3A_29 = tpu.memref_squeeze %dma_start3A_28 : memref<1x128xi32, #tpu.memory_space<vmem>> -> memref<128xi32, #tpu.memory_space<vmem>>
    %dma_start3A_30 = arith.constant 0 : i32
    %dma_start3A_31 = arith.constant 0 : i32
    %dma_start3A_32 = tpu.memref_slice %arg3[%dma_start3A_30, %dma_start3A_31] : memref<100000x32xf32, #tpu.memory_space<hbm>> -> memref<100000x32xf32, #tpu.memory_space<hbm>>
    tpu.enqueue_indirect_dma source(%dma_start3A_32 : memref<100000x32xf32, #tpu.memory_space<hbm>>) target(%arg6 : memref<128x32xf32, #tpu.memory_space<vmem>>) offsets(%dma_start3A_29 : memref<128xi32, #tpu.memory_space<vmem>>) semaphore(%arg8 : memref<!tpu.dma_semaphore, #tpu.memory_space<semaphore_mem>>)
    %dma_wait3A_33 = arith.constant 1 : i32
    %dma_wait3A_34 = arith.constant 0 : i32
    %dma_wait3A_35 = tpu.memref_slice %arg5[%dma_wait3A_33, %dma_wait3A_34] : memref<4x128xi32, #tpu.memory_space<vmem>> -> memref<1x128xi32, #tpu.memory_space<vmem>>
    %dma_wait3A_36 = tpu.memref_squeeze %dma_wait3A_35 : memref<1x128xi32, #tpu.memory_space<vmem>> -> memref<128xi32, #tpu.memory_space<vmem>>
    %dma_wait3A_37 = arith.constant 0 : i32
    %dma_wait3A_38 = arith.constant 0 : i32
    %dma_wait3A_39 = tpu.memref_slice %arg3[%dma_wait3A_37, %dma_wait3A_38] : memref<100000x32xf32, #tpu.memory_space<hbm>> -> memref<100000x32xf32, #tpu.memory_space<hbm>>
    tpu.wait_indirect_dma semaphore(%arg8 : memref<!tpu.dma_semaphore, #tpu.memory_space<semaphore_mem>>) src(%dma_wait3A_39 : memref<100000x32xf32, #tpu.memory_space<hbm>>) dst(%arg7 : memref<128x32xf32, #tpu.memory_space<vmem>>)
    %add3A_40 = arith.constant 128 : i32
    %add3A_41 = arith.addi %mul3A_2, %add3A_40 : i32
    "tpu.region"() ({
      %run_scoped3A = tpu.sem_alloc : memref<!tpu.dma_semaphore, #tpu.memory_space<semaphore_mem>>
      %dma_start3A_67 = arith.constant 0 : i32
      %dma_start3A_68 = tpu.memref_slice %arg4[%add3A_41, %dma_start3A_67] : memref<16384x32xf32, #tpu.memory_space<hbm>> -> memref<128x32xf32, #tpu.memory_space<hbm>>
      %dma_start3A_69 = arith.constant 0 : i32
      %dma_start3A_70 = tpu.memref_slice %arg4[%add3A_41, %dma_start3A_69] : memref<16384x32xf32, #tpu.memory_space<hbm>> -> memref<128x32xf32, #tpu.memory_space<hbm>>
      tpu.enqueue_dma source(%arg7 : memref<128x32xf32, #tpu.memory_space<vmem>>) target(%dma_start3A_70 : memref<128x32xf32, #tpu.memory_space<hbm>>) target_semaphore(%run_scoped3A : memref<!tpu.dma_semaphore, #tpu.memory_space<semaphore_mem>>)
      %dma_wait3A_71 = arith.constant 0 : i32
      %dma_wait3A_72 = tpu.memref_slice %arg4[%add3A_41, %dma_wait3A_71] : memref<16384x32xf32, #tpu.memory_space<hbm>> -> memref<128x32xf32, #tpu.memory_space<hbm>>
      %dma_wait3A_73 = arith.constant 0 : i32
      %dma_wait3A_74 = tpu.memref_slice %arg4[%add3A_41, %dma_wait3A_73] : memref<16384x32xf32, #tpu.memory_space<hbm>> -> memref<128x32xf32, #tpu.memory_space<hbm>>
      tpu.wait_dma2 semaphore(%run_scoped3A : memref<!tpu.dma_semaphore, #tpu.memory_space<semaphore_mem>>) src(%arg7 : memref<128x32xf32, #tpu.memory_space<vmem>>) dst(%dma_wait3A_74 : memref<128x32xf32, #tpu.memory_space<hbm>>)
      tpu.yield
    }) : () -> ()
    %dma_start3A_42 = arith.constant 3 : i32
    %dma_start3A_43 = arith.constant 0 : i32
    %dma_start3A_44 = tpu.memref_slice %arg5[%dma_start3A_42, %dma_start3A_43] : memref<4x128xi32, #tpu.memory_space<vmem>> -> memref<1x128xi32, #tpu.memory_space<vmem>>
    %dma_start3A_45 = tpu.memref_squeeze %dma_start3A_44 : memref<1x128xi32, #tpu.memory_space<vmem>> -> memref<128xi32, #tpu.memory_space<vmem>>
    %dma_start3A_46 = arith.constant 0 : i32
    %dma_start3A_47 = arith.constant 0 : i32
    %dma_start3A_48 = tpu.memref_slice %arg3[%dma_start3A_46, %dma_start3A_47] : memref<100000x32xf32, #tpu.memory_space<hbm>> -> memref<100000x32xf32, #tpu.memory_space<hbm>>
    tpu.enqueue_indirect_dma source(%dma_start3A_48 : memref<100000x32xf32, #tpu.memory_space<hbm>>) target(%arg7 : memref<128x32xf32, #tpu.memory_space<vmem>>) offsets(%dma_start3A_45 : memref<128xi32, #tpu.memory_space<vmem>>) semaphore(%arg8 : memref<!tpu.dma_semaphore, #tpu.memory_space<semaphore_mem>>)
    %dma_wait3A_49 = arith.constant 2 : i32
    %dma_wait3A_50 = arith.constant 0 : i32
    %dma_wait3A_51 = tpu.memref_slice %arg5[%dma_wait3A_49, %dma_wait3A_50] : memref<4x128xi32, #tpu.memory_space<vmem>> -> memref<1x128xi32, #tpu.memory_space<vmem>>
    %dma_wait3A_52 = tpu.memref_squeeze %dma_wait3A_51 : memref<1x128xi32, #tpu.memory_space<vmem>> -> memref<128xi32, #tpu.memory_space<vmem>>
    %dma_wait3A_53 = arith.constant 0 : i32
    %dma_wait3A_54 = arith.constant 0 : i32
    %dma_wait3A_55 = tpu.memref_slice %arg3[%dma_wait3A_53, %dma_wait3A_54] : memref<100000x32xf32, #tpu.memory_space<hbm>> -> memref<100000x32xf32, #tpu.memory_space<hbm>>
    tpu.wait_indirect_dma semaphore(%arg8 : memref<!tpu.dma_semaphore, #tpu.memory_space<semaphore_mem>>) src(%dma_wait3A_55 : memref<100000x32xf32, #tpu.memory_space<hbm>>) dst(%arg6 : memref<128x32xf32, #tpu.memory_space<vmem>>)
    %add3A_56 = arith.constant 256 : i32
    %add3A_57 = arith.addi %mul3A_2, %add3A_56 : i32
    "tpu.region"() ({
      %run_scoped3A = tpu.sem_alloc : memref<!tpu.dma_semaphore, #tpu.memory_space<semaphore_mem>>
      %dma_start3A_67 = arith.constant 0 : i32
      %dma_start3A_68 = tpu.memref_slice %arg4[%add3A_57, %dma_start3A_67] : memref<16384x32xf32, #tpu.memory_space<hbm>> -> memref<128x32xf32, #tpu.memory_space<hbm>>
      %dma_start3A_69 = arith.constant 0 : i32
      %dma_start3A_70 = tpu.memref_slice %arg4[%add3A_57, %dma_start3A_69] : memref<16384x32xf32, #tpu.memory_space<hbm>> -> memref<128x32xf32, #tpu.memory_space<hbm>>
      tpu.enqueue_dma source(%arg6 : memref<128x32xf32, #tpu.memory_space<vmem>>) target(%dma_start3A_70 : memref<128x32xf32, #tpu.memory_space<hbm>>) target_semaphore(%run_scoped3A : memref<!tpu.dma_semaphore, #tpu.memory_space<semaphore_mem>>)
      %dma_wait3A_71 = arith.constant 0 : i32
      %dma_wait3A_72 = tpu.memref_slice %arg4[%add3A_57, %dma_wait3A_71] : memref<16384x32xf32, #tpu.memory_space<hbm>> -> memref<128x32xf32, #tpu.memory_space<hbm>>
      %dma_wait3A_73 = arith.constant 0 : i32
      %dma_wait3A_74 = tpu.memref_slice %arg4[%add3A_57, %dma_wait3A_73] : memref<16384x32xf32, #tpu.memory_space<hbm>> -> memref<128x32xf32, #tpu.memory_space<hbm>>
      tpu.wait_dma2 semaphore(%run_scoped3A : memref<!tpu.dma_semaphore, #tpu.memory_space<semaphore_mem>>) src(%arg6 : memref<128x32xf32, #tpu.memory_space<vmem>>) dst(%dma_wait3A_74 : memref<128x32xf32, #tpu.memory_space<hbm>>)
      tpu.yield
    }) : () -> ()
    %dma_wait3A_58 = arith.constant 3 : i32
    %dma_wait3A_59 = arith.constant 0 : i32
    %dma_wait3A_60 = tpu.memref_slice %arg5[%dma_wait3A_58, %dma_wait3A_59] : memref<4x128xi32, #tpu.memory_space<vmem>> -> memref<1x128xi32, #tpu.memory_space<vmem>>
    %dma_wait3A_61 = tpu.memref_squeeze %dma_wait3A_60 : memref<1x128xi32, #tpu.memory_space<vmem>> -> memref<128xi32, #tpu.memory_space<vmem>>
    %dma_wait3A_62 = arith.constant 0 : i32
    %dma_wait3A_63 = arith.constant 0 : i32
    %dma_wait3A_64 = tpu.memref_slice %arg3[%dma_wait3A_62, %dma_wait3A_63] : memref<100000x32xf32, #tpu.memory_space<hbm>> -> memref<100000x32xf32, #tpu.memory_space<hbm>>
    tpu.wait_indirect_dma semaphore(%arg8 : memref<!tpu.dma_semaphore, #tpu.memory_space<semaphore_mem>>) src(%dma_wait3A_64 : memref<100000x32xf32, #tpu.memory_space<hbm>>) dst(%arg7 : memref<128x32xf32, #tpu.memory_space<vmem>>)
    %add3A_65 = arith.constant 384 : i32
    %add3A_66 = arith.addi %mul3A_2, %add3A_65 : i32
    "tpu.region"() ({
      %run_scoped3A = tpu.sem_alloc : memref<!tpu.dma_semaphore, #tpu.memory_space<semaphore_mem>>
      %dma_start3A_67 = arith.constant 0 : i32
      %dma_start3A_68 = tpu.memref_slice %arg4[%add3A_66, %dma_start3A_67] : memref<16384x32xf32, #tpu.memory_space<hbm>> -> memref<128x32xf32, #tpu.memory_space<hbm>>
      %dma_start3A_69 = arith.constant 0 : i32
      %dma_start3A_70 = tpu.memref_slice %arg4[%add3A_66, %dma_start3A_69] : memref<16384x32xf32, #tpu.memory_space<hbm>> -> memref<128x32xf32, #tpu.memory_space<hbm>>
      tpu.enqueue_dma source(%arg7 : memref<128x32xf32, #tpu.memory_space<vmem>>) target(%dma_start3A_70 : memref<128x32xf32, #tpu.memory_space<hbm>>) target_semaphore(%run_scoped3A : memref<!tpu.dma_semaphore, #tpu.memory_space<semaphore_mem>>)
      %dma_wait3A_71 = arith.constant 0 : i32
      %dma_wait3A_72 = tpu.memref_slice %arg4[%add3A_66, %dma_wait3A_71] : memref<16384x32xf32, #tpu.memory_space<hbm>> -> memref<128x32xf32, #tpu.memory_space<hbm>>
      %dma_wait3A_73 = arith.constant 0 : i32
      %dma_wait3A_74 = tpu.memref_slice %arg4[%add3A_66, %dma_wait3A_73] : memref<16384x32xf32, #tpu.memory_space<hbm>> -> memref<128x32xf32, #tpu.memory_space<hbm>>
      tpu.wait_dma2 semaphore(%run_scoped3A : memref<!tpu.dma_semaphore, #tpu.memory_space<semaphore_mem>>) src(%arg7 : memref<128x32xf32, #tpu.memory_space<vmem>>) dst(%dma_wait3A_74 : memref<128x32xf32, #tpu.memory_space<hbm>>)
      tpu.yield
    }) : () -> ()
    return
  }
}

#map = affine_map<(d0, d1) -> (0, 0)>
module attributes {stable_mosaic.version = 14 : i64} {
  func.func @body(%arg0: i32, %arg1: i32, %arg2: memref<128x128xi32, #tpu.memory_space<hbm>>, %arg3: memref<100000x32xf32, #tpu.memory_space<hbm>>, %arg4: memref<16384x32xf32, #tpu.memory_space<hbm>>, %arg5: memref<4x128xi32, #tpu.memory_space<vmem>>, %arg6: memref<128x32xf32, #tpu.memory_space<vmem>>, %arg7: memref<128x32xf32, #tpu.memory_space<vmem>>, %arg8: memref<!tpu.dma_semaphore, #tpu.memory_space<semaphore_mem>>) attributes {dimension_semantics = [#tpu.dimension_semantics<core_parallel>, #tpu.dimension_semantics<subcore_parallel>], iteration_bounds = array<i64: 2, 16>, scalar_prefetch = 0 : i64, scratch_operands = 4 : i64, tpu.core_type = #tpu.core_type<sc_vector_subcore>, window_params = [{transform_indices = #map}, {transform_indices = #map}, {transform_indices = #map}]} {
    %mul3A = arith.constant 2 : i32
    %mul3A_0 = arith.muli %arg1, %mul3A : i32
    %add3A = arith.addi %mul3A_0, %arg0 : i32
    %mul3A_1 = arith.constant 512 : i32
    %mul3A_2 = arith.muli %add3A, %mul3A_1 : i32
    %mul3A_3 = arith.constant 4 : i32
    %mul3A_4 = arith.muli %add3A, %mul3A_3 : i32
    "tpu.region"() ({
      %run_scoped3A = tpu.sem_alloc : memref<!tpu.dma_semaphore, #tpu.memory_space<semaphore_mem>>
      %dma_start3A_67 = arith.constant 0 : i32
      %dma_start3A_68 = tpu.memref_slice %arg2[%mul3A_4, %dma_start3A_67] : memref<128x128xi32, #tpu.memory_space<hbm>> -> memref<4x128xi32, #tpu.memory_space<hbm>>
      %dma_start3A_69 = arith.constant 0 : i32
      %dma_start3A_70 = tpu.memref_slice %arg2[%mul3A_4, %dma_start3A_69] : memref<128x128xi32, #tpu.memory_space<hbm>> -> memref<4x128xi32, #tpu.memory_space<hbm>>
      tpu.enqueue_dma source(%dma_start3A_70 : memref<4x128xi32, #tpu.memory_space<hbm>>) target(%arg5 : memref<4x128xi32, #tpu.memory_space<vmem>>) target_semaphore(%run_scoped3A : memref<!tpu.dma_semaphore, #tpu.memory_space<semaphore_mem>>)
      %dma_wait3A_71 = arith.constant 0 : i32
      %dma_wait3A_72 = tpu.memref_slice %arg2[%mul3A_4, %dma_wait3A_71] : memref<128x128xi32, #tpu.memory_space<hbm>> -> memref<4x128xi32, #tpu.memory_space<hbm>>
      %dma_wait3A_73 = arith.constant 0 : i32
      %dma_wait3A_74 = tpu.memref_slice %arg2[%mul3A_4, %dma_wait3A_73] : memref<128x128xi32, #tpu.memory_space<hbm>> -> memref<4x128xi32, #tpu.memory_space<hbm>>
      tpu.wait_dma2 semaphore(%run_scoped3A : memref<!tpu.dma_semaphore, #tpu.memory_space<semaphore_mem>>) src(%dma_wait3A_74 : memref<4x128xi32, #tpu.memory_space<hbm>>) dst(%arg5 : memref<4x128xi32, #tpu.memory_space<vmem>>)
      tpu.yield
    }) : () -> ()
    %dma_start3A = arith.constant 0 : i32
    %dma_start3A_5 = arith.constant 0 : i32
    %dma_start3A_6 = tpu.memref_slice %arg5[%dma_start3A, %dma_start3A_5] : memref<4x128xi32, #tpu.memory_space<vmem>> -> memref<1x128xi32, #tpu.memory_space<vmem>>
    %dma_start3A_7 = tpu.memref_squeeze %dma_start3A_6 : memref<1x128xi32, #tpu.memory_space<vmem>> -> memref<128xi32, #tpu.memory_space<vmem>>
    %dma_start3A_8 = arith.constant 0 : i32
    %dma_start3A_9 = arith.constant 0 : i32
    %dma_start3A_10 = tpu.memref_slice %arg3[%dma_start3A_8, %dma_start3A_9] : memref<100000x32xf32, #tpu.memory_space<hbm>> -> memref<100000x32xf32, #tpu.memory_space<hbm>>
    tpu.enqueue_indirect_dma source(%dma_start3A_10 : memref<100000x32xf32, #tpu.memory_space<hbm>>) target(%arg6 : memref<128x32xf32, #tpu.memory_space<vmem>>) offsets(%dma_start3A_7 : memref<128xi32, #tpu.memory_space<vmem>>) semaphore(%arg8 : memref<!tpu.dma_semaphore, #tpu.memory_space<semaphore_mem>>)
    %dma_start3A_11 = arith.constant 1 : i32
    %dma_start3A_12 = arith.constant 0 : i32
    %dma_start3A_13 = tpu.memref_slice %arg5[%dma_start3A_11, %dma_start3A_12] : memref<4x128xi32, #tpu.memory_space<vmem>> -> memref<1x128xi32, #tpu.memory_space<vmem>>
    %dma_start3A_14 = tpu.memref_squeeze %dma_start3A_13 : memref<1x128xi32, #tpu.memory_space<vmem>> -> memref<128xi32, #tpu.memory_space<vmem>>
    %dma_start3A_15 = arith.constant 0 : i32
    %dma_start3A_16 = arith.constant 0 : i32
    %dma_start3A_17 = tpu.memref_slice %arg3[%dma_start3A_15, %dma_start3A_16] : memref<100000x32xf32, #tpu.memory_space<hbm>> -> memref<100000x32xf32, #tpu.memory_space<hbm>>
    tpu.enqueue_indirect_dma source(%dma_start3A_17 : memref<100000x32xf32, #tpu.memory_space<hbm>>) target(%arg7 : memref<128x32xf32, #tpu.memory_space<vmem>>) offsets(%dma_start3A_14 : memref<128xi32, #tpu.memory_space<vmem>>) semaphore(%arg8 : memref<!tpu.dma_semaphore, #tpu.memory_space<semaphore_mem>>)
    %dma_wait3A = arith.constant 0 : i32
    %dma_wait3A_18 = arith.constant 0 : i32
    %dma_wait3A_19 = tpu.memref_slice %arg5[%dma_wait3A, %dma_wait3A_18] : memref<4x128xi32, #tpu.memory_space<vmem>> -> memref<1x128xi32, #tpu.memory_space<vmem>>
    %dma_wait3A_20 = tpu.memref_squeeze %dma_wait3A_19 : memref<1x128xi32, #tpu.memory_space<vmem>> -> memref<128xi32, #tpu.memory_space<vmem>>
    %dma_wait3A_21 = arith.constant 0 : i32
    %dma_wait3A_22 = arith.constant 0 : i32
    %dma_wait3A_23 = tpu.memref_slice %arg3[%dma_wait3A_21, %dma_wait3A_22] : memref<100000x32xf32, #tpu.memory_space<hbm>> -> memref<100000x32xf32, #tpu.memory_space<hbm>>
    tpu.wait_indirect_dma semaphore(%arg8 : memref<!tpu.dma_semaphore, #tpu.memory_space<semaphore_mem>>) src(%dma_wait3A_23 : memref<100000x32xf32, #tpu.memory_space<hbm>>) dst(%arg6 : memref<128x32xf32, #tpu.memory_space<vmem>>)
    %add3A_24 = arith.constant 0 : i32
    %add3A_25 = arith.addi %mul3A_2, %add3A_24 : i32
    "tpu.region"() ({
      %run_scoped3A = tpu.sem_alloc : memref<!tpu.dma_semaphore, #tpu.memory_space<semaphore_mem>>
      %dma_start3A_67 = arith.constant 0 : i32
      %dma_start3A_68 = tpu.memref_slice %arg4[%add3A_25, %dma_start3A_67] : memref<16384x32xf32, #tpu.memory_space<hbm>> -> memref<128x32xf32, #tpu.memory_space<hbm>>
      %dma_start3A_69 = arith.constant 0 : i32
      %dma_start3A_70 = tpu.memref_slice %arg4[%add3A_25, %dma_start3A_69] : memref<16384x32xf32, #tpu.memory_space<hbm>> -> memref<128x32xf32, #tpu.memory_space<hbm>>
      tpu.enqueue_dma source(%arg6 : memref<128x32xf32, #tpu.memory_space<vmem>>) target(%dma_start3A_70 : memref<128x32xf32, #tpu.memory_space<hbm>>) target_semaphore(%run_scoped3A : memref<!tpu.dma_semaphore, #tpu.memory_space<semaphore_mem>>)
      %dma_wait3A_71 = arith.constant 0 : i32
      %dma_wait3A_72 = tpu.memref_slice %arg4[%add3A_25, %dma_wait3A_71] : memref<16384x32xf32, #tpu.memory_space<hbm>> -> memref<128x32xf32, #tpu.memory_space<hbm>>
      %dma_wait3A_73 = arith.constant 0 : i32
      %dma_wait3A_74 = tpu.memref_slice %arg4[%add3A_25, %dma_wait3A_73] : memref<16384x32xf32, #tpu.memory_space<hbm>> -> memref<128x32xf32, #tpu.memory_space<hbm>>
      tpu.wait_dma2 semaphore(%run_scoped3A : memref<!tpu.dma_semaphore, #tpu.memory_space<semaphore_mem>>) src(%arg6 : memref<128x32xf32, #tpu.memory_space<vmem>>) dst(%dma_wait3A_74 : memref<128x32xf32, #tpu.memory_space<hbm>>)
      tpu.yield
    }) : () -> ()
    %dma_start3A_26 = arith.constant 2 : i32
    %dma_start3A_27 = arith.constant 0 : i32
    %dma_start3A_28 = tpu.memref_slice %arg5[%dma_start3A_26, %dma_start3A_27] : memref<4x128xi32, #tpu.memory_space<vmem>> -> memref<1x128xi32, #tpu.memory_space<vmem>>
    %dma_start3A_29 = tpu.memref_squeeze %dma_start3A_28 : memref<1x128xi32, #tpu.memory_space<vmem>> -> memref<128xi32, #tpu.memory_space<vmem>>
    %dma_start3A_30 = arith.constant 0 : i32
    %dma_start3A_31 = arith.constant 0 : i32
    %dma_start3A_32 = tpu.memref_slice %arg3[%dma_start3A_30, %dma_start3A_31] : memref<100000x32xf32, #tpu.memory_space<hbm>> -> memref<100000x32xf32, #tpu.memory_space<hbm>>
    tpu.enqueue_indirect_dma source(%dma_start3A_32 : memref<100000x32xf32, #tpu.memory_space<hbm>>) target(%arg6 : memref<128x32xf32, #tpu.memory_space<vmem>>) offsets(%dma_start3A_29 : memref<128xi32, #tpu.memory_space<vmem>>) semaphore(%arg8 : memref<!tpu.dma_semaphore, #tpu.memory_space<semaphore_mem>>)
    %dma_wait3A_33 = arith.constant 1 : i32
    %dma_wait3A_34 = arith.constant 0 : i32
    %dma_wait3A_35 = tpu.memref_slice %arg5[%dma_wait3A_33, %dma_wait3A_34] : memref<4x128xi32, #tpu.memory_space<vmem>> -> memref<1x128xi32, #tpu.memory_space<vmem>>
    %dma_wait3A_36 = tpu.memref_squeeze %dma_wait3A_35 : memref<1x128xi32, #tpu.memory_space<vmem>> -> memref<128xi32, #tpu.memory_space<vmem>>
    %dma_wait3A_37 = arith.constant 0 : i32
    %dma_wait3A_38 = arith.constant 0 : i32
    %dma_wait3A_39 = tpu.memref_slice %arg3[%dma_wait3A_37, %dma_wait3A_38] : memref<100000x32xf32, #tpu.memory_space<hbm>> -> memref<100000x32xf32, #tpu.memory_space<hbm>>
    tpu.wait_indirect_dma semaphore(%arg8 : memref<!tpu.dma_semaphore, #tpu.memory_space<semaphore_mem>>) src(%dma_wait3A_39 : memref<100000x32xf32, #tpu.memory_space<hbm>>) dst(%arg7 : memref<128x32xf32, #tpu.memory_space<vmem>>)
    %add3A_40 = arith.constant 128 : i32
    %add3A_41 = arith.addi %mul3A_2, %add3A_40 : i32
    "tpu.region"() ({
      %run_scoped3A = tpu.sem_alloc : memref<!tpu.dma_semaphore, #tpu.memory_space<semaphore_mem>>
      %dma_start3A_67 = arith.constant 0 : i32
      %dma_start3A_68 = tpu.memref_slice %arg4[%add3A_41, %dma_start3A_67] : memref<16384x32xf32, #tpu.memory_space<hbm>> -> memref<128x32xf32, #tpu.memory_space<hbm>>
      %dma_start3A_69 = arith.constant 0 : i32
      %dma_start3A_70 = tpu.memref_slice %arg4[%add3A_41, %dma_start3A_69] : memref<16384x32xf32, #tpu.memory_space<hbm>> -> memref<128x32xf32, #tpu.memory_space<hbm>>
      tpu.enqueue_dma source(%arg7 : memref<128x32xf32, #tpu.memory_space<vmem>>) target(%dma_start3A_70 : memref<128x32xf32, #tpu.memory_space<hbm>>) target_semaphore(%run_scoped3A : memref<!tpu.dma_semaphore, #tpu.memory_space<semaphore_mem>>)
      %dma_wait3A_71 = arith.constant 0 : i32
      %dma_wait3A_72 = tpu.memref_slice %arg4[%add3A_41, %dma_wait3A_71] : memref<16384x32xf32, #tpu.memory_space<hbm>> -> memref<128x32xf32, #tpu.memory_space<hbm>>
      %dma_wait3A_73 = arith.constant 0 : i32
      %dma_wait3A_74 = tpu.memref_slice %arg4[%add3A_41, %dma_wait3A_73] : memref<16384x32xf32, #tpu.memory_space<hbm>> -> memref<128x32xf32, #tpu.memory_space<hbm>>
      tpu.wait_dma2 semaphore(%run_scoped3A : memref<!tpu.dma_semaphore, #tpu.memory_space<semaphore_mem>>) src(%arg7 : memref<128x32xf32, #tpu.memory_space<vmem>>) dst(%dma_wait3A_74 : memref<128x32xf32, #tpu.memory_space<hbm>>)
      tpu.yield
    }) : () -> ()
    %dma_start3A_42 = arith.constant 3 : i32
    %dma_start3A_43 = arith.constant 0 : i32
    %dma_start3A_44 = tpu.memref_slice %arg5[%dma_start3A_42, %dma_start3A_43] : memref<4x128xi32, #tpu.memory_space<vmem>> -> memref<1x128xi32, #tpu.memory_space<vmem>>
    %dma_start3A_45 = tpu.memref_squeeze %dma_start3A_44 : memref<1x128xi32, #tpu.memory_space<vmem>> -> memref<128xi32, #tpu.memory_space<vmem>>
    %dma_start3A_46 = arith.constant 0 : i32
    %dma_start3A_47 = arith.constant 0 : i32
    %dma_start3A_48 = tpu.memref_slice %arg3[%dma_start3A_46, %dma_start3A_47] : memref<100000x32xf32, #tpu.memory_space<hbm>> -> memref<100000x32xf32, #tpu.memory_space<hbm>>
    tpu.enqueue_indirect_dma source(%dma_start3A_48 : memref<100000x32xf32, #tpu.memory_space<hbm>>) target(%arg7 : memref<128x32xf32, #tpu.memory_space<vmem>>) offsets(%dma_start3A_45 : memref<128xi32, #tpu.memory_space<vmem>>) semaphore(%arg8 : memref<!tpu.dma_semaphore, #tpu.memory_space<semaphore_mem>>)
    %dma_wait3A_49 = arith.constant 2 : i32
    %dma_wait3A_50 = arith.constant 0 : i32
    %dma_wait3A_51 = tpu.memref_slice %arg5[%dma_wait3A_49, %dma_wait3A_50] : memref<4x128xi32, #tpu.memory_space<vmem>> -> memref<1x128xi32, #tpu.memory_space<vmem>>
    %dma_wait3A_52 = tpu.memref_squeeze %dma_wait3A_51 : memref<1x128xi32, #tpu.memory_space<vmem>> -> memref<128xi32, #tpu.memory_space<vmem>>
    %dma_wait3A_53 = arith.constant 0 : i32
    %dma_wait3A_54 = arith.constant 0 : i32
    %dma_wait3A_55 = tpu.memref_slice %arg3[%dma_wait3A_53, %dma_wait3A_54] : memref<100000x32xf32, #tpu.memory_space<hbm>> -> memref<100000x32xf32, #tpu.memory_space<hbm>>
    tpu.wait_indirect_dma semaphore(%arg8 : memref<!tpu.dma_semaphore, #tpu.memory_space<semaphore_mem>>) src(%dma_wait3A_55 : memref<100000x32xf32, #tpu.memory_space<hbm>>) dst(%arg6 : memref<128x32xf32, #tpu.memory_space<vmem>>)
    %add3A_56 = arith.constant 256 : i32
    %add3A_57 = arith.addi %mul3A_2, %add3A_56 : i32
    "tpu.region"() ({
      %run_scoped3A = tpu.sem_alloc : memref<!tpu.dma_semaphore, #tpu.memory_space<semaphore_mem>>
      %dma_start3A_67 = arith.constant 0 : i32
      %dma_start3A_68 = tpu.memref_slice %arg4[%add3A_57, %dma_start3A_67] : memref<16384x32xf32, #tpu.memory_space<hbm>> -> memref<128x32xf32, #tpu.memory_space<hbm>>
      %dma_start3A_69 = arith.constant 0 : i32
      %dma_start3A_70 = tpu.memref_slice %arg4[%add3A_57, %dma_start3A_69] : memref<16384x32xf32, #tpu.memory_space<hbm>> -> memref<128x32xf32, #tpu.memory_space<hbm>>
      tpu.enqueue_dma source(%arg6 : memref<128x32xf32, #tpu.memory_space<vmem>>) target(%dma_start3A_70 : memref<128x32xf32, #tpu.memory_space<hbm>>) target_semaphore(%run_scoped3A : memref<!tpu.dma_semaphore, #tpu.memory_space<semaphore_mem>>)
      %dma_wait3A_71 = arith.constant 0 : i32
      %dma_wait3A_72 = tpu.memref_slice %arg4[%add3A_57, %dma_wait3A_71] : memref<16384x32xf32, #tpu.memory_space<hbm>> -> memref<128x32xf32, #tpu.memory_space<hbm>>
      %dma_wait3A_73 = arith.constant 0 : i32
      %dma_wait3A_74 = tpu.memref_slice %arg4[%add3A_57, %dma_wait3A_73] : memref<16384x32xf32, #tpu.memory_space<hbm>> -> memref<128x32xf32, #tpu.memory_space<hbm>>
      tpu.wait_dma2 semaphore(%run_scoped3A : memref<!tpu.dma_semaphore, #tpu.memory_space<semaphore_mem>>) src(%arg6 : memref<128x32xf32, #tpu.memory_space<vmem>>) dst(%dma_wait3A_74 : memref<128x32xf32, #tpu.memory_space<hbm>>)
      tpu.yield
    }) : () -> ()
    %dma_wait3A_58 = arith.constant 3 : i32
    %dma_wait3A_59 = arith.constant 0 : i32
    %dma_wait3A_60 = tpu.memref_slice %arg5[%dma_wait3A_58, %dma_wait3A_59] : memref<4x128xi32, #tpu.memory_space<vmem>> -> memref<1x128xi32, #tpu.memory_space<vmem>>
    %dma_wait3A_61 = tpu.memref_squeeze %dma_wait3A_60 : memref<1x128xi32, #tpu.memory_space<vmem>> -> memref<128xi32, #tpu.memory_space<vmem>>
    %dma_wait3A_62 = arith.constant 0 : i32
    %dma_wait3A_63 = arith.constant 0 : i32
    %dma_wait3A_64 = tpu.memref_slice %arg3[%dma_wait3A_62, %dma_wait3A_63] : memref<100000x32xf32, #tpu.memory_space<hbm>> -> memref<100000x32xf32, #tpu.memory_space<hbm>>
    tpu.wait_indirect_dma semaphore(%arg8 : memref<!tpu.dma_semaphore, #tpu.memory_space<semaphore_mem>>) src(%dma_wait3A_64 : memref<100000x32xf32, #tpu.memory_space<hbm>>) dst(%arg7 : memref<128x32xf32, #tpu.memory_space<vmem>>)
    %add3A_65 = arith.constant 384 : i32
    %add3A_66 = arith.addi %mul3A_2, %add3A_65 : i32
    "tpu.region"() ({
      %run_scoped3A = tpu.sem_alloc : memref<!tpu.dma_semaphore, #tpu.memory_space<semaphore_mem>>
      %dma_start3A_67 = arith.constant 0 : i32
      %dma_start3A_68 = tpu.memref_slice %arg4[%add3A_66, %dma_start3A_67] : memref<16384x32xf32, #tpu.memory_space<hbm>> -> memref<128x32xf32, #tpu.memory_space<hbm>>
      %dma_start3A_69 = arith.constant 0 : i32
      %dma_start3A_70 = tpu.memref_slice %arg4[%add3A_66, %dma_start3A_69] : memref<16384x32xf32, #tpu.memory_space<hbm>> -> memref<128x32xf32, #tpu.memory_space<hbm>>
      tpu.enqueue_dma source(%arg7 : memref<128x32xf32, #tpu.memory_space<vmem>>) target(%dma_start3A_70 : memref<128x32xf32, #tpu.memory_space<hbm>>) target_semaphore(%run_scoped3A : memref<!tpu.dma_semaphore, #tpu.memory_space<semaphore_mem>>)
      %dma_wait3A_71 = arith.constant 0 : i32
      %dma_wait3A_72 = tpu.memref_slice %arg4[%add3A_66, %dma_wait3A_71] : memref<16384x32xf32, #tpu.memory_space<hbm>> -> memref<128x32xf32, #tpu.memory_space<hbm>>
      %dma_wait3A_73 = arith.constant 0 : i32
      %dma_wait3A_74 = tpu.memref_slice %arg4[%add3A_66, %dma_wait3A_73] : memref<16384x32xf32, #tpu.memory_space<hbm>> -> memref<128x32xf32, #tpu.memory_space<hbm>>
      tpu.wait_dma2 semaphore(%run_scoped3A : memref<!tpu.dma_semaphore, #tpu.memory_space<semaphore_mem>>) src(%arg7 : memref<128x32xf32, #tpu.memory_space<vmem>>) dst(%dma_wait3A_74 : memref<128x32xf32, #tpu.memory_space<hbm>>)
      tpu.yield
    }) : () -> ()
    return
  }
}

#map = affine_map<(d0, d1) -> (0, 0)>
module attributes {stable_mosaic.version = 14 : i64} {
  func.func @body(%arg0: i32, %arg1: i32, %arg2: memref<128x128xi32, #tpu.memory_space<hbm>>, %arg3: memref<100000x32xf32, #tpu.memory_space<hbm>>, %arg4: memref<16384x32xf32, #tpu.memory_space<hbm>>, %arg5: memref<4x128xi32, #tpu.memory_space<vmem>>, %arg6: memref<128x32xf32, #tpu.memory_space<vmem>>, %arg7: memref<128x32xf32, #tpu.memory_space<vmem>>, %arg8: memref<!tpu.dma_semaphore, #tpu.memory_space<semaphore_mem>>) attributes {dimension_semantics = [#tpu.dimension_semantics<core_parallel>, #tpu.dimension_semantics<subcore_parallel>], iteration_bounds = array<i64: 2, 16>, scalar_prefetch = 0 : i64, scratch_operands = 4 : i64, tpu.core_type = #tpu.core_type<sc_vector_subcore>, window_params = [{transform_indices = #map}, {transform_indices = #map}, {transform_indices = #map}]} {
    %mul3A = arith.constant 2 : i32
    %mul3A_0 = arith.muli %arg1, %mul3A : i32
    %add3A = arith.addi %mul3A_0, %arg0 : i32
    %mul3A_1 = arith.constant 512 : i32
    %mul3A_2 = arith.muli %add3A, %mul3A_1 : i32
    %mul3A_3 = arith.constant 4 : i32
    %mul3A_4 = arith.muli %add3A, %mul3A_3 : i32
    "tpu.region"() ({
      %run_scoped3A = tpu.sem_alloc : memref<!tpu.dma_semaphore, #tpu.memory_space<semaphore_mem>>
      %dma_start3A_67 = arith.constant 0 : i32
      %dma_start3A_68 = tpu.memref_slice %arg2[%mul3A_4, %dma_start3A_67] : memref<128x128xi32, #tpu.memory_space<hbm>> -> memref<4x128xi32, #tpu.memory_space<hbm>>
      %dma_start3A_69 = arith.constant 0 : i32
      %dma_start3A_70 = tpu.memref_slice %arg2[%mul3A_4, %dma_start3A_69] : memref<128x128xi32, #tpu.memory_space<hbm>> -> memref<4x128xi32, #tpu.memory_space<hbm>>
      tpu.enqueue_dma source(%dma_start3A_70 : memref<4x128xi32, #tpu.memory_space<hbm>>) target(%arg5 : memref<4x128xi32, #tpu.memory_space<vmem>>) target_semaphore(%run_scoped3A : memref<!tpu.dma_semaphore, #tpu.memory_space<semaphore_mem>>)
      %dma_wait3A_71 = arith.constant 0 : i32
      %dma_wait3A_72 = tpu.memref_slice %arg2[%mul3A_4, %dma_wait3A_71] : memref<128x128xi32, #tpu.memory_space<hbm>> -> memref<4x128xi32, #tpu.memory_space<hbm>>
      %dma_wait3A_73 = arith.constant 0 : i32
      %dma_wait3A_74 = tpu.memref_slice %arg2[%mul3A_4, %dma_wait3A_73] : memref<128x128xi32, #tpu.memory_space<hbm>> -> memref<4x128xi32, #tpu.memory_space<hbm>>
      tpu.wait_dma2 semaphore(%run_scoped3A : memref<!tpu.dma_semaphore, #tpu.memory_space<semaphore_mem>>) src(%dma_wait3A_74 : memref<4x128xi32, #tpu.memory_space<hbm>>) dst(%arg5 : memref<4x128xi32, #tpu.memory_space<vmem>>)
      tpu.yield
    }) : () -> ()
    %dma_start3A = arith.constant 0 : i32
    %dma_start3A_5 = arith.constant 0 : i32
    %dma_start3A_6 = tpu.memref_slice %arg5[%dma_start3A, %dma_start3A_5] : memref<4x128xi32, #tpu.memory_space<vmem>> -> memref<1x128xi32, #tpu.memory_space<vmem>>
    %dma_start3A_7 = tpu.memref_squeeze %dma_start3A_6 : memref<1x128xi32, #tpu.memory_space<vmem>> -> memref<128xi32, #tpu.memory_space<vmem>>
    %dma_start3A_8 = arith.constant 0 : i32
    %dma_start3A_9 = arith.constant 0 : i32
    %dma_start3A_10 = tpu.memref_slice %arg3[%dma_start3A_8, %dma_start3A_9] : memref<100000x32xf32, #tpu.memory_space<hbm>> -> memref<100000x32xf32, #tpu.memory_space<hbm>>
    tpu.enqueue_indirect_dma source(%dma_start3A_10 : memref<100000x32xf32, #tpu.memory_space<hbm>>) target(%arg6 : memref<128x32xf32, #tpu.memory_space<vmem>>) offsets(%dma_start3A_7 : memref<128xi32, #tpu.memory_space<vmem>>) semaphore(%arg8 : memref<!tpu.dma_semaphore, #tpu.memory_space<semaphore_mem>>)
    %dma_start3A_11 = arith.constant 1 : i32
    %dma_start3A_12 = arith.constant 0 : i32
    %dma_start3A_13 = tpu.memref_slice %arg5[%dma_start3A_11, %dma_start3A_12] : memref<4x128xi32, #tpu.memory_space<vmem>> -> memref<1x128xi32, #tpu.memory_space<vmem>>
    %dma_start3A_14 = tpu.memref_squeeze %dma_start3A_13 : memref<1x128xi32, #tpu.memory_space<vmem>> -> memref<128xi32, #tpu.memory_space<vmem>>
    %dma_start3A_15 = arith.constant 0 : i32
    %dma_start3A_16 = arith.constant 0 : i32
    %dma_start3A_17 = tpu.memref_slice %arg3[%dma_start3A_15, %dma_start3A_16] : memref<100000x32xf32, #tpu.memory_space<hbm>> -> memref<100000x32xf32, #tpu.memory_space<hbm>>
    tpu.enqueue_indirect_dma source(%dma_start3A_17 : memref<100000x32xf32, #tpu.memory_space<hbm>>) target(%arg7 : memref<128x32xf32, #tpu.memory_space<vmem>>) offsets(%dma_start3A_14 : memref<128xi32, #tpu.memory_space<vmem>>) semaphore(%arg8 : memref<!tpu.dma_semaphore, #tpu.memory_space<semaphore_mem>>)
    %dma_wait3A = arith.constant 0 : i32
    %dma_wait3A_18 = arith.constant 0 : i32
    %dma_wait3A_19 = tpu.memref_slice %arg5[%dma_wait3A, %dma_wait3A_18] : memref<4x128xi32, #tpu.memory_space<vmem>> -> memref<1x128xi32, #tpu.memory_space<vmem>>
    %dma_wait3A_20 = tpu.memref_squeeze %dma_wait3A_19 : memref<1x128xi32, #tpu.memory_space<vmem>> -> memref<128xi32, #tpu.memory_space<vmem>>
    %dma_wait3A_21 = arith.constant 0 : i32
    %dma_wait3A_22 = arith.constant 0 : i32
    %dma_wait3A_23 = tpu.memref_slice %arg3[%dma_wait3A_21, %dma_wait3A_22] : memref<100000x32xf32, #tpu.memory_space<hbm>> -> memref<100000x32xf32, #tpu.memory_space<hbm>>
    tpu.wait_indirect_dma semaphore(%arg8 : memref<!tpu.dma_semaphore, #tpu.memory_space<semaphore_mem>>) src(%dma_wait3A_23 : memref<100000x32xf32, #tpu.memory_space<hbm>>) dst(%arg6 : memref<128x32xf32, #tpu.memory_space<vmem>>)
    %add3A_24 = arith.constant 0 : i32
    %add3A_25 = arith.addi %mul3A_2, %add3A_24 : i32
    "tpu.region"() ({
      %run_scoped3A = tpu.sem_alloc : memref<!tpu.dma_semaphore, #tpu.memory_space<semaphore_mem>>
      %dma_start3A_67 = arith.constant 0 : i32
      %dma_start3A_68 = tpu.memref_slice %arg4[%add3A_25, %dma_start3A_67] : memref<16384x32xf32, #tpu.memory_space<hbm>> -> memref<128x32xf32, #tpu.memory_space<hbm>>
      %dma_start3A_69 = arith.constant 0 : i32
      %dma_start3A_70 = tpu.memref_slice %arg4[%add3A_25, %dma_start3A_69] : memref<16384x32xf32, #tpu.memory_space<hbm>> -> memref<128x32xf32, #tpu.memory_space<hbm>>
      tpu.enqueue_dma source(%arg6 : memref<128x32xf32, #tpu.memory_space<vmem>>) target(%dma_start3A_70 : memref<128x32xf32, #tpu.memory_space<hbm>>) target_semaphore(%run_scoped3A : memref<!tpu.dma_semaphore, #tpu.memory_space<semaphore_mem>>)
      %dma_wait3A_71 = arith.constant 0 : i32
      %dma_wait3A_72 = tpu.memref_slice %arg4[%add3A_25, %dma_wait3A_71] : memref<16384x32xf32, #tpu.memory_space<hbm>> -> memref<128x32xf32, #tpu.memory_space<hbm>>
      %dma_wait3A_73 = arith.constant 0 : i32
      %dma_wait3A_74 = tpu.memref_slice %arg4[%add3A_25, %dma_wait3A_73] : memref<16384x32xf32, #tpu.memory_space<hbm>> -> memref<128x32xf32, #tpu.memory_space<hbm>>
      tpu.wait_dma2 semaphore(%run_scoped3A : memref<!tpu.dma_semaphore, #tpu.memory_space<semaphore_mem>>) src(%arg6 : memref<128x32xf32, #tpu.memory_space<vmem>>) dst(%dma_wait3A_74 : memref<128x32xf32, #tpu.memory_space<hbm>>)
      tpu.yield
    }) : () -> ()
    %dma_start3A_26 = arith.constant 2 : i32
    %dma_start3A_27 = arith.constant 0 : i32
    %dma_start3A_28 = tpu.memref_slice %arg5[%dma_start3A_26, %dma_start3A_27] : memref<4x128xi32, #tpu.memory_space<vmem>> -> memref<1x128xi32, #tpu.memory_space<vmem>>
    %dma_start3A_29 = tpu.memref_squeeze %dma_start3A_28 : memref<1x128xi32, #tpu.memory_space<vmem>> -> memref<128xi32, #tpu.memory_space<vmem>>
    %dma_start3A_30 = arith.constant 0 : i32
    %dma_start3A_31 = arith.constant 0 : i32
    %dma_start3A_32 = tpu.memref_slice %arg3[%dma_start3A_30, %dma_start3A_31] : memref<100000x32xf32, #tpu.memory_space<hbm>> -> memref<100000x32xf32, #tpu.memory_space<hbm>>
    tpu.enqueue_indirect_dma source(%dma_start3A_32 : memref<100000x32xf32, #tpu.memory_space<hbm>>) target(%arg6 : memref<128x32xf32, #tpu.memory_space<vmem>>) offsets(%dma_start3A_29 : memref<128xi32, #tpu.memory_space<vmem>>) semaphore(%arg8 : memref<!tpu.dma_semaphore, #tpu.memory_space<semaphore_mem>>)
    %dma_wait3A_33 = arith.constant 1 : i32
    %dma_wait3A_34 = arith.constant 0 : i32
    %dma_wait3A_35 = tpu.memref_slice %arg5[%dma_wait3A_33, %dma_wait3A_34] : memref<4x128xi32, #tpu.memory_space<vmem>> -> memref<1x128xi32, #tpu.memory_space<vmem>>
    %dma_wait3A_36 = tpu.memref_squeeze %dma_wait3A_35 : memref<1x128xi32, #tpu.memory_space<vmem>> -> memref<128xi32, #tpu.memory_space<vmem>>
    %dma_wait3A_37 = arith.constant 0 : i32
    %dma_wait3A_38 = arith.constant 0 : i32
    %dma_wait3A_39 = tpu.memref_slice %arg3[%dma_wait3A_37, %dma_wait3A_38] : memref<100000x32xf32, #tpu.memory_space<hbm>> -> memref<100000x32xf32, #tpu.memory_space<hbm>>
    tpu.wait_indirect_dma semaphore(%arg8 : memref<!tpu.dma_semaphore, #tpu.memory_space<semaphore_mem>>) src(%dma_wait3A_39 : memref<100000x32xf32, #tpu.memory_space<hbm>>) dst(%arg7 : memref<128x32xf32, #tpu.memory_space<vmem>>)
    %add3A_40 = arith.constant 128 : i32
    %add3A_41 = arith.addi %mul3A_2, %add3A_40 : i32
    "tpu.region"() ({
      %run_scoped3A = tpu.sem_alloc : memref<!tpu.dma_semaphore, #tpu.memory_space<semaphore_mem>>
      %dma_start3A_67 = arith.constant 0 : i32
      %dma_start3A_68 = tpu.memref_slice %arg4[%add3A_41, %dma_start3A_67] : memref<16384x32xf32, #tpu.memory_space<hbm>> -> memref<128x32xf32, #tpu.memory_space<hbm>>
      %dma_start3A_69 = arith.constant 0 : i32
      %dma_start3A_70 = tpu.memref_slice %arg4[%add3A_41, %dma_start3A_69] : memref<16384x32xf32, #tpu.memory_space<hbm>> -> memref<128x32xf32, #tpu.memory_space<hbm>>
      tpu.enqueue_dma source(%arg7 : memref<128x32xf32, #tpu.memory_space<vmem>>) target(%dma_start3A_70 : memref<128x32xf32, #tpu.memory_space<hbm>>) target_semaphore(%run_scoped3A : memref<!tpu.dma_semaphore, #tpu.memory_space<semaphore_mem>>)
      %dma_wait3A_71 = arith.constant 0 : i32
      %dma_wait3A_72 = tpu.memref_slice %arg4[%add3A_41, %dma_wait3A_71] : memref<16384x32xf32, #tpu.memory_space<hbm>> -> memref<128x32xf32, #tpu.memory_space<hbm>>
      %dma_wait3A_73 = arith.constant 0 : i32
      %dma_wait3A_74 = tpu.memref_slice %arg4[%add3A_41, %dma_wait3A_73] : memref<16384x32xf32, #tpu.memory_space<hbm>> -> memref<128x32xf32, #tpu.memory_space<hbm>>
      tpu.wait_dma2 semaphore(%run_scoped3A : memref<!tpu.dma_semaphore, #tpu.memory_space<semaphore_mem>>) src(%arg7 : memref<128x32xf32, #tpu.memory_space<vmem>>) dst(%dma_wait3A_74 : memref<128x32xf32, #tpu.memory_space<hbm>>)
      tpu.yield
    }) : () -> ()
    %dma_start3A_42 = arith.constant 3 : i32
    %dma_start3A_43 = arith.constant 0 : i32
    %dma_start3A_44 = tpu.memref_slice %arg5[%dma_start3A_42, %dma_start3A_43] : memref<4x128xi32, #tpu.memory_space<vmem>> -> memref<1x128xi32, #tpu.memory_space<vmem>>
    %dma_start3A_45 = tpu.memref_squeeze %dma_start3A_44 : memref<1x128xi32, #tpu.memory_space<vmem>> -> memref<128xi32, #tpu.memory_space<vmem>>
    %dma_start3A_46 = arith.constant 0 : i32
    %dma_start3A_47 = arith.constant 0 : i32
    %dma_start3A_48 = tpu.memref_slice %arg3[%dma_start3A_46, %dma_start3A_47] : memref<100000x32xf32, #tpu.memory_space<hbm>> -> memref<100000x32xf32, #tpu.memory_space<hbm>>
    tpu.enqueue_indirect_dma source(%dma_start3A_48 : memref<100000x32xf32, #tpu.memory_space<hbm>>) target(%arg7 : memref<128x32xf32, #tpu.memory_space<vmem>>) offsets(%dma_start3A_45 : memref<128xi32, #tpu.memory_space<vmem>>) semaphore(%arg8 : memref<!tpu.dma_semaphore, #tpu.memory_space<semaphore_mem>>)
    %dma_wait3A_49 = arith.constant 2 : i32
    %dma_wait3A_50 = arith.constant 0 : i32
    %dma_wait3A_51 = tpu.memref_slice %arg5[%dma_wait3A_49, %dma_wait3A_50] : memref<4x128xi32, #tpu.memory_space<vmem>> -> memref<1x128xi32, #tpu.memory_space<vmem>>
    %dma_wait3A_52 = tpu.memref_squeeze %dma_wait3A_51 : memref<1x128xi32, #tpu.memory_space<vmem>> -> memref<128xi32, #tpu.memory_space<vmem>>
    %dma_wait3A_53 = arith.constant 0 : i32
    %dma_wait3A_54 = arith.constant 0 : i32
    %dma_wait3A_55 = tpu.memref_slice %arg3[%dma_wait3A_53, %dma_wait3A_54] : memref<100000x32xf32, #tpu.memory_space<hbm>> -> memref<100000x32xf32, #tpu.memory_space<hbm>>
    tpu.wait_indirect_dma semaphore(%arg8 : memref<!tpu.dma_semaphore, #tpu.memory_space<semaphore_mem>>) src(%dma_wait3A_55 : memref<100000x32xf32, #tpu.memory_space<hbm>>) dst(%arg6 : memref<128x32xf32, #tpu.memory_space<vmem>>)
    %add3A_56 = arith.constant 256 : i32
    %add3A_57 = arith.addi %mul3A_2, %add3A_56 : i32
    "tpu.region"() ({
      %run_scoped3A = tpu.sem_alloc : memref<!tpu.dma_semaphore, #tpu.memory_space<semaphore_mem>>
      %dma_start3A_67 = arith.constant 0 : i32
      %dma_start3A_68 = tpu.memref_slice %arg4[%add3A_57, %dma_start3A_67] : memref<16384x32xf32, #tpu.memory_space<hbm>> -> memref<128x32xf32, #tpu.memory_space<hbm>>
      %dma_start3A_69 = arith.constant 0 : i32
      %dma_start3A_70 = tpu.memref_slice %arg4[%add3A_57, %dma_start3A_69] : memref<16384x32xf32, #tpu.memory_space<hbm>> -> memref<128x32xf32, #tpu.memory_space<hbm>>
      tpu.enqueue_dma source(%arg6 : memref<128x32xf32, #tpu.memory_space<vmem>>) target(%dma_start3A_70 : memref<128x32xf32, #tpu.memory_space<hbm>>) target_semaphore(%run_scoped3A : memref<!tpu.dma_semaphore, #tpu.memory_space<semaphore_mem>>)
      %dma_wait3A_71 = arith.constant 0 : i32
      %dma_wait3A_72 = tpu.memref_slice %arg4[%add3A_57, %dma_wait3A_71] : memref<16384x32xf32, #tpu.memory_space<hbm>> -> memref<128x32xf32, #tpu.memory_space<hbm>>
      %dma_wait3A_73 = arith.constant 0 : i32
      %dma_wait3A_74 = tpu.memref_slice %arg4[%add3A_57, %dma_wait3A_73] : memref<16384x32xf32, #tpu.memory_space<hbm>> -> memref<128x32xf32, #tpu.memory_space<hbm>>
      tpu.wait_dma2 semaphore(%run_scoped3A : memref<!tpu.dma_semaphore, #tpu.memory_space<semaphore_mem>>) src(%arg6 : memref<128x32xf32, #tpu.memory_space<vmem>>) dst(%dma_wait3A_74 : memref<128x32xf32, #tpu.memory_space<hbm>>)
      tpu.yield
    }) : () -> ()
    %dma_wait3A_58 = arith.constant 3 : i32
    %dma_wait3A_59 = arith.constant 0 : i32
    %dma_wait3A_60 = tpu.memref_slice %arg5[%dma_wait3A_58, %dma_wait3A_59] : memref<4x128xi32, #tpu.memory_space<vmem>> -> memref<1x128xi32, #tpu.memory_space<vmem>>
    %dma_wait3A_61 = tpu.memref_squeeze %dma_wait3A_60 : memref<1x128xi32, #tpu.memory_space<vmem>> -> memref<128xi32, #tpu.memory_space<vmem>>
    %dma_wait3A_62 = arith.constant 0 : i32
    %dma_wait3A_63 = arith.constant 0 : i32
    %dma_wait3A_64 = tpu.memref_slice %arg3[%dma_wait3A_62, %dma_wait3A_63] : memref<100000x32xf32, #tpu.memory_space<hbm>> -> memref<100000x32xf32, #tpu.memory_space<hbm>>
    tpu.wait_indirect_dma semaphore(%arg8 : memref<!tpu.dma_semaphore, #tpu.memory_space<semaphore_mem>>) src(%dma_wait3A_64 : memref<100000x32xf32, #tpu.memory_space<hbm>>) dst(%arg7 : memref<128x32xf32, #tpu.memory_space<vmem>>)
    %add3A_65 = arith.constant 384 : i32
    %add3A_66 = arith.addi %mul3A_2, %add3A_65 : i32
    "tpu.region"() ({
      %run_scoped3A = tpu.sem_alloc : memref<!tpu.dma_semaphore, #tpu.memory_space<semaphore_mem>>
      %dma_start3A_67 = arith.constant 0 : i32
      %dma_start3A_68 = tpu.memref_slice %arg4[%add3A_66, %dma_start3A_67] : memref<16384x32xf32, #tpu.memory_space<hbm>> -> memref<128x32xf32, #tpu.memory_space<hbm>>
      %dma_start3A_69 = arith.constant 0 : i32
      %dma_start3A_70 = tpu.memref_slice %arg4[%add3A_66, %dma_start3A_69] : memref<16384x32xf32, #tpu.memory_space<hbm>> -> memref<128x32xf32, #tpu.memory_space<hbm>>
      tpu.enqueue_dma source(%arg7 : memref<128x32xf32, #tpu.memory_space<vmem>>) target(%dma_start3A_70 : memref<128x32xf32, #tpu.memory_space<hbm>>) target_semaphore(%run_scoped3A : memref<!tpu.dma_semaphore, #tpu.memory_space<semaphore_mem>>)
      %dma_wait3A_71 = arith.constant 0 : i32
      %dma_wait3A_72 = tpu.memref_slice %arg4[%add3A_66, %dma_wait3A_71] : memref<16384x32xf32, #tpu.memory_space<hbm>> -> memref<128x32xf32, #tpu.memory_space<hbm>>
      %dma_wait3A_73 = arith.constant 0 : i32
      %dma_wait3A_74 = tpu.memref_slice %arg4[%add3A_66, %dma_wait3A_73] : memref<16384x32xf32, #tpu.memory_space<hbm>> -> memref<128x32xf32, #tpu.memory_space<hbm>>
      tpu.wait_dma2 semaphore(%run_scoped3A : memref<!tpu.dma_semaphore, #tpu.memory_space<semaphore_mem>>) src(%arg7 : memref<128x32xf32, #tpu.memory_space<vmem>>) dst(%dma_wait3A_74 : memref<128x32xf32, #tpu.memory_space<hbm>>)
      tpu.yield
    }) : () -> ()
    return
  }
}

module attributes {stable_mosaic.version = 14 : i64} {
  func.func @_tc_body(%arg0: i32, %arg1: memref<1024x4xi32, #tpu.memory_space<vmem>>, %arg2: memref<1024x4xi32, #tpu.memory_space<vmem>>, %arg3: memref<1024x128xf32, #tpu.memory_space<vmem>>, %arg4: memref<1024x128xf32, #tpu.memory_space<vmem>>, %arg5: memref<1024x128xf32, #tpu.memory_space<vmem>>, %arg6: memref<1024x128xf32, #tpu.memory_space<vmem>>, %arg7: memref<1024x128xf32, #tpu.memory_space<vmem>>, %arg8: memref<1024x128xf32, #tpu.memory_space<vmem>>, %arg9: memref<1024x128xf32, #tpu.memory_space<vmem>>, %arg10: memref<1024x128xf32, #tpu.memory_space<vmem>>, %arg11: memref<32x64xf32, #tpu.memory_space<vmem>>, %arg12: memref<1x64xf32, #tpu.memory_space<vmem>>, %arg13: memref<64x32xf32, #tpu.memory_space<vmem>>, %arg14: memref<1x32xf32, #tpu.memory_space<vmem>>, %arg15: memref<32x64xf32, #tpu.memory_space<vmem>>, %arg16: memref<1x64xf32, #tpu.memory_space<vmem>>, %arg17: memref<64x32xf32, #tpu.memory_space<vmem>>, %arg18: memref<1x32xf32, #tpu.memory_space<vmem>>, %arg19: memref<32x64xf32, #tpu.memory_space<vmem>>, %arg20: memref<1x64xf32, #tpu.memory_space<vmem>>, %arg21: memref<64x32xf32, #tpu.memory_space<vmem>>, %arg22: memref<1x32xf32, #tpu.memory_space<vmem>>, %arg23: memref<32x64xf32, #tpu.memory_space<vmem>>, %arg24: memref<1x64xf32, #tpu.memory_space<vmem>>, %arg25: memref<64x32xf32, #tpu.memory_space<vmem>>, %arg26: memref<1x32xf32, #tpu.memory_space<vmem>>, %arg27: memref<128x4xf32, #tpu.memory_space<vmem>>, %arg28: memref<1x1xf32, #tpu.memory_space<smem>>, %arg29: memref<1x1xf32, #tpu.memory_space<smem>>, %arg30: memref<128x256xf32, #tpu.memory_space<vmem>>, %arg31: memref<128x256xf32, #tpu.memory_space<vmem>>, %arg32: memref<128x256xf32, #tpu.memory_space<vmem>>, %arg33: memref<128x256xf32, #tpu.memory_space<vmem>>, %arg34: memref<256x128xf32, #tpu.memory_space<vmem>>, %arg35: memref<256x128xf32, #tpu.memory_space<vmem>>, %arg36: memref<256x128xf32, #tpu.memory_space<vmem>>, %arg37: memref<256x128xf32, #tpu.memory_space<vmem>>) attributes {dimension_semantics = [#tpu.dimension_semantics<arbitrary>], iteration_bounds = array<i64: 4>, scalar_prefetch = 0 : i64, scratch_operands = 8 : i64, tpu.core_type = #tpu.core_type<tc>, window_params = [{transform_indices = @transform_0, window_bounds = array<i64: 1024, 4>}, {transform_indices = @transform_1, window_bounds = array<i64: 1024, 4>}, {transform_indices = @transform_2, window_bounds = array<i64: 1024, 128>}, {transform_indices = @transform_3, window_bounds = array<i64: 1024, 128>}, {transform_indices = @transform_4, window_bounds = array<i64: 1024, 128>}, {transform_indices = @transform_5, window_bounds = array<i64: 1024, 128>}, {transform_indices = @transform_6, window_bounds = array<i64: 1024, 128>}, {transform_indices = @transform_7, window_bounds = array<i64: 1024, 128>}, {transform_indices = @transform_8, window_bounds = array<i64: 1024, 128>}, {transform_indices = @transform_9, window_bounds = array<i64: 1024, 128>}, {pipeline_mode = #tpu.pipeline_mode<synchronous>, transform_indices = @transform_10, window_bounds = array<i64: 32, 64>}, {pipeline_mode = #tpu.pipeline_mode<synchronous>, transform_indices = @transform_11, window_bounds = array<i64: 1, 64>}, {pipeline_mode = #tpu.pipeline_mode<synchronous>, transform_indices = @transform_12, window_bounds = array<i64: 64, 32>}, {pipeline_mode = #tpu.pipeline_mode<synchronous>, transform_indices = @transform_13, window_bounds = array<i64: 1, 32>}, {pipeline_mode = #tpu.pipeline_mode<synchronous>, transform_indices = @transform_14, window_bounds = array<i64: 32, 64>}, {pipeline_mode = #tpu.pipeline_mode<synchronous>, transform_indices = @transform_15, window_bounds = array<i64: 1, 64>}, {pipeline_mode = #tpu.pipeline_mode<synchronous>, transform_indices = @transform_16, window_bounds = array<i64: 64, 32>}, {pipeline_mode = #tpu.pipeline_mode<synchronous>, transform_indices = @transform_17, window_bounds = array<i64: 1, 32>}, {pipeline_mode = #tpu.pipeline_mode<synchronous>, transform_indices = @transform_18, window_bounds = array<i64: 32, 64>}, {pipeline_mode = #tpu.pipeline_mode<synchronous>, transform_indices = @transform_19, window_bounds = array<i64: 1, 64>}, {pipeline_mode = #tpu.pipeline_mode<synchronous>, transform_indices = @transform_20, window_bounds = array<i64: 64, 32>}, {pipeline_mode = #tpu.pipeline_mode<synchronous>, transform_indices = @transform_21, window_bounds = array<i64: 1, 32>}, {pipeline_mode = #tpu.pipeline_mode<synchronous>, transform_indices = @transform_22, window_bounds = array<i64: 32, 64>}, {pipeline_mode = #tpu.pipeline_mode<synchronous>, transform_indices = @transform_23, window_bounds = array<i64: 1, 64>}, {pipeline_mode = #tpu.pipeline_mode<synchronous>, transform_indices = @transform_24, window_bounds = array<i64: 64, 32>}, {pipeline_mode = #tpu.pipeline_mode<synchronous>, transform_indices = @transform_25, window_bounds = array<i64: 1, 32>}, {pipeline_mode = #tpu.pipeline_mode<synchronous>, transform_indices = @transform_26, window_bounds = array<i64: 128, 4>}, {transform_indices = @transform_27, window_bounds = array<i64: 1, 1>}, {transform_indices = @transform_28, window_bounds = array<i64: 1, 1>}]} {
    %eq3A = arith.constant 0 : i32
    %eq3A_0 = arith.cmpi eq, %arg0, %eq3A : i32
    %convert_element_type3A = arith.extui %eq3A_0 : i1 to i32
    %cond3A = arith.constant 0 : i32
    %cond3A_1 = arith.cmpi ne, %convert_element_type3A, %cond3A : i32
    scf.if %cond3A_1 {
      %broadcast_in_dim3A = arith.constant 0.000000e+00 : f32
      %broadcast_in_dim3A_204 = vector.broadcast %broadcast_in_dim3A : f32 to vector<128x256xf32>
      %swap3A_205 = arith.constant 0 : index
      %swap3A_206 = arith.constant 0 : index
      %swap3A_207 = vector.load %arg30[%swap3A_205, %swap3A_206] : memref<128x256xf32, #tpu.memory_space<vmem>>, vector<128x256xf32>
      tpu.vector_store %arg30[%swap3A_205, %swap3A_206], %broadcast_in_dim3A_204 {strides = array<i32>} : memref<128x256xf32, #tpu.memory_space<vmem>>, vector<128x256xf32>,
      %get3A_208 = arith.constant 0 : index
      %get3A_209 = arith.constant 0 : index
      %get3A_210 = vector.load %arg11[%get3A_208, %get3A_209] : memref<32x64xf32, #tpu.memory_space<vmem>>, vector<32x64xf32>
      %swap3A_211 = arith.constant 0 : index
      %swap3A_212 = arith.constant 0 : index
      %swap3A_213 = vector.load %arg30[%swap3A_211, %swap3A_212] : memref<128x256xf32, #tpu.memory_space<vmem>>, vector<32x64xf32>
      tpu.vector_store %arg30[%swap3A_211, %swap3A_212], %get3A_210 {strides = array<i32>} : memref<128x256xf32, #tpu.memory_space<vmem>>, vector<32x64xf32>,
      %get3A_214 = arith.constant 0 : index
      %get3A_215 = arith.constant 0 : index
      %get3A_216 = vector.load %arg11[%get3A_214, %get3A_215] : memref<32x64xf32, #tpu.memory_space<vmem>>, vector<32x64xf32>
      %swap3A_217 = arith.constant 32 : index
      %swap3A_218 = arith.constant 64 : index
      %swap3A_219 = vector.load %arg30[%swap3A_217, %swap3A_218] : memref<128x256xf32, #tpu.memory_space<vmem>>, vector<32x64xf32>
      tpu.vector_store %arg30[%swap3A_217, %swap3A_218], %get3A_216 {strides = array<i32>} : memref<128x256xf32, #tpu.memory_space<vmem>>, vector<32x64xf32>,
      %get3A_220 = arith.constant 0 : index
      %get3A_221 = arith.constant 0 : index
      %get3A_222 = vector.load %arg11[%get3A_220, %get3A_221] : memref<32x64xf32, #tpu.memory_space<vmem>>, vector<32x64xf32>
      %swap3A_223 = arith.constant 64 : index
      %swap3A_224 = arith.constant 128 : index
      %swap3A_225 = vector.load %arg30[%swap3A_223, %swap3A_224] : memref<128x256xf32, #tpu.memory_space<vmem>>, vector<32x64xf32>
      tpu.vector_store %arg30[%swap3A_223, %swap3A_224], %get3A_222 {strides = array<i32>} : memref<128x256xf32, #tpu.memory_space<vmem>>, vector<32x64xf32>,
      %get3A_226 = arith.constant 0 : index
      %get3A_227 = arith.constant 0 : index
      %get3A_228 = vector.load %arg11[%get3A_226, %get3A_227] : memref<32x64xf32, #tpu.memory_space<vmem>>, vector<32x64xf32>
      %swap3A_229 = arith.constant 96 : index
      %swap3A_230 = arith.constant 192 : index
      %swap3A_231 = vector.load %arg30[%swap3A_229, %swap3A_230] : memref<128x256xf32, #tpu.memory_space<vmem>>, vector<32x64xf32>
      tpu.vector_store %arg30[%swap3A_229, %swap3A_230], %get3A_228 {strides = array<i32>} : memref<128x256xf32, #tpu.memory_space<vmem>>, vector<32x64xf32>,
      %broadcast_in_dim3A_232 = arith.constant 0.000000e+00 : f32
      %broadcast_in_dim3A_233 = vector.broadcast %broadcast_in_dim3A_232 : f32 to vector<128x256xf32>
      %swap3A_234 = arith.constant 0 : index
      %swap3A_235 = arith.constant 0 : index
      %swap3A_236 = vector.load %arg31[%swap3A_234, %swap3A_235] : memref<128x256xf32, #tpu.memory_space<vmem>>, vector<128x256xf32>
      tpu.vector_store %arg31[%swap3A_234, %swap3A_235], %broadcast_in_dim3A_233 {strides = array<i32>} : memref<128x256xf32, #tpu.memory_space<vmem>>, vector<128x256xf32>,
      %get3A_237 = arith.constant 0 : index
      %get3A_238 = arith.constant 0 : index
      %get3A_239 = vector.load %arg15[%get3A_237, %get3A_238] : memref<32x64xf32, #tpu.memory_space<vmem>>, vector<32x64xf32>
      %swap3A_240 = arith.constant 0 : index
      %swap3A_241 = arith.constant 0 : index
      %swap3A_242 = vector.load %arg31[%swap3A_240, %swap3A_241] : memref<128x256xf32, #tpu.memory_space<vmem>>, vector<32x64xf32>
      tpu.vector_store %arg31[%swap3A_240, %swap3A_241], %get3A_239 {strides = array<i32>} : memref<128x256xf32, #tpu.memory_space<vmem>>, vector<32x64xf32>,
      %get3A_243 = arith.constant 0 : index
      %get3A_244 = arith.constant 0 : index
      %get3A_245 = vector.load %arg15[%get3A_243, %get3A_244] : memref<32x64xf32, #tpu.memory_space<vmem>>, vector<32x64xf32>
      %swap3A_246 = arith.constant 32 : index
      %swap3A_247 = arith.constant 64 : index
      %swap3A_248 = vector.load %arg31[%swap3A_246, %swap3A_247] : memref<128x256xf32, #tpu.memory_space<vmem>>, vector<32x64xf32>
      tpu.vector_store %arg31[%swap3A_246, %swap3A_247], %get3A_245 {strides = array<i32>} : memref<128x256xf32, #tpu.memory_space<vmem>>, vector<32x64xf32>,
      %get3A_249 = arith.constant 0 : index
      %get3A_250 = arith.constant 0 : index
      %get3A_251 = vector.load %arg15[%get3A_249, %get3A_250] : memref<32x64xf32, #tpu.memory_space<vmem>>, vector<32x64xf32>
      %swap3A_252 = arith.constant 64 : index
      %swap3A_253 = arith.constant 128 : index
      %swap3A_254 = vector.load %arg31[%swap3A_252, %swap3A_253] : memref<128x256xf32, #tpu.memory_space<vmem>>, vector<32x64xf32>
      tpu.vector_store %arg31[%swap3A_252, %swap3A_253], %get3A_251 {strides = array<i32>} : memref<128x256xf32, #tpu.memory_space<vmem>>, vector<32x64xf32>,
      %get3A_255 = arith.constant 0 : index
      %get3A_256 = arith.constant 0 : index
      %get3A_257 = vector.load %arg15[%get3A_255, %get3A_256] : memref<32x64xf32, #tpu.memory_space<vmem>>, vector<32x64xf32>
      %swap3A_258 = arith.constant 96 : index
      %swap3A_259 = arith.constant 192 : index
      %swap3A_260 = vector.load %arg31[%swap3A_258, %swap3A_259] : memref<128x256xf32, #tpu.memory_space<vmem>>, vector<32x64xf32>
      tpu.vector_store %arg31[%swap3A_258, %swap3A_259], %get3A_257 {strides = array<i32>} : memref<128x256xf32, #tpu.memory_space<vmem>>, vector<32x64xf32>,
      %broadcast_in_dim3A_261 = arith.constant 0.000000e+00 : f32
      %broadcast_in_dim3A_262 = vector.broadcast %broadcast_in_dim3A_261 : f32 to vector<128x256xf32>
      %swap3A_263 = arith.constant 0 : index
      %swap3A_264 = arith.constant 0 : index
      %swap3A_265 = vector.load %arg32[%swap3A_263, %swap3A_264] : memref<128x256xf32, #tpu.memory_space<vmem>>, vector<128x256xf32>
      tpu.vector_store %arg32[%swap3A_263, %swap3A_264], %broadcast_in_dim3A_262 {strides = array<i32>} : memref<128x256xf32, #tpu.memory_space<vmem>>, vector<128x256xf32>,
      %get3A_266 = arith.constant 0 : index
      %get3A_267 = arith.constant 0 : index
      %get3A_268 = vector.load %arg19[%get3A_266, %get3A_267] : memref<32x64xf32, #tpu.memory_space<vmem>>, vector<32x64xf32>
      %swap3A_269 = arith.constant 0 : index
      %swap3A_270 = arith.constant 0 : index
      %swap3A_271 = vector.load %arg32[%swap3A_269, %swap3A_270] : memref<128x256xf32, #tpu.memory_space<vmem>>, vector<32x64xf32>
      tpu.vector_store %arg32[%swap3A_269, %swap3A_270], %get3A_268 {strides = array<i32>} : memref<128x256xf32, #tpu.memory_space<vmem>>, vector<32x64xf32>,
      %get3A_272 = arith.constant 0 : index
      %get3A_273 = arith.constant 0 : index
      %get3A_274 = vector.load %arg19[%get3A_272, %get3A_273] : memref<32x64xf32, #tpu.memory_space<vmem>>, vector<32x64xf32>
      %swap3A_275 = arith.constant 32 : index
      %swap3A_276 = arith.constant 64 : index
      %swap3A_277 = vector.load %arg32[%swap3A_275, %swap3A_276] : memref<128x256xf32, #tpu.memory_space<vmem>>, vector<32x64xf32>
      tpu.vector_store %arg32[%swap3A_275, %swap3A_276], %get3A_274 {strides = array<i32>} : memref<128x256xf32, #tpu.memory_space<vmem>>, vector<32x64xf32>,
      %get3A_278 = arith.constant 0 : index
      %get3A_279 = arith.constant 0 : index
      %get3A_280 = vector.load %arg19[%get3A_278, %get3A_279] : memref<32x64xf32, #tpu.memory_space<vmem>>, vector<32x64xf32>
      %swap3A_281 = arith.constant 64 : index
      %swap3A_282 = arith.constant 128 : index
      %swap3A_283 = vector.load %arg32[%swap3A_281, %swap3A_282] : memref<128x256xf32, #tpu.memory_space<vmem>>, vector<32x64xf32>
      tpu.vector_store %arg32[%swap3A_281, %swap3A_282], %get3A_280 {strides = array<i32>} : memref<128x256xf32, #tpu.memory_space<vmem>>, vector<32x64xf32>,
      %get3A_284 = arith.constant 0 : index
      %get3A_285 = arith.constant 0 : index
      %get3A_286 = vector.load %arg19[%get3A_284, %get3A_285] : memref<32x64xf32, #tpu.memory_space<vmem>>, vector<32x64xf32>
      %swap3A_287 = arith.constant 96 : index
      %swap3A_288 = arith.constant 192 : index
      %swap3A_289 = vector.load %arg32[%swap3A_287, %swap3A_288] : memref<128x256xf32, #tpu.memory_space<vmem>>, vector<32x64xf32>
      tpu.vector_store %arg32[%swap3A_287, %swap3A_288], %get3A_286 {strides = array<i32>} : memref<128x256xf32, #tpu.memory_space<vmem>>, vector<32x64xf32>,
      %broadcast_in_dim3A_290 = arith.constant 0.000000e+00 : f32
      %broadcast_in_dim3A_291 = vector.broadcast %broadcast_in_dim3A_290 : f32 to vector<128x256xf32>
      %swap3A_292 = arith.constant 0 : index
      %swap3A_293 = arith.constant 0 : index
      %swap3A_294 = vector.load %arg33[%swap3A_292, %swap3A_293] : memref<128x256xf32, #tpu.memory_space<vmem>>, vector<128x256xf32>
      tpu.vector_store %arg33[%swap3A_292, %swap3A_293], %broadcast_in_dim3A_291 {strides = array<i32>} : memref<128x256xf32, #tpu.memory_space<vmem>>, vector<128x256xf32>,
      %get3A_295 = arith.constant 0 : index
      %get3A_296 = arith.constant 0 : index
      %get3A_297 = vector.load %arg23[%get3A_295, %get3A_296] : memref<32x64xf32, #tpu.memory_space<vmem>>, vector<32x64xf32>
      %swap3A_298 = arith.constant 0 : index
      %swap3A_299 = arith.constant 0 : index
      %swap3A_300 = vector.load %arg33[%swap3A_298, %swap3A_299] : memref<128x256xf32, #tpu.memory_space<vmem>>, vector<32x64xf32>
      tpu.vector_store %arg33[%swap3A_298, %swap3A_299], %get3A_297 {strides = array<i32>} : memref<128x256xf32, #tpu.memory_space<vmem>>, vector<32x64xf32>,
      %get3A_301 = arith.constant 0 : index
      %get3A_302 = arith.constant 0 : index
      %get3A_303 = vector.load %arg23[%get3A_301, %get3A_302] : memref<32x64xf32, #tpu.memory_space<vmem>>, vector<32x64xf32>
      %swap3A_304 = arith.constant 32 : index
      %swap3A_305 = arith.constant 64 : index
      %swap3A_306 = vector.load %arg33[%swap3A_304, %swap3A_305] : memref<128x256xf32, #tpu.memory_space<vmem>>, vector<32x64xf32>
      tpu.vector_store %arg33[%swap3A_304, %swap3A_305], %get3A_303 {strides = array<i32>} : memref<128x256xf32, #tpu.memory_space<vmem>>, vector<32x64xf32>,
      %get3A_307 = arith.constant 0 : index
      %get3A_308 = arith.constant 0 : index
      %get3A_309 = vector.load %arg23[%get3A_307, %get3A_308] : memref<32x64xf32, #tpu.memory_space<vmem>>, vector<32x64xf32>
      %swap3A_310 = arith.constant 64 : index
      %swap3A_311 = arith.constant 128 : index
      %swap3A_312 = vector.load %arg33[%swap3A_310, %swap3A_311] : memref<128x256xf32, #tpu.memory_space<vmem>>, vector<32x64xf32>
      tpu.vector_store %arg33[%swap3A_310, %swap3A_311], %get3A_309 {strides = array<i32>} : memref<128x256xf32, #tpu.memory_space<vmem>>, vector<32x64xf32>,
      %get3A_313 = arith.constant 0 : index
      %get3A_314 = arith.constant 0 : index
      %get3A_315 = vector.load %arg23[%get3A_313, %get3A_314] : memref<32x64xf32, #tpu.memory_space<vmem>>, vector<32x64xf32>
      %swap3A_316 = arith.constant 96 : index
      %swap3A_317 = arith.constant 192 : index
      %swap3A_318 = vector.load %arg33[%swap3A_316, %swap3A_317] : memref<128x256xf32, #tpu.memory_space<vmem>>, vector<32x64xf32>
      tpu.vector_store %arg33[%swap3A_316, %swap3A_317], %get3A_315 {strides = array<i32>} : memref<128x256xf32, #tpu.memory_space<vmem>>, vector<32x64xf32>,
      %broadcast_in_dim3A_319 = arith.constant 0.000000e+00 : f32
      %broadcast_in_dim3A_320 = vector.broadcast %broadcast_in_dim3A_319 : f32 to vector<256x128xf32>
      %swap3A_321 = arith.constant 0 : index
      %swap3A_322 = arith.constant 0 : index
      %swap3A_323 = vector.load %arg34[%swap3A_321, %swap3A_322] : memref<256x128xf32, #tpu.memory_space<vmem>>, vector<256x128xf32>
      tpu.vector_store %arg34[%swap3A_321, %swap3A_322], %broadcast_in_dim3A_320 {strides = array<i32>} : memref<256x128xf32, #tpu.memory_space<vmem>>, vector<256x128xf32>,
      %get3A_324 = arith.constant 0 : index
      %get3A_325 = arith.constant 0 : index
      %get3A_326 = vector.load %arg13[%get3A_324, %get3A_325] : memref<64x32xf32, #tpu.memory_space<vmem>>, vector<64x32xf32>
      %swap3A_327 = arith.constant 0 : index
      %swap3A_328 = arith.constant 0 : index
      %swap3A_329 = vector.load %arg34[%swap3A_327, %swap3A_328] : memref<256x128xf32, #tpu.memory_space<vmem>>, vector<64x32xf32>
      tpu.vector_store %arg34[%swap3A_327, %swap3A_328], %get3A_326 {strides = array<i32>} : memref<256x128xf32, #tpu.memory_space<vmem>>, vector<64x32xf32>,
      %get3A_330 = arith.constant 0 : index
      %get3A_331 = arith.constant 0 : index
      %get3A_332 = vector.load %arg13[%get3A_330, %get3A_331] : memref<64x32xf32, #tpu.memory_space<vmem>>, vector<64x32xf32>
      %swap3A_333 = arith.constant 64 : index
      %swap3A_334 = arith.constant 32 : index
      %swap3A_335 = vector.load %arg34[%swap3A_333, %swap3A_334] : memref<256x128xf32, #tpu.memory_space<vmem>>, vector<64x32xf32>
      tpu.vector_store %arg34[%swap3A_333, %swap3A_334], %get3A_332 {strides = array<i32>} : memref<256x128xf32, #tpu.memory_space<vmem>>, vector<64x32xf32>,
      %get3A_336 = arith.constant 0 : index
      %get3A_337 = arith.constant 0 : index
      %get3A_338 = vector.load %arg13[%get3A_336, %get3A_337] : memref<64x32xf32, #tpu.memory_space<vmem>>, vector<64x32xf32>
      %swap3A_339 = arith.constant 128 : index
      %swap3A_340 = arith.constant 64 : index
      %swap3A_341 = vector.load %arg34[%swap3A_339, %swap3A_340] : memref<256x128xf32, #tpu.memory_space<vmem>>, vector<64x32xf32>
      tpu.vector_store %arg34[%swap3A_339, %swap3A_340], %get3A_338 {strides = array<i32>} : memref<256x128xf32, #tpu.memory_space<vmem>>, vector<64x32xf32>,
      %get3A_342 = arith.constant 0 : index
      %get3A_343 = arith.constant 0 : index
      %get3A_344 = vector.load %arg13[%get3A_342, %get3A_343] : memref<64x32xf32, #tpu.memory_space<vmem>>, vector<64x32xf32>
      %swap3A_345 = arith.constant 192 : index
      %swap3A_346 = arith.constant 96 : index
      %swap3A_347 = vector.load %arg34[%swap3A_345, %swap3A_346] : memref<256x128xf32, #tpu.memory_space<vmem>>, vector<64x32xf32>
      tpu.vector_store %arg34[%swap3A_345, %swap3A_346], %get3A_344 {strides = array<i32>} : memref<256x128xf32, #tpu.memory_space<vmem>>, vector<64x32xf32>,
      %broadcast_in_dim3A_348 = arith.constant 0.000000e+00 : f32
      %broadcast_in_dim3A_349 = vector.broadcast %broadcast_in_dim3A_348 : f32 to vector<256x128xf32>
      %swap3A_350 = arith.constant 0 : index
      %swap3A_351 = arith.constant 0 : index
      %swap3A_352 = vector.load %arg35[%swap3A_350, %swap3A_351] : memref<256x128xf32, #tpu.memory_space<vmem>>, vector<256x128xf32>
      tpu.vector_store %arg35[%swap3A_350, %swap3A_351], %broadcast_in_dim3A_349 {strides = array<i32>} : memref<256x128xf32, #tpu.memory_space<vmem>>, vector<256x128xf32>,
      %get3A_353 = arith.constant 0 : index
      %get3A_354 = arith.constant 0 : index
      %get3A_355 = vector.load %arg17[%get3A_353, %get3A_354] : memref<64x32xf32, #tpu.memory_space<vmem>>, vector<64x32xf32>
      %swap3A_356 = arith.constant 0 : index
      %swap3A_357 = arith.constant 0 : index
      %swap3A_358 = vector.load %arg35[%swap3A_356, %swap3A_357] : memref<256x128xf32, #tpu.memory_space<vmem>>, vector<64x32xf32>
      tpu.vector_store %arg35[%swap3A_356, %swap3A_357], %get3A_355 {strides = array<i32>} : memref<256x128xf32, #tpu.memory_space<vmem>>, vector<64x32xf32>,
      %get3A_359 = arith.constant 0 : index
      %get3A_360 = arith.constant 0 : index
      %get3A_361 = vector.load %arg17[%get3A_359, %get3A_360] : memref<64x32xf32, #tpu.memory_space<vmem>>, vector<64x32xf32>
      %swap3A_362 = arith.constant 64 : index
      %swap3A_363 = arith.constant 32 : index
      %swap3A_364 = vector.load %arg35[%swap3A_362, %swap3A_363] : memref<256x128xf32, #tpu.memory_space<vmem>>, vector<64x32xf32>
      tpu.vector_store %arg35[%swap3A_362, %swap3A_363], %get3A_361 {strides = array<i32>} : memref<256x128xf32, #tpu.memory_space<vmem>>, vector<64x32xf32>,
      %get3A_365 = arith.constant 0 : index
      %get3A_366 = arith.constant 0 : index
      %get3A_367 = vector.load %arg17[%get3A_365, %get3A_366] : memref<64x32xf32, #tpu.memory_space<vmem>>, vector<64x32xf32>
      %swap3A_368 = arith.constant 128 : index
      %swap3A_369 = arith.constant 64 : index
      %swap3A_370 = vector.load %arg35[%swap3A_368, %swap3A_369] : memref<256x128xf32, #tpu.memory_space<vmem>>, vector<64x32xf32>
      tpu.vector_store %arg35[%swap3A_368, %swap3A_369], %get3A_367 {strides = array<i32>} : memref<256x128xf32, #tpu.memory_space<vmem>>, vector<64x32xf32>,
      %get3A_371 = arith.constant 0 : index
      %get3A_372 = arith.constant 0 : index
      %get3A_373 = vector.load %arg17[%get3A_371, %get3A_372] : memref<64x32xf32, #tpu.memory_space<vmem>>, vector<64x32xf32>
      %swap3A_374 = arith.constant 192 : index
      %swap3A_375 = arith.constant 96 : index
      %swap3A_376 = vector.load %arg35[%swap3A_374, %swap3A_375] : memref<256x128xf32, #tpu.memory_space<vmem>>, vector<64x32xf32>
      tpu.vector_store %arg35[%swap3A_374, %swap3A_375], %get3A_373 {strides = array<i32>} : memref<256x128xf32, #tpu.memory_space<vmem>>, vector<64x32xf32>,
      %broadcast_in_dim3A_377 = arith.constant 0.000000e+00 : f32
      %broadcast_in_dim3A_378 = vector.broadcast %broadcast_in_dim3A_377 : f32 to vector<256x128xf32>
      %swap3A_379 = arith.constant 0 : index
      %swap3A_380 = arith.constant 0 : index
      %swap3A_381 = vector.load %arg36[%swap3A_379, %swap3A_380] : memref<256x128xf32, #tpu.memory_space<vmem>>, vector<256x128xf32>
      tpu.vector_store %arg36[%swap3A_379, %swap3A_380], %broadcast_in_dim3A_378 {strides = array<i32>} : memref<256x128xf32, #tpu.memory_space<vmem>>, vector<256x128xf32>,
      %get3A_382 = arith.constant 0 : index
      %get3A_383 = arith.constant 0 : index
      %get3A_384 = vector.load %arg21[%get3A_382, %get3A_383] : memref<64x32xf32, #tpu.memory_space<vmem>>, vector<64x32xf32>
      %swap3A_385 = arith.constant 0 : index
      %swap3A_386 = arith.constant 0 : index
      %swap3A_387 = vector.load %arg36[%swap3A_385, %swap3A_386] : memref<256x128xf32, #tpu.memory_space<vmem>>, vector<64x32xf32>
      tpu.vector_store %arg36[%swap3A_385, %swap3A_386], %get3A_384 {strides = array<i32>} : memref<256x128xf32, #tpu.memory_space<vmem>>, vector<64x32xf32>,
      %get3A_388 = arith.constant 0 : index
      %get3A_389 = arith.constant 0 : index
      %get3A_390 = vector.load %arg21[%get3A_388, %get3A_389] : memref<64x32xf32, #tpu.memory_space<vmem>>, vector<64x32xf32>
      %swap3A_391 = arith.constant 64 : index
      %swap3A_392 = arith.constant 32 : index
      %swap3A_393 = vector.load %arg36[%swap3A_391, %swap3A_392] : memref<256x128xf32, #tpu.memory_space<vmem>>, vector<64x32xf32>
      tpu.vector_store %arg36[%swap3A_391, %swap3A_392], %get3A_390 {strides = array<i32>} : memref<256x128xf32, #tpu.memory_space<vmem>>, vector<64x32xf32>,
      %get3A_394 = arith.constant 0 : index
      %get3A_395 = arith.constant 0 : index
      %get3A_396 = vector.load %arg21[%get3A_394, %get3A_395] : memref<64x32xf32, #tpu.memory_space<vmem>>, vector<64x32xf32>
      %swap3A_397 = arith.constant 128 : index
      %swap3A_398 = arith.constant 64 : index
      %swap3A_399 = vector.load %arg36[%swap3A_397, %swap3A_398] : memref<256x128xf32, #tpu.memory_space<vmem>>, vector<64x32xf32>
      tpu.vector_store %arg36[%swap3A_397, %swap3A_398], %get3A_396 {strides = array<i32>} : memref<256x128xf32, #tpu.memory_space<vmem>>, vector<64x32xf32>,
      %get3A_400 = arith.constant 0 : index
      %get3A_401 = arith.constant 0 : index
      %get3A_402 = vector.load %arg21[%get3A_400, %get3A_401] : memref<64x32xf32, #tpu.memory_space<vmem>>, vector<64x32xf32>
      %swap3A_403 = arith.constant 192 : index
      %swap3A_404 = arith.constant 96 : index
      %swap3A_405 = vector.load %arg36[%swap3A_403, %swap3A_404] : memref<256x128xf32, #tpu.memory_space<vmem>>, vector<64x32xf32>
      tpu.vector_store %arg36[%swap3A_403, %swap3A_404], %get3A_402 {strides = array<i32>} : memref<256x128xf32, #tpu.memory_space<vmem>>, vector<64x32xf32>,
      %broadcast_in_dim3A_406 = arith.constant 0.000000e+00 : f32
      %broadcast_in_dim3A_407 = vector.broadcast %broadcast_in_dim3A_406 : f32 to vector<256x128xf32>
      %swap3A_408 = arith.constant 0 : index
      %swap3A_409 = arith.constant 0 : index
      %swap3A_410 = vector.load %arg37[%swap3A_408, %swap3A_409] : memref<256x128xf32, #tpu.memory_space<vmem>>, vector<256x128xf32>
      tpu.vector_store %arg37[%swap3A_408, %swap3A_409], %broadcast_in_dim3A_407 {strides = array<i32>} : memref<256x128xf32, #tpu.memory_space<vmem>>, vector<256x128xf32>,
      %get3A_411 = arith.constant 0 : index
      %get3A_412 = arith.constant 0 : index
      %get3A_413 = vector.load %arg25[%get3A_411, %get3A_412] : memref<64x32xf32, #tpu.memory_space<vmem>>, vector<64x32xf32>
      %swap3A_414 = arith.constant 0 : index
      %swap3A_415 = arith.constant 0 : index
      %swap3A_416 = vector.load %arg37[%swap3A_414, %swap3A_415] : memref<256x128xf32, #tpu.memory_space<vmem>>, vector<64x32xf32>
      tpu.vector_store %arg37[%swap3A_414, %swap3A_415], %get3A_413 {strides = array<i32>} : memref<256x128xf32, #tpu.memory_space<vmem>>, vector<64x32xf32>,
      %get3A_417 = arith.constant 0 : index
      %get3A_418 = arith.constant 0 : index
      %get3A_419 = vector.load %arg25[%get3A_417, %get3A_418] : memref<64x32xf32, #tpu.memory_space<vmem>>, vector<64x32xf32>
      %swap3A_420 = arith.constant 64 : index
      %swap3A_421 = arith.constant 32 : index
      %swap3A_422 = vector.load %arg37[%swap3A_420, %swap3A_421] : memref<256x128xf32, #tpu.memory_space<vmem>>, vector<64x32xf32>
      tpu.vector_store %arg37[%swap3A_420, %swap3A_421], %get3A_419 {strides = array<i32>} : memref<256x128xf32, #tpu.memory_space<vmem>>, vector<64x32xf32>,
      %get3A_423 = arith.constant 0 : index
      %get3A_424 = arith.constant 0 : index
      %get3A_425 = vector.load %arg25[%get3A_423, %get3A_424] : memref<64x32xf32, #tpu.memory_space<vmem>>, vector<64x32xf32>
      %swap3A_426 = arith.constant 128 : index
      %swap3A_427 = arith.constant 64 : index
      %swap3A_428 = vector.load %arg37[%swap3A_426, %swap3A_427] : memref<256x128xf32, #tpu.memory_space<vmem>>, vector<64x32xf32>
      tpu.vector_store %arg37[%swap3A_426, %swap3A_427], %get3A_425 {strides = array<i32>} : memref<256x128xf32, #tpu.memory_space<vmem>>, vector<64x32xf32>,
      %get3A_429 = arith.constant 0 : index
      %get3A_430 = arith.constant 0 : index
      %get3A_431 = vector.load %arg25[%get3A_429, %get3A_430] : memref<64x32xf32, #tpu.memory_space<vmem>>, vector<64x32xf32>
      %swap3A_432 = arith.constant 192 : index
      %swap3A_433 = arith.constant 96 : index
      %swap3A_434 = vector.load %arg37[%swap3A_432, %swap3A_433] : memref<256x128xf32, #tpu.memory_space<vmem>>, vector<64x32xf32>
      tpu.vector_store %arg37[%swap3A_432, %swap3A_433], %get3A_431 {strides = array<i32>} : memref<256x128xf32, #tpu.memory_space<vmem>>, vector<64x32xf32>,
    } else {
    }
    %get3A = arith.constant 0 : index
    %get3A_2 = arith.constant 0 : index
    %get3A_3 = vector.load %arg3[%get3A, %get3A_2] : memref<1024x128xf32, #tpu.memory_space<vmem>>, vector<1024x128xf32>
    %get3A_4 = arith.constant 0 : index
    %get3A_5 = arith.constant 0 : index
    %get3A_6 = vector.load %arg4[%get3A_4, %get3A_5] : memref<1024x128xf32, #tpu.memory_space<vmem>>, vector<1024x128xf32>
    %get3A_7 = arith.constant 0 : index
    %get3A_8 = arith.constant 0 : index
    %get3A_9 = vector.load %arg7[%get3A_7, %get3A_8] : memref<1024x128xf32, #tpu.memory_space<vmem>>, vector<1024x128xf32>
    %mul3A = arith.mulf %get3A_9, %get3A_3 : vector<1024x128xf32>
    %get3A_10 = arith.constant 0 : index
    %get3A_11 = arith.constant 0 : index
    %get3A_12 = vector.load %arg8[%get3A_10, %get3A_11] : memref<1024x128xf32, #tpu.memory_space<vmem>>, vector<1024x128xf32>
    %sub3A = arith.constant 1.000000e+00 : f32
    %sub3A_13 = vector.broadcast %sub3A : f32 to vector<1024x128xf32>
    %sub3A_14 = arith.subf %sub3A_13, %get3A_12 : vector<1024x128xf32>
    %mul3A_15 = arith.mulf %sub3A_14, %get3A_6 : vector<1024x128xf32>
    %add3A = arith.addf %mul3A, %mul3A_15 : vector<1024x128xf32>
    %get3A_16 = arith.constant 0 : index
    %get3A_17 = arith.constant 0 : index
    %get3A_18 = vector.load %arg9[%get3A_16, %get3A_17] : memref<1024x128xf32, #tpu.memory_space<vmem>>, vector<1024x128xf32>
    %mul3A_19 = arith.mulf %get3A_18, %get3A_3 : vector<1024x128xf32>
    %get3A_20 = arith.constant 0 : index
    %get3A_21 = arith.constant 0 : index
    %get3A_22 = vector.load %arg10[%get3A_20, %get3A_21] : memref<1024x128xf32, #tpu.memory_space<vmem>>, vector<1024x128xf32>
    %sub3A_23 = arith.constant 1.000000e+00 : f32
    %sub3A_24 = vector.broadcast %sub3A_23 : f32 to vector<1024x128xf32>
    %sub3A_25 = arith.subf %sub3A_24, %get3A_22 : vector<1024x128xf32>
    %mul3A_26 = arith.mulf %sub3A_25, %get3A_6 : vector<1024x128xf32>
    %add3A_27 = arith.addf %mul3A_19, %mul3A_26 : vector<1024x128xf32>
    %get3A_28 = arith.constant 0 : index
    %get3A_29 = arith.constant 0 : index
    %get3A_30 = vector.load %arg5[%get3A_28, %get3A_29] : memref<1024x128xf32, #tpu.memory_space<vmem>>, vector<1024x128xf32>
    %get3A_31 = arith.constant 0 : index
    %get3A_32 = arith.constant 0 : index
    %get3A_33 = vector.load %arg6[%get3A_31, %get3A_32] : memref<1024x128xf32, #tpu.memory_space<vmem>>, vector<1024x128xf32>
    %get3A_34 = arith.constant 0 : index
    %get3A_35 = arith.constant 0 : index
    %get3A_36 = vector.load %arg12[%get3A_34, %get3A_35] : memref<1x64xf32, #tpu.memory_space<vmem>>, vector<1x64xf32>
    %concatenate3A = tpu.concatenate %get3A_36, %get3A_36, %get3A_36, %get3A_36 in 1 : vector<1x64xf32>, vector<1x64xf32>, vector<1x64xf32>, vector<1x64xf32> -> vector<1x256xf32>
    %get3A_37 = arith.constant 0 : index
    %get3A_38 = arith.constant 0 : index
    %get3A_39 = vector.load %arg14[%get3A_37, %get3A_38] : memref<1x32xf32, #tpu.memory_space<vmem>>, vector<1x32xf32>
    %concatenate3A_40 = tpu.concatenate %get3A_39, %get3A_39, %get3A_39, %get3A_39 in 1 : vector<1x32xf32>, vector<1x32xf32>, vector<1x32xf32>, vector<1x32xf32> -> vector<1x128xf32>
    %get3A_41 = arith.constant 0 : index
    %get3A_42 = arith.constant 0 : index
    %get3A_43 = vector.load %arg30[%get3A_41, %get3A_42] : memref<128x256xf32, #tpu.memory_space<vmem>>, vector<128x256xf32>
    %dot_general3A = arith.constant dense<0.000000e+00> : vector<1024x256xf32>
    %dot_general3A_44 = tpu.matmul %add3A, %get3A_43, %dot_general3A {dimension_numbers = #tpu.dot_dimension_numbers<[1], [0], [0], [1], [0, 0, 1, 1], [], []>, transpose_lhs_hint = false} : vector<1024x128xf32>, vector<128x256xf32>, vector<1024x256xf32> -> vector<1024x256xf32>
    %add3A_45 = vector.broadcast %concatenate3A : vector<1x256xf32> to vector<1024x256xf32>
    %add3A_46 = arith.addf %dot_general3A_44, %add3A_45 : vector<1024x256xf32>
    %max3A = arith.constant 0.000000e+00 : f32
    %max3A_47 = vector.broadcast %max3A : f32 to vector<1024x256xf32>
    %max3A_48 = arith.maximumf %add3A_46, %max3A_47 : vector<1024x256xf32>
    %get3A_49 = arith.constant 0 : index
    %get3A_50 = arith.constant 0 : index
    %get3A_51 = vector.load %arg34[%get3A_49, %get3A_50] : memref<256x128xf32, #tpu.memory_space<vmem>>, vector<256x128xf32>
    %dot_general3A_52 = arith.constant dense<0.000000e+00> : vector<1024x128xf32>
    %dot_general3A_53 = tpu.matmul %max3A_48, %get3A_51, %dot_general3A_52 {dimension_numbers = #tpu.dot_dimension_numbers<[1], [0], [0], [1], [0, 0, 1, 1], [], []>, transpose_lhs_hint = false} : vector<1024x256xf32>, vector<256x128xf32>, vector<1024x128xf32> -> vector<1024x128xf32>
    %add3A_54 = vector.broadcast %concatenate3A_40 : vector<1x128xf32> to vector<1024x128xf32>
    %add3A_55 = arith.addf %dot_general3A_53, %add3A_54 : vector<1024x128xf32>
    %max3A_56 = arith.constant 0.000000e+00 : f32
    %max3A_57 = vector.broadcast %max3A_56 : f32 to vector<1024x128xf32>
    %max3A_58 = arith.maximumf %add3A_55, %max3A_57 : vector<1024x128xf32>
    %get3A_59 = arith.constant 0 : index
    %get3A_60 = arith.constant 0 : index
    %get3A_61 = vector.load %arg16[%get3A_59, %get3A_60] : memref<1x64xf32, #tpu.memory_space<vmem>>, vector<1x64xf32>
    %concatenate3A_62 = tpu.concatenate %get3A_61, %get3A_61, %get3A_61, %get3A_61 in 1 : vector<1x64xf32>, vector<1x64xf32>, vector<1x64xf32>, vector<1x64xf32> -> vector<1x256xf32>
    %get3A_63 = arith.constant 0 : index
    %get3A_64 = arith.constant 0 : index
    %get3A_65 = vector.load %arg18[%get3A_63, %get3A_64] : memref<1x32xf32, #tpu.memory_space<vmem>>, vector<1x32xf32>
    %concatenate3A_66 = tpu.concatenate %get3A_65, %get3A_65, %get3A_65, %get3A_65 in 1 : vector<1x32xf32>, vector<1x32xf32>, vector<1x32xf32>, vector<1x32xf32> -> vector<1x128xf32>
    %get3A_67 = arith.constant 0 : index
    %get3A_68 = arith.constant 0 : index
    %get3A_69 = vector.load %arg31[%get3A_67, %get3A_68] : memref<128x256xf32, #tpu.memory_space<vmem>>, vector<128x256xf32>
    %dot_general3A_70 = arith.constant dense<0.000000e+00> : vector<1024x256xf32>
    %dot_general3A_71 = tpu.matmul %add3A_27, %get3A_69, %dot_general3A_70 {dimension_numbers = #tpu.dot_dimension_numbers<[1], [0], [0], [1], [0, 0, 1, 1], [], []>, transpose_lhs_hint = false} : vector<1024x128xf32>, vector<128x256xf32>, vector<1024x256xf32> -> vector<1024x256xf32>
    %add3A_72 = vector.broadcast %concatenate3A_62 : vector<1x256xf32> to vector<1024x256xf32>
    %add3A_73 = arith.addf %dot_general3A_71, %add3A_72 : vector<1024x256xf32>
    %max3A_74 = arith.constant 0.000000e+00 : f32
    %max3A_75 = vector.broadcast %max3A_74 : f32 to vector<1024x256xf32>
    %max3A_76 = arith.maximumf %add3A_73, %max3A_75 : vector<1024x256xf32>
    %get3A_77 = arith.constant 0 : index
    %get3A_78 = arith.constant 0 : index
    %get3A_79 = vector.load %arg35[%get3A_77, %get3A_78] : memref<256x128xf32, #tpu.memory_space<vmem>>, vector<256x128xf32>
    %dot_general3A_80 = arith.constant dense<0.000000e+00> : vector<1024x128xf32>
    %dot_general3A_81 = tpu.matmul %max3A_76, %get3A_79, %dot_general3A_80 {dimension_numbers = #tpu.dot_dimension_numbers<[1], [0], [0], [1], [0, 0, 1, 1], [], []>, transpose_lhs_hint = false} : vector<1024x256xf32>, vector<256x128xf32>, vector<1024x128xf32> -> vector<1024x128xf32>
    %add3A_82 = vector.broadcast %concatenate3A_66 : vector<1x128xf32> to vector<1024x128xf32>
    %add3A_83 = arith.addf %dot_general3A_81, %add3A_82 : vector<1024x128xf32>
    %max3A_84 = arith.constant 0.000000e+00 : f32
    %max3A_85 = vector.broadcast %max3A_84 : f32 to vector<1024x128xf32>
    %max3A_86 = arith.maximumf %add3A_83, %max3A_85 : vector<1024x128xf32>
    %get3A_87 = arith.constant 0 : index
    %get3A_88 = arith.constant 0 : index
    %get3A_89 = vector.load %arg20[%get3A_87, %get3A_88] : memref<1x64xf32, #tpu.memory_space<vmem>>, vector<1x64xf32>
    %concatenate3A_90 = tpu.concatenate %get3A_89, %get3A_89, %get3A_89, %get3A_89 in 1 : vector<1x64xf32>, vector<1x64xf32>, vector<1x64xf32>, vector<1x64xf32> -> vector<1x256xf32>
    %get3A_91 = arith.constant 0 : index
    %get3A_92 = arith.constant 0 : index
    %get3A_93 = vector.load %arg22[%get3A_91, %get3A_92] : memref<1x32xf32, #tpu.memory_space<vmem>>, vector<1x32xf32>
    %concatenate3A_94 = tpu.concatenate %get3A_93, %get3A_93, %get3A_93, %get3A_93 in 1 : vector<1x32xf32>, vector<1x32xf32>, vector<1x32xf32>, vector<1x32xf32> -> vector<1x128xf32>
    %get3A_95 = arith.constant 0 : index
    %get3A_96 = arith.constant 0 : index
    %get3A_97 = vector.load %arg32[%get3A_95, %get3A_96] : memref<128x256xf32, #tpu.memory_space<vmem>>, vector<128x256xf32>
    %dot_general3A_98 = arith.constant dense<0.000000e+00> : vector<1024x256xf32>
    %dot_general3A_99 = tpu.matmul %get3A_30, %get3A_97, %dot_general3A_98 {dimension_numbers = #tpu.dot_dimension_numbers<[1], [0], [0], [1], [0, 0, 1, 1], [], []>, transpose_lhs_hint = false} : vector<1024x128xf32>, vector<128x256xf32>, vector<1024x256xf32> -> vector<1024x256xf32>
    %add3A_100 = vector.broadcast %concatenate3A_90 : vector<1x256xf32> to vector<1024x256xf32>
    %add3A_101 = arith.addf %dot_general3A_99, %add3A_100 : vector<1024x256xf32>
    %max3A_102 = arith.constant 0.000000e+00 : f32
    %max3A_103 = vector.broadcast %max3A_102 : f32 to vector<1024x256xf32>
    %max3A_104 = arith.maximumf %add3A_101, %max3A_103 : vector<1024x256xf32>
    %get3A_105 = arith.constant 0 : index
    %get3A_106 = arith.constant 0 : index
    %get3A_107 = vector.load %arg36[%get3A_105, %get3A_106] : memref<256x128xf32, #tpu.memory_space<vmem>>, vector<256x128xf32>
    %dot_general3A_108 = arith.constant dense<0.000000e+00> : vector<1024x128xf32>
    %dot_general3A_109 = tpu.matmul %max3A_104, %get3A_107, %dot_general3A_108 {dimension_numbers = #tpu.dot_dimension_numbers<[1], [0], [0], [1], [0, 0, 1, 1], [], []>, transpose_lhs_hint = false} : vector<1024x256xf32>, vector<256x128xf32>, vector<1024x128xf32> -> vector<1024x128xf32>
    %add3A_110 = vector.broadcast %concatenate3A_94 : vector<1x128xf32> to vector<1024x128xf32>
    %add3A_111 = arith.addf %dot_general3A_109, %add3A_110 : vector<1024x128xf32>
    %max3A_112 = arith.constant 0.000000e+00 : f32
    %max3A_113 = vector.broadcast %max3A_112 : f32 to vector<1024x128xf32>
    %max3A_114 = arith.maximumf %add3A_111, %max3A_113 : vector<1024x128xf32>
    %get3A_115 = arith.constant 0 : index
    %get3A_116 = arith.constant 0 : index
    %get3A_117 = vector.load %arg24[%get3A_115, %get3A_116] : memref<1x64xf32, #tpu.memory_space<vmem>>, vector<1x64xf32>
    %concatenate3A_118 = tpu.concatenate %get3A_117, %get3A_117, %get3A_117, %get3A_117 in 1 : vector<1x64xf32>, vector<1x64xf32>, vector<1x64xf32>, vector<1x64xf32> -> vector<1x256xf32>
    %get3A_119 = arith.constant 0 : index
    %get3A_120 = arith.constant 0 : index
    %get3A_121 = vector.load %arg26[%get3A_119, %get3A_120] : memref<1x32xf32, #tpu.memory_space<vmem>>, vector<1x32xf32>
    %concatenate3A_122 = tpu.concatenate %get3A_121, %get3A_121, %get3A_121, %get3A_121 in 1 : vector<1x32xf32>, vector<1x32xf32>, vector<1x32xf32>, vector<1x32xf32> -> vector<1x128xf32>
    %get3A_123 = arith.constant 0 : index
    %get3A_124 = arith.constant 0 : index
    %get3A_125 = vector.load %arg33[%get3A_123, %get3A_124] : memref<128x256xf32, #tpu.memory_space<vmem>>, vector<128x256xf32>
    %dot_general3A_126 = arith.constant dense<0.000000e+00> : vector<1024x256xf32>
    %dot_general3A_127 = tpu.matmul %get3A_33, %get3A_125, %dot_general3A_126 {dimension_numbers = #tpu.dot_dimension_numbers<[1], [0], [0], [1], [0, 0, 1, 1], [], []>, transpose_lhs_hint = false} : vector<1024x128xf32>, vector<128x256xf32>, vector<1024x256xf32> -> vector<1024x256xf32>
    %add3A_128 = vector.broadcast %concatenate3A_118 : vector<1x256xf32> to vector<1024x256xf32>
    %add3A_129 = arith.addf %dot_general3A_127, %add3A_128 : vector<1024x256xf32>
    %max3A_130 = arith.constant 0.000000e+00 : f32
    %max3A_131 = vector.broadcast %max3A_130 : f32 to vector<1024x256xf32>
    %max3A_132 = arith.maximumf %add3A_129, %max3A_131 : vector<1024x256xf32>
    %get3A_133 = arith.constant 0 : index
    %get3A_134 = arith.constant 0 : index
    %get3A_135 = vector.load %arg37[%get3A_133, %get3A_134] : memref<256x128xf32, #tpu.memory_space<vmem>>, vector<256x128xf32>
    %dot_general3A_136 = arith.constant dense<0.000000e+00> : vector<1024x128xf32>
    %dot_general3A_137 = tpu.matmul %max3A_132, %get3A_135, %dot_general3A_136 {dimension_numbers = #tpu.dot_dimension_numbers<[1], [0], [0], [1], [0, 0, 1, 1], [], []>, transpose_lhs_hint = false} : vector<1024x256xf32>, vector<256x128xf32>, vector<1024x128xf32> -> vector<1024x128xf32>
    %add3A_138 = vector.broadcast %concatenate3A_122 : vector<1x128xf32> to vector<1024x128xf32>
    %add3A_139 = arith.addf %dot_general3A_137, %add3A_138 : vector<1024x128xf32>
    %max3A_140 = arith.constant 0.000000e+00 : f32
    %max3A_141 = vector.broadcast %max3A_140 : f32 to vector<1024x128xf32>
    %max3A_142 = arith.maximumf %add3A_139, %max3A_141 : vector<1024x128xf32>
    %mul3A_143 = arith.mulf %max3A_58, %max3A_114 : vector<1024x128xf32>
    %get3A_144 = arith.constant 0 : index
    %get3A_145 = arith.constant 0 : index
    %get3A_146 = vector.load %arg27[%get3A_144, %get3A_145] : memref<128x4xf32, #tpu.memory_space<vmem>>, vector<128x4xf32>
    %dot_general3A_147 = arith.constant dense<0.000000e+00> : vector<1024x4xf32>
    %dot_general3A_148 = tpu.matmul %mul3A_143, %get3A_146, %dot_general3A_147 {dimension_numbers = #tpu.dot_dimension_numbers<[1], [0], [0], [1], [0, 0, 1, 1], [], []>, transpose_lhs_hint = false} : vector<1024x128xf32>, vector<128x4xf32>, vector<1024x4xf32> -> vector<1024x4xf32>
    %max3A_149 = arith.constant 9.99999997E-7 : f32
    %max3A_150 = vector.broadcast %max3A_149 : f32 to vector<1024x4xf32>
    %max3A_151 = arith.maximumf %dot_general3A_148, %max3A_150 : vector<1024x4xf32>
    %mul3A_152 = arith.mulf %max3A_86, %max3A_142 : vector<1024x128xf32>
    %get3A_153 = arith.constant 0 : index
    %get3A_154 = arith.constant 0 : index
    %get3A_155 = vector.load %arg27[%get3A_153, %get3A_154] : memref<128x4xf32, #tpu.memory_space<vmem>>, vector<128x4xf32>
    %dot_general3A_156 = arith.constant dense<0.000000e+00> : vector<1024x4xf32>
    %dot_general3A_157 = tpu.matmul %mul3A_152, %get3A_155, %dot_general3A_156 {dimension_numbers = #tpu.dot_dimension_numbers<[1], [0], [0], [1], [0, 0, 1, 1], [], []>, transpose_lhs_hint = false} : vector<1024x128xf32>, vector<128x4xf32>, vector<1024x4xf32> -> vector<1024x4xf32>
    %max3A_158 = arith.constant 9.99999997E-7 : f32
    %max3A_159 = vector.broadcast %max3A_158 : f32 to vector<1024x4xf32>
    %max3A_160 = arith.maximumf %dot_general3A_157, %max3A_159 : vector<1024x4xf32>
    %get3A_161 = arith.constant 0 : index
    %get3A_162 = arith.constant 0 : index
    %get3A_163 = vector.load %arg1[%get3A_161, %get3A_162] : memref<1024x4xi32, #tpu.memory_space<vmem>>, vector<1024x4xi32>
    %convert_element_type3A_164 = arith.sitofp %get3A_163 : vector<1024x4xi32> to vector<1024x4xf32>
    %sub3A_165 = arith.subf %max3A_151, %convert_element_type3A_164 : vector<1024x4xf32>
    %get3A_166 = arith.constant 0 : index
    %get3A_167 = arith.constant 0 : index
    %get3A_168 = vector.load %arg2[%get3A_166, %get3A_167] : memref<1024x4xi32, #tpu.memory_space<vmem>>, vector<1024x4xi32>
    %convert_element_type3A_169 = arith.sitofp %get3A_168 : vector<1024x4xi32> to vector<1024x4xf32>
    %sub3A_170 = arith.subf %max3A_160, %convert_element_type3A_169 : vector<1024x4xf32>
    %mul3A_171 = arith.mulf %sub3A_165, %sub3A_165 : vector<1024x4xf32>
    %reduce_sum3A = vector.shape_cast %mul3A_171 : vector<1024x4xf32> to vector<1x1024x4xf32>
    %reduce_sum3A_172 = arith.constant dense<0.000000e+00> : vector<1xf32>
    %reduce_sum3A_173 = vector.multi_reduction <add>, %reduce_sum3A, %reduce_sum3A_172 [1, 2] : vector<1x1024x4xf32> to vector<1xf32>
    %reduce_sum3A_174 = vector.shape_cast %reduce_sum3A_173 : vector<1xf32> to vector<1x1x1xf32>
    %reduce_sum3A_175 = vector.extract %reduce_sum3A_174[0, 0, 0] : f32 from vector<1x1x1xf32>
    %mul3A_176 = arith.constant 6.10351563E-5 : f32
    %mul3A_177 = arith.mulf %reduce_sum3A_175, %mul3A_176 : f32
    %mul3A_178 = arith.mulf %sub3A_170, %sub3A_170 : vector<1024x4xf32>
    %reduce_sum3A_179 = vector.shape_cast %mul3A_178 : vector<1024x4xf32> to vector<1x1024x4xf32>
    %reduce_sum3A_180 = arith.constant dense<0.000000e+00> : vector<1xf32>
    %reduce_sum3A_181 = vector.multi_reduction <add>, %reduce_sum3A_179, %reduce_sum3A_180 [1, 2] : vector<1x1024x4xf32> to vector<1xf32>
    %reduce_sum3A_182 = vector.shape_cast %reduce_sum3A_181 : vector<1xf32> to vector<1x1x1xf32>
    %reduce_sum3A_183 = vector.extract %reduce_sum3A_182[0, 0, 0] : f32 from vector<1x1x1xf32>
    %mul3A_184 = arith.constant 6.10351563E-5 : f32
    %mul3A_185 = arith.mulf %reduce_sum3A_183, %mul3A_184 : f32
    %eq3A_186 = arith.constant 0 : i32
    %eq3A_187 = arith.cmpi eq, %arg0, %eq3A_186 : i32
    %convert_element_type3A_188 = arith.extui %eq3A_187 : i1 to i32
    %cond3A_189 = arith.constant 0 : i32
    %cond3A_190 = arith.cmpi ne, %convert_element_type3A_188, %cond3A_189 : i32
    scf.if %cond3A_190 {
      %swap3A_204 = arith.constant 0.000000e+00 : f32
      %swap3A_205 = arith.constant 0 : index
      %swap3A_206 = arith.constant 0 : index
      %swap3A_207 = memref.load %arg28[%swap3A_205, %swap3A_206] : memref<1x1xf32, #tpu.memory_space<smem>>
      memref.store %swap3A_204, %arg28[%swap3A_205, %swap3A_206] : memref<1x1xf32, #tpu.memory_space<smem>>
      %swap3A_208 = arith.constant 0.000000e+00 : f32
      %swap3A_209 = arith.constant 0 : index
      %swap3A_210 = arith.constant 0 : index
      %swap3A_211 = memref.load %arg29[%swap3A_209, %swap3A_210] : memref<1x1xf32, #tpu.memory_space<smem>>
      memref.store %swap3A_208, %arg29[%swap3A_209, %swap3A_210] : memref<1x1xf32, #tpu.memory_space<smem>>
    } else {
    }
    %get3A_191 = arith.constant 0 : index
    %get3A_192 = arith.constant 0 : index
    %get3A_193 = memref.load %arg28[%get3A_191, %get3A_192] : memref<1x1xf32, #tpu.memory_space<smem>>
    %add3A_194 = arith.addf %get3A_193, %mul3A_177 : f32
    %swap3A = arith.constant 0 : index
    %swap3A_195 = arith.constant 0 : index
    %swap3A_196 = memref.load %arg28[%swap3A, %swap3A_195] : memref<1x1xf32, #tpu.memory_space<smem>>
    memref.store %add3A_194, %arg28[%swap3A, %swap3A_195] : memref<1x1xf32, #tpu.memory_space<smem>>
    %get3A_197 = arith.constant 0 : index
    %get3A_198 = arith.constant 0 : index
    %get3A_199 = memref.load %arg29[%get3A_197, %get3A_198] : memref<1x1xf32, #tpu.memory_space<smem>>
    %add3A_200 = arith.addf %get3A_199, %mul3A_185 : f32
    %swap3A_201 = arith.constant 0 : index
    %swap3A_202 = arith.constant 0 : index
    %swap3A_203 = memref.load %arg29[%swap3A_201, %swap3A_202] : memref<1x1xf32, #tpu.memory_space<smem>>
    memref.store %add3A_200, %arg29[%swap3A_201, %swap3A_202] : memref<1x1xf32, #tpu.memory_space<smem>>
    return
  }
  func.func @transform_0(%arg0: i32) -> (i32, i32) {
    %c0_i32 = arith.constant 0 : i32
    %c0_i32_0 = arith.constant 0 : i32
    return %arg0, %c0_i32 : i32, i32
  }
  func.func @transform_1(%arg0: i32) -> (i32, i32) {
    %c0_i32 = arith.constant 0 : i32
    %c0_i32_0 = arith.constant 0 : i32
    return %arg0, %c0_i32 : i32, i32
  }
  func.func @transform_2(%arg0: i32) -> (i32, i32) {
    %c0_i32 = arith.constant 0 : i32
    %c0_i32_0 = arith.constant 0 : i32
    return %arg0, %c0_i32 : i32, i32
  }
  func.func @transform_3(%arg0: i32) -> (i32, i32) {
    %c0_i32 = arith.constant 0 : i32
    %c0_i32_0 = arith.constant 0 : i32
    return %arg0, %c0_i32 : i32, i32
  }
  func.func @transform_4(%arg0: i32) -> (i32, i32) {
    %c0_i32 = arith.constant 0 : i32
    %c0_i32_0 = arith.constant 0 : i32
    return %arg0, %c0_i32 : i32, i32
  }
  func.func @transform_5(%arg0: i32) -> (i32, i32) {
    %c0_i32 = arith.constant 0 : i32
    %c0_i32_0 = arith.constant 0 : i32
    return %arg0, %c0_i32 : i32, i32
  }
  func.func @transform_6(%arg0: i32) -> (i32, i32) {
    %c0_i32 = arith.constant 0 : i32
    %c0_i32_0 = arith.constant 0 : i32
    return %arg0, %c0_i32 : i32, i32
  }
  func.func @transform_7(%arg0: i32) -> (i32, i32) {
    %c0_i32 = arith.constant 0 : i32
    %c0_i32_0 = arith.constant 0 : i32
    return %arg0, %c0_i32 : i32, i32
  }
  func.func @transform_8(%arg0: i32) -> (i32, i32) {
    %c0_i32 = arith.constant 0 : i32
    %c0_i32_0 = arith.constant 0 : i32
    return %arg0, %c0_i32 : i32, i32
  }
  func.func @transform_9(%arg0: i32) -> (i32, i32) {
    %c0_i32 = arith.constant 0 : i32
    %c0_i32_0 = arith.constant 0 : i32
    return %arg0, %c0_i32 : i32, i32
  }
  func.func @transform_10(%arg0: i32) -> (i32, i32) {
    %c0_i32 = arith.constant 0 : i32
    %c0_i32_0 = arith.constant 0 : i32
    %c0_i32_1 = arith.constant 0 : i32
    return %c0_i32, %c0_i32_0 : i32, i32
  }
  func.func @transform_11(%arg0: i32) -> (i32, i32) {
    %c0_i32 = arith.constant 0 : i32
    %c0_i32_0 = arith.constant 0 : i32
    %c0_i32_1 = arith.constant 0 : i32
    return %c0_i32, %c0_i32_0 : i32, i32
  }
  func.func @transform_12(%arg0: i32) -> (i32, i32) {
    %c0_i32 = arith.constant 0 : i32
    %c0_i32_0 = arith.constant 0 : i32
    %c0_i32_1 = arith.constant 0 : i32
    return %c0_i32, %c0_i32_0 : i32, i32
  }
  func.func @transform_13(%arg0: i32) -> (i32, i32) {
    %c0_i32 = arith.constant 0 : i32
    %c0_i32_0 = arith.constant 0 : i32
    %c0_i32_1 = arith.constant 0 : i32
    return %c0_i32, %c0_i32_0 : i32, i32
  }
  func.func @transform_14(%arg0: i32) -> (i32, i32) {
    %c0_i32 = arith.constant 0 : i32
    %c0_i32_0 = arith.constant 0 : i32
    %c0_i32_1 = arith.constant 0 : i32
    return %c0_i32, %c0_i32_0 : i32, i32
  }
  func.func @transform_15(%arg0: i32) -> (i32, i32) {
    %c0_i32 = arith.constant 0 : i32
    %c0_i32_0 = arith.constant 0 : i32
    %c0_i32_1 = arith.constant 0 : i32
    return %c0_i32, %c0_i32_0 : i32, i32
  }
  func.func @transform_16(%arg0: i32) -> (i32, i32) {
    %c0_i32 = arith.constant 0 : i32
    %c0_i32_0 = arith.constant 0 : i32
    %c0_i32_1 = arith.constant 0 : i32
    return %c0_i32, %c0_i32_0 : i32, i32
  }
  func.func @transform_17(%arg0: i32) -> (i32, i32) {
    %c0_i32 = arith.constant 0 : i32
    %c0_i32_0 = arith.constant 0 : i32
    %c0_i32_1 = arith.constant 0 : i32
    return %c0_i32, %c0_i32_0 : i32, i32
  }
  func.func @transform_18(%arg0: i32) -> (i32, i32) {
    %c0_i32 = arith.constant 0 : i32
    %c0_i32_0 = arith.constant 0 : i32
    %c0_i32_1 = arith.constant 0 : i32
    return %c0_i32, %c0_i32_0 : i32, i32
  }
  func.func @transform_19(%arg0: i32) -> (i32, i32) {
    %c0_i32 = arith.constant 0 : i32
    %c0_i32_0 = arith.constant 0 : i32
    %c0_i32_1 = arith.constant 0 : i32
    return %c0_i32, %c0_i32_0 : i32, i32
  }
  func.func @transform_20(%arg0: i32) -> (i32, i32) {
    %c0_i32 = arith.constant 0 : i32
    %c0_i32_0 = arith.constant 0 : i32
    %c0_i32_1 = arith.constant 0 : i32
    return %c0_i32, %c0_i32_0 : i32, i32
  }
  func.func @transform_21(%arg0: i32) -> (i32, i32) {
    %c0_i32 = arith.constant 0 : i32
    %c0_i32_0 = arith.constant 0 : i32
    %c0_i32_1 = arith.constant 0 : i32
    return %c0_i32, %c0_i32_0 : i32, i32
  }
  func.func @transform_22(%arg0: i32) -> (i32, i32) {
    %c0_i32 = arith.constant 0 : i32
    %c0_i32_0 = arith.constant 0 : i32
    %c0_i32_1 = arith.constant 0 : i32
    return %c0_i32, %c0_i32_0 : i32, i32
  }
  func.func @transform_23(%arg0: i32) -> (i32, i32) {
    %c0_i32 = arith.constant 0 : i32
    %c0_i32_0 = arith.constant 0 : i32
    %c0_i32_1 = arith.constant 0 : i32
    return %c0_i32, %c0_i32_0 : i32, i32
  }
  func.func @transform_24(%arg0: i32) -> (i32, i32) {
    %c0_i32 = arith.constant 0 : i32
    %c0_i32_0 = arith.constant 0 : i32
    %c0_i32_1 = arith.constant 0 : i32
    return %c0_i32, %c0_i32_0 : i32, i32
  }
  func.func @transform_25(%arg0: i32) -> (i32, i32) {
    %c0_i32 = arith.constant 0 : i32
    %c0_i32_0 = arith.constant 0 : i32
    %c0_i32_1 = arith.constant 0 : i32
    return %c0_i32, %c0_i32_0 : i32, i32
  }
  func.func @transform_26(%arg0: i32) -> (i32, i32) {
    %c0_i32 = arith.constant 0 : i32
    %c0_i32_0 = arith.constant 0 : i32
    %c0_i32_1 = arith.constant 0 : i32
    return %c0_i32, %c0_i32_0 : i32, i32
  }
  func.func @transform_27(%arg0: i32) -> (i32, i32) {
    %c0_i32 = arith.constant 0 : i32
    %c0_i32_0 = arith.constant 0 : i32
    %c0_i32_1 = arith.constant 0 : i32
    return %c0_i32, %c0_i32_0 : i32, i32
  }
  func.func @transform_28(%arg0: i32) -> (i32, i32) {
    %c0_i32 = arith.constant 0 : i32
    %c0_i32_0 = arith.constant 0 : i32
    %c0_i32_1 = arith.constant 0 : i32
    return %c0_i32, %c0_i32_0 : i32, i32
  }
}

</mosaic_0001>

<sc_bundles>
// kernel: kernel.12.cloned.1.call-start
scs
__scs_entry_jumppad:
0x0: {  	(pc) =	sbr.rel $0x88, $3  }
0x1: {  	(tag) =	ssettag $0x0;
	lr =	simm.s32 $0x1  }
0x2: {  	[smem:$0x3F85] =	sst lr;
	_ =	strace $0xD0000000  }
0x3: {  	_ = 	snop  }
0x4: {  	_ = 	snop  }
0x5: {  	_ = 	snop  }
0x6: {  	_ = 	snop  }
0x7: {  	_ = 	snop  }
__scs_overlays_trampoline_lowered:
0x8: {  	[smem:$0x3F94] =	sst s0  }
0x9: {  	[smem:$0x3F95] =	sst s1  }
0xa: {  	[smem:$0x3F96] =	sst s2  }
0xb: {  	[smem:$0x3F97] =	sst s3  }
0xc: {  	[smem:$0x3F98] =	sst s4  }
0xd: {  	[smem:$0x3F99] =	sst s5  }
0xe: {  	[smem:$0x3F9A] =	sst s6  }
0xf: {  	[smem:$0x3F9B] =	sst s7  }
0x10: {  	[smem:$0x3F9C] =	sst s8  }
0x11: {  	[smem:$0x3F9D] =	sst s9;
	s0 =	simm.s32 @!p0 $0x0  }
0x12: {  	s1 =	sld [smem:$0x3F83];
	s0 =	simm.s32 @p0 $0x1  }
0x13: {  	[smem:$0x3F9E] =	sst s0;
	s0 =	simm.s32 @!p1 $0x0  }
0x14: {  	s2 =	sld [smem:$0x3F82];
	s0 =	simm.s32 @p1 $0x1  }
0x15: {  	[smem:$0x3F9F] =	sst s0;
	s0 =	simm.s32 @!p2 $0x0  }
0x16: {  	s3 =	sld [smem:$0x3FDB];
	s0 =	simm.s32 @p2 $0x1  }
0x17: {  	s4 =	simm.s32 $0x1BF5;
	[smem:$0x3FA1] =	sst s0  }
0x18: {  	s0 =	sld [smem:$0x3F84];
	_ =	swait.ge [sflag:s4], $0x0  }
0x19: {  	s7 =	sld [smem:$0x3F85]  }
0x1a: {  	s8 =	sadd.s32 $0xFFFFE003, lr  }
0x1b: {  	s9 =	sadd.s32 $0xFFFFFEF7, lr;
	s5 =	simm.s32 $0xFFFFFFFF;
	p2 =	slt.u32 s8, $0xFFFFF086  }
0x1c: {  	p1 =	slt.u32 s9, $0xF7A;
	s5 =	simm.s32 @!p2 $0x0  }
0x1d: {  	s5 =	simm.s32 @p1 $0x1;
	p0 =	seq.s32 s7, s2  }
0x1e: {  	s7 =	smul.u32 @!p0 $0xF7A, s2;
	p2 =	seq.s32 @!p0 s5, $0x0  }
0x1f: {  	s9 =	smul.u32 $0xF7A, s1;
	s8 =	simm.s32 @!p0 $0x1BF5;
	p2 =	por !p2, p0  }
0x20: {  	[sflag:s8] =	ssyncset.s32 @!p0 $0xFFFFF086;
	s6 =	sadd.s32 @!p0 s3, s7;
	s7 =	simm.s32 @!p0 $0x108  }
0x21: {  	s3 =	sadd.s32 s3, s9;
	s6 =	sadd.s32 @!p0 $0x88, s6;
	s7 =	simm.s32 @p2 $0x1082  }
0x22: {  	[simem:s7], [sflag:s8] =	dma.local @!p0 [hbm:s6], $0xF7A  }
0x23: {  	s9 =	sor.u32 $0xD0000000, s2;
	s6 =	simm.s32 $0x108;
	_ =	swait.ge @!p0 [sflag:s8], $0x0  }
0x24: {  	s3 =	sadd.s32 $0x88, s3;
	s6 =	simm.s32 @!p1 $0x1082;
	[sflag:s4] =	ssyncset.s32 $0xFFFFF086  }
0x25: {  	[simem:s6], [sflag:s4] =	dma.local [hbm:s3], $0xF7A  }
0x26: {  	[smem:$0x3F85] =	sst s1;
	(tag) =	ssettag s2;
	_ =	strace s9  }
0x27: {  	s1 =	sld [smem:$0x3F95]  }
0x28: {  	s2 =	sld [smem:$0x3F96]  }
0x29: {  	s4 =	sld [smem:$0x3F98]  }
0x2a: {  	p0 =	seq.s32 s5, $0x0;
	s5 =	sld [smem:$0x3F99]  }
0x2b: {  	s6 =	sld [smem:$0x3F9A]  }
0x2c: {  	s7 =	sld [smem:$0x3F9B]  }
0x2d: {  	s3 =	simm.s32 $0x108;
	s8 =	sld [smem:$0x3F9C]  }
0x2e: {  	s3 =	simm.s32 @!p0 $0x1082;
	s9 =	sld [smem:$0x3F9D]  }
0x2f: {  	lr =	sadd.s32 s0, s3;
	s0 =	sld [smem:$0x3F94]  }
0x30: {  	s3 =	sld [smem:$0x3F97]  }
0x31: {  	[smem:$0x3FA0] =	sst s10  }
0x32: {  	s10 =	sld [smem:$0x3F9E];
	_ =	sdelay $0x3  }
0x33: {  	p0 =	seq.s32 s10, $0x1;
	s10 =	sld [smem:$0x3FA0];
	_ =	sdelay $0x3  }
0x34: {  	[smem:$0x3FA0] =	sst s10  }
0x35: {  	s10 =	sld [smem:$0x3F9F];
	_ =	sdelay $0x3  }
0x36: {  	p1 =	seq.s32 s10, $0x1;
	s10 =	sld [smem:$0x3FA0];
	_ =	sdelay $0x3  }
0x37: {  	[smem:$0x3FA0] =	sst s10  }
0x38: {  	s10 =	sld [smem:$0x3FA1]  }
0x39: {  	_ = 	snop;
	(pc) =	sbr.ind lr, $3  }
0x3a: {  	_ = 	snop  }
0x3b: {  	_ = 	snop  }
0x3c: {  	p2 =	seq.s32 s10, $0x1;
	s10 =	sld [smem:$0x3FA0]  }
0x3d: {  	_ =	shalt  }
0x3e: {  	_ =	shalt  }
0x3f: {  	_ =	shalt  }
0x40: {  	_ =	shalt  }
0x41: {  	_ =	shalt  }
0x42: {  	_ =	shalt  }
0x43: {  	_ =	shalt  }
0x44: {  	_ =	shalt  }
0x45: {  	_ =	shalt  }
0x46: {  	_ =	shalt  }
0x47: {  	_ =	shalt  }
0x48: {  	_ =	shalt  }
0x49: {  	_ =	shalt  }
0x4a: {  	_ =	shalt  }
0x4b: {  	_ =	shalt  }
0x4c: {  	_ =	shalt  }
0x4d: {  	_ =	shalt  }
0x4e: {  	_ =	shalt  }
0x4f: {  	_ =	shalt  }
0x50: {  	_ =	shalt  }
0x51: {  	_ =	shalt  }
0x52: {  	_ =	shalt  }
0x53: {  	_ =	shalt  }
0x54: {  	_ =	shalt  }
0x55: {  	_ =	shalt  }
0x56: {  	_ =	shalt  }
0x57: {  	_ =	shalt  }
0x58: {  	_ =	shalt  }
0x59: {  	_ =	shalt  }
0x5a: {  	_ =	shalt  }
0x5b: {  	_ =	shalt  }
0x5c: {  	_ =	shalt  }
0x5d: {  	_ =	shalt  }
0x5e: {  	_ =	shalt  }
0x5f: {  	_ =	shalt  }
0x60: {  	_ =	shalt  }
0x61: {  	_ =	shalt  }
0x62: {  	_ =	shalt  }
0x63: {  	_ =	shalt  }
0x64: {  	_ =	shalt  }
0x65: {  	_ =	shalt  }
0x66: {  	_ =	shalt  }
0x67: {  	_ =	shalt  }
0x68: {  	_ =	shalt  }
0x69: {  	_ =	shalt  }
0x6a: {  	_ =	shalt  }
0x6b: {  	_ =	shalt  }
0x6c: {  	_ =	shalt  }
0x6d: {  	_ =	shalt  }
0x6e: {  	_ =	shalt  }
0x6f: {  	_ =	shalt  }
0x70: {  	_ =	shalt  }
0x71: {  	_ =	shalt  }
0x72: {  	_ =	shalt  }
0x73: {  	_ =	shalt  }
0x74: {  	_ =	shalt  }
0x75: {  	_ =	shalt  }
0x76: {  	_ =	shalt  }
0x77: {  	_ =	shalt  }
0x78: {  	_ =	shalt  }
0x79: {  	_ =	shalt  }
0x7a: {  	_ =	shalt  }
0x7b: {  	_ =	shalt  }
0x7c: {  	_ =	shalt  }
0x7d: {  	_ =	shalt  }
0x7e: {  	_ =	shalt  }
0x7f: {  	_ =	shalt  }
0x80: {  	_ =	shalt  }
0x81: {  	_ =	shalt  }
0x82: {  	_ =	shalt  }
0x83: {  	_ =	shalt  }
0x84: {  	_ =	shalt  }
0x85: {  	_ =	shalt  }
0x86: {  	_ =	shalt  }
0x87: {  	_ =	shalt  }
.Lfunc_end0:
.L_simem_size_0:
called_computation.1_lowered:
.L_overlay_start_0:
0x88: {  	s2 =	sld [smem:$0x3FD9]  }
0x89: {  	s3 =	sld [smem:$0x3FFE];
	_ =	sdelay $0x1  }
0x8a: {  	s1 =	srdreg.scid  }
0x8b: {  	s0 =	sand.u32 $0x1, s1  }
0x8c: {  	s17 =	sshll.u32 s0, $0xA;
	s2 =	sadd.s32 s3, s2  }
0x8d: {  	s2 =	sadd.s32 s2, s17  }
0x8e: {  	[smem:$0x3FAC] =	sst s2  }
0x8f: {  	_ = 	snop  }
0x90: {  	s18 =	sld [smem:$0x3FC6];
	(tm) =	ssettm $0x1  }
0x91: {  	s19 =	sld [smem:$0x3FFB];
	_ =	sdelay $0x3  }
0x92: {  	_ =	strace s19  }
0x93: {  	s2 =	sld [smem:$0x3FFC];
	_ =	sdelay $0x3  }
0x94: {  	_ =	strace s2  }
0x95: {  	s2 =	sld [smem:$0x3FFD];
	_ =	sdelay $0x3  }
0x96: {  	_ =	strace s2  }
0x97: {  	_ =	strace $0x8FFFFFFF  }
0x98: {  	s20 =	sld [smem:$0x3FDB];
	_ =	sdelay $0x1  }
0x99: {  	s4 =	simm.s32 $_scs_section_size  }
0x9a: {  	s5 =	simm.s32 $_size__tile_overlayer_lowered;
	s6 =	simm.s32 $_tile_overlayer_lowered  }
0x9b: {  	s7 =	simm.s32 $0x1BFF;
	s21 =	sshll.u32 s6, $0x1;
	s4 =	sadd.s32 s4, s20  }
0x9c: {  	s22 =	simm.s32 $0x0;
	s5 =	sshll.u32 s5, $0x1;
	s6 =	sadd.s32 s21, s4  }
0x9d: {  	[timem:s22], [sflag:s7] =	dma.local [hbm:s6], s5  }
0x9e: {  	_ =	swait.ge [sflag:s7], s5  }
0x9f: {  	s5 =	ssub.s32 $0x0, s5;
	[sflag:s7] =	ssyncset.done $0x0  }
0xa0: {  	[sflag:s7] =	ssyncadd.s32 s5;
	_ =	sdelay $0x1  }
0xa1: {  	s23 =	simm.s32 $0x1B8B  }
0xa2: {  	_ =	swait.ge [sflag:s23], $0x1  }
0xa3: {  	[sflag:s23] =	ssyncset.done $0x0  }
0xa4: {  	[sflag:s23] =	ssyncadd.s32 $0xFFFFFFFF  }
0xa5: {  	s5 =	sld [smem:$0x0]  }
0xa6: {  	s6 =	sand.u32 $0xFFFFFFFE, s1  }
0xa7: {  	p0 =	sne.s32 s1, s6  }
0xa8: {  	s6 =	sshll.u32 @p0 s6, $0xE  }
0xa9: {  	s6 =	sadd.s32 @p0 $0x11B8D, s6;
	s7 =	sshll.u32 @p0 s5, $0x11  }
0xaa: {  	s6 =	sor.u32 @p0 s7, s6  }
0xab: {  	[sflag:s6] =	ssyncadd.remote.s32 @p0 $0x1;
	_ =	sdelay $0x1  }
0xac: {  	s6 =	simm.s32 @p0 $0x1B8D  }
0xad: {  	_ =	swait.eq @p0 [sflag:s6], $0x1  }
0xae: {  	[sflag:s6] =	ssyncadd.s32 @p0 $0xFFFFFFFF  }
0xaf: {  	s7 =	sshll.u32 @!p0 s1, $0xE  }
0xb0: {  	s7 =	sor.u32 @!p0 $0x4000, s7;
	s6 =	simm.s32 @!p0 $0x1B8D  }
0xb1: {  	s5 =	sshll.u32 @!p0 s5, $0x11;
	s7 =	sadd.s32 @!p0 $0x11B8D, s7;
	_ =	swait.eq @!p0 [sflag:s6], $0x1  }
0xb2: {  	s5 =	sor.u32 @!p0 s5, s7;
	[sflag:s6] =	ssyncadd.s32 @!p0 $0xFFFFFFFF  }
0xb3: {  	s25 =	simm.s32 $0x1B8E;
	s24 =	sld [smem:$0x3FFE];
	[sflag:s5] =	ssyncadd.remote.s32 @!p0 $0x1  }
0xb4: {  	s26 =	simm.s32 $execute0_lowered;
	[smem:$0x3FD2] =	sst s25  }
0xb5: {  	s6 =	sshll.u32 s26, $0x1;
	_ =	strace $0x8000004F;
	[dreg:$0x1] =	wrdreg $0xFFFFFFFF  }
0xb6: {  	s28 =	simm.s32 $_size_execute0_lowered;
	s4 =	sadd.s32 s4, s6;
	[dreg:$0x0] =	wrdreg $0x0  }
0xb7: {  	s6 =	sshll.u32 s28, $0x1;
	[dreg:$0x2] =	wrdreg s4  }
0xb8: {  	[dreg:$0x3] =	wrdreg s6  }
0xb9: {  	[dreg:$0x4] =	wrdreg $0xC0  }
0xba: {  	_ =	task [dreg:s22], $0x5FFFF  }
0xbb: {  	[dreg:$0x1] =	wrdreg $0xFFFFFFFF  }
0xbc: {  	[dreg:$0x0] =	wrdreg $0x60  }
0xbd: {  	[dreg:$0x2] =	wrdreg s18  }
0xbe: {  	[dreg:$0x3] =	wrdreg s24  }
0xbf: {  	[dreg:$0x4] =	wrdreg $0xA  }
0xc0: {  	_ =	task.clear_ibuf [dreg:s22], $0x5FFFF;
	_ =	strace $0x9000004F  }
0xc1: {  	s29 =	simm.s32 $0xA;
	_ =	strace $0x80000051  }
0xc2: {  	_ =	swait.ge [sflag:s29], $0x1  }
0xc3: {  	[sflag:s29] =	ssyncadd.s32 $0xFFFFFFFF  }
0xc4: {  	_ =	strace $0x90000051  }
0xc5: {  	_ =	sfence  }
0xc6: {  	s30 =	sld [smem:$0x0];
	_ =	sdelay $0x2  }
0xc7: {  	s31 =	sshll.u32 s1, $0xD;
	s1 =	sshrl.u32 s1, $0x2  }
0xc8: {  	s4 =	sand.u32 $0x4000, s31;
	s1 =	sadd.s32 s1, s30  }
0xc9: {  	s0 =	sor.u32 s4, s0;
	s1 =	sshll.u32 s1, $0x11  }
0xca: {  	s0 =	sor.u32 s1, s0  }
0xcb: {  	s0 =	sadd.s32 $0x8F2B, s0  }
0xcc: {  	[sflag:s0] =	ssyncadd.remote.s32 $0x1  }
0xcd: {  	_ =	sfence.sel $0xFFFF  }
0xce: {  	[dreg:$0x0] =	wrdreg $0xFFFFFFFF;
	(pc) =	sbr.abs _section_cstart, $3  }
0xcf: {  	[dreg:$0x1] =	wrdreg $0xFFFFFFFF  }
0xd0: {  	_ =	task.clear_ibuf [dreg:s22], $0x2FFFF;
	_ =	strace $0x9FFFFFFF  }
0xd1: {  	(tm) =	ssettm $0x7FFFFFFF  }
tec
execute0_lowered:
.L_overlay_start_1:
0x0: {  	(tag) =	ssettag $0x1  }
0x1: {  	s3 =	rddreg [dreg:$0x0]  }
0x2: {  	s1 =	srdreg.scid;
	s0 =	stileid.u32  }
0x3: {  	s10 =	rddreg [dreg:$0x1];
	s15 =	sand.u32 $0x1, s1;
	s4 =	sshll.u32 s0, $0x1  }
0x4: {  	s2 =	simm.s32 $0x0;
	s1 =	rddreg [dreg:$0x2];
	s11 =	sor.u32 s15, s4  }
0x5: {  	[smem:$0x7FF] =	sst s2;
	s4 =	sshll.u32 s11, $0x6  }
0x6: {  	_ =	strace $0x80000050;
	s4 =	sadd.s32 s3, s4;
	s3 =	simm.s32 $0x2  }
0x7: {  	[tilespmem:s2], [sflag:$0x2] =	stream.linear.gather [hbm4b:s4+s2], $0x200, $0x38;
	[tilespmem:$0x2200] =	vst v63  }
0x8: {  	_ =	swait.ge [sflag:s3], $0x200  }
0x9: {  	s6 =	simm.s32 $0x80;
	[sflag:s3] =	ssyncset.done $0x0  }
0xa: {  	s7 =	simm.s32 $0x200;
	s5 =	sadd.s32 $0x11DE00, s10;
	[sflag:s3] =	ssyncadd.s32 $0xFFFFFE00  }
0xb: {  	[tilespmem:s7], [sflag:$0x1] =	stream.indirect.gather [hbm4b:s5+s6], $0x20, s2, s6, $0xb8;
	[tilespmem:$0x2200] =	vst v63  }
0xc: {  	s8 =	simm.s32 $0x1200;
	s9 =	simm.s32 $0x1  }
0xd: {  	[tilespmem:s8], [sflag:$0x1] =	stream.indirect.gather [hbm4b:s5+s6], $0x20, s6, s6, $0xb8;
	[tilespmem:$0x2200] =	vst v63  }
0xe: {  	s11 =	sshll.u32 s11, $0xB;
	_ =	swait.ge [sflag:s9], $0x1000  }
0xf: {  	s16 =	sadd.s32 s11, s10;
	[sflag:s9] =	ssyncset.done $0x0  }
0x10: {  	s10 =	sadd.s32 $0x17FA00, s16;
	[sflag:s9] =	ssyncadd.s32 $0xFFFFF000  }
0x11: {  	[hbm4b:s10+s2] =	stream.linear.scatter [tilespmem:s7], [sflag:$0x2], $0x1000, $0x38;
	[tilespmem:$0x2200] =	vst v63  }
0x12: {  	_ =	swait.ge [sflag:s3], $0x1000  }
0x13: {  	[sflag:s3] =	ssyncset.done $0x0  }
0x14: {  	s11 =	simm.s32 $0x100;
	[sflag:s3] =	ssyncadd.s32 $0xFFFFF000  }
0x15: {  	[tilespmem:s7], [sflag:$0x1] =	stream.indirect.gather [hbm4b:s5+s6], $0x20, s11, s6, $0xb8;
	[tilespmem:$0x2200] =	vst v63  }
0x16: {  	_ =	swait.ge [sflag:s9], $0x1000  }
0x17: {  	[sflag:s9] =	ssyncset.done $0x0  }
0x18: {  	s12 =	sadd.s32 $0x17FC00, s16;
	[sflag:s9] =	ssyncadd.s32 $0xFFFFF000  }
0x19: {  	[hbm4b:s12+s2] =	stream.linear.scatter [tilespmem:s8], [sflag:$0x2], $0x1000, $0x38;
	[tilespmem:$0x2200] =	vst v63  }
0x1a: {  	_ =	swait.ge [sflag:s3], $0x1000  }
0x1b: {  	[sflag:s3] =	ssyncset.done $0x0  }
0x1c: {  	s13 =	simm.s32 $0x180;
	[sflag:s3] =	ssyncadd.s32 $0xFFFFF000  }
0x1d: {  	[tilespmem:s8], [sflag:$0x1] =	stream.indirect.gather [hbm4b:s5+s6], $0x20, s13, s6, $0xb8;
	[tilespmem:$0x2200] =	vst v63  }
0x1e: {  	_ =	swait.ge [sflag:s9], $0x1000  }
0x1f: {  	[sflag:s9] =	ssyncset.done $0x0  }
0x20: {  	s15 =	ssub.s32 $0x2, s15;
	s14 =	sadd.s32 $0x17FE00, s16;
	[sflag:s9] =	ssyncadd.s32 $0xFFFFF000  }
0x21: {  	[hbm4b:s14+s2] =	stream.linear.scatter [tilespmem:s7], [sflag:$0x2], $0x1000, $0x38;
	[tilespmem:$0x2200] =	vst v63  }
0x22: {  	s17 =	sshrl.u32 s15, $0x1;
	_ =	swait.ge [sflag:s3], $0x1000  }
0x23: {  	s17 =	ssub.s32 s15, s17;
	[sflag:s3] =	ssyncset.done $0x0  }
0x24: {  	s31 =	smax.u32 s17, $0x1;
	[sflag:s3] =	ssyncadd.s32 $0xFFFFF000  }
0x25: {  	p0 =	sne.s32 s31, $0x1;
	_ =	swait.ge [sflag:s9], $0x1000  }
.Ltmp0:
0x26: {  	[sflag:s9] =	ssyncset.done $0x0;
	(pc) =	sbr.rel @!p0 .LBB2_2-.Ltmp0, $4  }
0x27: {  	s15 =	sadd.s32 $0x180000, s16;
	[sflag:s9] =	ssyncadd.s32 $0xFFFFF000  }
0x28: {  	[hbm4b:s15+s2] =	stream.linear.scatter [tilespmem:s8], [sflag:$0x2], $0x1000, $0x38;
	[tilespmem:$0x2200] =	vst v63  }
0x29: {  	_ =	swait.ge [sflag:s3], $0x1000  }
0x2a: {  	s16 =	sadd.s32 $0xFFFFFFFF, s31;
	[sflag:s3] =	ssyncset.done $0x0  }
.LBB2_1:
0x2b: {  	p0 =	sne.s32 s16, $0x1;
	s16 =	sadd.s32 $0xFFFFFFFF, s16;
	[sflag:s3] =	ssyncadd.s32 $0xFFFFF000  }
0x2c: {  	[tilespmem:s2], [sflag:$0x2] =	stream.linear.gather [hbm4b:s4+s2], $0x200, $0x38;
	[tilespmem:$0x2200] =	vst v63  }
0x2d: {  	_ =	swait.ge [sflag:s3], $0x200  }
0x2e: {  	[sflag:s3] =	ssyncset.done $0x0  }
0x2f: {  	[sflag:s3] =	ssyncadd.s32 $0xFFFFFE00  }
0x30: {  	[tilespmem:s7], [sflag:$0x1] =	stream.indirect.gather [hbm4b:s5+s6], $0x20, s2, s6, $0xb8;
	[tilespmem:$0x2200] =	vst v63  }
0x31: {  	_ = 	snop  }
0x32: {  	[tilespmem:s8], [sflag:$0x1] =	stream.indirect.gather [hbm4b:s5+s6], $0x20, s6, s6, $0xb8;
	[tilespmem:$0x2200] =	vst v63  }
0x33: {  	_ =	swait.ge [sflag:s9], $0x1000  }
0x34: {  	[sflag:s9] =	ssyncset.done $0x0  }
0x35: {  	[sflag:s9] =	ssyncadd.s32 $0xFFFFF000  }
0x36: {  	[hbm4b:s10+s2] =	stream.linear.scatter [tilespmem:s7], [sflag:$0x2], $0x1000, $0x38;
	[tilespmem:$0x2200] =	vst v63  }
0x37: {  	_ =	swait.ge [sflag:s3], $0x1000  }
0x38: {  	[sflag:s3] =	ssyncset.done $0x0  }
0x39: {  	[sflag:s3] =	ssyncadd.s32 $0xFFFFF000  }
0x3a: {  	[tilespmem:s7], [sflag:$0x1] =	stream.indirect.gather [hbm4b:s5+s6], $0x20, s11, s6, $0xb8;
	[tilespmem:$0x2200] =	vst v63  }
0x3b: {  	_ =	swait.ge [sflag:s9], $0x1000  }
0x3c: {  	[sflag:s9] =	ssyncset.done $0x0  }
0x3d: {  	[sflag:s9] =	ssyncadd.s32 $0xFFFFF000  }
0x3e: {  	[hbm4b:s12+s2] =	stream.linear.scatter [tilespmem:s8], [sflag:$0x2], $0x1000, $0x38;
	[tilespmem:$0x2200] =	vst v63  }
0x3f: {  	_ =	swait.ge [sflag:s3], $0x1000  }
0x40: {  	[sflag:s3] =	ssyncset.done $0x0  }
0x41: {  	[sflag:s3] =	ssyncadd.s32 $0xFFFFF000  }
0x42: {  	[tilespmem:s8], [sflag:$0x1] =	stream.indirect.gather [hbm4b:s5+s6], $0x20, s13, s6, $0xb8;
	[tilespmem:$0x2200] =	vst v63  }
0x43: {  	_ =	swait.ge [sflag:s9], $0x1000  }
0x44: {  	[sflag:s9] =	ssyncset.done $0x0  }
0x45: {  	[sflag:s9] =	ssyncadd.s32 $0xFFFFF000  }
0x46: {  	[hbm4b:s14+s2] =	stream.linear.scatter [tilespmem:s7], [sflag:$0x2], $0x1000, $0x38;
	[tilespmem:$0x2200] =	vst v63  }
0x47: {  	_ =	swait.ge [sflag:s3], $0x1000  }
0x48: {  	[sflag:s3] =	ssyncset.done $0x0  }
0x49: {  	[sflag:s3] =	ssyncadd.s32 $0xFFFFF000  }
0x4a: {  	_ =	swait.ge [sflag:s9], $0x1000  }
.Ltmp1:
0x4b: {  	[sflag:s9] =	ssyncset.done $0x0;
	(pc) =	sbr.rel @p0 .LBB2_1-.Ltmp1, $4  }
0x4c: {  	[sflag:s9] =	ssyncadd.s32 $0xFFFFF000  }
0x4d: {  	[hbm4b:s15+s2] =	stream.linear.scatter [tilespmem:s8], [sflag:$0x2], $0x1000, $0x38;
	[tilespmem:$0x2200] =	vst v63  }
0x4e: {  	_ =	swait.ge [sflag:s3], $0x1000  }
0x4f: {  	[sflag:s3] =	ssyncset.done $0x0  }
.LBB2_2:
0x50: {  	[sflag:s3] =	ssyncadd.s32 $0xFFFFF000  }
0x51: {  	_ =	sfence.sel $0x180000  }
0x52: {  	[bflag:$0x0] =	sbarrier.arrive $0xFFFF  }
0x53: {  	p0 =	sne.s32 s0, $0x0;
	_ =	strace $0x90000050  }
0x54: {  	s0 =	sadd.s32 @!p0 $0x100000, s1;
	[bflag:$0x2] =	sbarrier.arrive $0xFFFF  }
0x55: {  	[sflag:s0] =	ssyncadd.tile.s32 @!p0 $0x1;
	_ =	shalt  }
.Lfunc_end2:
_tile_overlayer_lowered:
.L_overlay_start_2:
0x56: {  	(tag) =	ssettag $0x2  }
0x57: {  	s0 =	rddreg [dreg:$0x0];
	s2 =	stileid.u32  }
0x58: {  	s1 =	rddreg [dreg:$0x1];
	p0 =	sne.s32 s2, $0x0  }
0x59: {  	s3 =	rddreg [dreg:$0x2];
	[bflag:$0x3] =	sbarrier.arrive $0xFFFF;
	s2 =	simm.s32 @!p0 $0x1C02  }
0x5a: {  	[timem:s3], [sflag:s2] =	dma.local @!p0 [hbm:s0], s1  }
0x5b: {  	s0 =	simm.s32 @!p0 $0x2  }
0x5c: {  	_ =	swait.ge @!p0 [sflag:s0], s1  }
0x5d: {  	s1 =	ssub.s32 @!p0 $0x0, s1;
	[sflag:s0] =	ssyncset.done @!p0 $0x0  }
0x5e: {  	[sflag:s0] =	ssyncadd.s32 @!p0 s1  }
0x5f: {  	[bflag:$0x3] =	sbarrier.arrive $0xFFFF  }
0x60: {  	_ =	shalt  }

// kernel: kernel.15.cloned.1.call-start
scs
__scs_entry_jumppad:
0x0: {  	(pc) =	sbr.rel $0x88, $3  }
0x1: {  	(tag) =	ssettag $0x0;
	lr =	simm.s32 $0x1  }
0x2: {  	[smem:$0x3F85] =	sst lr;
	_ =	strace $0xD0000000  }
0x3: {  	_ = 	snop  }
0x4: {  	_ = 	snop  }
0x5: {  	_ = 	snop  }
0x6: {  	_ = 	snop  }
0x7: {  	_ = 	snop  }
__scs_overlays_trampoline_lowered:
0x8: {  	[smem:$0x3F94] =	sst s0  }
0x9: {  	[smem:$0x3F95] =	sst s1  }
0xa: {  	[smem:$0x3F96] =	sst s2  }
0xb: {  	[smem:$0x3F97] =	sst s3  }
0xc: {  	[smem:$0x3F98] =	sst s4  }
0xd: {  	[smem:$0x3F99] =	sst s5  }
0xe: {  	[smem:$0x3F9A] =	sst s6  }
0xf: {  	[smem:$0x3F9B] =	sst s7  }
0x10: {  	[smem:$0x3F9C] =	sst s8  }
0x11: {  	[smem:$0x3F9D] =	sst s9;
	s0 =	simm.s32 @!p0 $0x0  }
0x12: {  	s1 =	sld [smem:$0x3F83];
	s0 =	simm.s32 @p0 $0x1  }
0x13: {  	[smem:$0x3F9E] =	sst s0;
	s0 =	simm.s32 @!p1 $0x0  }
0x14: {  	s2 =	sld [smem:$0x3F82];
	s0 =	simm.s32 @p1 $0x1  }
0x15: {  	[smem:$0x3F9F] =	sst s0;
	s0 =	simm.s32 @!p2 $0x0  }
0x16: {  	s3 =	sld [smem:$0x3FDB];
	s0 =	simm.s32 @p2 $0x1  }
0x17: {  	s4 =	simm.s32 $0x1BF5;
	[smem:$0x3FA1] =	sst s0  }
0x18: {  	s0 =	sld [smem:$0x3F84];
	_ =	swait.ge [sflag:s4], $0x0  }
0x19: {  	s7 =	sld [smem:$0x3F85]  }
0x1a: {  	s8 =	sadd.s32 $0xFFFFE003, lr  }
0x1b: {  	s9 =	sadd.s32 $0xFFFFFEF7, lr;
	s5 =	simm.s32 $0xFFFFFFFF;
	p2 =	slt.u32 s8, $0xFFFFF086  }
0x1c: {  	p1 =	slt.u32 s9, $0xF7A;
	s5 =	simm.s32 @!p2 $0x0  }
0x1d: {  	s5 =	simm.s32 @p1 $0x1;
	p0 =	seq.s32 s7, s2  }
0x1e: {  	s7 =	smul.u32 @!p0 $0xF7A, s2;
	p2 =	seq.s32 @!p0 s5, $0x0  }
0x1f: {  	s9 =	smul.u32 $0xF7A, s1;
	s8 =	simm.s32 @!p0 $0x1BF5;
	p2 =	por !p2, p0  }
0x20: {  	[sflag:s8] =	ssyncset.s32 @!p0 $0xFFFFF086;
	s6 =	sadd.s32 @!p0 s3, s7;
	s7 =	simm.s32 @!p0 $0x108  }
0x21: {  	s3 =	sadd.s32 s3, s9;
	s6 =	sadd.s32 @!p0 $0x88, s6;
	s7 =	simm.s32 @p2 $0x1082  }
0x22: {  	[simem:s7], [sflag:s8] =	dma.local @!p0 [hbm:s6], $0xF7A  }
0x23: {  	s9 =	sor.u32 $0xD0000000, s2;
	s6 =	simm.s32 $0x108;
	_ =	swait.ge @!p0 [sflag:s8], $0x0  }
0x24: {  	s3 =	sadd.s32 $0x88, s3;
	s6 =	simm.s32 @!p1 $0x1082;
	[sflag:s4] =	ssyncset.s32 $0xFFFFF086  }
0x25: {  	[simem:s6], [sflag:s4] =	dma.local [hbm:s3], $0xF7A  }
0x26: {  	[smem:$0x3F85] =	sst s1;
	(tag) =	ssettag s2;
	_ =	strace s9  }
0x27: {  	s1 =	sld [smem:$0x3F95]  }
0x28: {  	s2 =	sld [smem:$0x3F96]  }
0x29: {  	s4 =	sld [smem:$0x3F98]  }
0x2a: {  	p0 =	seq.s32 s5, $0x0;
	s5 =	sld [smem:$0x3F99]  }
0x2b: {  	s6 =	sld [smem:$0x3F9A]  }
0x2c: {  	s7 =	sld [smem:$0x3F9B]  }
0x2d: {  	s3 =	simm.s32 $0x108;
	s8 =	sld [smem:$0x3F9C]  }
0x2e: {  	s3 =	simm.s32 @!p0 $0x1082;
	s9 =	sld [smem:$0x3F9D]  }
0x2f: {  	lr =	sadd.s32 s0, s3;
	s0 =	sld [smem:$0x3F94]  }
0x30: {  	s3 =	sld [smem:$0x3F97]  }
0x31: {  	[smem:$0x3FA0] =	sst s10  }
0x32: {  	s10 =	sld [smem:$0x3F9E];
	_ =	sdelay $0x3  }
0x33: {  	p0 =	seq.s32 s10, $0x1;
	s10 =	sld [smem:$0x3FA0];
	_ =	sdelay $0x3  }
0x34: {  	[smem:$0x3FA0] =	sst s10  }
0x35: {  	s10 =	sld [smem:$0x3F9F];
	_ =	sdelay $0x3  }
0x36: {  	p1 =	seq.s32 s10, $0x1;
	s10 =	sld [smem:$0x3FA0];
	_ =	sdelay $0x3  }
0x37: {  	[smem:$0x3FA0] =	sst s10  }
0x38: {  	s10 =	sld [smem:$0x3FA1]  }
0x39: {  	_ = 	snop;
	(pc) =	sbr.ind lr, $3  }
0x3a: {  	_ = 	snop  }
0x3b: {  	_ = 	snop  }
0x3c: {  	p2 =	seq.s32 s10, $0x1;
	s10 =	sld [smem:$0x3FA0]  }
0x3d: {  	_ =	shalt  }
0x3e: {  	_ =	shalt  }
0x3f: {  	_ =	shalt  }
0x40: {  	_ =	shalt  }
0x41: {  	_ =	shalt  }
0x42: {  	_ =	shalt  }
0x43: {  	_ =	shalt  }
0x44: {  	_ =	shalt  }
0x45: {  	_ =	shalt  }
0x46: {  	_ =	shalt  }
0x47: {  	_ =	shalt  }
0x48: {  	_ =	shalt  }
0x49: {  	_ =	shalt  }
0x4a: {  	_ =	shalt  }
0x4b: {  	_ =	shalt  }
0x4c: {  	_ =	shalt  }
0x4d: {  	_ =	shalt  }
0x4e: {  	_ =	shalt  }
0x4f: {  	_ =	shalt  }
0x50: {  	_ =	shalt  }
0x51: {  	_ =	shalt  }
0x52: {  	_ =	shalt  }
0x53: {  	_ =	shalt  }
0x54: {  	_ =	shalt  }
0x55: {  	_ =	shalt  }
0x56: {  	_ =	shalt  }
0x57: {  	_ =	shalt  }
0x58: {  	_ =	shalt  }
0x59: {  	_ =	shalt  }
0x5a: {  	_ =	shalt  }
0x5b: {  	_ =	shalt  }
0x5c: {  	_ =	shalt  }
0x5d: {  	_ =	shalt  }
0x5e: {  	_ =	shalt  }
0x5f: {  	_ =	shalt  }
0x60: {  	_ =	shalt  }
0x61: {  	_ =	shalt  }
0x62: {  	_ =	shalt  }
0x63: {  	_ =	shalt  }
0x64: {  	_ =	shalt  }
0x65: {  	_ =	shalt  }
0x66: {  	_ =	shalt  }
0x67: {  	_ =	shalt  }
0x68: {  	_ =	shalt  }
0x69: {  	_ =	shalt  }
0x6a: {  	_ =	shalt  }
0x6b: {  	_ =	shalt  }
0x6c: {  	_ =	shalt  }
0x6d: {  	_ =	shalt  }
0x6e: {  	_ =	shalt  }
0x6f: {  	_ =	shalt  }
0x70: {  	_ =	shalt  }
0x71: {  	_ =	shalt  }
0x72: {  	_ =	shalt  }
0x73: {  	_ =	shalt  }
0x74: {  	_ =	shalt  }
0x75: {  	_ =	shalt  }
0x76: {  	_ =	shalt  }
0x77: {  	_ =	shalt  }
0x78: {  	_ =	shalt  }
0x79: {  	_ =	shalt  }
0x7a: {  	_ =	shalt  }
0x7b: {  	_ =	shalt  }
0x7c: {  	_ =	shalt  }
0x7d: {  	_ =	shalt  }
0x7e: {  	_ =	shalt  }
0x7f: {  	_ =	shalt  }
0x80: {  	_ =	shalt  }
0x81: {  	_ =	shalt  }
0x82: {  	_ =	shalt  }
0x83: {  	_ =	shalt  }
0x84: {  	_ =	shalt  }
0x85: {  	_ =	shalt  }
0x86: {  	_ =	shalt  }
0x87: {  	_ =	shalt  }
.Lfunc_end0:
.L_simem_size_0:
called_computation.2_lowered:
.L_overlay_start_0:
0x88: {  	s2 =	sld [smem:$0x3FD9]  }
0x89: {  	s3 =	sld [smem:$0x3FFE];
	_ =	sdelay $0x1  }
0x8a: {  	s1 =	srdreg.scid  }
0x8b: {  	s0 =	sand.u32 $0x1, s1  }
0x8c: {  	s17 =	sshll.u32 s0, $0xA;
	s2 =	sadd.s32 s3, s2  }
0x8d: {  	s2 =	sadd.s32 s2, s17  }
0x8e: {  	[smem:$0x3FAC] =	sst s2  }
0x8f: {  	_ = 	snop  }
0x90: {  	s18 =	sld [smem:$0x3FC8];
	(tm) =	ssettm $0x1  }
0x91: {  	s19 =	sld [smem:$0x3FFB];
	_ =	sdelay $0x3  }
0x92: {  	_ =	strace s19  }
0x93: {  	s2 =	sld [smem:$0x3FFC];
	_ =	sdelay $0x3  }
0x94: {  	_ =	strace s2  }
0x95: {  	s2 =	sld [smem:$0x3FFD];
	_ =	sdelay $0x3  }
0x96: {  	_ =	strace s2  }
0x97: {  	_ =	strace $0x8FFFFFFF  }
0x98: {  	s20 =	sld [smem:$0x3FDB];
	_ =	sdelay $0x1  }
0x99: {  	s4 =	simm.s32 $_scs_section_size  }
0x9a: {  	s5 =	simm.s32 $_size__tile_overlayer_lowered;
	s6 =	simm.s32 $_tile_overlayer_lowered  }
0x9b: {  	s7 =	simm.s32 $0x1BFF;
	s21 =	sshll.u32 s6, $0x1;
	s4 =	sadd.s32 s4, s20  }
0x9c: {  	s22 =	simm.s32 $0x0;
	s5 =	sshll.u32 s5, $0x1;
	s6 =	sadd.s32 s21, s4  }
0x9d: {  	[timem:s22], [sflag:s7] =	dma.local [hbm:s6], s5  }
0x9e: {  	_ =	swait.ge [sflag:s7], s5  }
0x9f: {  	s5 =	ssub.s32 $0x0, s5;
	[sflag:s7] =	ssyncset.done $0x0  }
0xa0: {  	[sflag:s7] =	ssyncadd.s32 s5;
	_ =	sdelay $0x1  }
0xa1: {  	s23 =	simm.s32 $0x1B8B  }
0xa2: {  	_ =	swait.ge [sflag:s23], $0x1  }
0xa3: {  	[sflag:s23] =	ssyncset.done $0x0  }
0xa4: {  	[sflag:s23] =	ssyncadd.s32 $0xFFFFFFFF  }
0xa5: {  	s5 =	sld [smem:$0x0]  }
0xa6: {  	s6 =	sand.u32 $0xFFFFFFFE, s1  }
0xa7: {  	p0 =	sne.s32 s1, s6  }
0xa8: {  	s6 =	sshll.u32 @p0 s6, $0xE  }
0xa9: {  	s6 =	sadd.s32 @p0 $0x11B8D, s6;
	s7 =	sshll.u32 @p0 s5, $0x11  }
0xaa: {  	s6 =	sor.u32 @p0 s7, s6  }
0xab: {  	[sflag:s6] =	ssyncadd.remote.s32 @p0 $0x1;
	_ =	sdelay $0x1  }
0xac: {  	s6 =	simm.s32 @p0 $0x1B8D  }
0xad: {  	_ =	swait.eq @p0 [sflag:s6], $0x1  }
0xae: {  	[sflag:s6] =	ssyncadd.s32 @p0 $0xFFFFFFFF  }
0xaf: {  	s7 =	sshll.u32 @!p0 s1, $0xE  }
0xb0: {  	s7 =	sor.u32 @!p0 $0x4000, s7;
	s6 =	simm.s32 @!p0 $0x1B8D  }
0xb1: {  	s5 =	sshll.u32 @!p0 s5, $0x11;
	s7 =	sadd.s32 @!p0 $0x11B8D, s7;
	_ =	swait.eq @!p0 [sflag:s6], $0x1  }
0xb2: {  	s5 =	sor.u32 @!p0 s5, s7;
	[sflag:s6] =	ssyncadd.s32 @!p0 $0xFFFFFFFF  }
0xb3: {  	s25 =	simm.s32 $0x1B8E;
	s24 =	sld [smem:$0x3FFE];
	[sflag:s5] =	ssyncadd.remote.s32 @!p0 $0x1  }
0xb4: {  	s26 =	simm.s32 $execute0_lowered;
	[smem:$0x3FD2] =	sst s25  }
0xb5: {  	s6 =	sshll.u32 s26, $0x1;
	_ =	strace $0x80000052;
	[dreg:$0x1] =	wrdreg $0xFFFFFFFF  }
0xb6: {  	s28 =	simm.s32 $_size_execute0_lowered;
	s4 =	sadd.s32 s4, s6;
	[dreg:$0x0] =	wrdreg $0x0  }
0xb7: {  	s6 =	sshll.u32 s28, $0x1;
	[dreg:$0x2] =	wrdreg s4  }
0xb8: {  	[dreg:$0x3] =	wrdreg s6  }
0xb9: {  	[dreg:$0x4] =	wrdreg $0xC0  }
0xba: {  	_ =	task [dreg:s22], $0x5FFFF  }
0xbb: {  	[dreg:$0x1] =	wrdreg $0xFFFFFFFF  }
0xbc: {  	[dreg:$0x0] =	wrdreg $0x60  }
0xbd: {  	[dreg:$0x2] =	wrdreg s18  }
0xbe: {  	[dreg:$0x3] =	wrdreg s24  }
0xbf: {  	[dreg:$0x4] =	wrdreg $0xB  }
0xc0: {  	_ =	task.clear_ibuf [dreg:s22], $0x5FFFF;
	_ =	strace $0x90000052  }
0xc1: {  	s29 =	simm.s32 $0xB;
	_ =	strace $0x80000054  }
0xc2: {  	_ =	swait.ge [sflag:s29], $0x1  }
0xc3: {  	[sflag:s29] =	ssyncadd.s32 $0xFFFFFFFF  }
0xc4: {  	_ =	strace $0x90000054  }
0xc5: {  	_ =	sfence  }
0xc6: {  	s30 =	sld [smem:$0x0];
	_ =	sdelay $0x2  }
0xc7: {  	s31 =	sshll.u32 s1, $0xD;
	s1 =	sshrl.u32 s1, $0x2  }
0xc8: {  	s4 =	sand.u32 $0x4000, s31;
	s1 =	sadd.s32 s1, s30  }
0xc9: {  	s0 =	sor.u32 s4, s0;
	s1 =	sshll.u32 s1, $0x11  }
0xca: {  	s0 =	sor.u32 s1, s0  }
0xcb: {  	s0 =	sadd.s32 $0x8F2B, s0  }
0xcc: {  	[sflag:s0] =	ssyncadd.remote.s32 $0x1  }
0xcd: {  	_ =	sfence.sel $0xFFFF  }
0xce: {  	[dreg:$0x0] =	wrdreg $0xFFFFFFFF;
	(pc) =	sbr.abs _section_cstart, $3  }
0xcf: {  	[dreg:$0x1] =	wrdreg $0xFFFFFFFF  }
0xd0: {  	_ =	task.clear_ibuf [dreg:s22], $0x2FFFF;
	_ =	strace $0x9FFFFFFF  }
0xd1: {  	(tm) =	ssettm $0x7FFFFFFF  }
tec
execute0_lowered:
.L_overlay_start_1:
0x0: {  	(tag) =	ssettag $0x1  }
0x1: {  	s3 =	rddreg [dreg:$0x0]  }
0x2: {  	s1 =	srdreg.scid;
	s0 =	stileid.u32  }
0x3: {  	s10 =	rddreg [dreg:$0x1];
	s15 =	sand.u32 $0x1, s1;
	s4 =	sshll.u32 s0, $0x1  }
0x4: {  	s2 =	simm.s32 $0x0;
	s1 =	rddreg [dreg:$0x2];
	s11 =	sor.u32 s15, s4  }
0x5: {  	[smem:$0x7FF] =	sst s2;
	s4 =	sshll.u32 s11, $0x6  }
0x6: {  	_ =	strace $0x80000053;
	s4 =	sadd.s32 s3, s4;
	s3 =	simm.s32 $0x2  }
0x7: {  	[tilespmem:s2], [sflag:$0x2] =	stream.linear.gather [hbm4b:s4+s2], $0x200, $0x38;
	[tilespmem:$0x2200] =	vst v63  }
0x8: {  	_ =	swait.ge [sflag:s3], $0x200  }
0x9: {  	s6 =	simm.s32 $0x80;
	[sflag:s3] =	ssyncset.done $0x0  }
0xa: {  	s7 =	simm.s32 $0x200;
	s5 =	sadd.s32 $0x379600, s10;
	[sflag:s3] =	ssyncadd.s32 $0xFFFFFE00  }
0xb: {  	[tilespmem:s7], [sflag:$0x1] =	stream.indirect.gather [hbm4b:s5+s6], $0x20, s2, s6, $0xb8;
	[tilespmem:$0x2200] =	vst v63  }
0xc: {  	s8 =	simm.s32 $0x1200;
	s9 =	simm.s32 $0x1  }
0xd: {  	[tilespmem:s8], [sflag:$0x1] =	stream.indirect.gather [hbm4b:s5+s6], $0x20, s6, s6, $0xb8;
	[tilespmem:$0x2200] =	vst v63  }
0xe: {  	s11 =	sshll.u32 s11, $0xB;
	_ =	swait.ge [sflag:s9], $0x1000  }
0xf: {  	s16 =	sadd.s32 s11, s10;
	[sflag:s9] =	ssyncset.done $0x0  }
0x10: {  	s10 =	sadd.s32 $0x1F2C00, s16;
	[sflag:s9] =	ssyncadd.s32 $0xFFFFF000  }
0x11: {  	[hbm4b:s10+s2] =	stream.linear.scatter [tilespmem:s7], [sflag:$0x2], $0x1000, $0x38;
	[tilespmem:$0x2200] =	vst v63  }
0x12: {  	_ =	swait.ge [sflag:s3], $0x1000  }
0x13: {  	[sflag:s3] =	ssyncset.done $0x0  }
0x14: {  	s11 =	simm.s32 $0x100;
	[sflag:s3] =	ssyncadd.s32 $0xFFFFF000  }
0x15: {  	[tilespmem:s7], [sflag:$0x1] =	stream.indirect.gather [hbm4b:s5+s6], $0x20, s11, s6, $0xb8;
	[tilespmem:$0x2200] =	vst v63  }
0x16: {  	_ =	swait.ge [sflag:s9], $0x1000  }
0x17: {  	[sflag:s9] =	ssyncset.done $0x0  }
0x18: {  	s12 =	sadd.s32 $0x1F2E00, s16;
	[sflag:s9] =	ssyncadd.s32 $0xFFFFF000  }
0x19: {  	[hbm4b:s12+s2] =	stream.linear.scatter [tilespmem:s8], [sflag:$0x2], $0x1000, $0x38;
	[tilespmem:$0x2200] =	vst v63  }
0x1a: {  	_ =	swait.ge [sflag:s3], $0x1000  }
0x1b: {  	[sflag:s3] =	ssyncset.done $0x0  }
0x1c: {  	s13 =	simm.s32 $0x180;
	[sflag:s3] =	ssyncadd.s32 $0xFFFFF000  }
0x1d: {  	[tilespmem:s8], [sflag:$0x1] =	stream.indirect.gather [hbm4b:s5+s6], $0x20, s13, s6, $0xb8;
	[tilespmem:$0x2200] =	vst v63  }
0x1e: {  	_ =	swait.ge [sflag:s9], $0x1000  }
0x1f: {  	[sflag:s9] =	ssyncset.done $0x0  }
0x20: {  	s15 =	ssub.s32 $0x2, s15;
	s14 =	sadd.s32 $0x1F3000, s16;
	[sflag:s9] =	ssyncadd.s32 $0xFFFFF000  }
0x21: {  	[hbm4b:s14+s2] =	stream.linear.scatter [tilespmem:s7], [sflag:$0x2], $0x1000, $0x38;
	[tilespmem:$0x2200] =	vst v63  }
0x22: {  	s17 =	sshrl.u32 s15, $0x1;
	_ =	swait.ge [sflag:s3], $0x1000  }
0x23: {  	s17 =	ssub.s32 s15, s17;
	[sflag:s3] =	ssyncset.done $0x0  }
0x24: {  	s31 =	smax.u32 s17, $0x1;
	[sflag:s3] =	ssyncadd.s32 $0xFFFFF000  }
0x25: {  	p0 =	sne.s32 s31, $0x1;
	_ =	swait.ge [sflag:s9], $0x1000  }
.Ltmp0:
0x26: {  	[sflag:s9] =	ssyncset.done $0x0;
	(pc) =	sbr.rel @!p0 .LBB2_2-.Ltmp0, $4  }
0x27: {  	s15 =	sadd.s32 $0x1F3200, s16;
	[sflag:s9] =	ssyncadd.s32 $0xFFFFF000  }
0x28: {  	[hbm4b:s15+s2] =	stream.linear.scatter [tilespmem:s8], [sflag:$0x2], $0x1000, $0x38;
	[tilespmem:$0x2200] =	vst v63  }
0x29: {  	_ =	swait.ge [sflag:s3], $0x1000  }
0x2a: {  	s16 =	sadd.s32 $0xFFFFFFFF, s31;
	[sflag:s3] =	ssyncset.done $0x0  }
.LBB2_1:
0x2b: {  	p0 =	sne.s32 s16, $0x1;
	s16 =	sadd.s32 $0xFFFFFFFF, s16;
	[sflag:s3] =	ssyncadd.s32 $0xFFFFF000  }
0x2c: {  	[tilespmem:s2], [sflag:$0x2] =	stream.linear.gather [hbm4b:s4+s2], $0x200, $0x38;
	[tilespmem:$0x2200] =	vst v63  }
0x2d: {  	_ =	swait.ge [sflag:s3], $0x200  }
0x2e: {  	[sflag:s3] =	ssyncset.done $0x0  }
0x2f: {  	[sflag:s3] =	ssyncadd.s32 $0xFFFFFE00  }
0x30: {  	[tilespmem:s7], [sflag:$0x1] =	stream.indirect.gather [hbm4b:s5+s6], $0x20, s2, s6, $0xb8;
	[tilespmem:$0x2200] =	vst v63  }
0x31: {  	_ = 	snop  }
0x32: {  	[tilespmem:s8], [sflag:$0x1] =	stream.indirect.gather [hbm4b:s5+s6], $0x20, s6, s6, $0xb8;
	[tilespmem:$0x2200] =	vst v63  }
0x33: {  	_ =	swait.ge [sflag:s9], $0x1000  }
0x34: {  	[sflag:s9] =	ssyncset.done $0x0  }
0x35: {  	[sflag:s9] =	ssyncadd.s32 $0xFFFFF000  }
0x36: {  	[hbm4b:s10+s2] =	stream.linear.scatter [tilespmem:s7], [sflag:$0x2], $0x1000, $0x38;
	[tilespmem:$0x2200] =	vst v63  }
0x37: {  	_ =	swait.ge [sflag:s3], $0x1000  }
0x38: {  	[sflag:s3] =	ssyncset.done $0x0  }
0x39: {  	[sflag:s3] =	ssyncadd.s32 $0xFFFFF000  }
0x3a: {  	[tilespmem:s7], [sflag:$0x1] =	stream.indirect.gather [hbm4b:s5+s6], $0x20, s11, s6, $0xb8;
	[tilespmem:$0x2200] =	vst v63  }
0x3b: {  	_ =	swait.ge [sflag:s9], $0x1000  }
0x3c: {  	[sflag:s9] =	ssyncset.done $0x0  }
0x3d: {  	[sflag:s9] =	ssyncadd.s32 $0xFFFFF000  }
0x3e: {  	[hbm4b:s12+s2] =	stream.linear.scatter [tilespmem:s8], [sflag:$0x2], $0x1000, $0x38;
	[tilespmem:$0x2200] =	vst v63  }
0x3f: {  	_ =	swait.ge [sflag:s3], $0x1000  }
0x40: {  	[sflag:s3] =	ssyncset.done $0x0  }
0x41: {  	[sflag:s3] =	ssyncadd.s32 $0xFFFFF000  }
0x42: {  	[tilespmem:s8], [sflag:$0x1] =	stream.indirect.gather [hbm4b:s5+s6], $0x20, s13, s6, $0xb8;
	[tilespmem:$0x2200] =	vst v63  }
0x43: {  	_ =	swait.ge [sflag:s9], $0x1000  }
0x44: {  	[sflag:s9] =	ssyncset.done $0x0  }
0x45: {  	[sflag:s9] =	ssyncadd.s32 $0xFFFFF000  }
0x46: {  	[hbm4b:s14+s2] =	stream.linear.scatter [tilespmem:s7], [sflag:$0x2], $0x1000, $0x38;
	[tilespmem:$0x2200] =	vst v63  }
0x47: {  	_ =	swait.ge [sflag:s3], $0x1000  }
0x48: {  	[sflag:s3] =	ssyncset.done $0x0  }
0x49: {  	[sflag:s3] =	ssyncadd.s32 $0xFFFFF000  }
0x4a: {  	_ =	swait.ge [sflag:s9], $0x1000  }
.Ltmp1:
0x4b: {  	[sflag:s9] =	ssyncset.done $0x0;
	(pc) =	sbr.rel @p0 .LBB2_1-.Ltmp1, $4  }
0x4c: {  	[sflag:s9] =	ssyncadd.s32 $0xFFFFF000  }
0x4d: {  	[hbm4b:s15+s2] =	stream.linear.scatter [tilespmem:s8], [sflag:$0x2], $0x1000, $0x38;
	[tilespmem:$0x2200] =	vst v63  }
0x4e: {  	_ =	swait.ge [sflag:s3], $0x1000  }
0x4f: {  	[sflag:s3] =	ssyncset.done $0x0  }
.LBB2_2:
0x50: {  	[sflag:s3] =	ssyncadd.s32 $0xFFFFF000  }
0x51: {  	_ =	sfence.sel $0x180000  }
0x52: {  	[bflag:$0x0] =	sbarrier.arrive $0xFFFF  }
0x53: {  	p0 =	sne.s32 s0, $0x0;
	_ =	strace $0x90000053  }
0x54: {  	s0 =	sadd.s32 @!p0 $0x100000, s1;
	[bflag:$0x2] =	sbarrier.arrive $0xFFFF  }
0x55: {  	[sflag:s0] =	ssyncadd.tile.s32 @!p0 $0x1;
	_ =	shalt  }
.Lfunc_end2:
_tile_overlayer_lowered:
.L_overlay_start_2:
0x56: {  	(tag) =	ssettag $0x2  }
0x57: {  	s0 =	rddreg [dreg:$0x0];
	s2 =	stileid.u32  }
0x58: {  	s1 =	rddreg [dreg:$0x1];
	p0 =	sne.s32 s2, $0x0  }
0x59: {  	s3 =	rddreg [dreg:$0x2];
	[bflag:$0x3] =	sbarrier.arrive $0xFFFF;
	s2 =	simm.s32 @!p0 $0x1C02  }
0x5a: {  	[timem:s3], [sflag:s2] =	dma.local @!p0 [hbm:s0], s1  }
0x5b: {  	s0 =	simm.s32 @!p0 $0x2  }
0x5c: {  	_ =	swait.ge @!p0 [sflag:s0], s1  }
0x5d: {  	s1 =	ssub.s32 @!p0 $0x0, s1;
	[sflag:s0] =	ssyncset.done @!p0 $0x0  }
0x5e: {  	[sflag:s0] =	ssyncadd.s32 @!p0 s1  }
0x5f: {  	[bflag:$0x3] =	sbarrier.arrive $0xFFFF  }
0x60: {  	_ =	shalt  }

// kernel: kernel.18.cloned.1.call-start
scs
__scs_entry_jumppad:
0x0: {  	(pc) =	sbr.rel $0x88, $3  }
0x1: {  	(tag) =	ssettag $0x0;
	lr =	simm.s32 $0x1  }
0x2: {  	[smem:$0x3F85] =	sst lr;
	_ =	strace $0xD0000000  }
0x3: {  	_ = 	snop  }
0x4: {  	_ = 	snop  }
0x5: {  	_ = 	snop  }
0x6: {  	_ = 	snop  }
0x7: {  	_ = 	snop  }
__scs_overlays_trampoline_lowered:
0x8: {  	[smem:$0x3F94] =	sst s0  }
0x9: {  	[smem:$0x3F95] =	sst s1  }
0xa: {  	[smem:$0x3F96] =	sst s2  }
0xb: {  	[smem:$0x3F97] =	sst s3  }
0xc: {  	[smem:$0x3F98] =	sst s4  }
0xd: {  	[smem:$0x3F99] =	sst s5  }
0xe: {  	[smem:$0x3F9A] =	sst s6  }
0xf: {  	[smem:$0x3F9B] =	sst s7  }
0x10: {  	[smem:$0x3F9C] =	sst s8  }
0x11: {  	[smem:$0x3F9D] =	sst s9;
	s0 =	simm.s32 @!p0 $0x0  }
0x12: {  	s1 =	sld [smem:$0x3F83];
	s0 =	simm.s32 @p0 $0x1  }
0x13: {  	[smem:$0x3F9E] =	sst s0;
	s0 =	simm.s32 @!p1 $0x0  }
0x14: {  	s2 =	sld [smem:$0x3F82];
	s0 =	simm.s32 @p1 $0x1  }
0x15: {  	[smem:$0x3F9F] =	sst s0;
	s0 =	simm.s32 @!p2 $0x0  }
0x16: {  	s3 =	sld [smem:$0x3FDB];
	s0 =	simm.s32 @p2 $0x1  }
0x17: {  	s4 =	simm.s32 $0x1BF5;
	[smem:$0x3FA1] =	sst s0  }
0x18: {  	s0 =	sld [smem:$0x3F84];
	_ =	swait.ge [sflag:s4], $0x0  }
0x19: {  	s7 =	sld [smem:$0x3F85]  }
0x1a: {  	s8 =	sadd.s32 $0xFFFFE003, lr  }
0x1b: {  	s9 =	sadd.s32 $0xFFFFFEF7, lr;
	s5 =	simm.s32 $0xFFFFFFFF;
	p2 =	slt.u32 s8, $0xFFFFF086  }
0x1c: {  	p1 =	slt.u32 s9, $0xF7A;
	s5 =	simm.s32 @!p2 $0x0  }
0x1d: {  	s5 =	simm.s32 @p1 $0x1;
	p0 =	seq.s32 s7, s2  }
0x1e: {  	s7 =	smul.u32 @!p0 $0xF7A, s2;
	p2 =	seq.s32 @!p0 s5, $0x0  }
0x1f: {  	s9 =	smul.u32 $0xF7A, s1;
	s8 =	simm.s32 @!p0 $0x1BF5;
	p2 =	por !p2, p0  }
0x20: {  	[sflag:s8] =	ssyncset.s32 @!p0 $0xFFFFF086;
	s6 =	sadd.s32 @!p0 s3, s7;
	s7 =	simm.s32 @!p0 $0x108  }
0x21: {  	s3 =	sadd.s32 s3, s9;
	s6 =	sadd.s32 @!p0 $0x88, s6;
	s7 =	simm.s32 @p2 $0x1082  }
0x22: {  	[simem:s7], [sflag:s8] =	dma.local @!p0 [hbm:s6], $0xF7A  }
0x23: {  	s9 =	sor.u32 $0xD0000000, s2;
	s6 =	simm.s32 $0x108;
	_ =	swait.ge @!p0 [sflag:s8], $0x0  }
0x24: {  	s3 =	sadd.s32 $0x88, s3;
	s6 =	simm.s32 @!p1 $0x1082;
	[sflag:s4] =	ssyncset.s32 $0xFFFFF086  }
0x25: {  	[simem:s6], [sflag:s4] =	dma.local [hbm:s3], $0xF7A  }
0x26: {  	[smem:$0x3F85] =	sst s1;
	(tag) =	ssettag s2;
	_ =	strace s9  }
0x27: {  	s1 =	sld [smem:$0x3F95]  }
0x28: {  	s2 =	sld [smem:$0x3F96]  }
0x29: {  	s4 =	sld [smem:$0x3F98]  }
0x2a: {  	p0 =	seq.s32 s5, $0x0;
	s5 =	sld [smem:$0x3F99]  }
0x2b: {  	s6 =	sld [smem:$0x3F9A]  }
0x2c: {  	s7 =	sld [smem:$0x3F9B]  }
0x2d: {  	s3 =	simm.s32 $0x108;
	s8 =	sld [smem:$0x3F9C]  }
0x2e: {  	s3 =	simm.s32 @!p0 $0x1082;
	s9 =	sld [smem:$0x3F9D]  }
0x2f: {  	lr =	sadd.s32 s0, s3;
	s0 =	sld [smem:$0x3F94]  }
0x30: {  	s3 =	sld [smem:$0x3F97]  }
0x31: {  	[smem:$0x3FA0] =	sst s10  }
0x32: {  	s10 =	sld [smem:$0x3F9E];
	_ =	sdelay $0x3  }
0x33: {  	p0 =	seq.s32 s10, $0x1;
	s10 =	sld [smem:$0x3FA0];
	_ =	sdelay $0x3  }
0x34: {  	[smem:$0x3FA0] =	sst s10  }
0x35: {  	s10 =	sld [smem:$0x3F9F];
	_ =	sdelay $0x3  }
0x36: {  	p1 =	seq.s32 s10, $0x1;
	s10 =	sld [smem:$0x3FA0];
	_ =	sdelay $0x3  }
0x37: {  	[smem:$0x3FA0] =	sst s10  }
0x38: {  	s10 =	sld [smem:$0x3FA1]  }
0x39: {  	_ = 	snop;
	(pc) =	sbr.ind lr, $3  }
0x3a: {  	_ = 	snop  }
0x3b: {  	_ = 	snop  }
0x3c: {  	p2 =	seq.s32 s10, $0x1;
	s10 =	sld [smem:$0x3FA0]  }
0x3d: {  	_ =	shalt  }
0x3e: {  	_ =	shalt  }
0x3f: {  	_ =	shalt  }
0x40: {  	_ =	shalt  }
0x41: {  	_ =	shalt  }
0x42: {  	_ =	shalt  }
0x43: {  	_ =	shalt  }
0x44: {  	_ =	shalt  }
0x45: {  	_ =	shalt  }
0x46: {  	_ =	shalt  }
0x47: {  	_ =	shalt  }
0x48: {  	_ =	shalt  }
0x49: {  	_ =	shalt  }
0x4a: {  	_ =	shalt  }
0x4b: {  	_ =	shalt  }
0x4c: {  	_ =	shalt  }
0x4d: {  	_ =	shalt  }
0x4e: {  	_ =	shalt  }
0x4f: {  	_ =	shalt  }
0x50: {  	_ =	shalt  }
0x51: {  	_ =	shalt  }
0x52: {  	_ =	shalt  }
0x53: {  	_ =	shalt  }
0x54: {  	_ =	shalt  }
0x55: {  	_ =	shalt  }
0x56: {  	_ =	shalt  }
0x57: {  	_ =	shalt  }
0x58: {  	_ =	shalt  }
0x59: {  	_ =	shalt  }
0x5a: {  	_ =	shalt  }
0x5b: {  	_ =	shalt  }
0x5c: {  	_ =	shalt  }
0x5d: {  	_ =	shalt  }
0x5e: {  	_ =	shalt  }
0x5f: {  	_ =	shalt  }
0x60: {  	_ =	shalt  }
0x61: {  	_ =	shalt  }
0x62: {  	_ =	shalt  }
0x63: {  	_ =	shalt  }
0x64: {  	_ =	shalt  }
0x65: {  	_ =	shalt  }
0x66: {  	_ =	shalt  }
0x67: {  	_ =	shalt  }
0x68: {  	_ =	shalt  }
0x69: {  	_ =	shalt  }
0x6a: {  	_ =	shalt  }
0x6b: {  	_ =	shalt  }
0x6c: {  	_ =	shalt  }
0x6d: {  	_ =	shalt  }
0x6e: {  	_ =	shalt  }
0x6f: {  	_ =	shalt  }
0x70: {  	_ =	shalt  }
0x71: {  	_ =	shalt  }
0x72: {  	_ =	shalt  }
0x73: {  	_ =	shalt  }
0x74: {  	_ =	shalt  }
0x75: {  	_ =	shalt  }
0x76: {  	_ =	shalt  }
0x77: {  	_ =	shalt  }
0x78: {  	_ =	shalt  }
0x79: {  	_ =	shalt  }
0x7a: {  	_ =	shalt  }
0x7b: {  	_ =	shalt  }
0x7c: {  	_ =	shalt  }
0x7d: {  	_ =	shalt  }
0x7e: {  	_ =	shalt  }
0x7f: {  	_ =	shalt  }
0x80: {  	_ =	shalt  }
0x81: {  	_ =	shalt  }
0x82: {  	_ =	shalt  }
0x83: {  	_ =	shalt  }
0x84: {  	_ =	shalt  }
0x85: {  	_ =	shalt  }
0x86: {  	_ =	shalt  }
0x87: {  	_ =	shalt  }
.Lfunc_end0:
.L_simem_size_0:
called_computation.3_lowered:
.L_overlay_start_0:
0x88: {  	s2 =	sld [smem:$0x3FD9]  }
0x89: {  	s3 =	sld [smem:$0x3FFE];
	_ =	sdelay $0x1  }
0x8a: {  	s1 =	srdreg.scid  }
0x8b: {  	s0 =	sand.u32 $0x1, s1  }
0x8c: {  	s17 =	sshll.u32 s0, $0xA;
	s2 =	sadd.s32 s3, s2  }
0x8d: {  	s2 =	sadd.s32 s2, s17  }
0x8e: {  	[smem:$0x3FAC] =	sst s2  }
0x8f: {  	_ = 	snop  }
0x90: {  	s18 =	sld [smem:$0x3FC5];
	(tm) =	ssettm $0x1  }
0x91: {  	s19 =	sld [smem:$0x3FFB];
	_ =	sdelay $0x3  }
0x92: {  	_ =	strace s19  }
0x93: {  	s2 =	sld [smem:$0x3FFC];
	_ =	sdelay $0x3  }
0x94: {  	_ =	strace s2  }
0x95: {  	s2 =	sld [smem:$0x3FFD];
	_ =	sdelay $0x3  }
0x96: {  	_ =	strace s2  }
0x97: {  	_ =	strace $0x8FFFFFFF  }
0x98: {  	s20 =	sld [smem:$0x3FDB];
	_ =	sdelay $0x1  }
0x99: {  	s4 =	simm.s32 $_scs_section_size  }
0x9a: {  	s5 =	simm.s32 $_size__tile_overlayer_lowered;
	s6 =	simm.s32 $_tile_overlayer_lowered  }
0x9b: {  	s7 =	simm.s32 $0x1BFF;
	s21 =	sshll.u32 s6, $0x1;
	s4 =	sadd.s32 s4, s20  }
0x9c: {  	s22 =	simm.s32 $0x0;
	s5 =	sshll.u32 s5, $0x1;
	s6 =	sadd.s32 s21, s4  }
0x9d: {  	[timem:s22], [sflag:s7] =	dma.local [hbm:s6], s5  }
0x9e: {  	_ =	swait.ge [sflag:s7], s5  }
0x9f: {  	s5 =	ssub.s32 $0x0, s5;
	[sflag:s7] =	ssyncset.done $0x0  }
0xa0: {  	[sflag:s7] =	ssyncadd.s32 s5;
	_ =	sdelay $0x1  }
0xa1: {  	s23 =	simm.s32 $0x1B8B  }
0xa2: {  	_ =	swait.ge [sflag:s23], $0x1  }
0xa3: {  	[sflag:s23] =	ssyncset.done $0x0  }
0xa4: {  	[sflag:s23] =	ssyncadd.s32 $0xFFFFFFFF  }
0xa5: {  	s5 =	sld [smem:$0x0]  }
0xa6: {  	s6 =	sand.u32 $0xFFFFFFFE, s1  }
0xa7: {  	p0 =	sne.s32 s1, s6  }
0xa8: {  	s6 =	sshll.u32 @p0 s6, $0xE  }
0xa9: {  	s6 =	sadd.s32 @p0 $0x11B8D, s6;
	s7 =	sshll.u32 @p0 s5, $0x11  }
0xaa: {  	s6 =	sor.u32 @p0 s7, s6  }
0xab: {  	[sflag:s6] =	ssyncadd.remote.s32 @p0 $0x1;
	_ =	sdelay $0x1  }
0xac: {  	s6 =	simm.s32 @p0 $0x1B8D  }
0xad: {  	_ =	swait.eq @p0 [sflag:s6], $0x1  }
0xae: {  	[sflag:s6] =	ssyncadd.s32 @p0 $0xFFFFFFFF  }
0xaf: {  	s7 =	sshll.u32 @!p0 s1, $0xE  }
0xb0: {  	s7 =	sor.u32 @!p0 $0x4000, s7;
	s6 =	simm.s32 @!p0 $0x1B8D  }
0xb1: {  	s5 =	sshll.u32 @!p0 s5, $0x11;
	s7 =	sadd.s32 @!p0 $0x11B8D, s7;
	_ =	swait.eq @!p0 [sflag:s6], $0x1  }
0xb2: {  	s5 =	sor.u32 @!p0 s5, s7;
	[sflag:s6] =	ssyncadd.s32 @!p0 $0xFFFFFFFF  }
0xb3: {  	s25 =	simm.s32 $0x1B8E;
	s24 =	sld [smem:$0x3FFE];
	[sflag:s5] =	ssyncadd.remote.s32 @!p0 $0x1  }
0xb4: {  	s26 =	simm.s32 $execute0_lowered;
	[smem:$0x3FD2] =	sst s25  }
0xb5: {  	s6 =	sshll.u32 s26, $0x1;
	_ =	strace $0x80000055;
	[dreg:$0x1] =	wrdreg $0xFFFFFFFF  }
0xb6: {  	s28 =	simm.s32 $_size_execute0_lowered;
	s4 =	sadd.s32 s4, s6;
	[dreg:$0x0] =	wrdreg $0x0  }
0xb7: {  	s6 =	sshll.u32 s28, $0x1;
	[dreg:$0x2] =	wrdreg s4  }
0xb8: {  	[dreg:$0x3] =	wrdreg s6  }
0xb9: {  	[dreg:$0x4] =	wrdreg $0xC0  }
0xba: {  	_ =	task [dreg:s22], $0x5FFFF  }
0xbb: {  	[dreg:$0x1] =	wrdreg $0xFFFFFFFF  }
0xbc: {  	[dreg:$0x0] =	wrdreg $0x60  }
0xbd: {  	[dreg:$0x2] =	wrdreg s18  }
0xbe: {  	[dreg:$0x3] =	wrdreg s24  }
0xbf: {  	[dreg:$0x4] =	wrdreg $0xC  }
0xc0: {  	_ =	task.clear_ibuf [dreg:s22], $0x5FFFF;
	_ =	strace $0x90000055  }
0xc1: {  	s29 =	simm.s32 $0xC;
	_ =	strace $0x80000057  }
0xc2: {  	_ =	swait.ge [sflag:s29], $0x1  }
0xc3: {  	[sflag:s29] =	ssyncadd.s32 $0xFFFFFFFF  }
0xc4: {  	_ =	strace $0x90000057  }
0xc5: {  	_ =	sfence  }
0xc6: {  	s30 =	sld [smem:$0x0];
	_ =	sdelay $0x2  }
0xc7: {  	s31 =	sshll.u32 s1, $0xD;
	s1 =	sshrl.u32 s1, $0x2  }
0xc8: {  	s4 =	sand.u32 $0x4000, s31;
	s1 =	sadd.s32 s1, s30  }
0xc9: {  	s0 =	sor.u32 s4, s0;
	s1 =	sshll.u32 s1, $0x11  }
0xca: {  	s0 =	sor.u32 s1, s0  }
0xcb: {  	s0 =	sadd.s32 $0x8F2B, s0  }
0xcc: {  	[sflag:s0] =	ssyncadd.remote.s32 $0x1  }
0xcd: {  	_ =	sfence.sel $0xFFFF  }
0xce: {  	[dreg:$0x0] =	wrdreg $0xFFFFFFFF;
	(pc) =	sbr.abs _section_cstart, $3  }
0xcf: {  	[dreg:$0x1] =	wrdreg $0xFFFFFFFF  }
0xd0: {  	_ =	task.clear_ibuf [dreg:s22], $0x2FFFF;
	_ =	strace $0x9FFFFFFF  }
0xd1: {  	(tm) =	ssettm $0x7FFFFFFF  }
tec
execute0_lowered:
.L_overlay_start_1:
0x0: {  	(tag) =	ssettag $0x1  }
0x1: {  	s3 =	rddreg [dreg:$0x0]  }
0x2: {  	s1 =	srdreg.scid;
	s0 =	stileid.u32  }
0x3: {  	s10 =	rddreg [dreg:$0x1];
	s15 =	sand.u32 $0x1, s1;
	s4 =	sshll.u32 s0, $0x1  }
0x4: {  	s2 =	simm.s32 $0x0;
	s1 =	rddreg [dreg:$0x2];
	s11 =	sor.u32 s15, s4  }
0x5: {  	[smem:$0x7FF] =	sst s2;
	s4 =	sshll.u32 s11, $0x6  }
0x6: {  	_ =	strace $0x80000056;
	s4 =	sadd.s32 s3, s4;
	s3 =	simm.s32 $0x2  }
0x7: {  	[tilespmem:s2], [sflag:$0x2] =	stream.linear.gather [hbm4b:s4+s2], $0x200, $0x38;
	[tilespmem:$0x2200] =	vst v63  }
0x8: {  	_ =	swait.ge [sflag:s3], $0x200  }
0x9: {  	s6 =	simm.s32 $0x80;
	[sflag:s3] =	ssyncset.done $0x0  }
0xa: {  	s7 =	simm.s32 $0x200;
	s5 =	sadd.s32 $0x202C00, s10;
	[sflag:s3] =	ssyncadd.s32 $0xFFFFFE00  }
0xb: {  	[tilespmem:s7], [sflag:$0x1] =	stream.indirect.gather [hbm4b:s5+s6], $0x20, s2, s6, $0xb8;
	[tilespmem:$0x2200] =	vst v63  }
0xc: {  	s8 =	simm.s32 $0x1200;
	s9 =	simm.s32 $0x1  }
0xd: {  	[tilespmem:s8], [sflag:$0x1] =	stream.indirect.gather [hbm4b:s5+s6], $0x20, s6, s6, $0xb8;
	[tilespmem:$0x2200] =	vst v63  }
0xe: {  	s11 =	sshll.u32 s11, $0xB;
	_ =	swait.ge [sflag:s9], $0x1000  }
0xf: {  	s16 =	sadd.s32 s11, s10;
	[sflag:s9] =	ssyncset.done $0x0  }
0x10: {  	s10 =	sadd.s32 $0x264800, s16;
	[sflag:s9] =	ssyncadd.s32 $0xFFFFF000  }
0x11: {  	[hbm4b:s10+s2] =	stream.linear.scatter [tilespmem:s7], [sflag:$0x2], $0x1000, $0x38;
	[tilespmem:$0x2200] =	vst v63  }
0x12: {  	_ =	swait.ge [sflag:s3], $0x1000  }
0x13: {  	[sflag:s3] =	ssyncset.done $0x0  }
0x14: {  	s11 =	simm.s32 $0x100;
	[sflag:s3] =	ssyncadd.s32 $0xFFFFF000  }
0x15: {  	[tilespmem:s7], [sflag:$0x1] =	stream.indirect.gather [hbm4b:s5+s6], $0x20, s11, s6, $0xb8;
	[tilespmem:$0x2200] =	vst v63  }
0x16: {  	_ =	swait.ge [sflag:s9], $0x1000  }
0x17: {  	[sflag:s9] =	ssyncset.done $0x0  }
0x18: {  	s12 =	sadd.s32 $0x264A00, s16;
	[sflag:s9] =	ssyncadd.s32 $0xFFFFF000  }
0x19: {  	[hbm4b:s12+s2] =	stream.linear.scatter [tilespmem:s8], [sflag:$0x2], $0x1000, $0x38;
	[tilespmem:$0x2200] =	vst v63  }
0x1a: {  	_ =	swait.ge [sflag:s3], $0x1000  }
0x1b: {  	[sflag:s3] =	ssyncset.done $0x0  }
0x1c: {  	s13 =	simm.s32 $0x180;
	[sflag:s3] =	ssyncadd.s32 $0xFFFFF000  }
0x1d: {  	[tilespmem:s8], [sflag:$0x1] =	stream.indirect.gather [hbm4b:s5+s6], $0x20, s13, s6, $0xb8;
	[tilespmem:$0x2200] =	vst v63  }
0x1e: {  	_ =	swait.ge [sflag:s9], $0x1000  }
0x1f: {  	[sflag:s9] =	ssyncset.done $0x0  }
0x20: {  	s15 =	ssub.s32 $0x2, s15;
	s14 =	sadd.s32 $0x264C00, s16;
	[sflag:s9] =	ssyncadd.s32 $0xFFFFF000  }
0x21: {  	[hbm4b:s14+s2] =	stream.linear.scatter [tilespmem:s7], [sflag:$0x2], $0x1000, $0x38;
	[tilespmem:$0x2200] =	vst v63  }
0x22: {  	s17 =	sshrl.u32 s15, $0x1;
	_ =	swait.ge [sflag:s3], $0x1000  }
0x23: {  	s17 =	ssub.s32 s15, s17;
	[sflag:s3] =	ssyncset.done $0x0  }
0x24: {  	s31 =	smax.u32 s17, $0x1;
	[sflag:s3] =	ssyncadd.s32 $0xFFFFF000  }
0x25: {  	p0 =	sne.s32 s31, $0x1;
	_ =	swait.ge [sflag:s9], $0x1000  }
.Ltmp0:
0x26: {  	[sflag:s9] =	ssyncset.done $0x0;
	(pc) =	sbr.rel @!p0 .LBB2_2-.Ltmp0, $4  }
0x27: {  	s15 =	sadd.s32 $0x264E00, s16;
	[sflag:s9] =	ssyncadd.s32 $0xFFFFF000  }
0x28: {  	[hbm4b:s15+s2] =	stream.linear.scatter [tilespmem:s8], [sflag:$0x2], $0x1000, $0x38;
	[tilespmem:$0x2200] =	vst v63  }
0x29: {  	_ =	swait.ge [sflag:s3], $0x1000  }
0x2a: {  	s16 =	sadd.s32 $0xFFFFFFFF, s31;
	[sflag:s3] =	ssyncset.done $0x0  }
.LBB2_1:
0x2b: {  	p0 =	sne.s32 s16, $0x1;
	s16 =	sadd.s32 $0xFFFFFFFF, s16;
	[sflag:s3] =	ssyncadd.s32 $0xFFFFF000  }
0x2c: {  	[tilespmem:s2], [sflag:$0x2] =	stream.linear.gather [hbm4b:s4+s2], $0x200, $0x38;
	[tilespmem:$0x2200] =	vst v63  }
0x2d: {  	_ =	swait.ge [sflag:s3], $0x200  }
0x2e: {  	[sflag:s3] =	ssyncset.done $0x0  }
0x2f: {  	[sflag:s3] =	ssyncadd.s32 $0xFFFFFE00  }
0x30: {  	[tilespmem:s7], [sflag:$0x1] =	stream.indirect.gather [hbm4b:s5+s6], $0x20, s2, s6, $0xb8;
	[tilespmem:$0x2200] =	vst v63  }
0x31: {  	_ = 	snop  }
0x32: {  	[tilespmem:s8], [sflag:$0x1] =	stream.indirect.gather [hbm4b:s5+s6], $0x20, s6, s6, $0xb8;
	[tilespmem:$0x2200] =	vst v63  }
0x33: {  	_ =	swait.ge [sflag:s9], $0x1000  }
0x34: {  	[sflag:s9] =	ssyncset.done $0x0  }
0x35: {  	[sflag:s9] =	ssyncadd.s32 $0xFFFFF000  }
0x36: {  	[hbm4b:s10+s2] =	stream.linear.scatter [tilespmem:s7], [sflag:$0x2], $0x1000, $0x38;
	[tilespmem:$0x2200] =	vst v63  }
0x37: {  	_ =	swait.ge [sflag:s3], $0x1000  }
0x38: {  	[sflag:s3] =	ssyncset.done $0x0  }
0x39: {  	[sflag:s3] =	ssyncadd.s32 $0xFFFFF000  }
0x3a: {  	[tilespmem:s7], [sflag:$0x1] =	stream.indirect.gather [hbm4b:s5+s6], $0x20, s11, s6, $0xb8;
	[tilespmem:$0x2200] =	vst v63  }
0x3b: {  	_ =	swait.ge [sflag:s9], $0x1000  }
0x3c: {  	[sflag:s9] =	ssyncset.done $0x0  }
0x3d: {  	[sflag:s9] =	ssyncadd.s32 $0xFFFFF000  }
0x3e: {  	[hbm4b:s12+s2] =	stream.linear.scatter [tilespmem:s8], [sflag:$0x2], $0x1000, $0x38;
	[tilespmem:$0x2200] =	vst v63  }
0x3f: {  	_ =	swait.ge [sflag:s3], $0x1000  }
0x40: {  	[sflag:s3] =	ssyncset.done $0x0  }
0x41: {  	[sflag:s3] =	ssyncadd.s32 $0xFFFFF000  }
0x42: {  	[tilespmem:s8], [sflag:$0x1] =	stream.indirect.gather [hbm4b:s5+s6], $0x20, s13, s6, $0xb8;
	[tilespmem:$0x2200] =	vst v63  }
0x43: {  	_ =	swait.ge [sflag:s9], $0x1000  }
0x44: {  	[sflag:s9] =	ssyncset.done $0x0  }
0x45: {  	[sflag:s9] =	ssyncadd.s32 $0xFFFFF000  }
0x46: {  	[hbm4b:s14+s2] =	stream.linear.scatter [tilespmem:s7], [sflag:$0x2], $0x1000, $0x38;
	[tilespmem:$0x2200] =	vst v63  }
0x47: {  	_ =	swait.ge [sflag:s3], $0x1000  }
0x48: {  	[sflag:s3] =	ssyncset.done $0x0  }
0x49: {  	[sflag:s3] =	ssyncadd.s32 $0xFFFFF000  }
0x4a: {  	_ =	swait.ge [sflag:s9], $0x1000  }
.Ltmp1:
0x4b: {  	[sflag:s9] =	ssyncset.done $0x0;
	(pc) =	sbr.rel @p0 .LBB2_1-.Ltmp1, $4  }
0x4c: {  	[sflag:s9] =	ssyncadd.s32 $0xFFFFF000  }
0x4d: {  	[hbm4b:s15+s2] =	stream.linear.scatter [tilespmem:s8], [sflag:$0x2], $0x1000, $0x38;
	[tilespmem:$0x2200] =	vst v63  }
0x4e: {  	_ =	swait.ge [sflag:s3], $0x1000  }
0x4f: {  	[sflag:s3] =	ssyncset.done $0x0  }
.LBB2_2:
0x50: {  	[sflag:s3] =	ssyncadd.s32 $0xFFFFF000  }
0x51: {  	_ =	sfence.sel $0x180000  }
0x52: {  	[bflag:$0x0] =	sbarrier.arrive $0xFFFF  }
0x53: {  	p0 =	sne.s32 s0, $0x0;
	_ =	strace $0x90000056  }
0x54: {  	s0 =	sadd.s32 @!p0 $0x100000, s1;
	[bflag:$0x2] =	sbarrier.arrive $0xFFFF  }
0x55: {  	[sflag:s0] =	ssyncadd.tile.s32 @!p0 $0x1;
	_ =	shalt  }
.Lfunc_end2:
_tile_overlayer_lowered:
.L_overlay_start_2:
0x56: {  	(tag) =	ssettag $0x2  }
0x57: {  	s0 =	rddreg [dreg:$0x0];
	s2 =	stileid.u32  }
0x58: {  	s1 =	rddreg [dreg:$0x1];
	p0 =	sne.s32 s2, $0x0  }
0x59: {  	s3 =	rddreg [dreg:$0x2];
	[bflag:$0x3] =	sbarrier.arrive $0xFFFF;
	s2 =	simm.s32 @!p0 $0x1C02  }
0x5a: {  	[timem:s3], [sflag:s2] =	dma.local @!p0 [hbm:s0], s1  }
0x5b: {  	s0 =	simm.s32 @!p0 $0x2  }
0x5c: {  	_ =	swait.ge @!p0 [sflag:s0], s1  }
0x5d: {  	s1 =	ssub.s32 @!p0 $0x0, s1;
	[sflag:s0] =	ssyncset.done @!p0 $0x0  }
0x5e: {  	[sflag:s0] =	ssyncadd.s32 @!p0 s1  }
0x5f: {  	[bflag:$0x3] =	sbarrier.arrive $0xFFFF  }
0x60: {  	_ =	shalt  }

// kernel: kernel.21.cloned.1.call-start
scs
__scs_entry_jumppad:
0x0: {  	(pc) =	sbr.rel $0x88, $3  }
0x1: {  	(tag) =	ssettag $0x0;
	lr =	simm.s32 $0x1  }
0x2: {  	[smem:$0x3F85] =	sst lr;
	_ =	strace $0xD0000000  }
0x3: {  	_ = 	snop  }
0x4: {  	_ = 	snop  }
0x5: {  	_ = 	snop  }
0x6: {  	_ = 	snop  }
0x7: {  	_ = 	snop  }
__scs_overlays_trampoline_lowered:
0x8: {  	[smem:$0x3F94] =	sst s0  }
0x9: {  	[smem:$0x3F95] =	sst s1  }
0xa: {  	[smem:$0x3F96] =	sst s2  }
0xb: {  	[smem:$0x3F97] =	sst s3  }
0xc: {  	[smem:$0x3F98] =	sst s4  }
0xd: {  	[smem:$0x3F99] =	sst s5  }
0xe: {  	[smem:$0x3F9A] =	sst s6  }
0xf: {  	[smem:$0x3F9B] =	sst s7  }
0x10: {  	[smem:$0x3F9C] =	sst s8  }
0x11: {  	[smem:$0x3F9D] =	sst s9;
	s0 =	simm.s32 @!p0 $0x0  }
0x12: {  	s1 =	sld [smem:$0x3F83];
	s0 =	simm.s32 @p0 $0x1  }
0x13: {  	[smem:$0x3F9E] =	sst s0;
	s0 =	simm.s32 @!p1 $0x0  }
0x14: {  	s2 =	sld [smem:$0x3F82];
	s0 =	simm.s32 @p1 $0x1  }
0x15: {  	[smem:$0x3F9F] =	sst s0;
	s0 =	simm.s32 @!p2 $0x0  }
0x16: {  	s3 =	sld [smem:$0x3FDB];
	s0 =	simm.s32 @p2 $0x1  }
0x17: {  	s4 =	simm.s32 $0x1BF5;
	[smem:$0x3FA1] =	sst s0  }
0x18: {  	s0 =	sld [smem:$0x3F84];
	_ =	swait.ge [sflag:s4], $0x0  }
0x19: {  	s7 =	sld [smem:$0x3F85]  }
0x1a: {  	s8 =	sadd.s32 $0xFFFFE003, lr  }
0x1b: {  	s9 =	sadd.s32 $0xFFFFFEF7, lr;
	s5 =	simm.s32 $0xFFFFFFFF;
	p2 =	slt.u32 s8, $0xFFFFF086  }
0x1c: {  	p1 =	slt.u32 s9, $0xF7A;
	s5 =	simm.s32 @!p2 $0x0  }
0x1d: {  	s5 =	simm.s32 @p1 $0x1;
	p0 =	seq.s32 s7, s2  }
0x1e: {  	s7 =	smul.u32 @!p0 $0xF7A, s2;
	p2 =	seq.s32 @!p0 s5, $0x0  }
0x1f: {  	s9 =	smul.u32 $0xF7A, s1;
	s8 =	simm.s32 @!p0 $0x1BF5;
	p2 =	por !p2, p0  }
0x20: {  	[sflag:s8] =	ssyncset.s32 @!p0 $0xFFFFF086;
	s6 =	sadd.s32 @!p0 s3, s7;
	s7 =	simm.s32 @!p0 $0x108  }
0x21: {  	s3 =	sadd.s32 s3, s9;
	s6 =	sadd.s32 @!p0 $0x88, s6;
	s7 =	simm.s32 @p2 $0x1082  }
0x22: {  	[simem:s7], [sflag:s8] =	dma.local @!p0 [hbm:s6], $0xF7A  }
0x23: {  	s9 =	sor.u32 $0xD0000000, s2;
	s6 =	simm.s32 $0x108;
	_ =	swait.ge @!p0 [sflag:s8], $0x0  }
0x24: {  	s3 =	sadd.s32 $0x88, s3;
	s6 =	simm.s32 @!p1 $0x1082;
	[sflag:s4] =	ssyncset.s32 $0xFFFFF086  }
0x25: {  	[simem:s6], [sflag:s4] =	dma.local [hbm:s3], $0xF7A  }
0x26: {  	[smem:$0x3F85] =	sst s1;
	(tag) =	ssettag s2;
	_ =	strace s9  }
0x27: {  	s1 =	sld [smem:$0x3F95]  }
0x28: {  	s2 =	sld [smem:$0x3F96]  }
0x29: {  	s4 =	sld [smem:$0x3F98]  }
0x2a: {  	p0 =	seq.s32 s5, $0x0;
	s5 =	sld [smem:$0x3F99]  }
0x2b: {  	s6 =	sld [smem:$0x3F9A]  }
0x2c: {  	s7 =	sld [smem:$0x3F9B]  }
0x2d: {  	s3 =	simm.s32 $0x108;
	s8 =	sld [smem:$0x3F9C]  }
0x2e: {  	s3 =	simm.s32 @!p0 $0x1082;
	s9 =	sld [smem:$0x3F9D]  }
0x2f: {  	lr =	sadd.s32 s0, s3;
	s0 =	sld [smem:$0x3F94]  }
0x30: {  	s3 =	sld [smem:$0x3F97]  }
0x31: {  	[smem:$0x3FA0] =	sst s10  }
0x32: {  	s10 =	sld [smem:$0x3F9E];
	_ =	sdelay $0x3  }
0x33: {  	p0 =	seq.s32 s10, $0x1;
	s10 =	sld [smem:$0x3FA0];
	_ =	sdelay $0x3  }
0x34: {  	[smem:$0x3FA0] =	sst s10  }
0x35: {  	s10 =	sld [smem:$0x3F9F];
	_ =	sdelay $0x3  }
0x36: {  	p1 =	seq.s32 s10, $0x1;
	s10 =	sld [smem:$0x3FA0];
	_ =	sdelay $0x3  }
0x37: {  	[smem:$0x3FA0] =	sst s10  }
0x38: {  	s10 =	sld [smem:$0x3FA1]  }
0x39: {  	_ = 	snop;
	(pc) =	sbr.ind lr, $3  }
0x3a: {  	_ = 	snop  }
0x3b: {  	_ = 	snop  }
0x3c: {  	p2 =	seq.s32 s10, $0x1;
	s10 =	sld [smem:$0x3FA0]  }
0x3d: {  	_ =	shalt  }
0x3e: {  	_ =	shalt  }
0x3f: {  	_ =	shalt  }
0x40: {  	_ =	shalt  }
0x41: {  	_ =	shalt  }
0x42: {  	_ =	shalt  }
0x43: {  	_ =	shalt  }
0x44: {  	_ =	shalt  }
0x45: {  	_ =	shalt  }
0x46: {  	_ =	shalt  }
0x47: {  	_ =	shalt  }
0x48: {  	_ =	shalt  }
0x49: {  	_ =	shalt  }
0x4a: {  	_ =	shalt  }
0x4b: {  	_ =	shalt  }
0x4c: {  	_ =	shalt  }
0x4d: {  	_ =	shalt  }
0x4e: {  	_ =	shalt  }
0x4f: {  	_ =	shalt  }
0x50: {  	_ =	shalt  }
0x51: {  	_ =	shalt  }
0x52: {  	_ =	shalt  }
0x53: {  	_ =	shalt  }
0x54: {  	_ =	shalt  }
0x55: {  	_ =	shalt  }
0x56: {  	_ =	shalt  }
0x57: {  	_ =	shalt  }
0x58: {  	_ =	shalt  }
0x59: {  	_ =	shalt  }
0x5a: {  	_ =	shalt  }
0x5b: {  	_ =	shalt  }
0x5c: {  	_ =	shalt  }
0x5d: {  	_ =	shalt  }
0x5e: {  	_ =	shalt  }
0x5f: {  	_ =	shalt  }
0x60: {  	_ =	shalt  }
0x61: {  	_ =	shalt  }
0x62: {  	_ =	shalt  }
0x63: {  	_ =	shalt  }
0x64: {  	_ =	shalt  }
0x65: {  	_ =	shalt  }
0x66: {  	_ =	shalt  }
0x67: {  	_ =	shalt  }
0x68: {  	_ =	shalt  }
0x69: {  	_ =	shalt  }
0x6a: {  	_ =	shalt  }
0x6b: {  	_ =	shalt  }
0x6c: {  	_ =	shalt  }
0x6d: {  	_ =	shalt  }
0x6e: {  	_ =	shalt  }
0x6f: {  	_ =	shalt  }
0x70: {  	_ =	shalt  }
0x71: {  	_ =	shalt  }
0x72: {  	_ =	shalt  }
0x73: {  	_ =	shalt  }
0x74: {  	_ =	shalt  }
0x75: {  	_ =	shalt  }
0x76: {  	_ =	shalt  }
0x77: {  	_ =	shalt  }
0x78: {  	_ =	shalt  }
0x79: {  	_ =	shalt  }
0x7a: {  	_ =	shalt  }
0x7b: {  	_ =	shalt  }
0x7c: {  	_ =	shalt  }
0x7d: {  	_ =	shalt  }
0x7e: {  	_ =	shalt  }
0x7f: {  	_ =	shalt  }
0x80: {  	_ =	shalt  }
0x81: {  	_ =	shalt  }
0x82: {  	_ =	shalt  }
0x83: {  	_ =	shalt  }
0x84: {  	_ =	shalt  }
0x85: {  	_ =	shalt  }
0x86: {  	_ =	shalt  }
0x87: {  	_ =	shalt  }
.Lfunc_end0:
.L_simem_size_0:
called_computation.4_lowered:
.L_overlay_start_0:
0x88: {  	s2 =	sld [smem:$0x3FD9]  }
0x89: {  	s3 =	sld [smem:$0x3FFE];
	_ =	sdelay $0x1  }
0x8a: {  	s1 =	srdreg.scid  }
0x8b: {  	s0 =	sand.u32 $0x1, s1  }
0x8c: {  	s17 =	sshll.u32 s0, $0xA;
	s2 =	sadd.s32 s3, s2  }
0x8d: {  	s2 =	sadd.s32 s2, s17  }
0x8e: {  	[smem:$0x3FAC] =	sst s2  }
0x8f: {  	_ = 	snop  }
0x90: {  	s2 =	sld [smem:$0x3FC9]  }
0x91: {  	s18 =	sld [smem:$0x3FC6];
	(tm) =	ssettm $0x1  }
0x92: {  	s4 =	sld [smem:$0x3FFB];
	_ =	sdelay $0x3  }
0x93: {  	_ =	strace s4  }
0x94: {  	s4 =	sld [smem:$0x3FFC];
	_ =	sdelay $0x3  }
0x95: {  	_ =	strace s4  }
0x96: {  	s4 =	sld [smem:$0x3FFD];
	_ =	sdelay $0x3  }
0x97: {  	_ =	strace s4  }
0x98: {  	_ =	strace $0x8FFFFFFF  }
0x99: {  	s19 =	sld [smem:$0x3FDB];
	_ =	sdelay $0x1  }
0x9a: {  	s5 =	simm.s32 $_scs_section_size  }
0x9b: {  	s6 =	simm.s32 $_size__tile_overlayer_lowered;
	s7 =	simm.s32 $_tile_overlayer_lowered  }
0x9c: {  	s22 =	simm.s32 $0x1BFF;
	s21 =	sshll.u32 s7, $0x1;
	s4 =	sadd.s32 s5, s19  }
0x9d: {  	s8 =	simm.s32 $0x0;
	s20 =	sshll.u32 s6, $0x1;
	s6 =	sadd.s32 s21, s4  }
0x9e: {  	[timem:s8], [sflag:s22] =	dma.local [hbm:s6], s20  }
0x9f: {  	_ =	swait.ge [sflag:s22], s20  }
0xa0: {  	s5 =	ssub.s32 $0x0, s20;
	[sflag:s22] =	ssyncset.done $0x0  }
0xa1: {  	[sflag:s22] =	ssyncadd.s32 s5;
	_ =	sdelay $0x1  }
0xa2: {  	s23 =	simm.s32 $0x1B8B  }
0xa3: {  	_ =	swait.ge [sflag:s23], $0x1  }
0xa4: {  	[sflag:s23] =	ssyncset.done $0x0  }
0xa5: {  	s25 =	simm.s32 $0x1B8E;
	s24 =	sld [smem:$0x3FFE];
	[sflag:s23] =	ssyncadd.s32 $0xFFFFFFFF  }
0xa6: {  	s26 =	simm.s32 $execute0_lowered;
	[smem:$0x3FD2] =	sst s25  }
0xa7: {  	s6 =	sshll.u32 s26, $0x1;
	_ =	strace $0x80000046;
	[dreg:$0x1] =	wrdreg $0xFFFFFFFF  }
0xa8: {  	s28 =	simm.s32 $_size_execute0_lowered;
	s4 =	sadd.s32 s4, s6;
	[dreg:$0x0] =	wrdreg $0x0  }
0xa9: {  	s6 =	sshll.u32 s28, $0x1;
	[dreg:$0x2] =	wrdreg s4  }
0xaa: {  	[dreg:$0x3] =	wrdreg s6  }
0xab: {  	[dreg:$0x4] =	wrdreg $0xC0  }
0xac: {  	_ =	task [dreg:s8], $0x5FFFF  }
0xad: {  	[dreg:$0x1] =	wrdreg $0xFFFFFFFF  }
0xae: {  	[dreg:$0x0] =	wrdreg $0x60  }
0xaf: {  	[dreg:$0x2] =	wrdreg s2  }
0xb0: {  	[dreg:$0x3] =	wrdreg s18  }
0xb1: {  	[dreg:$0x4] =	wrdreg s24  }
0xb2: {  	[dreg:$0x5] =	wrdreg $0xD  }
0xb3: {  	_ =	task.clear_ibuf [dreg:s8], $0x6FFFF;
	_ =	strace $0x90000046  }
0xb4: {  	s29 =	simm.s32 $0xD;
	_ =	strace $0x80000048  }
0xb5: {  	_ =	swait.ge [sflag:s29], $0x1  }
0xb6: {  	[sflag:s29] =	ssyncadd.s32 $0xFFFFFFFF  }
0xb7: {  	_ =	strace $0x90000048  }
0xb8: {  	_ =	sfence  }
0xb9: {  	s30 =	sld [smem:$0x0];
	_ =	sdelay $0x2  }
0xba: {  	s31 =	sshll.u32 s1, $0xD;
	s1 =	sshrl.u32 s1, $0x2  }
0xbb: {  	s3 =	sand.u32 $0x4000, s31;
	s1 =	sadd.s32 s1, s30  }
0xbc: {  	s0 =	sor.u32 s3, s0;
	s1 =	sshll.u32 s1, $0x11  }
0xbd: {  	s0 =	sor.u32 s1, s0  }
0xbe: {  	s0 =	sadd.s32 $0x8F2B, s0  }
0xbf: {  	[sflag:s0] =	ssyncadd.remote.s32 $0x1  }
0xc0: {  	_ =	sfence.sel $0xFFFF  }
0xc1: {  	[dreg:$0x0] =	wrdreg $0xFFFFFFFF;
	(pc) =	sbr.abs _section_cstart, $3  }
0xc2: {  	[dreg:$0x1] =	wrdreg $0xFFFFFFFF  }
0xc3: {  	_ =	task.clear_ibuf [dreg:s8], $0x2FFFF;
	_ =	strace $0x9FFFFFFF  }
0xc4: {  	(tm) =	ssettm $0x7FFFFFFF  }
0xc5: {  	_ =	shalt  }
tec
execute0_lowered:
.L_overlay_start_1:
0x0: {  	(tag) =	ssettag $0x1  }
0x1: {  	s3 =	rddreg [dreg:$0x0]  }
0x2: {  	s5 =	rddreg [dreg:$0x1]  }
0x3: {  	s1 =	srdreg.scid;
	s0 =	stileid.u32  }
0x4: {  	s16 =	rddreg [dreg:$0x2];
	s25 =	sand.u32 $0x1, s1;
	s4 =	sshll.u32 s0, $0x1  }
0x5: {  	s2 =	simm.s32 $0x0;
	s1 =	rddreg [dreg:$0x3];
	s15 =	sor.u32 s25, s4  }
0x6: {  	[smem:$0x7FF] =	sst s2;
	s6 =	sshll.u32 s15, $0x6  }
0x7: {  	_ =	strace $0x80000047;
	s4 =	sadd.s32 s3, s6;
	s3 =	simm.s32 $0x2  }
0x8: {  	[tilespmem:s2], [sflag:$0x2] =	stream.linear.gather [hbm4b:s4+s2], $0x200, $0x38;
	[tilespmem:$0x4400] =	vst v63  }
0x9: {  	_ =	swait.ge [sflag:s3], $0x200  }
0xa: {  	[sflag:s3] =	ssyncset.done $0x0  }
0xb: {  	s5 =	sadd.s32 s5, s6;
	s6 =	simm.s32 $0x200;
	[sflag:s3] =	ssyncadd.s32 $0xFFFFFE00  }
0xc: {  	[tilespmem:s6], [sflag:$0x2] =	stream.linear.gather [hbm4b:s5+s2], $0x200, $0x38;
	[tilespmem:$0x4400] =	vst v63  }
0xd: {  	_ =	swait.ge [sflag:s3], $0x200  }
0xe: {  	s8 =	simm.s32 $0x80;
	[sflag:s3] =	ssyncset.done $0x0  }
0xf: {  	s9 =	simm.s32 $0x400;
	s7 =	sadd.s32 $0x191000, s16;
	[sflag:s3] =	ssyncadd.s32 $0xFFFFFE00  }
0x10: {  	[tilespmem:s9], [sflag:$0x1] =	stream.indirect.gather [hbm4b:s7+s8], $0x20, s2, s8, $0xb8;
	[tilespmem:$0x4400] =	vst v63  }
0x11: {  	s10 =	simm.s32 $0x2400  }
0x12: {  	[tilespmem:s10], [sflag:$0x1] =	stream.indirect.gather [hbm4b:s7+s8], $0x20, s6, s8, $0xb8;
	[tilespmem:$0x4400] =	vst v63  }
0x13: {  	s11 =	simm.s32 $0x1400  }
0x14: {  	[tilespmem:s11], [sflag:$0x1] =	stream.indirect.gather [hbm4b:s7+s8], $0x20, s8, s8, $0xb8;
	[tilespmem:$0x4400] =	vst v63  }
0x15: {  	s12 =	simm.s32 $0x280;
	s13 =	simm.s32 $0x3400;
	s14 =	simm.s32 $0x1  }
0x16: {  	[tilespmem:s13], [sflag:$0x1] =	stream.indirect.gather [hbm4b:s7+s8], $0x20, s12, s8, $0xb8;
	[tilespmem:$0x4400] =	vst v63  }
0x17: {  	_ =	swait.ge [sflag:s14], $0x1000  }
0x18: {  	[sflag:s14] =	ssyncset.done $0x0  }
0x19: {  	[sflag:s14] =	ssyncadd.s32 $0xFFFFF000  }
0x1a: {  	_ =	swait.ge [sflag:s14], $0x1000  }
0x1b: {  	s26 =	sadd.s32 $0xA600, s16;
	s29 =	sshll.u32 s15, $0xB;
	[sflag:s14] =	ssyncset.done $0x0  }
0x1c: {  	s15 =	sadd.s32 s26, s29;
	[sflag:s14] =	ssyncadd.s32 $0xFFFFF000  }
0x1d: {  	[hbm4b:s15+s2] =	stream.linear.scatter [tilespmem:s9], [sflag:$0x2], $0x1000, $0x38;
	[tilespmem:$0x4400] =	vst v63  }
0x1e: {  	_ =	swait.ge [sflag:s3], $0x1000  }
0x1f: {  	s28 =	sadd.s32 $0x1A600, s16;
	[sflag:s3] =	ssyncset.done $0x0  }
0x20: {  	s16 =	sadd.s32 s28, s29;
	[sflag:s3] =	ssyncadd.s32 $0xFFFFF000  }
0x21: {  	[hbm4b:s16+s2] =	stream.linear.scatter [tilespmem:s10], [sflag:$0x2], $0x1000, $0x38;
	[tilespmem:$0x4400] =	vst v63  }
0x22: {  	_ =	swait.ge [sflag:s3], $0x1000  }
0x23: {  	[sflag:s3] =	ssyncset.done $0x0  }
0x24: {  	s17 =	simm.s32 $0x100;
	[sflag:s3] =	ssyncadd.s32 $0xFFFFF000  }
0x25: {  	[tilespmem:s9], [sflag:$0x1] =	stream.indirect.gather [hbm4b:s7+s8], $0x20, s17, s8, $0xb8;
	[tilespmem:$0x4400] =	vst v63  }
0x26: {  	s18 =	simm.s32 $0x300  }
0x27: {  	[tilespmem:s10], [sflag:$0x1] =	stream.indirect.gather [hbm4b:s7+s8], $0x20, s18, s8, $0xb8;
	[tilespmem:$0x4400] =	vst v63  }
0x28: {  	_ =	swait.ge [sflag:s14], $0x1000  }
0x29: {  	[sflag:s14] =	ssyncset.done $0x0  }
0x2a: {  	[sflag:s14] =	ssyncadd.s32 $0xFFFFF000  }
0x2b: {  	_ =	swait.ge [sflag:s14], $0x1000  }
0x2c: {  	s20 =	sor.u32 $0x200, s29;
	[sflag:s14] =	ssyncset.done $0x0  }
0x2d: {  	s19 =	sadd.s32 s26, s20;
	[sflag:s14] =	ssyncadd.s32 $0xFFFFF000  }
0x2e: {  	[hbm4b:s19+s2] =	stream.linear.scatter [tilespmem:s11], [sflag:$0x2], $0x1000, $0x38;
	[tilespmem:$0x4400] =	vst v63  }
0x2f: {  	_ =	swait.ge [sflag:s3], $0x1000  }
0x30: {  	[sflag:s3] =	ssyncset.done $0x0  }
0x31: {  	s20 =	sadd.s32 s28, s20;
	[sflag:s3] =	ssyncadd.s32 $0xFFFFF000  }
0x32: {  	[hbm4b:s20+s2] =	stream.linear.scatter [tilespmem:s13], [sflag:$0x2], $0x1000, $0x38;
	[tilespmem:$0x4400] =	vst v63  }
0x33: {  	_ =	swait.ge [sflag:s3], $0x1000  }
0x34: {  	[sflag:s3] =	ssyncset.done $0x0  }
0x35: {  	s21 =	simm.s32 $0x180;
	[sflag:s3] =	ssyncadd.s32 $0xFFFFF000  }
0x36: {  	[tilespmem:s11], [sflag:$0x1] =	stream.indirect.gather [hbm4b:s7+s8], $0x20, s21, s8, $0xb8;
	[tilespmem:$0x4400] =	vst v63  }
0x37: {  	s22 =	simm.s32 $0x380  }
0x38: {  	[tilespmem:s13], [sflag:$0x1] =	stream.indirect.gather [hbm4b:s7+s8], $0x20, s22, s8, $0xb8;
	[tilespmem:$0x4400] =	vst v63  }
0x39: {  	_ =	swait.ge [sflag:s14], $0x1000  }
0x3a: {  	[sflag:s14] =	ssyncset.done $0x0  }
0x3b: {  	[sflag:s14] =	ssyncadd.s32 $0xFFFFF000  }
0x3c: {  	_ =	swait.ge [sflag:s14], $0x1000  }
0x3d: {  	s24 =	sor.u32 $0x400, s29;
	[sflag:s14] =	ssyncset.done $0x0  }
0x3e: {  	s23 =	sadd.s32 s26, s24;
	[sflag:s14] =	ssyncadd.s32 $0xFFFFF000  }
0x3f: {  	[hbm4b:s23+s2] =	stream.linear.scatter [tilespmem:s9], [sflag:$0x2], $0x1000, $0x38;
	[tilespmem:$0x4400] =	vst v63  }
0x40: {  	_ =	swait.ge [sflag:s3], $0x1000  }
0x41: {  	[sflag:s3] =	ssyncset.done $0x0  }
0x42: {  	s24 =	sadd.s32 s28, s24;
	[sflag:s3] =	ssyncadd.s32 $0xFFFFF000  }
0x43: {  	[hbm4b:s24+s2] =	stream.linear.scatter [tilespmem:s10], [sflag:$0x2], $0x1000, $0x38;
	[tilespmem:$0x4400] =	vst v63  }
0x44: {  	_ =	swait.ge [sflag:s3], $0x1000  }
0x45: {  	[sflag:s3] =	ssyncset.done $0x0  }
0x46: {  	[sflag:s3] =	ssyncadd.s32 $0xFFFFF000  }
0x47: {  	_ =	swait.ge [sflag:s14], $0x1000  }
0x48: {  	[sflag:s14] =	ssyncset.done $0x0  }
0x49: {  	s30 =	ssub.s32 $0x2, s25;
	[sflag:s14] =	ssyncadd.s32 $0xFFFFF000  }
0x4a: {  	s31 =	sshrl.u32 s30, $0x1;
	s29 =	sor.u32 $0x600, s29;
	_ =	swait.ge [sflag:s14], $0x1000  }
0x4b: {  	s30 =	ssub.s32 s30, s31;
	s25 =	sadd.s32 s26, s29;
	[sflag:s14] =	ssyncset.done $0x0  }
0x4c: {  	s26 =	sadd.s32 s28, s29;
	s28 =	smax.u32 s30, $0x1;
	[sflag:s14] =	ssyncadd.s32 $0xFFFFF000  }
0x4d: {  	[hbm4b:s25+s2] =	stream.linear.scatter [tilespmem:s11], [sflag:$0x2], $0x1000, $0x38;
	[tilespmem:$0x4400] =	vst v63  }
0x4e: {  	p0 =	sne.s32 s28, $0x1;
	_ =	swait.ge [sflag:s3], $0x1000  }
.Ltmp0:
0x4f: {  	[sflag:s3] =	ssyncset.done $0x0;
	(pc) =	sbr.rel @!p0 .LBB2_2-.Ltmp0, $4  }
0x50: {  	[sflag:s3] =	ssyncadd.s32 $0xFFFFF000  }
0x51: {  	[hbm4b:s26+s2] =	stream.linear.scatter [tilespmem:s13], [sflag:$0x2], $0x1000, $0x38;
	[tilespmem:$0x4400] =	vst v63  }
0x52: {  	_ =	swait.ge [sflag:s3], $0x1000  }
0x53: {  	s28 =	sadd.s32 $0xFFFFFFFF, s28;
	[sflag:s3] =	ssyncset.done $0x0  }
.LBB2_1:
0x54: {  	p0 =	sne.s32 s28, $0x1;
	s28 =	sadd.s32 $0xFFFFFFFF, s28;
	[sflag:s3] =	ssyncadd.s32 $0xFFFFF000  }
0x55: {  	[tilespmem:s2], [sflag:$0x2] =	stream.linear.gather [hbm4b:s4+s2], $0x200, $0x38;
	[tilespmem:$0x4400] =	vst v63  }
0x56: {  	_ =	swait.ge [sflag:s3], $0x200  }
0x57: {  	[sflag:s3] =	ssyncset.done $0x0  }
0x58: {  	[sflag:s3] =	ssyncadd.s32 $0xFFFFFE00  }
0x59: {  	[tilespmem:s6], [sflag:$0x2] =	stream.linear.gather [hbm4b:s5+s2], $0x200, $0x38;
	[tilespmem:$0x4400] =	vst v63  }
0x5a: {  	_ =	swait.ge [sflag:s3], $0x200  }
0x5b: {  	[sflag:s3] =	ssyncset.done $0x0  }
0x5c: {  	[sflag:s3] =	ssyncadd.s32 $0xFFFFFE00  }
0x5d: {  	[tilespmem:s9], [sflag:$0x1] =	stream.indirect.gather [hbm4b:s7+s8], $0x20, s2, s8, $0xb8;
	[tilespmem:$0x4400] =	vst v63  }
0x5e: {  	_ = 	snop  }
0x5f: {  	[tilespmem:s10], [sflag:$0x1] =	stream.indirect.gather [hbm4b:s7+s8], $0x20, s6, s8, $0xb8;
	[tilespmem:$0x4400] =	vst v63  }
0x60: {  	_ = 	snop  }
0x61: {  	[tilespmem:s11], [sflag:$0x1] =	stream.indirect.gather [hbm4b:s7+s8], $0x20, s8, s8, $0xb8;
	[tilespmem:$0x4400] =	vst v63  }
0x62: {  	_ = 	snop  }
0x63: {  	[tilespmem:s13], [sflag:$0x1] =	stream.indirect.gather [hbm4b:s7+s8], $0x20, s12, s8, $0xb8;
	[tilespmem:$0x4400] =	vst v63  }
0x64: {  	_ =	swait.ge [sflag:s14], $0x1000  }
0x65: {  	[sflag:s14] =	ssyncset.done $0x0  }
0x66: {  	[sflag:s14] =	ssyncadd.s32 $0xFFFFF000  }
0x67: {  	_ =	swait.ge [sflag:s14], $0x1000  }
0x68: {  	[sflag:s14] =	ssyncset.done $0x0  }
0x69: {  	[sflag:s14] =	ssyncadd.s32 $0xFFFFF000  }
0x6a: {  	[hbm4b:s15+s2] =	stream.linear.scatter [tilespmem:s9], [sflag:$0x2], $0x1000, $0x38;
	[tilespmem:$0x4400] =	vst v63  }
0x6b: {  	_ =	swait.ge [sflag:s3], $0x1000  }
0x6c: {  	[sflag:s3] =	ssyncset.done $0x0  }
0x6d: {  	[sflag:s3] =	ssyncadd.s32 $0xFFFFF000  }
0x6e: {  	[hbm4b:s16+s2] =	stream.linear.scatter [tilespmem:s10], [sflag:$0x2], $0x1000, $0x38;
	[tilespmem:$0x4400] =	vst v63  }
0x6f: {  	_ =	swait.ge [sflag:s3], $0x1000  }
0x70: {  	[sflag:s3] =	ssyncset.done $0x0  }
0x71: {  	[sflag:s3] =	ssyncadd.s32 $0xFFFFF000  }
0x72: {  	[tilespmem:s9], [sflag:$0x1] =	stream.indirect.gather [hbm4b:s7+s8], $0x20, s17, s8, $0xb8;
	[tilespmem:$0x4400] =	vst v63  }
0x73: {  	_ = 	snop  }
0x74: {  	[tilespmem:s10], [sflag:$0x1] =	stream.indirect.gather [hbm4b:s7+s8], $0x20, s18, s8, $0xb8;
	[tilespmem:$0x4400] =	vst v63  }
0x75: {  	_ =	swait.ge [sflag:s14], $0x1000  }
0x76: {  	[sflag:s14] =	ssyncset.done $0x0  }
0x77: {  	[sflag:s14] =	ssyncadd.s32 $0xFFFFF000  }
0x78: {  	_ =	swait.ge [sflag:s14], $0x1000  }
0x79: {  	[sflag:s14] =	ssyncset.done $0x0  }
0x7a: {  	[sflag:s14] =	ssyncadd.s32 $0xFFFFF000  }
0x7b: {  	[hbm4b:s19+s2] =	stream.linear.scatter [tilespmem:s11], [sflag:$0x2], $0x1000, $0x38;
	[tilespmem:$0x4400] =	vst v63  }
0x7c: {  	_ =	swait.ge [sflag:s3], $0x1000  }
0x7d: {  	[sflag:s3] =	ssyncset.done $0x0  }
0x7e: {  	[sflag:s3] =	ssyncadd.s32 $0xFFFFF000  }
0x7f: {  	[hbm4b:s20+s2] =	stream.linear.scatter [tilespmem:s13], [sflag:$0x2], $0x1000, $0x38;
	[tilespmem:$0x4400] =	vst v63  }
0x80: {  	_ =	swait.ge [sflag:s3], $0x1000  }
0x81: {  	[sflag:s3] =	ssyncset.done $0x0  }
0x82: {  	[sflag:s3] =	ssyncadd.s32 $0xFFFFF000  }
0x83: {  	[tilespmem:s11], [sflag:$0x1] =	stream.indirect.gather [hbm4b:s7+s8], $0x20, s21, s8, $0xb8;
	[tilespmem:$0x4400] =	vst v63  }
0x84: {  	_ = 	snop  }
0x85: {  	[tilespmem:s13], [sflag:$0x1] =	stream.indirect.gather [hbm4b:s7+s8], $0x20, s22, s8, $0xb8;
	[tilespmem:$0x4400] =	vst v63  }
0x86: {  	_ =	swait.ge [sflag:s14], $0x1000  }
0x87: {  	[sflag:s14] =	ssyncset.done $0x0  }
0x88: {  	[sflag:s14] =	ssyncadd.s32 $0xFFFFF000  }
0x89: {  	_ =	swait.ge [sflag:s14], $0x1000  }
0x8a: {  	[sflag:s14] =	ssyncset.done $0x0  }
0x8b: {  	[sflag:s14] =	ssyncadd.s32 $0xFFFFF000  }
0x8c: {  	[hbm4b:s23+s2] =	stream.linear.scatter [tilespmem:s9], [sflag:$0x2], $0x1000, $0x38;
	[tilespmem:$0x4400] =	vst v63  }
0x8d: {  	_ =	swait.ge [sflag:s3], $0x1000  }
0x8e: {  	[sflag:s3] =	ssyncset.done $0x0  }
0x8f: {  	[sflag:s3] =	ssyncadd.s32 $0xFFFFF000  }
0x90: {  	[hbm4b:s24+s2] =	stream.linear.scatter [tilespmem:s10], [sflag:$0x2], $0x1000, $0x38;
	[tilespmem:$0x4400] =	vst v63  }
0x91: {  	_ =	swait.ge [sflag:s3], $0x1000  }
0x92: {  	[sflag:s3] =	ssyncset.done $0x0  }
0x93: {  	[sflag:s3] =	ssyncadd.s32 $0xFFFFF000  }
0x94: {  	_ =	swait.ge [sflag:s14], $0x1000  }
0x95: {  	[sflag:s14] =	ssyncset.done $0x0  }
0x96: {  	[sflag:s14] =	ssyncadd.s32 $0xFFFFF000  }
0x97: {  	_ =	swait.ge [sflag:s14], $0x1000  }
0x98: {  	[sflag:s14] =	ssyncset.done $0x0  }
0x99: {  	[sflag:s14] =	ssyncadd.s32 $0xFFFFF000  }
0x9a: {  	[hbm4b:s25+s2] =	stream.linear.scatter [tilespmem:s11], [sflag:$0x2], $0x1000, $0x38;
	[tilespmem:$0x4400] =	vst v63  }
0x9b: {  	_ =	swait.ge [sflag:s3], $0x1000  }
.Ltmp1:
0x9c: {  	[sflag:s3] =	ssyncset.done $0x0;
	(pc) =	sbr.rel @p0 .LBB2_1-.Ltmp1, $4  }
0x9d: {  	[sflag:s3] =	ssyncadd.s32 $0xFFFFF000  }
0x9e: {  	[hbm4b:s26+s2] =	stream.linear.scatter [tilespmem:s13], [sflag:$0x2], $0x1000, $0x38;
	[tilespmem:$0x4400] =	vst v63  }
0x9f: {  	_ =	swait.ge [sflag:s3], $0x1000  }
0xa0: {  	[sflag:s3] =	ssyncset.done $0x0  }
.LBB2_2:
0xa1: {  	[sflag:s3] =	ssyncadd.s32 $0xFFFFF000  }
0xa2: {  	_ =	sfence.sel $0x180000  }
0xa3: {  	[bflag:$0x0] =	sbarrier.arrive $0xFFFF  }
0xa4: {  	p0 =	sne.s32 s0, $0x0;
	_ =	strace $0x90000047  }
0xa5: {  	s0 =	sadd.s32 @!p0 $0x100000, s1;
	[bflag:$0x2] =	sbarrier.arrive $0xFFFF  }
0xa6: {  	[sflag:s0] =	ssyncadd.tile.s32 @!p0 $0x1;
	_ =	shalt  }
.Lfunc_end2:
_tile_overlayer_lowered:
.L_overlay_start_2:
0xa7: {  	(tag) =	ssettag $0x2  }
0xa8: {  	s0 =	rddreg [dreg:$0x0];
	s2 =	stileid.u32  }
0xa9: {  	s1 =	rddreg [dreg:$0x1];
	p0 =	sne.s32 s2, $0x0  }
0xaa: {  	s3 =	rddreg [dreg:$0x2];
	[bflag:$0x3] =	sbarrier.arrive $0xFFFF;
	s2 =	simm.s32 @!p0 $0x1C02  }
0xab: {  	[timem:s3], [sflag:s2] =	dma.local @!p0 [hbm:s0], s1  }
0xac: {  	s0 =	simm.s32 @!p0 $0x2  }
0xad: {  	_ =	swait.ge @!p0 [sflag:s0], s1  }
0xae: {  	s1 =	ssub.s32 @!p0 $0x0, s1;
	[sflag:s0] =	ssyncset.done @!p0 $0x0  }
0xaf: {  	[sflag:s0] =	ssyncadd.s32 @!p0 s1  }
0xb0: {  	[bflag:$0x3] =	sbarrier.arrive $0xFFFF  }
0xb1: {  	_ =	shalt  }

// kernel: kernel.24.cloned.1.call-start
scs
__scs_entry_jumppad:
0x0: {  	(pc) =	sbr.rel $0x88, $3  }
0x1: {  	(tag) =	ssettag $0x0;
	lr =	simm.s32 $0x1  }
0x2: {  	[smem:$0x3F85] =	sst lr;
	_ =	strace $0xD0000000  }
0x3: {  	_ = 	snop  }
0x4: {  	_ = 	snop  }
0x5: {  	_ = 	snop  }
0x6: {  	_ = 	snop  }
0x7: {  	_ = 	snop  }
__scs_overlays_trampoline_lowered:
0x8: {  	[smem:$0x3F94] =	sst s0  }
0x9: {  	[smem:$0x3F95] =	sst s1  }
0xa: {  	[smem:$0x3F96] =	sst s2  }
0xb: {  	[smem:$0x3F97] =	sst s3  }
0xc: {  	[smem:$0x3F98] =	sst s4  }
0xd: {  	[smem:$0x3F99] =	sst s5  }
0xe: {  	[smem:$0x3F9A] =	sst s6  }
0xf: {  	[smem:$0x3F9B] =	sst s7  }
0x10: {  	[smem:$0x3F9C] =	sst s8  }
0x11: {  	[smem:$0x3F9D] =	sst s9;
	s0 =	simm.s32 @!p0 $0x0  }
0x12: {  	s1 =	sld [smem:$0x3F83];
	s0 =	simm.s32 @p0 $0x1  }
0x13: {  	[smem:$0x3F9E] =	sst s0;
	s0 =	simm.s32 @!p1 $0x0  }
0x14: {  	s2 =	sld [smem:$0x3F82];
	s0 =	simm.s32 @p1 $0x1  }
0x15: {  	[smem:$0x3F9F] =	sst s0;
	s0 =	simm.s32 @!p2 $0x0  }
0x16: {  	s3 =	sld [smem:$0x3FDB];
	s0 =	simm.s32 @p2 $0x1  }
0x17: {  	s4 =	simm.s32 $0x1BF5;
	[smem:$0x3FA1] =	sst s0  }
0x18: {  	s0 =	sld [smem:$0x3F84];
	_ =	swait.ge [sflag:s4], $0x0  }
0x19: {  	s7 =	sld [smem:$0x3F85]  }
0x1a: {  	s8 =	sadd.s32 $0xFFFFE003, lr  }
0x1b: {  	s9 =	sadd.s32 $0xFFFFFEF7, lr;
	s5 =	simm.s32 $0xFFFFFFFF;
	p2 =	slt.u32 s8, $0xFFFFF086  }
0x1c: {  	p1 =	slt.u32 s9, $0xF7A;
	s5 =	simm.s32 @!p2 $0x0  }
0x1d: {  	s5 =	simm.s32 @p1 $0x1;
	p0 =	seq.s32 s7, s2  }
0x1e: {  	s7 =	smul.u32 @!p0 $0xF7A, s2;
	p2 =	seq.s32 @!p0 s5, $0x0  }
0x1f: {  	s9 =	smul.u32 $0xF7A, s1;
	s8 =	simm.s32 @!p0 $0x1BF5;
	p2 =	por !p2, p0  }
0x20: {  	[sflag:s8] =	ssyncset.s32 @!p0 $0xFFFFF086;
	s6 =	sadd.s32 @!p0 s3, s7;
	s7 =	simm.s32 @!p0 $0x108  }
0x21: {  	s3 =	sadd.s32 s3, s9;
	s6 =	sadd.s32 @!p0 $0x88, s6;
	s7 =	simm.s32 @p2 $0x1082  }
0x22: {  	[simem:s7], [sflag:s8] =	dma.local @!p0 [hbm:s6], $0xF7A  }
0x23: {  	s9 =	sor.u32 $0xD0000000, s2;
	s6 =	simm.s32 $0x108;
	_ =	swait.ge @!p0 [sflag:s8], $0x0  }
0x24: {  	s3 =	sadd.s32 $0x88, s3;
	s6 =	simm.s32 @!p1 $0x1082;
	[sflag:s4] =	ssyncset.s32 $0xFFFFF086  }
0x25: {  	[simem:s6], [sflag:s4] =	dma.local [hbm:s3], $0xF7A  }
0x26: {  	[smem:$0x3F85] =	sst s1;
	(tag) =	ssettag s2;
	_ =	strace s9  }
0x27: {  	s1 =	sld [smem:$0x3F95]  }
0x28: {  	s2 =	sld [smem:$0x3F96]  }
0x29: {  	s4 =	sld [smem:$0x3F98]  }
0x2a: {  	p0 =	seq.s32 s5, $0x0;
	s5 =	sld [smem:$0x3F99]  }
0x2b: {  	s6 =	sld [smem:$0x3F9A]  }
0x2c: {  	s7 =	sld [smem:$0x3F9B]  }
0x2d: {  	s3 =	simm.s32 $0x108;
	s8 =	sld [smem:$0x3F9C]  }
0x2e: {  	s3 =	simm.s32 @!p0 $0x1082;
	s9 =	sld [smem:$0x3F9D]  }
0x2f: {  	lr =	sadd.s32 s0, s3;
	s0 =	sld [smem:$0x3F94]  }
0x30: {  	s3 =	sld [smem:$0x3F97]  }
0x31: {  	[smem:$0x3FA0] =	sst s10  }
0x32: {  	s10 =	sld [smem:$0x3F9E];
	_ =	sdelay $0x3  }
0x33: {  	p0 =	seq.s32 s10, $0x1;
	s10 =	sld [smem:$0x3FA0];
	_ =	sdelay $0x3  }
0x34: {  	[smem:$0x3FA0] =	sst s10  }
0x35: {  	s10 =	sld [smem:$0x3F9F];
	_ =	sdelay $0x3  }
0x36: {  	p1 =	seq.s32 s10, $0x1;
	s10 =	sld [smem:$0x3FA0];
	_ =	sdelay $0x3  }
0x37: {  	[smem:$0x3FA0] =	sst s10  }
0x38: {  	s10 =	sld [smem:$0x3FA1]  }
0x39: {  	_ = 	snop;
	(pc) =	sbr.ind lr, $3  }
0x3a: {  	_ = 	snop  }
0x3b: {  	_ = 	snop  }
0x3c: {  	p2 =	seq.s32 s10, $0x1;
	s10 =	sld [smem:$0x3FA0]  }
0x3d: {  	_ =	shalt  }
0x3e: {  	_ =	shalt  }
0x3f: {  	_ =	shalt  }
0x40: {  	_ =	shalt  }
0x41: {  	_ =	shalt  }
0x42: {  	_ =	shalt  }
0x43: {  	_ =	shalt  }
0x44: {  	_ =	shalt  }
0x45: {  	_ =	shalt  }
0x46: {  	_ =	shalt  }
0x47: {  	_ =	shalt  }
0x48: {  	_ =	shalt  }
0x49: {  	_ =	shalt  }
0x4a: {  	_ =	shalt  }
0x4b: {  	_ =	shalt  }
0x4c: {  	_ =	shalt  }
0x4d: {  	_ =	shalt  }
0x4e: {  	_ =	shalt  }
0x4f: {  	_ =	shalt  }
0x50: {  	_ =	shalt  }
0x51: {  	_ =	shalt  }
0x52: {  	_ =	shalt  }
0x53: {  	_ =	shalt  }
0x54: {  	_ =	shalt  }
0x55: {  	_ =	shalt  }
0x56: {  	_ =	shalt  }
0x57: {  	_ =	shalt  }
0x58: {  	_ =	shalt  }
0x59: {  	_ =	shalt  }
0x5a: {  	_ =	shalt  }
0x5b: {  	_ =	shalt  }
0x5c: {  	_ =	shalt  }
0x5d: {  	_ =	shalt  }
0x5e: {  	_ =	shalt  }
0x5f: {  	_ =	shalt  }
0x60: {  	_ =	shalt  }
0x61: {  	_ =	shalt  }
0x62: {  	_ =	shalt  }
0x63: {  	_ =	shalt  }
0x64: {  	_ =	shalt  }
0x65: {  	_ =	shalt  }
0x66: {  	_ =	shalt  }
0x67: {  	_ =	shalt  }
0x68: {  	_ =	shalt  }
0x69: {  	_ =	shalt  }
0x6a: {  	_ =	shalt  }
0x6b: {  	_ =	shalt  }
0x6c: {  	_ =	shalt  }
0x6d: {  	_ =	shalt  }
0x6e: {  	_ =	shalt  }
0x6f: {  	_ =	shalt  }
0x70: {  	_ =	shalt  }
0x71: {  	_ =	shalt  }
0x72: {  	_ =	shalt  }
0x73: {  	_ =	shalt  }
0x74: {  	_ =	shalt  }
0x75: {  	_ =	shalt  }
0x76: {  	_ =	shalt  }
0x77: {  	_ =	shalt  }
0x78: {  	_ =	shalt  }
0x79: {  	_ =	shalt  }
0x7a: {  	_ =	shalt  }
0x7b: {  	_ =	shalt  }
0x7c: {  	_ =	shalt  }
0x7d: {  	_ =	shalt  }
0x7e: {  	_ =	shalt  }
0x7f: {  	_ =	shalt  }
0x80: {  	_ =	shalt  }
0x81: {  	_ =	shalt  }
0x82: {  	_ =	shalt  }
0x83: {  	_ =	shalt  }
0x84: {  	_ =	shalt  }
0x85: {  	_ =	shalt  }
0x86: {  	_ =	shalt  }
0x87: {  	_ =	shalt  }
.Lfunc_end0:
.L_simem_size_0:
called_computation.5_lowered:
.L_overlay_start_0:
0x88: {  	s2 =	sld [smem:$0x3FD9]  }
0x89: {  	s3 =	sld [smem:$0x3FFE];
	_ =	sdelay $0x1  }
0x8a: {  	s1 =	srdreg.scid  }
0x8b: {  	s0 =	sand.u32 $0x1, s1  }
0x8c: {  	s17 =	sshll.u32 s0, $0xA;
	s2 =	sadd.s32 s3, s2  }
0x8d: {  	s2 =	sadd.s32 s2, s17  }
0x8e: {  	[smem:$0x3FAC] =	sst s2  }
0x8f: {  	_ = 	snop  }
0x90: {  	s18 =	sld [smem:$0x3FC9]  }
0x91: {  	s4 =	sld [smem:$0x3FC6];
	(tm) =	ssettm $0x1  }
0x92: {  	s19 =	sld [smem:$0x3FFB];
	_ =	sdelay $0x3  }
0x93: {  	_ =	strace s19  }
0x94: {  	s2 =	sld [smem:$0x3FFC];
	_ =	sdelay $0x3  }
0x95: {  	_ =	strace s2  }
0x96: {  	s2 =	sld [smem:$0x3FFD];
	_ =	sdelay $0x3  }
0x97: {  	_ =	strace s2  }
0x98: {  	_ =	strace $0x8FFFFFFF  }
0x99: {  	s20 =	sld [smem:$0x3FDB];
	_ =	sdelay $0x1  }
0x9a: {  	s5 =	simm.s32 $_scs_section_size  }
0x9b: {  	s6 =	simm.s32 $_size__tile_overlayer_lowered;
	s7 =	simm.s32 $_tile_overlayer_lowered  }
0x9c: {  	s8 =	simm.s32 $0x1BFF;
	s21 =	sshll.u32 s7, $0x1;
	s5 =	sadd.s32 s5, s20  }
0x9d: {  	s22 =	simm.s32 $0x0;
	s6 =	sshll.u32 s6, $0x1;
	s7 =	sadd.s32 s21, s5  }
0x9e: {  	[timem:s22], [sflag:s8] =	dma.local [hbm:s7], s6  }
0x9f: {  	_ =	swait.ge [sflag:s8], s6  }
0xa0: {  	s6 =	ssub.s32 $0x0, s6;
	[sflag:s8] =	ssyncset.done $0x0  }
0xa1: {  	[sflag:s8] =	ssyncadd.s32 s6;
	_ =	sdelay $0x1  }
0xa2: {  	s23 =	simm.s32 $0x1B8B  }
0xa3: {  	_ =	swait.ge [sflag:s23], $0x1  }
0xa4: {  	[sflag:s23] =	ssyncset.done $0x0  }
0xa5: {  	[sflag:s23] =	ssyncadd.s32 $0xFFFFFFFF  }
0xa6: {  	s6 =	sld [smem:$0x0]  }
0xa7: {  	s7 =	sand.u32 $0xFFFFFFFE, s1  }
0xa8: {  	p0 =	sne.s32 s1, s7  }
0xa9: {  	s7 =	sshll.u32 @p0 s7, $0xE  }
0xaa: {  	s7 =	sadd.s32 @p0 $0x11B8D, s7;
	s8 =	sshll.u32 @p0 s6, $0x11  }
0xab: {  	s7 =	sor.u32 @p0 s8, s7  }
0xac: {  	[sflag:s7] =	ssyncadd.remote.s32 @p0 $0x1;
	_ =	sdelay $0x1  }
0xad: {  	s7 =	simm.s32 @p0 $0x1B8D  }
0xae: {  	_ =	swait.eq @p0 [sflag:s7], $0x1  }
0xaf: {  	[sflag:s7] =	ssyncadd.s32 @p0 $0xFFFFFFFF  }
0xb0: {  	s8 =	sshll.u32 @!p0 s1, $0xE  }
0xb1: {  	s8 =	sor.u32 @!p0 $0x4000, s8;
	s7 =	simm.s32 @!p0 $0x1B8D  }
0xb2: {  	s6 =	sshll.u32 @!p0 s6, $0x11;
	s8 =	sadd.s32 @!p0 $0x11B8D, s8;
	_ =	swait.eq @!p0 [sflag:s7], $0x1  }
0xb3: {  	s6 =	sor.u32 @!p0 s6, s8;
	[sflag:s7] =	ssyncadd.s32 @!p0 $0xFFFFFFFF  }
0xb4: {  	s25 =	simm.s32 $0x1B8E;
	s24 =	sld [smem:$0x3FFE];
	[sflag:s6] =	ssyncadd.remote.s32 @!p0 $0x1  }
0xb5: {  	s26 =	simm.s32 $execute0_lowered;
	[smem:$0x3FD2] =	sst s25  }
0xb6: {  	s7 =	sshll.u32 s26, $0x1;
	_ =	strace $0x80000049;
	[dreg:$0x1] =	wrdreg $0xFFFFFFFF  }
0xb7: {  	s28 =	simm.s32 $_size_execute0_lowered;
	s5 =	sadd.s32 s5, s7;
	[dreg:$0x0] =	wrdreg $0x0  }
0xb8: {  	s7 =	sshll.u32 s28, $0x1;
	[dreg:$0x2] =	wrdreg s5  }
0xb9: {  	[dreg:$0x3] =	wrdreg s7  }
0xba: {  	[dreg:$0x4] =	wrdreg $0xC0  }
0xbb: {  	_ =	task [dreg:s22], $0x5FFFF  }
0xbc: {  	[dreg:$0x1] =	wrdreg $0xFFFFFFFF  }
0xbd: {  	[dreg:$0x0] =	wrdreg $0x60  }
0xbe: {  	[dreg:$0x2] =	wrdreg s18  }
0xbf: {  	[dreg:$0x3] =	wrdreg s4  }
0xc0: {  	[dreg:$0x4] =	wrdreg s24  }
0xc1: {  	[dreg:$0x5] =	wrdreg $0xE  }
0xc2: {  	_ =	task.clear_ibuf [dreg:s22], $0x6FFFF;
	_ =	strace $0x90000049  }
0xc3: {  	s29 =	simm.s32 $0xE;
	_ =	strace $0x8000004B  }
0xc4: {  	_ =	swait.ge [sflag:s29], $0x1  }
0xc5: {  	[sflag:s29] =	ssyncadd.s32 $0xFFFFFFFF  }
0xc6: {  	_ =	strace $0x9000004B  }
0xc7: {  	_ =	sfence  }
0xc8: {  	s30 =	sld [smem:$0x0];
	_ =	sdelay $0x2  }
0xc9: {  	s31 =	sshll.u32 s1, $0xD;
	s1 =	sshrl.u32 s1, $0x2  }
0xca: {  	s4 =	sand.u32 $0x4000, s31;
	s1 =	sadd.s32 s1, s30  }
0xcb: {  	s0 =	sor.u32 s4, s0;
	s1 =	sshll.u32 s1, $0x11  }
0xcc: {  	s0 =	sor.u32 s1, s0  }
0xcd: {  	s0 =	sadd.s32 $0x8F2B, s0  }
0xce: {  	[sflag:s0] =	ssyncadd.remote.s32 $0x1  }
0xcf: {  	_ =	sfence.sel $0xFFFF  }
0xd0: {  	[dreg:$0x0] =	wrdreg $0xFFFFFFFF;
	(pc) =	sbr.abs _section_cstart, $3  }
0xd1: {  	[dreg:$0x1] =	wrdreg $0xFFFFFFFF  }
0xd2: {  	_ =	task.clear_ibuf [dreg:s22], $0x2FFFF;
	_ =	strace $0x9FFFFFFF  }
0xd3: {  	(tm) =	ssettm $0x7FFFFFFF  }
tec
execute0_lowered:
.L_overlay_start_1:
0x0: {  	(tag) =	ssettag $0x1  }
0x1: {  	s3 =	rddreg [dreg:$0x0]  }
0x2: {  	s5 =	rddreg [dreg:$0x1]  }
0x3: {  	s1 =	srdreg.scid;
	s0 =	stileid.u32  }
0x4: {  	s16 =	rddreg [dreg:$0x2];
	s25 =	sand.u32 $0x1, s1;
	s4 =	sshll.u32 s0, $0x1  }
0x5: {  	s2 =	simm.s32 $0x0;
	s1 =	rddreg [dreg:$0x3];
	s15 =	sor.u32 s25, s4  }
0x6: {  	[smem:$0x7FF] =	sst s2;
	s6 =	sshll.u32 s15, $0x6  }
0x7: {  	_ =	strace $0x8000004A;
	s4 =	sadd.s32 s3, s6;
	s3 =	simm.s32 $0x2  }
0x8: {  	[tilespmem:s2], [sflag:$0x2] =	stream.linear.gather [hbm4b:s4+s2], $0x200, $0x38;
	[tilespmem:$0x4400] =	vst v63  }
0x9: {  	_ =	swait.ge [sflag:s3], $0x200  }
0xa: {  	[sflag:s3] =	ssyncset.done $0x0  }
0xb: {  	s5 =	sadd.s32 s5, s6;
	s6 =	simm.s32 $0x200;
	[sflag:s3] =	ssyncadd.s32 $0xFFFFFE00  }
0xc: {  	[tilespmem:s6], [sflag:$0x2] =	stream.linear.gather [hbm4b:s5+s2], $0x200, $0x38;
	[tilespmem:$0x4400] =	vst v63  }
0xd: {  	_ =	swait.ge [sflag:s3], $0x200  }
0xe: {  	s8 =	simm.s32 $0x80;
	[sflag:s3] =	ssyncset.done $0x0  }
0xf: {  	s9 =	simm.s32 $0x400;
	s7 =	sadd.s32 $0x2A600, s16;
	[sflag:s3] =	ssyncadd.s32 $0xFFFFFE00  }
0x10: {  	[tilespmem:s9], [sflag:$0x1] =	stream.indirect.gather [hbm4b:s7+s8], $0x20, s2, s8, $0xb8;
	[tilespmem:$0x4400] =	vst v63  }
0x11: {  	s10 =	simm.s32 $0x2400  }
0x12: {  	[tilespmem:s10], [sflag:$0x1] =	stream.indirect.gather [hbm4b:s7+s8], $0x20, s6, s8, $0xb8;
	[tilespmem:$0x4400] =	vst v63  }
0x13: {  	s11 =	simm.s32 $0x1400  }
0x14: {  	[tilespmem:s11], [sflag:$0x1] =	stream.indirect.gather [hbm4b:s7+s8], $0x20, s8, s8, $0xb8;
	[tilespmem:$0x4400] =	vst v63  }
0x15: {  	s12 =	simm.s32 $0x280;
	s13 =	simm.s32 $0x3400;
	s14 =	simm.s32 $0x1  }
0x16: {  	[tilespmem:s13], [sflag:$0x1] =	stream.indirect.gather [hbm4b:s7+s8], $0x20, s12, s8, $0xb8;
	[tilespmem:$0x4400] =	vst v63  }
0x17: {  	_ =	swait.ge [sflag:s14], $0x1000  }
0x18: {  	[sflag:s14] =	ssyncset.done $0x0  }
0x19: {  	[sflag:s14] =	ssyncadd.s32 $0xFFFFF000  }
0x1a: {  	_ =	swait.ge [sflag:s14], $0x1000  }
0x1b: {  	s26 =	sadd.s32 $0x8C200, s16;
	s29 =	sshll.u32 s15, $0xB;
	[sflag:s14] =	ssyncset.done $0x0  }
0x1c: {  	s15 =	sadd.s32 s26, s29;
	[sflag:s14] =	ssyncadd.s32 $0xFFFFF000  }
0x1d: {  	[hbm4b:s15+s2] =	stream.linear.scatter [tilespmem:s9], [sflag:$0x2], $0x1000, $0x38;
	[tilespmem:$0x4400] =	vst v63  }
0x1e: {  	_ =	swait.ge [sflag:s3], $0x1000  }
0x1f: {  	s28 =	sadd.s32 $0x9C200, s16;
	[sflag:s3] =	ssyncset.done $0x0  }
0x20: {  	s16 =	sadd.s32 s28, s29;
	[sflag:s3] =	ssyncadd.s32 $0xFFFFF000  }
0x21: {  	[hbm4b:s16+s2] =	stream.linear.scatter [tilespmem:s10], [sflag:$0x2], $0x1000, $0x38;
	[tilespmem:$0x4400] =	vst v63  }
0x22: {  	_ =	swait.ge [sflag:s3], $0x1000  }
0x23: {  	[sflag:s3] =	ssyncset.done $0x0  }
0x24: {  	s17 =	simm.s32 $0x100;
	[sflag:s3] =	ssyncadd.s32 $0xFFFFF000  }
0x25: {  	[tilespmem:s9], [sflag:$0x1] =	stream.indirect.gather [hbm4b:s7+s8], $0x20, s17, s8, $0xb8;
	[tilespmem:$0x4400] =	vst v63  }
0x26: {  	s18 =	simm.s32 $0x300  }
0x27: {  	[tilespmem:s10], [sflag:$0x1] =	stream.indirect.gather [hbm4b:s7+s8], $0x20, s18, s8, $0xb8;
	[tilespmem:$0x4400] =	vst v63  }
0x28: {  	_ =	swait.ge [sflag:s14], $0x1000  }
0x29: {  	[sflag:s14] =	ssyncset.done $0x0  }
0x2a: {  	[sflag:s14] =	ssyncadd.s32 $0xFFFFF000  }
0x2b: {  	_ =	swait.ge [sflag:s14], $0x1000  }
0x2c: {  	s20 =	sor.u32 $0x200, s29;
	[sflag:s14] =	ssyncset.done $0x0  }
0x2d: {  	s19 =	sadd.s32 s26, s20;
	[sflag:s14] =	ssyncadd.s32 $0xFFFFF000  }
0x2e: {  	[hbm4b:s19+s2] =	stream.linear.scatter [tilespmem:s11], [sflag:$0x2], $0x1000, $0x38;
	[tilespmem:$0x4400] =	vst v63  }
0x2f: {  	_ =	swait.ge [sflag:s3], $0x1000  }
0x30: {  	[sflag:s3] =	ssyncset.done $0x0  }
0x31: {  	s20 =	sadd.s32 s28, s20;
	[sflag:s3] =	ssyncadd.s32 $0xFFFFF000  }
0x32: {  	[hbm4b:s20+s2] =	stream.linear.scatter [tilespmem:s13], [sflag:$0x2], $0x1000, $0x38;
	[tilespmem:$0x4400] =	vst v63  }
0x33: {  	_ =	swait.ge [sflag:s3], $0x1000  }
0x34: {  	[sflag:s3] =	ssyncset.done $0x0  }
0x35: {  	s21 =	simm.s32 $0x180;
	[sflag:s3] =	ssyncadd.s32 $0xFFFFF000  }
0x36: {  	[tilespmem:s11], [sflag:$0x1] =	stream.indirect.gather [hbm4b:s7+s8], $0x20, s21, s8, $0xb8;
	[tilespmem:$0x4400] =	vst v63  }
0x37: {  	s22 =	simm.s32 $0x380  }
0x38: {  	[tilespmem:s13], [sflag:$0x1] =	stream.indirect.gather [hbm4b:s7+s8], $0x20, s22, s8, $0xb8;
	[tilespmem:$0x4400] =	vst v63  }
0x39: {  	_ =	swait.ge [sflag:s14], $0x1000  }
0x3a: {  	[sflag:s14] =	ssyncset.done $0x0  }
0x3b: {  	[sflag:s14] =	ssyncadd.s32 $0xFFFFF000  }
0x3c: {  	_ =	swait.ge [sflag:s14], $0x1000  }
0x3d: {  	s24 =	sor.u32 $0x400, s29;
	[sflag:s14] =	ssyncset.done $0x0  }
0x3e: {  	s23 =	sadd.s32 s26, s24;
	[sflag:s14] =	ssyncadd.s32 $0xFFFFF000  }
0x3f: {  	[hbm4b:s23+s2] =	stream.linear.scatter [tilespmem:s9], [sflag:$0x2], $0x1000, $0x38;
	[tilespmem:$0x4400] =	vst v63  }
0x40: {  	_ =	swait.ge [sflag:s3], $0x1000  }
0x41: {  	[sflag:s3] =	ssyncset.done $0x0  }
0x42: {  	s24 =	sadd.s32 s28, s24;
	[sflag:s3] =	ssyncadd.s32 $0xFFFFF000  }
0x43: {  	[hbm4b:s24+s2] =	stream.linear.scatter [tilespmem:s10], [sflag:$0x2], $0x1000, $0x38;
	[tilespmem:$0x4400] =	vst v63  }
0x44: {  	_ =	swait.ge [sflag:s3], $0x1000  }
0x45: {  	[sflag:s3] =	ssyncset.done $0x0  }
0x46: {  	[sflag:s3] =	ssyncadd.s32 $0xFFFFF000  }
0x47: {  	_ =	swait.ge [sflag:s14], $0x1000  }
0x48: {  	[sflag:s14] =	ssyncset.done $0x0  }
0x49: {  	s30 =	ssub.s32 $0x2, s25;
	[sflag:s14] =	ssyncadd.s32 $0xFFFFF000  }
0x4a: {  	s31 =	sshrl.u32 s30, $0x1;
	s29 =	sor.u32 $0x600, s29;
	_ =	swait.ge [sflag:s14], $0x1000  }
0x4b: {  	s30 =	ssub.s32 s30, s31;
	s25 =	sadd.s32 s26, s29;
	[sflag:s14] =	ssyncset.done $0x0  }
0x4c: {  	s26 =	sadd.s32 s28, s29;
	s28 =	smax.u32 s30, $0x1;
	[sflag:s14] =	ssyncadd.s32 $0xFFFFF000  }
0x4d: {  	[hbm4b:s25+s2] =	stream.linear.scatter [tilespmem:s11], [sflag:$0x2], $0x1000, $0x38;
	[tilespmem:$0x4400] =	vst v63  }
0x4e: {  	p0 =	sne.s32 s28, $0x1;
	_ =	swait.ge [sflag:s3], $0x1000  }
.Ltmp0:
0x4f: {  	[sflag:s3] =	ssyncset.done $0x0;
	(pc) =	sbr.rel @!p0 .LBB2_2-.Ltmp0, $4  }
0x50: {  	[sflag:s3] =	ssyncadd.s32 $0xFFFFF000  }
0x51: {  	[hbm4b:s26+s2] =	stream.linear.scatter [tilespmem:s13], [sflag:$0x2], $0x1000, $0x38;
	[tilespmem:$0x4400] =	vst v63  }
0x52: {  	_ =	swait.ge [sflag:s3], $0x1000  }
0x53: {  	s28 =	sadd.s32 $0xFFFFFFFF, s28;
	[sflag:s3] =	ssyncset.done $0x0  }
.LBB2_1:
0x54: {  	p0 =	sne.s32 s28, $0x1;
	s28 =	sadd.s32 $0xFFFFFFFF, s28;
	[sflag:s3] =	ssyncadd.s32 $0xFFFFF000  }
0x55: {  	[tilespmem:s2], [sflag:$0x2] =	stream.linear.gather [hbm4b:s4+s2], $0x200, $0x38;
	[tilespmem:$0x4400] =	vst v63  }
0x56: {  	_ =	swait.ge [sflag:s3], $0x200  }
0x57: {  	[sflag:s3] =	ssyncset.done $0x0  }
0x58: {  	[sflag:s3] =	ssyncadd.s32 $0xFFFFFE00  }
0x59: {  	[tilespmem:s6], [sflag:$0x2] =	stream.linear.gather [hbm4b:s5+s2], $0x200, $0x38;
	[tilespmem:$0x4400] =	vst v63  }
0x5a: {  	_ =	swait.ge [sflag:s3], $0x200  }
0x5b: {  	[sflag:s3] =	ssyncset.done $0x0  }
0x5c: {  	[sflag:s3] =	ssyncadd.s32 $0xFFFFFE00  }
0x5d: {  	[tilespmem:s9], [sflag:$0x1] =	stream.indirect.gather [hbm4b:s7+s8], $0x20, s2, s8, $0xb8;
	[tilespmem:$0x4400] =	vst v63  }
0x5e: {  	_ = 	snop  }
0x5f: {  	[tilespmem:s10], [sflag:$0x1] =	stream.indirect.gather [hbm4b:s7+s8], $0x20, s6, s8, $0xb8;
	[tilespmem:$0x4400] =	vst v63  }
0x60: {  	_ = 	snop  }
0x61: {  	[tilespmem:s11], [sflag:$0x1] =	stream.indirect.gather [hbm4b:s7+s8], $0x20, s8, s8, $0xb8;
	[tilespmem:$0x4400] =	vst v63  }
0x62: {  	_ = 	snop  }
0x63: {  	[tilespmem:s13], [sflag:$0x1] =	stream.indirect.gather [hbm4b:s7+s8], $0x20, s12, s8, $0xb8;
	[tilespmem:$0x4400] =	vst v63  }
0x64: {  	_ =	swait.ge [sflag:s14], $0x1000  }
0x65: {  	[sflag:s14] =	ssyncset.done $0x0  }
0x66: {  	[sflag:s14] =	ssyncadd.s32 $0xFFFFF000  }
0x67: {  	_ =	swait.ge [sflag:s14], $0x1000  }
0x68: {  	[sflag:s14] =	ssyncset.done $0x0  }
0x69: {  	[sflag:s14] =	ssyncadd.s32 $0xFFFFF000  }
0x6a: {  	[hbm4b:s15+s2] =	stream.linear.scatter [tilespmem:s9], [sflag:$0x2], $0x1000, $0x38;
	[tilespmem:$0x4400] =	vst v63  }
0x6b: {  	_ =	swait.ge [sflag:s3], $0x1000  }
0x6c: {  	[sflag:s3] =	ssyncset.done $0x0  }
0x6d: {  	[sflag:s3] =	ssyncadd.s32 $0xFFFFF000  }
0x6e: {  	[hbm4b:s16+s2] =	stream.linear.scatter [tilespmem:s10], [sflag:$0x2], $0x1000, $0x38;
	[tilespmem:$0x4400] =	vst v63  }
0x6f: {  	_ =	swait.ge [sflag:s3], $0x1000  }
0x70: {  	[sflag:s3] =	ssyncset.done $0x0  }
0x71: {  	[sflag:s3] =	ssyncadd.s32 $0xFFFFF000  }
0x72: {  	[tilespmem:s9], [sflag:$0x1] =	stream.indirect.gather [hbm4b:s7+s8], $0x20, s17, s8, $0xb8;
	[tilespmem:$0x4400] =	vst v63  }
0x73: {  	_ = 	snop  }
0x74: {  	[tilespmem:s10], [sflag:$0x1] =	stream.indirect.gather [hbm4b:s7+s8], $0x20, s18, s8, $0xb8;
	[tilespmem:$0x4400] =	vst v63  }
0x75: {  	_ =	swait.ge [sflag:s14], $0x1000  }
0x76: {  	[sflag:s14] =	ssyncset.done $0x0  }
0x77: {  	[sflag:s14] =	ssyncadd.s32 $0xFFFFF000  }
0x78: {  	_ =	swait.ge [sflag:s14], $0x1000  }
0x79: {  	[sflag:s14] =	ssyncset.done $0x0  }
0x7a: {  	[sflag:s14] =	ssyncadd.s32 $0xFFFFF000  }
0x7b: {  	[hbm4b:s19+s2] =	stream.linear.scatter [tilespmem:s11], [sflag:$0x2], $0x1000, $0x38;
	[tilespmem:$0x4400] =	vst v63  }
0x7c: {  	_ =	swait.ge [sflag:s3], $0x1000  }
0x7d: {  	[sflag:s3] =	ssyncset.done $0x0  }
0x7e: {  	[sflag:s3] =	ssyncadd.s32 $0xFFFFF000  }
0x7f: {  	[hbm4b:s20+s2] =	stream.linear.scatter [tilespmem:s13], [sflag:$0x2], $0x1000, $0x38;
	[tilespmem:$0x4400] =	vst v63  }
0x80: {  	_ =	swait.ge [sflag:s3], $0x1000  }
0x81: {  	[sflag:s3] =	ssyncset.done $0x0  }
0x82: {  	[sflag:s3] =	ssyncadd.s32 $0xFFFFF000  }
0x83: {  	[tilespmem:s11], [sflag:$0x1] =	stream.indirect.gather [hbm4b:s7+s8], $0x20, s21, s8, $0xb8;
	[tilespmem:$0x4400] =	vst v63  }
0x84: {  	_ = 	snop  }
0x85: {  	[tilespmem:s13], [sflag:$0x1] =	stream.indirect.gather [hbm4b:s7+s8], $0x20, s22, s8, $0xb8;
	[tilespmem:$0x4400] =	vst v63  }
0x86: {  	_ =	swait.ge [sflag:s14], $0x1000  }
0x87: {  	[sflag:s14] =	ssyncset.done $0x0  }
0x88: {  	[sflag:s14] =	ssyncadd.s32 $0xFFFFF000  }
0x89: {  	_ =	swait.ge [sflag:s14], $0x1000  }
0x8a: {  	[sflag:s14] =	ssyncset.done $0x0  }
0x8b: {  	[sflag:s14] =	ssyncadd.s32 $0xFFFFF000  }
0x8c: {  	[hbm4b:s23+s2] =	stream.linear.scatter [tilespmem:s9], [sflag:$0x2], $0x1000, $0x38;
	[tilespmem:$0x4400] =	vst v63  }
0x8d: {  	_ =	swait.ge [sflag:s3], $0x1000  }
0x8e: {  	[sflag:s3] =	ssyncset.done $0x0  }
0x8f: {  	[sflag:s3] =	ssyncadd.s32 $0xFFFFF000  }
0x90: {  	[hbm4b:s24+s2] =	stream.linear.scatter [tilespmem:s10], [sflag:$0x2], $0x1000, $0x38;
	[tilespmem:$0x4400] =	vst v63  }
0x91: {  	_ =	swait.ge [sflag:s3], $0x1000  }
0x92: {  	[sflag:s3] =	ssyncset.done $0x0  }
0x93: {  	[sflag:s3] =	ssyncadd.s32 $0xFFFFF000  }
0x94: {  	_ =	swait.ge [sflag:s14], $0x1000  }
0x95: {  	[sflag:s14] =	ssyncset.done $0x0  }
0x96: {  	[sflag:s14] =	ssyncadd.s32 $0xFFFFF000  }
0x97: {  	_ =	swait.ge [sflag:s14], $0x1000  }
0x98: {  	[sflag:s14] =	ssyncset.done $0x0  }
0x99: {  	[sflag:s14] =	ssyncadd.s32 $0xFFFFF000  }
0x9a: {  	[hbm4b:s25+s2] =	stream.linear.scatter [tilespmem:s11], [sflag:$0x2], $0x1000, $0x38;
	[tilespmem:$0x4400] =	vst v63  }
0x9b: {  	_ =	swait.ge [sflag:s3], $0x1000  }
.Ltmp1:
0x9c: {  	[sflag:s3] =	ssyncset.done $0x0;
	(pc) =	sbr.rel @p0 .LBB2_1-.Ltmp1, $4  }
0x9d: {  	[sflag:s3] =	ssyncadd.s32 $0xFFFFF000  }
0x9e: {  	[hbm4b:s26+s2] =	stream.linear.scatter [tilespmem:s13], [sflag:$0x2], $0x1000, $0x38;
	[tilespmem:$0x4400] =	vst v63  }
0x9f: {  	_ =	swait.ge [sflag:s3], $0x1000  }
0xa0: {  	[sflag:s3] =	ssyncset.done $0x0  }
.LBB2_2:
0xa1: {  	[sflag:s3] =	ssyncadd.s32 $0xFFFFF000  }
0xa2: {  	_ =	sfence.sel $0x180000  }
0xa3: {  	[bflag:$0x0] =	sbarrier.arrive $0xFFFF  }
0xa4: {  	p0 =	sne.s32 s0, $0x0;
	_ =	strace $0x9000004A  }
0xa5: {  	s0 =	sadd.s32 @!p0 $0x100000, s1;
	[bflag:$0x2] =	sbarrier.arrive $0xFFFF  }
0xa6: {  	[sflag:s0] =	ssyncadd.tile.s32 @!p0 $0x1;
	_ =	shalt  }
.Lfunc_end2:
_tile_overlayer_lowered:
.L_overlay_start_2:
0xa7: {  	(tag) =	ssettag $0x2  }
0xa8: {  	s0 =	rddreg [dreg:$0x0];
	s2 =	stileid.u32  }
0xa9: {  	s1 =	rddreg [dreg:$0x1];
	p0 =	sne.s32 s2, $0x0  }
0xaa: {  	s3 =	rddreg [dreg:$0x2];
	[bflag:$0x3] =	sbarrier.arrive $0xFFFF;
	s2 =	simm.s32 @!p0 $0x1C02  }
0xab: {  	[timem:s3], [sflag:s2] =	dma.local @!p0 [hbm:s0], s1  }
0xac: {  	s0 =	simm.s32 @!p0 $0x2  }
0xad: {  	_ =	swait.ge @!p0 [sflag:s0], s1  }
0xae: {  	s1 =	ssub.s32 @!p0 $0x0, s1;
	[sflag:s0] =	ssyncset.done @!p0 $0x0  }
0xaf: {  	[sflag:s0] =	ssyncadd.s32 @!p0 s1  }
0xb0: {  	[bflag:$0x3] =	sbarrier.arrive $0xFFFF  }
0xb1: {  	_ =	shalt  }

// kernel: kernel.9.cloned.1.call-start
scs
__scs_entry_jumppad:
0x0: {  	(pc) =	sbr.rel $0x88, $3  }
0x1: {  	(tag) =	ssettag $0x0;
	lr =	simm.s32 $0x1  }
0x2: {  	[smem:$0x3F85] =	sst lr;
	_ =	strace $0xD0000000  }
0x3: {  	_ = 	snop  }
0x4: {  	_ = 	snop  }
0x5: {  	_ = 	snop  }
0x6: {  	_ = 	snop  }
0x7: {  	_ = 	snop  }
__scs_overlays_trampoline_lowered:
0x8: {  	[smem:$0x3F94] =	sst s0  }
0x9: {  	[smem:$0x3F95] =	sst s1  }
0xa: {  	[smem:$0x3F96] =	sst s2  }
0xb: {  	[smem:$0x3F97] =	sst s3  }
0xc: {  	[smem:$0x3F98] =	sst s4  }
0xd: {  	[smem:$0x3F99] =	sst s5  }
0xe: {  	[smem:$0x3F9A] =	sst s6  }
0xf: {  	[smem:$0x3F9B] =	sst s7  }
0x10: {  	[smem:$0x3F9C] =	sst s8  }
0x11: {  	[smem:$0x3F9D] =	sst s9;
	s0 =	simm.s32 @!p0 $0x0  }
0x12: {  	s1 =	sld [smem:$0x3F83];
	s0 =	simm.s32 @p0 $0x1  }
0x13: {  	[smem:$0x3F9E] =	sst s0;
	s0 =	simm.s32 @!p1 $0x0  }
0x14: {  	s2 =	sld [smem:$0x3F82];
	s0 =	simm.s32 @p1 $0x1  }
0x15: {  	[smem:$0x3F9F] =	sst s0;
	s0 =	simm.s32 @!p2 $0x0  }
0x16: {  	s3 =	sld [smem:$0x3FDB];
	s0 =	simm.s32 @p2 $0x1  }
0x17: {  	s4 =	simm.s32 $0x1BF5;
	[smem:$0x3FA1] =	sst s0  }
0x18: {  	s0 =	sld [smem:$0x3F84];
	_ =	swait.ge [sflag:s4], $0x0  }
0x19: {  	s7 =	sld [smem:$0x3F85]  }
0x1a: {  	s8 =	sadd.s32 $0xFFFFE003, lr  }
0x1b: {  	s9 =	sadd.s32 $0xFFFFFEF7, lr;
	s5 =	simm.s32 $0xFFFFFFFF;
	p2 =	slt.u32 s8, $0xFFFFF086  }
0x1c: {  	p1 =	slt.u32 s9, $0xF7A;
	s5 =	simm.s32 @!p2 $0x0  }
0x1d: {  	s5 =	simm.s32 @p1 $0x1;
	p0 =	seq.s32 s7, s2  }
0x1e: {  	s7 =	smul.u32 @!p0 $0xF7A, s2;
	p2 =	seq.s32 @!p0 s5, $0x0  }
0x1f: {  	s9 =	smul.u32 $0xF7A, s1;
	s8 =	simm.s32 @!p0 $0x1BF5;
	p2 =	por !p2, p0  }
0x20: {  	[sflag:s8] =	ssyncset.s32 @!p0 $0xFFFFF086;
	s6 =	sadd.s32 @!p0 s3, s7;
	s7 =	simm.s32 @!p0 $0x108  }
0x21: {  	s3 =	sadd.s32 s3, s9;
	s6 =	sadd.s32 @!p0 $0x88, s6;
	s7 =	simm.s32 @p2 $0x1082  }
0x22: {  	[simem:s7], [sflag:s8] =	dma.local @!p0 [hbm:s6], $0xF7A  }
0x23: {  	s9 =	sor.u32 $0xD0000000, s2;
	s6 =	simm.s32 $0x108;
	_ =	swait.ge @!p0 [sflag:s8], $0x0  }
0x24: {  	s3 =	sadd.s32 $0x88, s3;
	s6 =	simm.s32 @!p1 $0x1082;
	[sflag:s4] =	ssyncset.s32 $0xFFFFF086  }
0x25: {  	[simem:s6], [sflag:s4] =	dma.local [hbm:s3], $0xF7A  }
0x26: {  	[smem:$0x3F85] =	sst s1;
	(tag) =	ssettag s2;
	_ =	strace s9  }
0x27: {  	s1 =	sld [smem:$0x3F95]  }
0x28: {  	s2 =	sld [smem:$0x3F96]  }
0x29: {  	s4 =	sld [smem:$0x3F98]  }
0x2a: {  	p0 =	seq.s32 s5, $0x0;
	s5 =	sld [smem:$0x3F99]  }
0x2b: {  	s6 =	sld [smem:$0x3F9A]  }
0x2c: {  	s7 =	sld [smem:$0x3F9B]  }
0x2d: {  	s3 =	simm.s32 $0x108;
	s8 =	sld [smem:$0x3F9C]  }
0x2e: {  	s3 =	simm.s32 @!p0 $0x1082;
	s9 =	sld [smem:$0x3F9D]  }
0x2f: {  	lr =	sadd.s32 s0, s3;
	s0 =	sld [smem:$0x3F94]  }
0x30: {  	s3 =	sld [smem:$0x3F97]  }
0x31: {  	[smem:$0x3FA0] =	sst s10  }
0x32: {  	s10 =	sld [smem:$0x3F9E];
	_ =	sdelay $0x3  }
0x33: {  	p0 =	seq.s32 s10, $0x1;
	s10 =	sld [smem:$0x3FA0];
	_ =	sdelay $0x3  }
0x34: {  	[smem:$0x3FA0] =	sst s10  }
0x35: {  	s10 =	sld [smem:$0x3F9F];
	_ =	sdelay $0x3  }
0x36: {  	p1 =	seq.s32 s10, $0x1;
	s10 =	sld [smem:$0x3FA0];
	_ =	sdelay $0x3  }
0x37: {  	[smem:$0x3FA0] =	sst s10  }
0x38: {  	s10 =	sld [smem:$0x3FA1]  }
0x39: {  	_ = 	snop;
	(pc) =	sbr.ind lr, $3  }
0x3a: {  	_ = 	snop  }
0x3b: {  	_ = 	snop  }
0x3c: {  	p2 =	seq.s32 s10, $0x1;
	s10 =	sld [smem:$0x3FA0]  }
0x3d: {  	_ =	shalt  }
0x3e: {  	_ =	shalt  }
0x3f: {  	_ =	shalt  }
0x40: {  	_ =	shalt  }
0x41: {  	_ =	shalt  }
0x42: {  	_ =	shalt  }
0x43: {  	_ =	shalt  }
0x44: {  	_ =	shalt  }
0x45: {  	_ =	shalt  }
0x46: {  	_ =	shalt  }
0x47: {  	_ =	shalt  }
0x48: {  	_ =	shalt  }
0x49: {  	_ =	shalt  }
0x4a: {  	_ =	shalt  }
0x4b: {  	_ =	shalt  }
0x4c: {  	_ =	shalt  }
0x4d: {  	_ =	shalt  }
0x4e: {  	_ =	shalt  }
0x4f: {  	_ =	shalt  }
0x50: {  	_ =	shalt  }
0x51: {  	_ =	shalt  }
0x52: {  	_ =	shalt  }
0x53: {  	_ =	shalt  }
0x54: {  	_ =	shalt  }
0x55: {  	_ =	shalt  }
0x56: {  	_ =	shalt  }
0x57: {  	_ =	shalt  }
0x58: {  	_ =	shalt  }
0x59: {  	_ =	shalt  }
0x5a: {  	_ =	shalt  }
0x5b: {  	_ =	shalt  }
0x5c: {  	_ =	shalt  }
0x5d: {  	_ =	shalt  }
0x5e: {  	_ =	shalt  }
0x5f: {  	_ =	shalt  }
0x60: {  	_ =	shalt  }
0x61: {  	_ =	shalt  }
0x62: {  	_ =	shalt  }
0x63: {  	_ =	shalt  }
0x64: {  	_ =	shalt  }
0x65: {  	_ =	shalt  }
0x66: {  	_ =	shalt  }
0x67: {  	_ =	shalt  }
0x68: {  	_ =	shalt  }
0x69: {  	_ =	shalt  }
0x6a: {  	_ =	shalt  }
0x6b: {  	_ =	shalt  }
0x6c: {  	_ =	shalt  }
0x6d: {  	_ =	shalt  }
0x6e: {  	_ =	shalt  }
0x6f: {  	_ =	shalt  }
0x70: {  	_ =	shalt  }
0x71: {  	_ =	shalt  }
0x72: {  	_ =	shalt  }
0x73: {  	_ =	shalt  }
0x74: {  	_ =	shalt  }
0x75: {  	_ =	shalt  }
0x76: {  	_ =	shalt  }
0x77: {  	_ =	shalt  }
0x78: {  	_ =	shalt  }
0x79: {  	_ =	shalt  }
0x7a: {  	_ =	shalt  }
0x7b: {  	_ =	shalt  }
0x7c: {  	_ =	shalt  }
0x7d: {  	_ =	shalt  }
0x7e: {  	_ =	shalt  }
0x7f: {  	_ =	shalt  }
0x80: {  	_ =	shalt  }
0x81: {  	_ =	shalt  }
0x82: {  	_ =	shalt  }
0x83: {  	_ =	shalt  }
0x84: {  	_ =	shalt  }
0x85: {  	_ =	shalt  }
0x86: {  	_ =	shalt  }
0x87: {  	_ =	shalt  }
.Lfunc_end0:
.L_simem_size_0:
called_computation_lowered:
.L_overlay_start_0:
0x88: {  	s2 =	sld [smem:$0x3FD9]  }
0x89: {  	s3 =	sld [smem:$0x3FFE];
	_ =	sdelay $0x1  }
0x8a: {  	s1 =	srdreg.scid  }
0x8b: {  	s0 =	sand.u32 $0x1, s1  }
0x8c: {  	s17 =	sshll.u32 s0, $0xA;
	s2 =	sadd.s32 s3, s2  }
0x8d: {  	s2 =	sadd.s32 s2, s17  }
0x8e: {  	[smem:$0x3FAC] =	sst s2  }
0x8f: {  	_ = 	snop  }
0x90: {  	s18 =	sld [smem:$0x3FC9];
	(tm) =	ssettm $0x1  }
0x91: {  	s19 =	sld [smem:$0x3FFB];
	_ =	sdelay $0x3  }
0x92: {  	_ =	strace s19  }
0x93: {  	s2 =	sld [smem:$0x3FFC];
	_ =	sdelay $0x3  }
0x94: {  	_ =	strace s2  }
0x95: {  	s2 =	sld [smem:$0x3FFD];
	_ =	sdelay $0x3  }
0x96: {  	_ =	strace s2  }
0x97: {  	_ =	strace $0x8FFFFFFF  }
0x98: {  	s20 =	sld [smem:$0x3FDB];
	_ =	sdelay $0x1  }
0x99: {  	s4 =	simm.s32 $_scs_section_size  }
0x9a: {  	s5 =	simm.s32 $_size__tile_overlayer_lowered;
	s6 =	simm.s32 $_tile_overlayer_lowered  }
0x9b: {  	s7 =	simm.s32 $0x1BFF;
	s21 =	sshll.u32 s6, $0x1;
	s4 =	sadd.s32 s4, s20  }
0x9c: {  	s22 =	simm.s32 $0x0;
	s5 =	sshll.u32 s5, $0x1;
	s6 =	sadd.s32 s21, s4  }
0x9d: {  	[timem:s22], [sflag:s7] =	dma.local [hbm:s6], s5  }
0x9e: {  	_ =	swait.ge [sflag:s7], s5  }
0x9f: {  	s5 =	ssub.s32 $0x0, s5;
	[sflag:s7] =	ssyncset.done $0x0  }
0xa0: {  	[sflag:s7] =	ssyncadd.s32 s5;
	_ =	sdelay $0x1  }
0xa1: {  	s23 =	simm.s32 $0x1B8B  }
0xa2: {  	_ =	swait.ge [sflag:s23], $0x1  }
0xa3: {  	[sflag:s23] =	ssyncset.done $0x0  }
0xa4: {  	[sflag:s23] =	ssyncadd.s32 $0xFFFFFFFF  }
0xa5: {  	s5 =	sld [smem:$0x0]  }
0xa6: {  	s6 =	sand.u32 $0xFFFFFFFE, s1  }
0xa7: {  	p0 =	sne.s32 s1, s6  }
0xa8: {  	s6 =	sshll.u32 @p0 s6, $0xE  }
0xa9: {  	s6 =	sadd.s32 @p0 $0x11B8D, s6;
	s7 =	sshll.u32 @p0 s5, $0x11  }
0xaa: {  	s6 =	sor.u32 @p0 s7, s6  }
0xab: {  	[sflag:s6] =	ssyncadd.remote.s32 @p0 $0x1;
	_ =	sdelay $0x1  }
0xac: {  	s6 =	simm.s32 @p0 $0x1B8D  }
0xad: {  	_ =	swait.eq @p0 [sflag:s6], $0x1  }
0xae: {  	[sflag:s6] =	ssyncadd.s32 @p0 $0xFFFFFFFF  }
0xaf: {  	s7 =	sshll.u32 @!p0 s1, $0xE  }
0xb0: {  	s7 =	sor.u32 @!p0 $0x4000, s7;
	s6 =	simm.s32 @!p0 $0x1B8D  }
0xb1: {  	s5 =	sshll.u32 @!p0 s5, $0x11;
	s7 =	sadd.s32 @!p0 $0x11B8D, s7;
	_ =	swait.eq @!p0 [sflag:s6], $0x1  }
0xb2: {  	s5 =	sor.u32 @!p0 s5, s7;
	[sflag:s6] =	ssyncadd.s32 @!p0 $0xFFFFFFFF  }
0xb3: {  	s25 =	simm.s32 $0x1B8E;
	s24 =	sld [smem:$0x3FFE];
	[sflag:s5] =	ssyncadd.remote.s32 @!p0 $0x1  }
0xb4: {  	s26 =	simm.s32 $execute0_lowered;
	[smem:$0x3FD2] =	sst s25  }
0xb5: {  	s6 =	sshll.u32 s26, $0x1;
	_ =	strace $0x8000004C;
	[dreg:$0x1] =	wrdreg $0xFFFFFFFF  }
0xb6: {  	s28 =	simm.s32 $_size_execute0_lowered;
	s4 =	sadd.s32 s4, s6;
	[dreg:$0x0] =	wrdreg $0x0  }
0xb7: {  	s6 =	sshll.u32 s28, $0x1;
	[dreg:$0x2] =	wrdreg s4  }
0xb8: {  	[dreg:$0x3] =	wrdreg s6  }
0xb9: {  	[dreg:$0x4] =	wrdreg $0xC0  }
0xba: {  	_ =	task [dreg:s22], $0x5FFFF  }
0xbb: {  	[dreg:$0x1] =	wrdreg $0xFFFFFFFF  }
0xbc: {  	[dreg:$0x0] =	wrdreg $0x60  }
0xbd: {  	[dreg:$0x2] =	wrdreg s18  }
0xbe: {  	[dreg:$0x3] =	wrdreg s24  }
0xbf: {  	[dreg:$0x4] =	wrdreg $0x9  }
0xc0: {  	_ =	task.clear_ibuf [dreg:s22], $0x5FFFF;
	_ =	strace $0x9000004C  }
0xc1: {  	s29 =	simm.s32 $0x9;
	_ =	strace $0x8000004E  }
0xc2: {  	_ =	swait.ge [sflag:s29], $0x1  }
0xc3: {  	[sflag:s29] =	ssyncadd.s32 $0xFFFFFFFF  }
0xc4: {  	_ =	strace $0x9000004E  }
0xc5: {  	_ =	sfence  }
0xc6: {  	s30 =	sld [smem:$0x0];
	_ =	sdelay $0x2  }
0xc7: {  	s31 =	sshll.u32 s1, $0xD;
	s1 =	sshrl.u32 s1, $0x2  }
0xc8: {  	s4 =	sand.u32 $0x4000, s31;
	s1 =	sadd.s32 s1, s30  }
0xc9: {  	s0 =	sor.u32 s4, s0;
	s1 =	sshll.u32 s1, $0x11  }
0xca: {  	s0 =	sor.u32 s1, s0  }
0xcb: {  	s0 =	sadd.s32 $0x8F2B, s0  }
0xcc: {  	[sflag:s0] =	ssyncadd.remote.s32 $0x1  }
0xcd: {  	_ =	sfence.sel $0xFFFF  }
0xce: {  	[dreg:$0x0] =	wrdreg $0xFFFFFFFF;
	(pc) =	sbr.abs _section_cstart, $3  }
0xcf: {  	[dreg:$0x1] =	wrdreg $0xFFFFFFFF  }
0xd0: {  	_ =	task.clear_ibuf [dreg:s22], $0x2FFFF;
	_ =	strace $0x9FFFFFFF  }
0xd1: {  	(tm) =	ssettm $0x7FFFFFFF  }
tec
execute0_lowered:
.L_overlay_start_1:
0x0: {  	(tag) =	ssettag $0x1  }
0x1: {  	s3 =	rddreg [dreg:$0x0]  }
0x2: {  	s1 =	srdreg.scid;
	s0 =	stileid.u32  }
0x3: {  	s10 =	rddreg [dreg:$0x1];
	s15 =	sand.u32 $0x1, s1;
	s4 =	sshll.u32 s0, $0x1  }
0x4: {  	s2 =	simm.s32 $0x0;
	s1 =	rddreg [dreg:$0x2];
	s11 =	sor.u32 s15, s4  }
0x5: {  	[smem:$0x7FF] =	sst s2;
	s4 =	sshll.u32 s11, $0x6  }
0x6: {  	_ =	strace $0x8000004D;
	s4 =	sadd.s32 s3, s4;
	s3 =	simm.s32 $0x2  }
0x7: {  	[tilespmem:s2], [sflag:$0x2] =	stream.linear.gather [hbm4b:s4+s2], $0x200, $0x38;
	[tilespmem:$0x2200] =	vst v63  }
0x8: {  	_ =	swait.ge [sflag:s3], $0x200  }
0x9: {  	s6 =	simm.s32 $0x80;
	[sflag:s3] =	ssyncset.done $0x0  }
0xa: {  	s7 =	simm.s32 $0x200;
	s5 =	sadd.s32 $0xAC200, s10;
	[sflag:s3] =	ssyncadd.s32 $0xFFFFFE00  }
0xb: {  	[tilespmem:s7], [sflag:$0x1] =	stream.indirect.gather [hbm4b:s5+s6], $0x20, s2, s6, $0xb8;
	[tilespmem:$0x2200] =	vst v63  }
0xc: {  	s8 =	simm.s32 $0x1200;
	s9 =	simm.s32 $0x1  }
0xd: {  	[tilespmem:s8], [sflag:$0x1] =	stream.indirect.gather [hbm4b:s5+s6], $0x20, s6, s6, $0xb8;
	[tilespmem:$0x2200] =	vst v63  }
0xe: {  	s11 =	sshll.u32 s11, $0xB;
	_ =	swait.ge [sflag:s9], $0x1000  }
0xf: {  	s16 =	sadd.s32 s11, s10;
	[sflag:s9] =	ssyncset.done $0x0  }
0x10: {  	s10 =	sadd.s32 $0x10DE00, s16;
	[sflag:s9] =	ssyncadd.s32 $0xFFFFF000  }
0x11: {  	[hbm4b:s10+s2] =	stream.linear.scatter [tilespmem:s7], [sflag:$0x2], $0x1000, $0x38;
	[tilespmem:$0x2200] =	vst v63  }
0x12: {  	_ =	swait.ge [sflag:s3], $0x1000  }
0x13: {  	[sflag:s3] =	ssyncset.done $0x0  }
0x14: {  	s11 =	simm.s32 $0x100;
	[sflag:s3] =	ssyncadd.s32 $0xFFFFF000  }
0x15: {  	[tilespmem:s7], [sflag:$0x1] =	stream.indirect.gather [hbm4b:s5+s6], $0x20, s11, s6, $0xb8;
	[tilespmem:$0x2200] =	vst v63  }
0x16: {  	_ =	swait.ge [sflag:s9], $0x1000  }
0x17: {  	[sflag:s9] =	ssyncset.done $0x0  }
0x18: {  	s12 =	sadd.s32 $0x10E000, s16;
	[sflag:s9] =	ssyncadd.s32 $0xFFFFF000  }
0x19: {  	[hbm4b:s12+s2] =	stream.linear.scatter [tilespmem:s8], [sflag:$0x2], $0x1000, $0x38;
	[tilespmem:$0x2200] =	vst v63  }
0x1a: {  	_ =	swait.ge [sflag:s3], $0x1000  }
0x1b: {  	[sflag:s3] =	ssyncset.done $0x0  }
0x1c: {  	s13 =	simm.s32 $0x180;
	[sflag:s3] =	ssyncadd.s32 $0xFFFFF000  }
0x1d: {  	[tilespmem:s8], [sflag:$0x1] =	stream.indirect.gather [hbm4b:s5+s6], $0x20, s13, s6, $0xb8;
	[tilespmem:$0x2200] =	vst v63  }
0x1e: {  	_ =	swait.ge [sflag:s9], $0x1000  }
0x1f: {  	[sflag:s9] =	ssyncset.done $0x0  }
0x20: {  	s15 =	ssub.s32 $0x2, s15;
	s14 =	sadd.s32 $0x10E200, s16;
	[sflag:s9] =	ssyncadd.s32 $0xFFFFF000  }
0x21: {  	[hbm4b:s14+s2] =	stream.linear.scatter [tilespmem:s7], [sflag:$0x2], $0x1000, $0x38;
	[tilespmem:$0x2200] =	vst v63  }
0x22: {  	s17 =	sshrl.u32 s15, $0x1;
	_ =	swait.ge [sflag:s3], $0x1000  }
0x23: {  	s17 =	ssub.s32 s15, s17;
	[sflag:s3] =	ssyncset.done $0x0  }
0x24: {  	s31 =	smax.u32 s17, $0x1;
	[sflag:s3] =	ssyncadd.s32 $0xFFFFF000  }
0x25: {  	p0 =	sne.s32 s31, $0x1;
	_ =	swait.ge [sflag:s9], $0x1000  }
.Ltmp0:
0x26: {  	[sflag:s9] =	ssyncset.done $0x0;
	(pc) =	sbr.rel @!p0 .LBB2_2-.Ltmp0, $4  }
0x27: {  	s15 =	sadd.s32 $0x10E400, s16;
	[sflag:s9] =	ssyncadd.s32 $0xFFFFF000  }
0x28: {  	[hbm4b:s15+s2] =	stream.linear.scatter [tilespmem:s8], [sflag:$0x2], $0x1000, $0x38;
	[tilespmem:$0x2200] =	vst v63  }
0x29: {  	_ =	swait.ge [sflag:s3], $0x1000  }
0x2a: {  	s16 =	sadd.s32 $0xFFFFFFFF, s31;
	[sflag:s3] =	ssyncset.done $0x0  }
.LBB2_1:
0x2b: {  	p0 =	sne.s32 s16, $0x1;
	s16 =	sadd.s32 $0xFFFFFFFF, s16;
	[sflag:s3] =	ssyncadd.s32 $0xFFFFF000  }
0x2c: {  	[tilespmem:s2], [sflag:$0x2] =	stream.linear.gather [hbm4b:s4+s2], $0x200, $0x38;
	[tilespmem:$0x2200] =	vst v63  }
0x2d: {  	_ =	swait.ge [sflag:s3], $0x200  }
0x2e: {  	[sflag:s3] =	ssyncset.done $0x0  }
0x2f: {  	[sflag:s3] =	ssyncadd.s32 $0xFFFFFE00  }
0x30: {  	[tilespmem:s7], [sflag:$0x1] =	stream.indirect.gather [hbm4b:s5+s6], $0x20, s2, s6, $0xb8;
	[tilespmem:$0x2200] =	vst v63  }
0x31: {  	_ = 	snop  }
0x32: {  	[tilespmem:s8], [sflag:$0x1] =	stream.indirect.gather [hbm4b:s5+s6], $0x20, s6, s6, $0xb8;
	[tilespmem:$0x2200] =	vst v63  }
0x33: {  	_ =	swait.ge [sflag:s9], $0x1000  }
0x34: {  	[sflag:s9] =	ssyncset.done $0x0  }
0x35: {  	[sflag:s9] =	ssyncadd.s32 $0xFFFFF000  }
0x36: {  	[hbm4b:s10+s2] =	stream.linear.scatter [tilespmem:s7], [sflag:$0x2], $0x1000, $0x38;
	[tilespmem:$0x2200] =	vst v63  }
0x37: {  	_ =	swait.ge [sflag:s3], $0x1000  }
0x38: {  	[sflag:s3] =	ssyncset.done $0x0  }
0x39: {  	[sflag:s3] =	ssyncadd.s32 $0xFFFFF000  }
0x3a: {  	[tilespmem:s7], [sflag:$0x1] =	stream.indirect.gather [hbm4b:s5+s6], $0x20, s11, s6, $0xb8;
	[tilespmem:$0x2200] =	vst v63  }
0x3b: {  	_ =	swait.ge [sflag:s9], $0x1000  }
0x3c: {  	[sflag:s9] =	ssyncset.done $0x0  }
0x3d: {  	[sflag:s9] =	ssyncadd.s32 $0xFFFFF000  }
0x3e: {  	[hbm4b:s12+s2] =	stream.linear.scatter [tilespmem:s8], [sflag:$0x2], $0x1000, $0x38;
	[tilespmem:$0x2200] =	vst v63  }
0x3f: {  	_ =	swait.ge [sflag:s3], $0x1000  }
0x40: {  	[sflag:s3] =	ssyncset.done $0x0  }
0x41: {  	[sflag:s3] =	ssyncadd.s32 $0xFFFFF000  }
0x42: {  	[tilespmem:s8], [sflag:$0x1] =	stream.indirect.gather [hbm4b:s5+s6], $0x20, s13, s6, $0xb8;
	[tilespmem:$0x2200] =	vst v63  }
0x43: {  	_ =	swait.ge [sflag:s9], $0x1000  }
0x44: {  	[sflag:s9] =	ssyncset.done $0x0  }
0x45: {  	[sflag:s9] =	ssyncadd.s32 $0xFFFFF000  }
0x46: {  	[hbm4b:s14+s2] =	stream.linear.scatter [tilespmem:s7], [sflag:$0x2], $0x1000, $0x38;
	[tilespmem:$0x2200] =	vst v63  }
0x47: {  	_ =	swait.ge [sflag:s3], $0x1000  }
0x48: {  	[sflag:s3] =	ssyncset.done $0x0  }
0x49: {  	[sflag:s3] =	ssyncadd.s32 $0xFFFFF000  }
0x4a: {  	_ =	swait.ge [sflag:s9], $0x1000  }
.Ltmp1:
0x4b: {  	[sflag:s9] =	ssyncset.done $0x0;
	(pc) =	sbr.rel @p0 .LBB2_1-.Ltmp1, $4  }
0x4c: {  	[sflag:s9] =	ssyncadd.s32 $0xFFFFF000  }
0x4d: {  	[hbm4b:s15+s2] =	stream.linear.scatter [tilespmem:s8], [sflag:$0x2], $0x1000, $0x38;
	[tilespmem:$0x2200] =	vst v63  }
0x4e: {  	_ =	swait.ge [sflag:s3], $0x1000  }
0x4f: {  	[sflag:s3] =	ssyncset.done $0x0  }
.LBB2_2:
0x50: {  	[sflag:s3] =	ssyncadd.s32 $0xFFFFF000  }
0x51: {  	_ =	sfence.sel $0x180000  }
0x52: {  	[bflag:$0x0] =	sbarrier.arrive $0xFFFF  }
0x53: {  	p0 =	sne.s32 s0, $0x0;
	_ =	strace $0x9000004D  }
0x54: {  	s0 =	sadd.s32 @!p0 $0x100000, s1;
	[bflag:$0x2] =	sbarrier.arrive $0xFFFF  }
0x55: {  	[sflag:s0] =	ssyncadd.tile.s32 @!p0 $0x1;
	_ =	shalt  }
.Lfunc_end2:
_tile_overlayer_lowered:
.L_overlay_start_2:
0x56: {  	(tag) =	ssettag $0x2  }
0x57: {  	s0 =	rddreg [dreg:$0x0];
	s2 =	stileid.u32  }
0x58: {  	s1 =	rddreg [dreg:$0x1];
	p0 =	sne.s32 s2, $0x0  }
0x59: {  	s3 =	rddreg [dreg:$0x2];
	[bflag:$0x3] =	sbarrier.arrive $0xFFFF;
	s2 =	simm.s32 @!p0 $0x1C02  }
0x5a: {  	[timem:s3], [sflag:s2] =	dma.local @!p0 [hbm:s0], s1  }
0x5b: {  	s0 =	simm.s32 @!p0 $0x2  }
0x5c: {  	_ =	swait.ge @!p0 [sflag:s0], s1  }
0x5d: {  	s1 =	ssub.s32 @!p0 $0x0, s1;
	[sflag:s0] =	ssyncset.done @!p0 $0x0  }
0x5e: {  	[sflag:s0] =	ssyncadd.s32 @!p0 s1  }
0x5f: {  	[bflag:$0x3] =	sbarrier.arrive $0xFFFF  }
0x60: {  	_ =	shalt  }

</sc_bundles>
